<compile_context>
chip_gen: v7x
topology: tpu7x:2x2x1
jax: 0.10.2.dev20260603
libtpu: 0.0.44.dev20260713+nightly
codegen_flags: <defaults>
</compile_context>

<pallas_src>
import functools

import jax
import jax.numpy as jnp
from jax import lax
from jax.experimental import pallas as pl
from jax.experimental.pallas import tpu as pltpu
from jax.experimental.pallas import tpu_sc as plsc

N = 10000
E = 320000
L = 128
H = 64

RB = 1000
NSTEPS = N // RB

NC = 2
NS = 16
EPT = E // NS
C = 160
CH = 80
NCH = EPT // C
NP = 10240
RPT = NP // NS



def _enc_body(nfc_ref, lat_ref, wn0_ref, wn1_ref, we_ref, wm1_ref, wm2_ref,
              wm3_ref, ne_ref, a_ref, b_ref, vpn_ref):
    ne = jnp.maximum(
        nfc_ref[...] * wn0_ref[...]
        + jnp.dot(lat_ref[...], wn1_ref[...], preferred_element_type=jnp.float32),
        0.0)
    ne_ref[...] = ne
    av = jnp.dot(ne, wm1_ref[...], preferred_element_type=jnp.float32)
    bv = jnp.dot(ne, wm2_ref[...], preferred_element_type=jnp.float32)
    a_ref[0] = av[:, :H]
    a_ref[1] = av[:, H:]
    b_ref[0] = bv[:, :H]
    b_ref[1] = bv[:, H:]
    ep = jnp.maximum(we_ref[...], 0.0)
    en = jnp.maximum(-we_ref[...], 0.0)
    vp = jnp.dot(ep, wm3_ref[...], preferred_element_type=jnp.float32)
    vn = jnp.dot(en, wm3_ref[...], preferred_element_type=jnp.float32)
    vpn_ref[...] = jnp.concatenate([vp, vn], axis=0)


def _encode(nf_c, lat, wn0, wn1, we, wm1, wm2, wm3):
    row = pl.BlockSpec((RB, L), lambda i: (i, 0))
    col = pl.BlockSpec((RB, 1), lambda i: (i, 0))
    w1 = pl.BlockSpec((1, L), lambda i: (0, 0))
    wL = pl.BlockSpec((L, L), lambda i: (0, 0))
    halves = pl.BlockSpec((2, RB, H), lambda i: (0, i, 0))
    return pl.pallas_call(
        _enc_body,
        grid=(NSTEPS,),
        in_specs=[col, row, w1, wL, w1, wL, wL, wL],
        out_specs=[row, halves, halves, pl.BlockSpec((2, L), lambda i: (0, 0))],
        out_shape=[
            jax.ShapeDtypeStruct((N, L), jnp.float32),
            jax.ShapeDtypeStruct((2, N, H), jnp.float32),
            jax.ShapeDtypeStruct((2, N, H), jnp.float32),
            jax.ShapeDtypeStruct((2, L), jnp.float32),
        ],
    )(nf_c, lat, wn0, wn1, we, wm1, wm2, wm3)



def _edge_body(a_hbm, b_hbm, ed_hbm, ef_hbm, vpn_hbm, zer_hbm,
               out0_hbm, out1_hbm,
               agg_sp,
               ed0, ed1, ef0, ef1,
               sga0, sga1, sgb0, sgb1, dga0, dga1, dgb0, dgb1,
               dsa0, dsa1, dsb0, dsb1,
               ar0, ar1, br0, br1, mg0, mg1, vpn_v,
               sem_i0, sem_i1, sem_a0, sem_a1, sem_b0, sem_b1,
               sem_s0, sem_s1, sem_z):
    ed = (ed0, ed1)
    efv = (ef0, ef1)
    sga = (sga0, sga1)
    sgb = (sgb0, sgb1)
    dga = (dga0, dga1)
    dgb = (dgb0, dgb1)
    dsa = (dsa0, dsa1)
    dsb = (dsb0, dsb1)
    ar = (ar0, ar1)
    br = (br0, br1)
    mg = (mg0, mg1)
    sem_i = (sem_i0, sem_i1)
    sem_a = (sem_a0, sem_a1)
    sem_b = (sem_b0, sem_b1)
    sem_s = (sem_s0, sem_s1)

    cid = lax.axis_index("c")
    sid = lax.axis_index("s")
    ebase = sid * NCH * 2 * C
    efbase = sid * EPT
    goff = cid * N

    pltpu.async_copy(zer_hbm, agg_sp.at[pl.ds(sid * RPT, RPT)], sem_z).wait()
    pltpu.sync_copy(vpn_hbm.at[pl.ds(cid * 2, 2)], vpn_v)
    plsc.subcore_barrier()
    vps = tuple(vpn_v[0, pl.ds(j * 16, 16)] for j in range(H // 16))
    vns = tuple(vpn_v[1, pl.ds(j * 16, 16)] for j in range(H // 16))

    def issue_idx(i, b):
        base = ebase + i * (2 * C)
        pltpu.async_copy(ed_hbm.at[pl.ds(base, 2 * C)], ed[b], sem_i[b])
        pltpu.async_copy(ef_hbm.at[pl.ds(efbase + i * C, C)], efv[b], sem_i[b])

    def wait_idx(b):
        pltpu.make_async_copy(ed_hbm.at[pl.ds(0, 2 * C)], ed[b], sem_i[b]).wait()
        pltpu.make_async_copy(ef_hbm.at[pl.ds(0, C)], efv[b], sem_i[b]).wait()

    def adjust_idx(b):
        edb = ed[b]
        for q in range(CH // 16):
            sl = pl.ds(q * 16, 16)
            sh = pl.ds(CH + q * 16, 16)
            sga[b][sl] = edb[sl] + goff
            sgb[b][sl] = edb[sh] + goff
        for q in range(CH // 16):
            sl = pl.ds(q * 16, 16)
            sh = pl.ds(CH + q * 16, 16)
            dga[b][sl] = edb[pl.ds(C + q * 16, 16)] + goff
            dgb[b][sl] = edb[pl.ds(C + CH + q * 16, 16)] + goff
            dsa[b][sl] = edb[pl.ds(C + q * 16, 16)]
            dsb[b][sl] = edb[pl.ds(C + CH + q * 16, 16)]

    def issue_gathers(b):
        pltpu.async_copy(a_hbm.at[sga[b]], ar[b].at[pl.ds(0, CH)], sem_a[b])
        pltpu.async_copy(a_hbm.at[sgb[b]], ar[b].at[pl.ds(CH, CH)], sem_a[b])
        pltpu.async_copy(b_hbm.at[dga[b]], br[b].at[pl.ds(0, CH)], sem_b[b])
        pltpu.async_copy(b_hbm.at[dgb[b]], br[b].at[pl.ds(CH, CH)], sem_b[b])

    def wait_gathers(b):
        pltpu.make_async_copy(a_hbm.at[sga[b]], ar[b].at[pl.ds(0, CH)], sem_a[b]).wait()
        pltpu.make_async_copy(a_hbm.at[sgb[b]], ar[b].at[pl.ds(CH, CH)], sem_a[b]).wait()
        pltpu.make_async_copy(b_hbm.at[dga[b]], br[b].at[pl.ds(0, CH)], sem_b[b]).wait()
        pltpu.make_async_copy(b_hbm.at[dgb[b]], br[b].at[pl.ds(CH, CH)], sem_b[b]).wait()

    def issue_scatter(b):
        pltpu.async_copy(mg[b].at[pl.ds(0, CH)], agg_sp.at[dsa[b]], sem_s[b],
                         add=True)
        pltpu.async_copy(mg[b].at[pl.ds(CH, CH)], agg_sp.at[dsb[b]], sem_s[b],
                         add=True)

    def wait_scatter(b):
        pltpu.make_async_copy(mg[b].at[pl.ds(0, CH)], agg_sp.at[dsa[b]],
                              sem_s[b]).wait()
        pltpu.make_async_copy(mg[b].at[pl.ds(CH, CH)], agg_sp.at[dsb[b]],
                              sem_s[b]).wait()

    def compute(b):
        arb, brb, efb, mgb = ar[b], br[b], efv[b], mg[b]

        def edge(e):
            ev = efb[pl.ds(e & ~15, 16)]
            lane = jnp.full((16,), 0, jnp.int32) + (e & 15)
            evb = ev.at[lane].get(mode="promise_in_bounds")
            sp = jnp.maximum(evb, 0.0)
            sn = jnp.maximum(-evb, 0.0)
            for j in range(H // 16):
                sl = pl.ds(j * 16, 16)
                v = arb[e, sl] + brb[e, sl] + sp * vps[j] + sn * vns[j]
                mgb[e, sl] = jnp.maximum(v, 0.0)

        plsc.parallel_loop(0, C, 1, unroll=4)(edge)

    def body(i, b):
        o = 1 - b

        @pl.when(i >= 1)
        def _():
            wait_scatter(o)

        @pl.when(i + 1 < NCH)
        def _():
            wait_idx(o)
            adjust_idx(o)
            issue_gathers(o)

        wait_gathers(b)
        compute(b)
        issue_scatter(b)

        @pl.when(i + 2 < NCH)
        def _():
            issue_idx(i + 2, b)

    issue_idx(0, 0)
    issue_idx(1, 1)
    wait_idx(0)
    adjust_idx(0)
    issue_gathers(0)

    def pair(t, carry):
        body(2 * t, 0)
        body(2 * t + 1, 1)
        return carry

    lax.fori_loop(0, NCH // 2, pair, 0)
    body(jnp.int32(NCH - 1), 0)
    wait_scatter(0)
    plsc.subcore_barrier()

    rows = agg_sp.at[pl.ds(sid * RPT, RPT)]

    @pl.when(cid == 0)
    def _():
        pltpu.sync_copy(rows, out0_hbm.at[pl.ds(sid * RPT, RPT)])

    @pl.when(cid == 1)
    def _():
        pltpu.sync_copy(rows, out1_hbm.at[pl.ds(sid * RPT, RPT)])


_edge_call = functools.partial(
    pl.kernel,
    out_type=(
        jax.ShapeDtypeStruct((NP, H), jnp.float32),
        jax.ShapeDtypeStruct((NP, H), jnp.float32),
    ),
    mesh=plsc.VectorSubcoreMesh(
        core_axis_name="c", subcore_axis_name="s",
        num_cores=NC, num_subcores=NS),
    compiler_params=pltpu.CompilerParams(use_tc_tiling_on_sc=False),
    scratch_types=(
        [pltpu.VMEM_SHARED((NP, H), jnp.float32)]
        + [pltpu.VMEM((2 * C,), jnp.int32)] * 2
        + [pltpu.VMEM((C,), jnp.float32)] * 2
        + [pltpu.VMEM((CH,), jnp.int32)] * 12
        + [pltpu.VMEM((C, H), jnp.float32)] * 6
        + [pltpu.VMEM((2, H), jnp.float32)]
        + [pltpu.SemaphoreType.DMA] * 9
    ),
)(_edge_body)



def _dec_body(ne_ref, g0_ref, g1_ref, wu1_ref, wu2a_ref, wu2b_ref,
              wd1a_ref, wd1b_ref, wd2_ref, out_ref):
    ne = ne_ref[...]
    lo = jnp.maximum(
        jnp.dot(ne, wu1_ref[...], preferred_element_type=jnp.float32)
        + jnp.dot(g0_ref[...], wu2a_ref[...], preferred_element_type=jnp.float32)
        + jnp.dot(g1_ref[...], wu2b_ref[...], preferred_element_type=jnp.float32),
        0.0)
    h = jnp.maximum(
        jnp.dot(ne, wd1a_ref[...], preferred_element_type=jnp.float32)
        + jnp.dot(lo, wd1b_ref[...], preferred_element_type=jnp.float32), 0.0)
    out_ref[...] = jnp.dot(h, wd2_ref[...], preferred_element_type=jnp.float32)


def _decode(ne, g0, g1, wu1, wu2a, wu2b, wd1a, wd1b, wd2p):
    row = pl.BlockSpec((RB, L), lambda i: (i, 0))
    half = pl.BlockSpec((RB, H), lambda i: (i, 0))
    wL = pl.BlockSpec((L, L), lambda i: (0, 0))
    wH = pl.BlockSpec((H, L), lambda i: (0, 0))
    return pl.pallas_call(
        _dec_body,
        grid=(NSTEPS,),
        in_specs=[row, half, half, wL, wH, wH, wL, wL, wL],
        out_specs=row,
        out_shape=jax.ShapeDtypeStruct((N, L), jnp.float32),
    )(ne, g0, g1, wu1, wu2a, wu2b, wd1a, wd1b, wd2p)


def kernel(node_features, edge_features, latent_features, edge_index,
           W_node, W_edge, W_msg, W_upd, W_dec1, W_dec2):
    nf_c = node_features.astype(jnp.float32)[:, None]
    lat = latent_features.astype(jnp.float32)
    ne, a3, b3, vpn = _encode(
        nf_c, lat, W_node[0:1], W_node[1:], W_edge,
        W_msg[0:L], W_msg[L:2 * L], W_msg[2 * L:])
    a2 = a3.reshape(2 * N, H)
    b2 = b3.reshape(2 * N, H)
    vpnr = jnp.stack([vpn[0, :H], vpn[1, :H], vpn[0, H:], vpn[1, H:]])
    src = edge_index[0].astype(jnp.int32).reshape(NS, NCH, C)
    dst = edge_index[1].astype(jnp.int32).reshape(NS, NCH, C)
    edata = jnp.stack([src, dst], axis=2).reshape(-1)
    ef = edge_features.astype(jnp.float32)
    zer = jnp.zeros((RPT, H), jnp.float32)
    g0, g1 = _edge_call(a2, b2, edata, ef, vpnr, zer)
    wd2p = jnp.pad(W_dec2, ((0, 0), (0, L - 1)))
    outp = _decode(ne, g0, g1, W_upd[:L], W_upd[L:L + H], W_upd[L + H:],
                   W_dec1[:L], W_dec1[L:], wd2p)
    return outp[:, :1]

# --- scband reference (transcript-rebuilt; emitter-appended) ---
"""Pipeline reference for scband-execution-model-62569083568173 (READ-ONLY COPY).

The authoritative reference and input builder live on the scoring server;
editing this copy changes nothing except your own understanding.
"""

import jax, jax.numpy as jnp
import numpy as np

N = 10000
E = 320000
L = 128

def setup_inputs(seed: int = 0) -> dict:
    key = jax.random.key(seed)
    ks = jax.random.split(key, 12)
    node_features = jax.random.normal(ks[0], (N,), dtype=jnp.float32)
    edge_features = jax.random.normal(ks[1], (E,), dtype=jnp.float32)
    latent_features = jax.random.normal(ks[2], (N, L), dtype=jnp.float32)
    edge_index = jax.random.randint(ks[3], (2, E), 0, N, dtype=jnp.int64)
    s = 0.05
    W_node = jax.random.normal(ks[4], (1 + L, L), dtype=jnp.float32) * s
    W_edge = jax.random.normal(ks[5], (1, L), dtype=jnp.float32) * s
    W_msg = jax.random.normal(ks[6], (3 * L, L), dtype=jnp.float32) * s
    W_upd = jax.random.normal(ks[7], (2 * L, L), dtype=jnp.float32) * s
    W_dec1 = jax.random.normal(ks[8], (2 * L, L), dtype=jnp.float32) * s
    W_dec2 = jax.random.normal(ks[9], (L, 1), dtype=jnp.float32) * s
    return {
        'node_features': node_features,
        'edge_features': edge_features,
        'latent_features': latent_features,
        'edge_index': edge_index,
        'W_node': W_node,
        'W_edge': W_edge,
        'W_msg': W_msg,
        'W_upd': W_upd,
        'W_dec1': W_dec1,
        'W_dec2': W_dec2,
    }

def reference(node_features, edge_features, latent_features, edge_index,
              W_node, W_edge, W_msg, W_upd, W_dec1, W_dec2):
    # predict(): encode nodes (scalar feature concat latent), encode edges,
    # one MPNN step, decode concat(node_enc, latent)
    nf = node_features[:, None].astype(jnp.float32)
    ef = edge_features[:, None].astype(jnp.float32)
    lat = latent_features.astype(jnp.float32)
    t = jnp.concatenate([nf, lat], axis=1)
    node_enc = jax.nn.relu(t @ W_node)
    edge_enc = jax.nn.relu(ef @ W_edge)
    src = edge_index[0]
    dst = edge_index[1]
    m_in = jnp.concatenate([node_enc[src], node_enc[dst], edge_enc], axis=1)
    msgs = jax.nn.relu(m_in @ W_msg)
    agg = jax.ops.segment_sum(msgs, dst, num_segments=node_enc.shape[0])
    latent_out = jax.nn.relu(jnp.concatenate([node_enc, agg], axis=1) @ W_upd)
    dec_in = jnp.concatenate([node_enc, latent_out], axis=1)
    out = jax.nn.relu(dec_in @ W_dec1) @ W_dec2
    return out

if __name__ == "__main__":
    import jax
    _d = setup_inputs()
    print(jax.jit(kernel)(*tuple(_d.values())))

</pallas_src>

<mosaic_0001>
#map = affine_map<(d0, d1) -> (0, 0)>
#map1 = affine_map<(d0, d1) -> (0)>
module attributes {stable_mosaic.version = 14 : i64} {
  func.func @_edge_body(%arg0: i32, %arg1: i32, %arg2: memref<20000x64xf32, #tpu.memory_space<hbm>>, %arg3: memref<20000x64xf32, #tpu.memory_space<hbm>>, %arg4: memref<640000xi32, #tpu.memory_space<hbm>>, %arg5: memref<320000xf32, #tpu.memory_space<hbm>>, %arg6: memref<4x64xf32, #tpu.memory_space<hbm>>, %arg7: memref<640x64xf32, #tpu.memory_space<hbm>>, %arg8: memref<10240x64xf32, #tpu.memory_space<hbm>>, %arg9: memref<10240x64xf32, #tpu.memory_space<hbm>>, %arg10: memref<10240x64xf32, #tpu.memory_space<vmem_shared>>, %arg11: memref<320xi32, #tpu.memory_space<vmem>>, %arg12: memref<320xi32, #tpu.memory_space<vmem>>, %arg13: memref<160xf32, #tpu.memory_space<vmem>>, %arg14: memref<160xf32, #tpu.memory_space<vmem>>, %arg15: memref<80xi32, #tpu.memory_space<vmem>>, %arg16: memref<80xi32, #tpu.memory_space<vmem>>, %arg17: memref<80xi32, #tpu.memory_space<vmem>>, %arg18: memref<80xi32, #tpu.memory_space<vmem>>, %arg19: memref<80xi32, #tpu.memory_space<vmem>>, %arg20: memref<80xi32, #tpu.memory_space<vmem>>, %arg21: memref<80xi32, #tpu.memory_space<vmem>>, %arg22: memref<80xi32, #tpu.memory_space<vmem>>, %arg23: memref<80xi32, #tpu.memory_space<vmem>>, %arg24: memref<80xi32, #tpu.memory_space<vmem>>, %arg25: memref<80xi32, #tpu.memory_space<vmem>>, %arg26: memref<80xi32, #tpu.memory_space<vmem>>, %arg27: memref<160x64xf32, #tpu.memory_space<vmem>>, %arg28: memref<160x64xf32, #tpu.memory_space<vmem>>, %arg29: memref<160x64xf32, #tpu.memory_space<vmem>>, %arg30: memref<160x64xf32, #tpu.memory_space<vmem>>, %arg31: memref<160x64xf32, #tpu.memory_space<vmem>>, %arg32: memref<160x64xf32, #tpu.memory_space<vmem>>, %arg33: memref<2x64xf32, #tpu.memory_space<vmem>>, %arg34: memref<!tpu.dma_semaphore, #tpu.memory_space<semaphore_mem>>, %arg35: memref<!tpu.dma_semaphore, #tpu.memory_space<semaphore_mem>>, %arg36: memref<!tpu.dma_semaphore, #tpu.memory_space<semaphore_mem>>, %arg37: memref<!tpu.dma_semaphore, #tpu.memory_space<semaphore_mem>>, %arg38: memref<!tpu.dma_semaphore, #tpu.memory_space<semaphore_mem>>, %arg39: memref<!tpu.dma_semaphore, #tpu.memory_space<semaphore_mem>>, %arg40: memref<!tpu.dma_semaphore, #tpu.memory_space<semaphore_mem>>, %arg41: memref<!tpu.dma_semaphore, #tpu.memory_space<semaphore_mem>>, %arg42: memref<!tpu.dma_semaphore, #tpu.memory_space<semaphore_mem>>) attributes {dimension_semantics = [#tpu.dimension_semantics<core_parallel>, #tpu.dimension_semantics<subcore_parallel>], iteration_bounds = array<i64: 2, 16>, scalar_prefetch = 0 : i64, scratch_operands = 33 : i64, tpu.core_type = #tpu.core_type<sc_vector_subcore>, window_params = [{transform_indices = #map}, {transform_indices = #map}, {transform_indices = #map1}, {transform_indices = #map1}, {transform_indices = #map}, {transform_indices = #map}, {transform_indices = #map}, {transform_indices = #map}]} {
    %mul3A = arith.constant 125 : i32
    %mul3A_0 = arith.muli %arg1, %mul3A : i32
    %mul3A_1 = arith.constant 2 : i32
    %mul3A_2 = arith.muli %mul3A_0, %mul3A_1 : i32
    %mul3A_3 = arith.constant 160 : i32
    %mul3A_4 = arith.muli %mul3A_2, %mul3A_3 : i32
    %mul3A_5 = arith.constant 20000 : i32
    %mul3A_6 = arith.muli %arg1, %mul3A_5 : i32
    %mul3A_7 = arith.constant 10000 : i32
    %mul3A_8 = arith.muli %arg0, %mul3A_7 : i32
    %mul3A_9 = arith.constant 640 : i32
    %mul3A_10 = arith.muli %arg1, %mul3A_9 : i32
    %dma_start3A = arith.constant 0 : i32
    %dma_start3A_11 = tpu.memref_slice %arg10[%mul3A_10, %dma_start3A] : memref<10240x64xf32, #tpu.memory_space<vmem_shared>> -> memref<640x64xf32, #tpu.memory_space<vmem_shared>>
    tpu.enqueue_dma source(%arg7 : memref<640x64xf32, #tpu.memory_space<hbm>>) target(%dma_start3A_11 : memref<640x64xf32, #tpu.memory_space<vmem_shared>>) target_semaphore(%arg42 : memref<!tpu.dma_semaphore, #tpu.memory_space<semaphore_mem>>)
    %dma_wait3A = arith.constant 0 : i32
    %dma_wait3A_12 = tpu.memref_slice %arg10[%mul3A_10, %dma_wait3A] : memref<10240x64xf32, #tpu.memory_space<vmem_shared>> -> memref<640x64xf32, #tpu.memory_space<vmem_shared>>
    tpu.wait_dma2 semaphore(%arg42 : memref<!tpu.dma_semaphore, #tpu.memory_space<semaphore_mem>>) src(%arg7 : memref<640x64xf32, #tpu.memory_space<hbm>>) dst(%dma_wait3A_12 : memref<640x64xf32, #tpu.memory_space<vmem_shared>>)
    %mul3A_13 = arith.constant 2 : i32
    %mul3A_14 = arith.muli %arg0, %mul3A_13 : i32
    "tpu.region"() ({
      %run_scoped3A = tpu.sem_alloc : memref<!tpu.dma_semaphore, #tpu.memory_space<semaphore_mem>>
      %dma_start3A_436 = arith.constant 0 : i32
      %dma_start3A_437 = tpu.memref_slice %arg6[%mul3A_14, %dma_start3A_436] : memref<4x64xf32, #tpu.memory_space<hbm>> -> memref<2x64xf32, #tpu.memory_space<hbm>>
      %dma_start3A_438 = arith.constant 0 : i32
      %dma_start3A_439 = tpu.memref_slice %arg6[%mul3A_14, %dma_start3A_438] : memref<4x64xf32, #tpu.memory_space<hbm>> -> memref<2x64xf32, #tpu.memory_space<hbm>>
      tpu.enqueue_dma source(%dma_start3A_439 : memref<2x64xf32, #tpu.memory_space<hbm>>) target(%arg33 : memref<2x64xf32, #tpu.memory_space<vmem>>) target_semaphore(%run_scoped3A : memref<!tpu.dma_semaphore, #tpu.memory_space<semaphore_mem>>)
      %dma_wait3A_440 = arith.constant 0 : i32
      %dma_wait3A_441 = tpu.memref_slice %arg6[%mul3A_14, %dma_wait3A_440] : memref<4x64xf32, #tpu.memory_space<hbm>> -> memref<2x64xf32, #tpu.memory_space<hbm>>
      %dma_wait3A_442 = arith.constant 0 : i32
      %dma_wait3A_443 = tpu.memref_slice %arg6[%mul3A_14, %dma_wait3A_442] : memref<4x64xf32, #tpu.memory_space<hbm>> -> memref<2x64xf32, #tpu.memory_space<hbm>>
      tpu.wait_dma2 semaphore(%run_scoped3A : memref<!tpu.dma_semaphore, #tpu.memory_space<semaphore_mem>>) src(%dma_wait3A_443 : memref<2x64xf32, #tpu.memory_space<hbm>>) dst(%arg33 : memref<2x64xf32, #tpu.memory_space<vmem>>)
      tpu.yield
    }) : () -> ()
    %barrier3A = arith.constant 0 : index
    tpu.barrier barrier_id(%barrier3A)
    %get3A = arith.constant 0 : i32
    %get3A_15 = arith.index_cast %get3A : i32 to index
    %get3A_16 = arith.constant 0 : index
    %get3A_17 = tpu.vector_load %arg33[%get3A_15, %get3A_16] {strides = array<i32>} : memref<2x64xf32, #tpu.memory_space<vmem>>, vector<1x16xf32>,
    %get3A_18 = vector.shape_cast %get3A_17 : vector<1x16xf32> to vector<16xf32>
    %get3A_19 = arith.constant 0 : i32
    %get3A_20 = arith.index_cast %get3A_19 : i32 to index
    %get3A_21 = arith.constant 16 : index
    %get3A_22 = tpu.vector_load %arg33[%get3A_20, %get3A_21] {strides = array<i32>} : memref<2x64xf32, #tpu.memory_space<vmem>>, vector<1x16xf32>,
    %get3A_23 = vector.shape_cast %get3A_22 : vector<1x16xf32> to vector<16xf32>
    %get3A_24 = arith.constant 0 : i32
    %get3A_25 = arith.index_cast %get3A_24 : i32 to index
    %get3A_26 = arith.constant 32 : index
    %get3A_27 = tpu.vector_load %arg33[%get3A_25, %get3A_26] {strides = array<i32>} : memref<2x64xf32, #tpu.memory_space<vmem>>, vector<1x16xf32>,
    %get3A_28 = vector.shape_cast %get3A_27 : vector<1x16xf32> to vector<16xf32>
    %get3A_29 = arith.constant 0 : i32
    %get3A_30 = arith.index_cast %get3A_29 : i32 to index
    %get3A_31 = arith.constant 48 : index
    %get3A_32 = tpu.vector_load %arg33[%get3A_30, %get3A_31] {strides = array<i32>} : memref<2x64xf32, #tpu.memory_space<vmem>>, vector<1x16xf32>,
    %get3A_33 = vector.shape_cast %get3A_32 : vector<1x16xf32> to vector<16xf32>
    %get3A_34 = arith.constant 1 : i32
    %get3A_35 = arith.index_cast %get3A_34 : i32 to index
    %get3A_36 = arith.constant 0 : index
    %get3A_37 = tpu.vector_load %arg33[%get3A_35, %get3A_36] {strides = array<i32>} : memref<2x64xf32, #tpu.memory_space<vmem>>, vector<1x16xf32>,
    %get3A_38 = vector.shape_cast %get3A_37 : vector<1x16xf32> to vector<16xf32>
    %get3A_39 = arith.constant 1 : i32
    %get3A_40 = arith.index_cast %get3A_39 : i32 to index
    %get3A_41 = arith.constant 16 : index
    %get3A_42 = tpu.vector_load %arg33[%get3A_40, %get3A_41] {strides = array<i32>} : memref<2x64xf32, #tpu.memory_space<vmem>>, vector<1x16xf32>,
    %get3A_43 = vector.shape_cast %get3A_42 : vector<1x16xf32> to vector<16xf32>
    %get3A_44 = arith.constant 1 : i32
    %get3A_45 = arith.index_cast %get3A_44 : i32 to index
    %get3A_46 = arith.constant 32 : index
    %get3A_47 = tpu.vector_load %arg33[%get3A_45, %get3A_46] {strides = array<i32>} : memref<2x64xf32, #tpu.memory_space<vmem>>, vector<1x16xf32>,
    %get3A_48 = vector.shape_cast %get3A_47 : vector<1x16xf32> to vector<16xf32>
    %get3A_49 = arith.constant 1 : i32
    %get3A_50 = arith.index_cast %get3A_49 : i32 to index
    %get3A_51 = arith.constant 48 : index
    %get3A_52 = tpu.vector_load %arg33[%get3A_50, %get3A_51] {strides = array<i32>} : memref<2x64xf32, #tpu.memory_space<vmem>>, vector<1x16xf32>,
    %get3A_53 = vector.shape_cast %get3A_52 : vector<1x16xf32> to vector<16xf32>
    %add3A = arith.constant 0 : i32
    %add3A_54 = arith.addi %mul3A_4, %add3A : i32
    %dma_start3A_55 = tpu.memref_slice %arg4[%add3A_54] : memref<640000xi32, #tpu.memory_space<hbm>> -> memref<320xi32, #tpu.memory_space<hbm>>
    %dma_start3A_56 = tpu.memref_slice %arg4[%add3A_54] : memref<640000xi32, #tpu.memory_space<hbm>> -> memref<320xi32, #tpu.memory_space<hbm>>
    tpu.enqueue_dma source(%dma_start3A_56 : memref<320xi32, #tpu.memory_space<hbm>>) target(%arg11 : memref<320xi32, #tpu.memory_space<vmem>>) target_semaphore(%arg34 : memref<!tpu.dma_semaphore, #tpu.memory_space<semaphore_mem>>)
    %add3A_57 = arith.constant 0 : i32
    %add3A_58 = arith.addi %mul3A_6, %add3A_57 : i32
    %dma_start3A_59 = tpu.memref_slice %arg5[%add3A_58] : memref<320000xf32, #tpu.memory_space<hbm>> -> memref<160xf32, #tpu.memory_space<hbm>>
    %dma_start3A_60 = tpu.memref_slice %arg5[%add3A_58] : memref<320000xf32, #tpu.memory_space<hbm>> -> memref<160xf32, #tpu.memory_space<hbm>>
    tpu.enqueue_dma source(%dma_start3A_60 : memref<160xf32, #tpu.memory_space<hbm>>) target(%arg13 : memref<160xf32, #tpu.memory_space<vmem>>) target_semaphore(%arg34 : memref<!tpu.dma_semaphore, #tpu.memory_space<semaphore_mem>>)
    %add3A_61 = arith.constant 320 : i32
    %add3A_62 = arith.addi %mul3A_4, %add3A_61 : i32
    %dma_start3A_63 = tpu.memref_slice %arg4[%add3A_62] : memref<640000xi32, #tpu.memory_space<hbm>> -> memref<320xi32, #tpu.memory_space<hbm>>
    %dma_start3A_64 = tpu.memref_slice %arg4[%add3A_62] : memref<640000xi32, #tpu.memory_space<hbm>> -> memref<320xi32, #tpu.memory_space<hbm>>
    tpu.enqueue_dma source(%dma_start3A_64 : memref<320xi32, #tpu.memory_space<hbm>>) target(%arg12 : memref<320xi32, #tpu.memory_space<vmem>>) target_semaphore(%arg35 : memref<!tpu.dma_semaphore, #tpu.memory_space<semaphore_mem>>)
    %add3A_65 = arith.constant 160 : i32
    %add3A_66 = arith.addi %mul3A_6, %add3A_65 : i32
    %dma_start3A_67 = tpu.memref_slice %arg5[%add3A_66] : memref<320000xf32, #tpu.memory_space<hbm>> -> memref<160xf32, #tpu.memory_space<hbm>>
    %dma_start3A_68 = tpu.memref_slice %arg5[%add3A_66] : memref<320000xf32, #tpu.memory_space<hbm>> -> memref<160xf32, #tpu.memory_space<hbm>>
    tpu.enqueue_dma source(%dma_start3A_68 : memref<160xf32, #tpu.memory_space<hbm>>) target(%arg14 : memref<160xf32, #tpu.memory_space<vmem>>) target_semaphore(%arg35 : memref<!tpu.dma_semaphore, #tpu.memory_space<semaphore_mem>>)
    %dma_wait3A_69 = arith.constant 0 : i32
    %dma_wait3A_70 = tpu.memref_slice %arg4[%dma_wait3A_69] : memref<640000xi32, #tpu.memory_space<hbm>> -> memref<320xi32, #tpu.memory_space<hbm>>
    %dma_wait3A_71 = arith.constant 0 : i32
    %dma_wait3A_72 = tpu.memref_slice %arg4[%dma_wait3A_71] : memref<640000xi32, #tpu.memory_space<hbm>> -> memref<320xi32, #tpu.memory_space<hbm>>
    tpu.wait_dma2 semaphore(%arg34 : memref<!tpu.dma_semaphore, #tpu.memory_space<semaphore_mem>>) src(%dma_wait3A_72 : memref<320xi32, #tpu.memory_space<hbm>>) dst(%arg11 : memref<320xi32, #tpu.memory_space<vmem>>)
    %dma_wait3A_73 = arith.constant 0 : i32
    %dma_wait3A_74 = tpu.memref_slice %arg5[%dma_wait3A_73] : memref<320000xf32, #tpu.memory_space<hbm>> -> memref<160xf32, #tpu.memory_space<hbm>>
    %dma_wait3A_75 = arith.constant 0 : i32
    %dma_wait3A_76 = tpu.memref_slice %arg5[%dma_wait3A_75] : memref<320000xf32, #tpu.memory_space<hbm>> -> memref<160xf32, #tpu.memory_space<hbm>>
    tpu.wait_dma2 semaphore(%arg34 : memref<!tpu.dma_semaphore, #tpu.memory_space<semaphore_mem>>) src(%dma_wait3A_76 : memref<160xf32, #tpu.memory_space<hbm>>) dst(%arg13 : memref<160xf32, #tpu.memory_space<vmem>>)
    %get3A_77 = arith.constant 0 : index
    %get3A_78 = tpu.vector_load %arg11[%get3A_77] {strides = array<i32>} : memref<320xi32, #tpu.memory_space<vmem>>, vector<16xi32>,
    %get3A_79 = vector.shape_cast %get3A_78 : vector<16xi32> to vector<16xi32>
    %add3A_80 = vector.broadcast %mul3A_8 : i32 to vector<16xi32>
    %add3A_81 = arith.addi %get3A_79, %add3A_80 : vector<16xi32>
    %swap3A = arith.constant 0 : index
    %swap3A_82 = tpu.vector_load %arg15[%swap3A] {strides = array<i32>} : memref<80xi32, #tpu.memory_space<vmem>>, vector<16xi32>,
    %swap3A_83 = vector.shape_cast %swap3A_82 : vector<16xi32> to vector<16xi32>
    %swap3A_84 = vector.shape_cast %add3A_81 : vector<16xi32> to vector<16xi32>
    tpu.vector_store %arg15[%swap3A], %swap3A_84 {strides = array<i32>} : memref<80xi32, #tpu.memory_space<vmem>>, vector<16xi32>,
    %get3A_85 = arith.constant 80 : index
    %get3A_86 = tpu.vector_load %arg11[%get3A_85] {strides = array<i32>} : memref<320xi32, #tpu.memory_space<vmem>>, vector<16xi32>,
    %get3A_87 = vector.shape_cast %get3A_86 : vector<16xi32> to vector<16xi32>
    %add3A_88 = vector.broadcast %mul3A_8 : i32 to vector<16xi32>
    %add3A_89 = arith.addi %get3A_87, %add3A_88 : vector<16xi32>
    %swap3A_90 = arith.constant 0 : index
    %swap3A_91 = tpu.vector_load %arg17[%swap3A_90] {strides = array<i32>} : memref<80xi32, #tpu.memory_space<vmem>>, vector<16xi32>,
    %swap3A_92 = vector.shape_cast %swap3A_91 : vector<16xi32> to vector<16xi32>
    %swap3A_93 = vector.shape_cast %add3A_89 : vector<16xi32> to vector<16xi32>
    tpu.vector_store %arg17[%swap3A_90], %swap3A_93 {strides = array<i32>} : memref<80xi32, #tpu.memory_space<vmem>>, vector<16xi32>,
    %get3A_94 = arith.constant 16 : index
    %get3A_95 = tpu.vector_load %arg11[%get3A_94] {strides = array<i32>} : memref<320xi32, #tpu.memory_space<vmem>>, vector<16xi32>,
    %get3A_96 = vector.shape_cast %get3A_95 : vector<16xi32> to vector<16xi32>
    %add3A_97 = vector.broadcast %mul3A_8 : i32 to vector<16xi32>
    %add3A_98 = arith.addi %get3A_96, %add3A_97 : vector<16xi32>
    %swap3A_99 = arith.constant 16 : index
    %swap3A_100 = tpu.vector_load %arg15[%swap3A_99] {strides = array<i32>} : memref<80xi32, #tpu.memory_space<vmem>>, vector<16xi32>,
    %swap3A_101 = vector.shape_cast %swap3A_100 : vector<16xi32> to vector<16xi32>
    %swap3A_102 = vector.shape_cast %add3A_98 : vector<16xi32> to vector<16xi32>
    tpu.vector_store %arg15[%swap3A_99], %swap3A_102 {strides = array<i32>} : memref<80xi32, #tpu.memory_space<vmem>>, vector<16xi32>,
    %get3A_103 = arith.constant 96 : index
    %get3A_104 = tpu.vector_load %arg11[%get3A_103] {strides = array<i32>} : memref<320xi32, #tpu.memory_space<vmem>>, vector<16xi32>,
    %get3A_105 = vector.shape_cast %get3A_104 : vector<16xi32> to vector<16xi32>
    %add3A_106 = vector.broadcast %mul3A_8 : i32 to vector<16xi32>
    %add3A_107 = arith.addi %get3A_105, %add3A_106 : vector<16xi32>
    %swap3A_108 = arith.constant 16 : index
    %swap3A_109 = tpu.vector_load %arg17[%swap3A_108] {strides = array<i32>} : memref<80xi32, #tpu.memory_space<vmem>>, vector<16xi32>,
    %swap3A_110 = vector.shape_cast %swap3A_109 : vector<16xi32> to vector<16xi32>
    %swap3A_111 = vector.shape_cast %add3A_107 : vector<16xi32> to vector<16xi32>
    tpu.vector_store %arg17[%swap3A_108], %swap3A_111 {strides = array<i32>} : memref<80xi32, #tpu.memory_space<vmem>>, vector<16xi32>,
    %get3A_112 = arith.constant 32 : index
    %get3A_113 = tpu.vector_load %arg11[%get3A_112] {strides = array<i32>} : memref<320xi32, #tpu.memory_space<vmem>>, vector<16xi32>,
    %get3A_114 = vector.shape_cast %get3A_113 : vector<16xi32> to vector<16xi32>
    %add3A_115 = vector.broadcast %mul3A_8 : i32 to vector<16xi32>
    %add3A_116 = arith.addi %get3A_114, %add3A_115 : vector<16xi32>
    %swap3A_117 = arith.constant 32 : index
    %swap3A_118 = tpu.vector_load %arg15[%swap3A_117] {strides = array<i32>} : memref<80xi32, #tpu.memory_space<vmem>>, vector<16xi32>,
    %swap3A_119 = vector.shape_cast %swap3A_118 : vector<16xi32> to vector<16xi32>
    %swap3A_120 = vector.shape_cast %add3A_116 : vector<16xi32> to vector<16xi32>
    tpu.vector_store %arg15[%swap3A_117], %swap3A_120 {strides = array<i32>} : memref<80xi32, #tpu.memory_space<vmem>>, vector<16xi32>,
    %get3A_121 = arith.constant 112 : index
    %get3A_122 = tpu.vector_load %arg11[%get3A_121] {strides = array<i32>} : memref<320xi32, #tpu.memory_space<vmem>>, vector<16xi32>,
    %get3A_123 = vector.shape_cast %get3A_122 : vector<16xi32> to vector<16xi32>
    %add3A_124 = vector.broadcast %mul3A_8 : i32 to vector<16xi32>
    %add3A_125 = arith.addi %get3A_123, %add3A_124 : vector<16xi32>
    %swap3A_126 = arith.constant 32 : index
    %swap3A_127 = tpu.vector_load %arg17[%swap3A_126] {strides = array<i32>} : memref<80xi32, #tpu.memory_space<vmem>>, vector<16xi32>,
    %swap3A_128 = vector.shape_cast %swap3A_127 : vector<16xi32> to vector<16xi32>
    %swap3A_129 = vector.shape_cast %add3A_125 : vector<16xi32> to vector<16xi32>
    tpu.vector_store %arg17[%swap3A_126], %swap3A_129 {strides = array<i32>} : memref<80xi32, #tpu.memory_space<vmem>>, vector<16xi32>,
    %get3A_130 = arith.constant 48 : index
    %get3A_131 = tpu.vector_load %arg11[%get3A_130] {strides = array<i32>} : memref<320xi32, #tpu.memory_space<vmem>>, vector<16xi32>,
    %get3A_132 = vector.shape_cast %get3A_131 : vector<16xi32> to vector<16xi32>
    %add3A_133 = vector.broadcast %mul3A_8 : i32 to vector<16xi32>
    %add3A_134 = arith.addi %get3A_132, %add3A_133 : vector<16xi32>
    %swap3A_135 = arith.constant 48 : index
    %swap3A_136 = tpu.vector_load %arg15[%swap3A_135] {strides = array<i32>} : memref<80xi32, #tpu.memory_space<vmem>>, vector<16xi32>,
    %swap3A_137 = vector.shape_cast %swap3A_136 : vector<16xi32> to vector<16xi32>
    %swap3A_138 = vector.shape_cast %add3A_134 : vector<16xi32> to vector<16xi32>
    tpu.vector_store %arg15[%swap3A_135], %swap3A_138 {strides = array<i32>} : memref<80xi32, #tpu.memory_space<vmem>>, vector<16xi32>,
    %get3A_139 = arith.constant 128 : index
    %get3A_140 = tpu.vector_load %arg11[%get3A_139] {strides = array<i32>} : memref<320xi32, #tpu.memory_space<vmem>>, vector<16xi32>,
    %get3A_141 = vector.shape_cast %get3A_140 : vector<16xi32> to vector<16xi32>
    %add3A_142 = vector.broadcast %mul3A_8 : i32 to vector<16xi32>
    %add3A_143 = arith.addi %get3A_141, %add3A_142 : vector<16xi32>
    %swap3A_144 = arith.constant 48 : index
    %swap3A_145 = tpu.vector_load %arg17[%swap3A_144] {strides = array<i32>} : memref<80xi32, #tpu.memory_space<vmem>>, vector<16xi32>,
    %swap3A_146 = vector.shape_cast %swap3A_145 : vector<16xi32> to vector<16xi32>
    %swap3A_147 = vector.shape_cast %add3A_143 : vector<16xi32> to vector<16xi32>
    tpu.vector_store %arg17[%swap3A_144], %swap3A_147 {strides = array<i32>} : memref<80xi32, #tpu.memory_space<vmem>>, vector<16xi32>,
    %get3A_148 = arith.constant 64 : index
    %get3A_149 = tpu.vector_load %arg11[%get3A_148] {strides = array<i32>} : memref<320xi32, #tpu.memory_space<vmem>>, vector<16xi32>,
    %get3A_150 = vector.shape_cast %get3A_149 : vector<16xi32> to vector<16xi32>
    %add3A_151 = vector.broadcast %mul3A_8 : i32 to vector<16xi32>
    %add3A_152 = arith.addi %get3A_150, %add3A_151 : vector<16xi32>
    %swap3A_153 = arith.constant 64 : index
    %swap3A_154 = tpu.vector_load %arg15[%swap3A_153] {strides = array<i32>} : memref<80xi32, #tpu.memory_space<vmem>>, vector<16xi32>,
    %swap3A_155 = vector.shape_cast %swap3A_154 : vector<16xi32> to vector<16xi32>
    %swap3A_156 = vector.shape_cast %add3A_152 : vector<16xi32> to vector<16xi32>
    tpu.vector_store %arg15[%swap3A_153], %swap3A_156 {strides = array<i32>} : memref<80xi32, #tpu.memory_space<vmem>>, vector<16xi32>,
    %get3A_157 = arith.constant 144 : index
    %get3A_158 = tpu.vector_load %arg11[%get3A_157] {strides = array<i32>} : memref<320xi32, #tpu.memory_space<vmem>>, vector<16xi32>,
    %get3A_159 = vector.shape_cast %get3A_158 : vector<16xi32> to vector<16xi32>
    %add3A_160 = vector.broadcast %mul3A_8 : i32 to vector<16xi32>
    %add3A_161 = arith.addi %get3A_159, %add3A_160 : vector<16xi32>
    %swap3A_162 = arith.constant 64 : index
    %swap3A_163 = tpu.vector_load %arg17[%swap3A_162] {strides = array<i32>} : memref<80xi32, #tpu.memory_space<vmem>>, vector<16xi32>,
    %swap3A_164 = vector.shape_cast %swap3A_163 : vector<16xi32> to vector<16xi32>
    %swap3A_165 = vector.shape_cast %add3A_161 : vector<16xi32> to vector<16xi32>
    tpu.vector_store %arg17[%swap3A_162], %swap3A_165 {strides = array<i32>} : memref<80xi32, #tpu.memory_space<vmem>>, vector<16xi32>,
    %get3A_166 = arith.constant 160 : index
    %get3A_167 = tpu.vector_load %arg11[%get3A_166] {strides = array<i32>} : memref<320xi32, #tpu.memory_space<vmem>>, vector<16xi32>,
    %get3A_168 = vector.shape_cast %get3A_167 : vector<16xi32> to vector<16xi32>
    %add3A_169 = vector.broadcast %mul3A_8 : i32 to vector<16xi32>
    %add3A_170 = arith.addi %get3A_168, %add3A_169 : vector<16xi32>
    %swap3A_171 = arith.constant 0 : index
    %swap3A_172 = tpu.vector_load %arg19[%swap3A_171] {strides = array<i32>} : memref<80xi32, #tpu.memory_space<vmem>>, vector<16xi32>,
    %swap3A_173 = vector.shape_cast %swap3A_172 : vector<16xi32> to vector<16xi32>
    %swap3A_174 = vector.shape_cast %add3A_170 : vector<16xi32> to vector<16xi32>
    tpu.vector_store %arg19[%swap3A_171], %swap3A_174 {strides = array<i32>} : memref<80xi32, #tpu.memory_space<vmem>>, vector<16xi32>,
    %get3A_175 = arith.constant 240 : index
    %get3A_176 = tpu.vector_load %arg11[%get3A_175] {strides = array<i32>} : memref<320xi32, #tpu.memory_space<vmem>>, vector<16xi32>,
    %get3A_177 = vector.shape_cast %get3A_176 : vector<16xi32> to vector<16xi32>
    %add3A_178 = vector.broadcast %mul3A_8 : i32 to vector<16xi32>
    %add3A_179 = arith.addi %get3A_177, %add3A_178 : vector<16xi32>
    %swap3A_180 = arith.constant 0 : index
    %swap3A_181 = tpu.vector_load %arg21[%swap3A_180] {strides = array<i32>} : memref<80xi32, #tpu.memory_space<vmem>>, vector<16xi32>,
    %swap3A_182 = vector.shape_cast %swap3A_181 : vector<16xi32> to vector<16xi32>
    %swap3A_183 = vector.shape_cast %add3A_179 : vector<16xi32> to vector<16xi32>
    tpu.vector_store %arg21[%swap3A_180], %swap3A_183 {strides = array<i32>} : memref<80xi32, #tpu.memory_space<vmem>>, vector<16xi32>,
    %get3A_184 = arith.constant 160 : index
    %get3A_185 = tpu.vector_load %arg11[%get3A_184] {strides = array<i32>} : memref<320xi32, #tpu.memory_space<vmem>>, vector<16xi32>,
    %get3A_186 = vector.shape_cast %get3A_185 : vector<16xi32> to vector<16xi32>
    %swap3A_187 = arith.constant 0 : index
    %swap3A_188 = tpu.vector_load %arg23[%swap3A_187] {strides = array<i32>} : memref<80xi32, #tpu.memory_space<vmem>>, vector<16xi32>,
    %swap3A_189 = vector.shape_cast %swap3A_188 : vector<16xi32> to vector<16xi32>
    %swap3A_190 = vector.shape_cast %get3A_186 : vector<16xi32> to vector<16xi32>
    tpu.vector_store %arg23[%swap3A_187], %swap3A_190 {strides = array<i32>} : memref<80xi32, #tpu.memory_space<vmem>>, vector<16xi32>,
    %get3A_191 = arith.constant 240 : index
    %get3A_192 = tpu.vector_load %arg11[%get3A_191] {strides = array<i32>} : memref<320xi32, #tpu.memory_space<vmem>>, vector<16xi32>,
    %get3A_193 = vector.shape_cast %get3A_192 : vector<16xi32> to vector<16xi32>
    %swap3A_194 = arith.constant 0 : index
    %swap3A_195 = tpu.vector_load %arg25[%swap3A_194] {strides = array<i32>} : memref<80xi32, #tpu.memory_space<vmem>>, vector<16xi32>,
    %swap3A_196 = vector.shape_cast %swap3A_195 : vector<16xi32> to vector<16xi32>
    %swap3A_197 = vector.shape_cast %get3A_193 : vector<16xi32> to vector<16xi32>
    tpu.vector_store %arg25[%swap3A_194], %swap3A_197 {strides = array<i32>} : memref<80xi32, #tpu.memory_space<vmem>>, vector<16xi32>,
    %get3A_198 = arith.constant 176 : index
    %get3A_199 = tpu.vector_load %arg11[%get3A_198] {strides = array<i32>} : memref<320xi32, #tpu.memory_space<vmem>>, vector<16xi32>,
    %get3A_200 = vector.shape_cast %get3A_199 : vector<16xi32> to vector<16xi32>
    %add3A_201 = vector.broadcast %mul3A_8 : i32 to vector<16xi32>
    %add3A_202 = arith.addi %get3A_200, %add3A_201 : vector<16xi32>
    %swap3A_203 = arith.constant 16 : index
    %swap3A_204 = tpu.vector_load %arg19[%swap3A_203] {strides = array<i32>} : memref<80xi32, #tpu.memory_space<vmem>>, vector<16xi32>,
    %swap3A_205 = vector.shape_cast %swap3A_204 : vector<16xi32> to vector<16xi32>
    %swap3A_206 = vector.shape_cast %add3A_202 : vector<16xi32> to vector<16xi32>
    tpu.vector_store %arg19[%swap3A_203], %swap3A_206 {strides = array<i32>} : memref<80xi32, #tpu.memory_space<vmem>>, vector<16xi32>,
    %get3A_207 = arith.constant 256 : index
    %get3A_208 = tpu.vector_load %arg11[%get3A_207] {strides = array<i32>} : memref<320xi32, #tpu.memory_space<vmem>>, vector<16xi32>,
    %get3A_209 = vector.shape_cast %get3A_208 : vector<16xi32> to vector<16xi32>
    %add3A_210 = vector.broadcast %mul3A_8 : i32 to vector<16xi32>
    %add3A_211 = arith.addi %get3A_209, %add3A_210 : vector<16xi32>
    %swap3A_212 = arith.constant 16 : index
    %swap3A_213 = tpu.vector_load %arg21[%swap3A_212] {strides = array<i32>} : memref<80xi32, #tpu.memory_space<vmem>>, vector<16xi32>,
    %swap3A_214 = vector.shape_cast %swap3A_213 : vector<16xi32> to vector<16xi32>
    %swap3A_215 = vector.shape_cast %add3A_211 : vector<16xi32> to vector<16xi32>
    tpu.vector_store %arg21[%swap3A_212], %swap3A_215 {strides = array<i32>} : memref<80xi32, #tpu.memory_space<vmem>>, vector<16xi32>,
    %get3A_216 = arith.constant 176 : index
    %get3A_217 = tpu.vector_load %arg11[%get3A_216] {strides = array<i32>} : memref<320xi32, #tpu.memory_space<vmem>>, vector<16xi32>,
    %get3A_218 = vector.shape_cast %get3A_217 : vector<16xi32> to vector<16xi32>
    %swap3A_219 = arith.constant 16 : index
    %swap3A_220 = tpu.vector_load %arg23[%swap3A_219] {strides = array<i32>} : memref<80xi32, #tpu.memory_space<vmem>>, vector<16xi32>,
    %swap3A_221 = vector.shape_cast %swap3A_220 : vector<16xi32> to vector<16xi32>
    %swap3A_222 = vector.shape_cast %get3A_218 : vector<16xi32> to vector<16xi32>
    tpu.vector_store %arg23[%swap3A_219], %swap3A_222 {strides = array<i32>} : memref<80xi32, #tpu.memory_space<vmem>>, vector<16xi32>,
    %get3A_223 = arith.constant 256 : index
    %get3A_224 = tpu.vector_load %arg11[%get3A_223] {strides = array<i32>} : memref<320xi32, #tpu.memory_space<vmem>>, vector<16xi32>,
    %get3A_225 = vector.shape_cast %get3A_224 : vector<16xi32> to vector<16xi32>
    %swap3A_226 = arith.constant 16 : index
    %swap3A_227 = tpu.vector_load %arg25[%swap3A_226] {strides = array<i32>} : memref<80xi32, #tpu.memory_space<vmem>>, vector<16xi32>,
    %swap3A_228 = vector.shape_cast %swap3A_227 : vector<16xi32> to vector<16xi32>
    %swap3A_229 = vector.shape_cast %get3A_225 : vector<16xi32> to vector<16xi32>
    tpu.vector_store %arg25[%swap3A_226], %swap3A_229 {strides = array<i32>} : memref<80xi32, #tpu.memory_space<vmem>>, vector<16xi32>,
    %get3A_230 = arith.constant 192 : index
    %get3A_231 = tpu.vector_load %arg11[%get3A_230] {strides = array<i32>} : memref<320xi32, #tpu.memory_space<vmem>>, vector<16xi32>,
    %get3A_232 = vector.shape_cast %get3A_231 : vector<16xi32> to vector<16xi32>
    %add3A_233 = vector.broadcast %mul3A_8 : i32 to vector<16xi32>
    %add3A_234 = arith.addi %get3A_232, %add3A_233 : vector<16xi32>
    %swap3A_235 = arith.constant 32 : index
    %swap3A_236 = tpu.vector_load %arg19[%swap3A_235] {strides = array<i32>} : memref<80xi32, #tpu.memory_space<vmem>>, vector<16xi32>,
    %swap3A_237 = vector.shape_cast %swap3A_236 : vector<16xi32> to vector<16xi32>
    %swap3A_238 = vector.shape_cast %add3A_234 : vector<16xi32> to vector<16xi32>
    tpu.vector_store %arg19[%swap3A_235], %swap3A_238 {strides = array<i32>} : memref<80xi32, #tpu.memory_space<vmem>>, vector<16xi32>,
    %get3A_239 = arith.constant 272 : index
    %get3A_240 = tpu.vector_load %arg11[%get3A_239] {strides = array<i32>} : memref<320xi32, #tpu.memory_space<vmem>>, vector<16xi32>,
    %get3A_241 = vector.shape_cast %get3A_240 : vector<16xi32> to vector<16xi32>
    %add3A_242 = vector.broadcast %mul3A_8 : i32 to vector<16xi32>
    %add3A_243 = arith.addi %get3A_241, %add3A_242 : vector<16xi32>
    %swap3A_244 = arith.constant 32 : index
    %swap3A_245 = tpu.vector_load %arg21[%swap3A_244] {strides = array<i32>} : memref<80xi32, #tpu.memory_space<vmem>>, vector<16xi32>,
    %swap3A_246 = vector.shape_cast %swap3A_245 : vector<16xi32> to vector<16xi32>
    %swap3A_247 = vector.shape_cast %add3A_243 : vector<16xi32> to vector<16xi32>
    tpu.vector_store %arg21[%swap3A_244], %swap3A_247 {strides = array<i32>} : memref<80xi32, #tpu.memory_space<vmem>>, vector<16xi32>,
    %get3A_248 = arith.constant 192 : index
    %get3A_249 = tpu.vector_load %arg11[%get3A_248] {strides = array<i32>} : memref<320xi32, #tpu.memory_space<vmem>>, vector<16xi32>,
    %get3A_250 = vector.shape_cast %get3A_249 : vector<16xi32> to vector<16xi32>
    %swap3A_251 = arith.constant 32 : index
    %swap3A_252 = tpu.vector_load %arg23[%swap3A_251] {strides = array<i32>} : memref<80xi32, #tpu.memory_space<vmem>>, vector<16xi32>,
    %swap3A_253 = vector.shape_cast %swap3A_252 : vector<16xi32> to vector<16xi32>
    %swap3A_254 = vector.shape_cast %get3A_250 : vector<16xi32> to vector<16xi32>
    tpu.vector_store %arg23[%swap3A_251], %swap3A_254 {strides = array<i32>} : memref<80xi32, #tpu.memory_space<vmem>>, vector<16xi32>,
    %get3A_255 = arith.constant 272 : index
    %get3A_256 = tpu.vector_load %arg11[%get3A_255] {strides = array<i32>} : memref<320xi32, #tpu.memory_space<vmem>>, vector<16xi32>,
    %get3A_257 = vector.shape_cast %get3A_256 : vector<16xi32> to vector<16xi32>
    %swap3A_258 = arith.constant 32 : index
    %swap3A_259 = tpu.vector_load %arg25[%swap3A_258] {strides = array<i32>} : memref<80xi32, #tpu.memory_space<vmem>>, vector<16xi32>,
    %swap3A_260 = vector.shape_cast %swap3A_259 : vector<16xi32> to vector<16xi32>
    %swap3A_261 = vector.shape_cast %get3A_257 : vector<16xi32> to vector<16xi32>
    tpu.vector_store %arg25[%swap3A_258], %swap3A_261 {strides = array<i32>} : memref<80xi32, #tpu.memory_space<vmem>>, vector<16xi32>,
    %get3A_262 = arith.constant 208 : index
    %get3A_263 = tpu.vector_load %arg11[%get3A_262] {strides = array<i32>} : memref<320xi32, #tpu.memory_space<vmem>>, vector<16xi32>,
    %get3A_264 = vector.shape_cast %get3A_263 : vector<16xi32> to vector<16xi32>
    %add3A_265 = vector.broadcast %mul3A_8 : i32 to vector<16xi32>
    %add3A_266 = arith.addi %get3A_264, %add3A_265 : vector<16xi32>
    %swap3A_267 = arith.constant 48 : index
    %swap3A_268 = tpu.vector_load %arg19[%swap3A_267] {strides = array<i32>} : memref<80xi32, #tpu.memory_space<vmem>>, vector<16xi32>,
    %swap3A_269 = vector.shape_cast %swap3A_268 : vector<16xi32> to vector<16xi32>
    %swap3A_270 = vector.shape_cast %add3A_266 : vector<16xi32> to vector<16xi32>
    tpu.vector_store %arg19[%swap3A_267], %swap3A_270 {strides = array<i32>} : memref<80xi32, #tpu.memory_space<vmem>>, vector<16xi32>,
    %get3A_271 = arith.constant 288 : index
    %get3A_272 = tpu.vector_load %arg11[%get3A_271] {strides = array<i32>} : memref<320xi32, #tpu.memory_space<vmem>>, vector<16xi32>,
    %get3A_273 = vector.shape_cast %get3A_272 : vector<16xi32> to vector<16xi32>
    %add3A_274 = vector.broadcast %mul3A_8 : i32 to vector<16xi32>
    %add3A_275 = arith.addi %get3A_273, %add3A_274 : vector<16xi32>
    %swap3A_276 = arith.constant 48 : index
    %swap3A_277 = tpu.vector_load %arg21[%swap3A_276] {strides = array<i32>} : memref<80xi32, #tpu.memory_space<vmem>>, vector<16xi32>,
    %swap3A_278 = vector.shape_cast %swap3A_277 : vector<16xi32> to vector<16xi32>
    %swap3A_279 = vector.shape_cast %add3A_275 : vector<16xi32> to vector<16xi32>
    tpu.vector_store %arg21[%swap3A_276], %swap3A_279 {strides = array<i32>} : memref<80xi32, #tpu.memory_space<vmem>>, vector<16xi32>,
    %get3A_280 = arith.constant 208 : index
    %get3A_281 = tpu.vector_load %arg11[%get3A_280] {strides = array<i32>} : memref<320xi32, #tpu.memory_space<vmem>>, vector<16xi32>,
    %get3A_282 = vector.shape_cast %get3A_281 : vector<16xi32> to vector<16xi32>
    %swap3A_283 = arith.constant 48 : index
    %swap3A_284 = tpu.vector_load %arg23[%swap3A_283] {strides = array<i32>} : memref<80xi32, #tpu.memory_space<vmem>>, vector<16xi32>,
    %swap3A_285 = vector.shape_cast %swap3A_284 : vector<16xi32> to vector<16xi32>
    %swap3A_286 = vector.shape_cast %get3A_282 : vector<16xi32> to vector<16xi32>
    tpu.vector_store %arg23[%swap3A_283], %swap3A_286 {strides = array<i32>} : memref<80xi32, #tpu.memory_space<vmem>>, vector<16xi32>,
    %get3A_287 = arith.constant 288 : index
    %get3A_288 = tpu.vector_load %arg11[%get3A_287] {strides = array<i32>} : memref<320xi32, #tpu.memory_space<vmem>>, vector<16xi32>,
    %get3A_289 = vector.shape_cast %get3A_288 : vector<16xi32> to vector<16xi32>
    %swap3A_290 = arith.constant 48 : index
    %swap3A_291 = tpu.vector_load %arg25[%swap3A_290] {strides = array<i32>} : memref<80xi32, #tpu.memory_space<vmem>>, vector<16xi32>,
    %swap3A_292 = vector.shape_cast %swap3A_291 : vector<16xi32> to vector<16xi32>
    %swap3A_293 = vector.shape_cast %get3A_289 : vector<16xi32> to vector<16xi32>
    tpu.vector_store %arg25[%swap3A_290], %swap3A_293 {strides = array<i32>} : memref<80xi32, #tpu.memory_space<vmem>>, vector<16xi32>,
    %get3A_294 = arith.constant 224 : index
    %get3A_295 = tpu.vector_load %arg11[%get3A_294] {strides = array<i32>} : memref<320xi32, #tpu.memory_space<vmem>>, vector<16xi32>,
    %get3A_296 = vector.shape_cast %get3A_295 : vector<16xi32> to vector<16xi32>
    %add3A_297 = vector.broadcast %mul3A_8 : i32 to vector<16xi32>
    %add3A_298 = arith.addi %get3A_296, %add3A_297 : vector<16xi32>
    %swap3A_299 = arith.constant 64 : index
    %swap3A_300 = tpu.vector_load %arg19[%swap3A_299] {strides = array<i32>} : memref<80xi32, #tpu.memory_space<vmem>>, vector<16xi32>,
    %swap3A_301 = vector.shape_cast %swap3A_300 : vector<16xi32> to vector<16xi32>
    %swap3A_302 = vector.shape_cast %add3A_298 : vector<16xi32> to vector<16xi32>
    tpu.vector_store %arg19[%swap3A_299], %swap3A_302 {strides = array<i32>} : memref<80xi32, #tpu.memory_space<vmem>>, vector<16xi32>,
    %get3A_303 = arith.constant 304 : index
    %get3A_304 = tpu.vector_load %arg11[%get3A_303] {strides = array<i32>} : memref<320xi32, #tpu.memory_space<vmem>>, vector<16xi32>,
    %get3A_305 = vector.shape_cast %get3A_304 : vector<16xi32> to vector<16xi32>
    %add3A_306 = vector.broadcast %mul3A_8 : i32 to vector<16xi32>
    %add3A_307 = arith.addi %get3A_305, %add3A_306 : vector<16xi32>
    %swap3A_308 = arith.constant 64 : index
    %swap3A_309 = tpu.vector_load %arg21[%swap3A_308] {strides = array<i32>} : memref<80xi32, #tpu.memory_space<vmem>>, vector<16xi32>,
    %swap3A_310 = vector.shape_cast %swap3A_309 : vector<16xi32> to vector<16xi32>
    %swap3A_311 = vector.shape_cast %add3A_307 : vector<16xi32> to vector<16xi32>
    tpu.vector_store %arg21[%swap3A_308], %swap3A_311 {strides = array<i32>} : memref<80xi32, #tpu.memory_space<vmem>>, vector<16xi32>,
    %get3A_312 = arith.constant 224 : index
    %get3A_313 = tpu.vector_load %arg11[%get3A_312] {strides = array<i32>} : memref<320xi32, #tpu.memory_space<vmem>>, vector<16xi32>,
    %get3A_314 = vector.shape_cast %get3A_313 : vector<16xi32> to vector<16xi32>
    %swap3A_315 = arith.constant 64 : index
    %swap3A_316 = tpu.vector_load %arg23[%swap3A_315] {strides = array<i32>} : memref<80xi32, #tpu.memory_space<vmem>>, vector<16xi32>,
    %swap3A_317 = vector.shape_cast %swap3A_316 : vector<16xi32> to vector<16xi32>
    %swap3A_318 = vector.shape_cast %get3A_314 : vector<16xi32> to vector<16xi32>
    tpu.vector_store %arg23[%swap3A_315], %swap3A_318 {strides = array<i32>} : memref<80xi32, #tpu.memory_space<vmem>>, vector<16xi32>,
    %get3A_319 = arith.constant 304 : index
    %get3A_320 = tpu.vector_load %arg11[%get3A_319] {strides = array<i32>} : memref<320xi32, #tpu.memory_space<vmem>>, vector<16xi32>,
    %get3A_321 = vector.shape_cast %get3A_320 : vector<16xi32> to vector<16xi32>
    %swap3A_322 = arith.constant 64 : index
    %swap3A_323 = tpu.vector_load %arg25[%swap3A_322] {strides = array<i32>} : memref<80xi32, #tpu.memory_space<vmem>>, vector<16xi32>,
    %swap3A_324 = vector.shape_cast %swap3A_323 : vector<16xi32> to vector<16xi32>
    %swap3A_325 = vector.shape_cast %get3A_321 : vector<16xi32> to vector<16xi32>
    tpu.vector_store %arg25[%swap3A_322], %swap3A_325 {strides = array<i32>} : memref<80xi32, #tpu.memory_space<vmem>>, vector<16xi32>,
    %dma_start3A_326 = arith.constant 0 : i32
    %dma_start3A_327 = arith.constant 0 : i32
    %dma_start3A_328 = tpu.memref_slice %arg27[%dma_start3A_326, %dma_start3A_327] : memref<160x64xf32, #tpu.memory_space<vmem>> -> memref<80x64xf32, #tpu.memory_space<vmem>>
    %dma_start3A_329 = arith.constant 0 : i32
    %dma_start3A_330 = arith.constant 0 : i32
    %dma_start3A_331 = tpu.memref_slice %arg2[%dma_start3A_329, %dma_start3A_330] : memref<20000x64xf32, #tpu.memory_space<hbm>> -> memref<20000x64xf32, #tpu.memory_space<hbm>>
    tpu.enqueue_indirect_dma source(%dma_start3A_331 : memref<20000x64xf32, #tpu.memory_space<hbm>>) target(%dma_start3A_328 : memref<80x64xf32, #tpu.memory_space<vmem>>) offsets(%arg15 : memref<80xi32, #tpu.memory_space<vmem>>) semaphore(%arg36 : memref<!tpu.dma_semaphore, #tpu.memory_space<semaphore_mem>>)
    %dma_start3A_332 = arith.constant 80 : i32
    %dma_start3A_333 = arith.constant 0 : i32
    %dma_start3A_334 = tpu.memref_slice %arg27[%dma_start3A_332, %dma_start3A_333] : memref<160x64xf32, #tpu.memory_space<vmem>> -> memref<80x64xf32, #tpu.memory_space<vmem>>
    %dma_start3A_335 = arith.constant 0 : i32
    %dma_start3A_336 = arith.constant 0 : i32
    %dma_start3A_337 = tpu.memref_slice %arg2[%dma_start3A_335, %dma_start3A_336] : memref<20000x64xf32, #tpu.memory_space<hbm>> -> memref<20000x64xf32, #tpu.memory_space<hbm>>
    tpu.enqueue_indirect_dma source(%dma_start3A_337 : memref<20000x64xf32, #tpu.memory_space<hbm>>) target(%dma_start3A_334 : memref<80x64xf32, #tpu.memory_space<vmem>>) offsets(%arg17 : memref<80xi32, #tpu.memory_space<vmem>>) semaphore(%arg36 : memref<!tpu.dma_semaphore, #tpu.memory_space<semaphore_mem>>)
    %dma_start3A_338 = arith.constant 0 : i32
    %dma_start3A_339 = arith.constant 0 : i32
    %dma_start3A_340 = tpu.memref_slice %arg29[%dma_start3A_338, %dma_start3A_339] : memref<160x64xf32, #tpu.memory_space<vmem>> -> memref<80x64xf32, #tpu.memory_space<vmem>>
    %dma_start3A_341 = arith.constant 0 : i32
    %dma_start3A_342 = arith.constant 0 : i32
    %dma_start3A_343 = tpu.memref_slice %arg3[%dma_start3A_341, %dma_start3A_342] : memref<20000x64xf32, #tpu.memory_space<hbm>> -> memref<20000x64xf32, #tpu.memory_space<hbm>>
    tpu.enqueue_indirect_dma source(%dma_start3A_343 : memref<20000x64xf32, #tpu.memory_space<hbm>>) target(%dma_start3A_340 : memref<80x64xf32, #tpu.memory_space<vmem>>) offsets(%arg19 : memref<80xi32, #tpu.memory_space<vmem>>) semaphore(%arg38 : memref<!tpu.dma_semaphore, #tpu.memory_space<semaphore_mem>>)
    %dma_start3A_344 = arith.constant 80 : i32
    %dma_start3A_345 = arith.constant 0 : i32
    %dma_start3A_346 = tpu.memref_slice %arg29[%dma_start3A_344, %dma_start3A_345] : memref<160x64xf32, #tpu.memory_space<vmem>> -> memref<80x64xf32, #tpu.memory_space<vmem>>
    %dma_start3A_347 = arith.constant 0 : i32
    %dma_start3A_348 = arith.constant 0 : i32
    %dma_start3A_349 = tpu.memref_slice %arg3[%dma_start3A_347, %dma_start3A_348] : memref<20000x64xf32, #tpu.memory_space<hbm>> -> memref<20000x64xf32, #tpu.memory_space<hbm>>
    tpu.enqueue_indirect_dma source(%dma_start3A_349 : memref<20000x64xf32, #tpu.memory_space<hbm>>) target(%dma_start3A_346 : memref<80x64xf32, #tpu.memory_space<vmem>>) offsets(%arg21 : memref<80xi32, #tpu.memory_space<vmem>>) semaphore(%arg38 : memref<!tpu.dma_semaphore, #tpu.memory_space<semaphore_mem>>)
    %scan3A = arith.constant 0 : i32
    %scan3A_350 = arith.constant 0 : i32
    %scan3A_351 = arith.constant 62 : i32
    %scan3A_352 = arith.addi %scan3A_350, %scan3A_351 : i32
    %scan3A_353 = arith.constant 1 : i32
    scf.for %scan3A_436 = %scan3A_350 to %scan3A_352 step %scan3A_353  : i32 {
      %mul3A_437 = arith.constant 2 : i32
      %mul3A_438 = arith.muli %mul3A_437, %scan3A_436 : i32
      %ge3A_439 = arith.constant 1 : i32
      %ge3A_440 = arith.cmpi sge, %mul3A_438, %ge3A_439 : i32
      %convert_element_type3A_441 = arith.extui %ge3A_440 : i1 to i32
      %cond3A_442 = arith.constant 0 : i32
      %cond3A_443 = arith.cmpi ne, %convert_element_type3A_441, %cond3A_442 : i32
      scf.if %cond3A_443 {
        %dma_wait3A_559 = arith.constant 0 : i32
        %dma_wait3A_560 = arith.constant 0 : i32
        %dma_wait3A_561 = tpu.memref_slice %arg32[%dma_wait3A_559, %dma_wait3A_560] : memref<160x64xf32, #tpu.memory_space<vmem>> -> memref<80x64xf32, #tpu.memory_space<vmem>>
        %dma_wait3A_562 = arith.constant 0 : i32
        %dma_wait3A_563 = arith.constant 0 : i32
        %dma_wait3A_564 = tpu.memref_slice %arg10[%dma_wait3A_562, %dma_wait3A_563] : memref<10240x64xf32, #tpu.memory_space<vmem_shared>> -> memref<10240x64xf32, #tpu.memory_space<vmem_shared>>
        tpu.wait_indirect_dma semaphore(%arg41 : memref<!tpu.dma_semaphore, #tpu.memory_space<semaphore_mem>>) src(%dma_wait3A_561 : memref<80x64xf32, #tpu.memory_space<vmem>>) dst(%dma_wait3A_564 : memref<10240x64xf32, #tpu.memory_space<vmem_shared>>)
        %dma_wait3A_565 = arith.constant 80 : i32
        %dma_wait3A_566 = arith.constant 0 : i32
        %dma_wait3A_567 = tpu.memref_slice %arg32[%dma_wait3A_565, %dma_wait3A_566] : memref<160x64xf32, #tpu.memory_space<vmem>> -> memref<80x64xf32, #tpu.memory_space<vmem>>
        %dma_wait3A_568 = arith.constant 0 : i32
        %dma_wait3A_569 = arith.constant 0 : i32
        %dma_wait3A_570 = tpu.memref_slice %arg10[%dma_wait3A_568, %dma_wait3A_569] : memref<10240x64xf32, #tpu.memory_space<vmem_shared>> -> memref<10240x64xf32, #tpu.memory_space<vmem_shared>>
        tpu.wait_indirect_dma semaphore(%arg41 : memref<!tpu.dma_semaphore, #tpu.memory_space<semaphore_mem>>) src(%dma_wait3A_567 : memref<80x64xf32, #tpu.memory_space<vmem>>) dst(%dma_wait3A_570 : memref<10240x64xf32, #tpu.memory_space<vmem_shared>>)
      } else {
      }
      %add3A_444 = arith.constant 1 : i32
      %add3A_445 = arith.addi %mul3A_438, %add3A_444 : i32
      %lt3A_446 = arith.constant 125 : i32
      %lt3A_447 = arith.cmpi slt, %add3A_445, %lt3A_446 : i32
      %convert_element_type3A_448 = arith.extui %lt3A_447 : i1 to i32
      %cond3A_449 = arith.constant 0 : i32
      %cond3A_450 = arith.cmpi ne, %convert_element_type3A_448, %cond3A_449 : i32
      scf.if %cond3A_450 {
        %dma_wait3A_559 = arith.constant 0 : i32
        %dma_wait3A_560 = tpu.memref_slice %arg4[%dma_wait3A_559] : memref<640000xi32, #tpu.memory_space<hbm>> -> memref<320xi32, #tpu.memory_space<hbm>>
        %dma_wait3A_561 = arith.constant 0 : i32
        %dma_wait3A_562 = tpu.memref_slice %arg4[%dma_wait3A_561] : memref<640000xi32, #tpu.memory_space<hbm>> -> memref<320xi32, #tpu.memory_space<hbm>>
        tpu.wait_dma2 semaphore(%arg35 : memref<!tpu.dma_semaphore, #tpu.memory_space<semaphore_mem>>) src(%dma_wait3A_562 : memref<320xi32, #tpu.memory_space<hbm>>) dst(%arg12 : memref<320xi32, #tpu.memory_space<vmem>>)
        %dma_wait3A_563 = arith.constant 0 : i32
        %dma_wait3A_564 = tpu.memref_slice %arg5[%dma_wait3A_563] : memref<320000xf32, #tpu.memory_space<hbm>> -> memref<160xf32, #tpu.memory_space<hbm>>
        %dma_wait3A_565 = arith.constant 0 : i32
        %dma_wait3A_566 = tpu.memref_slice %arg5[%dma_wait3A_565] : memref<320000xf32, #tpu.memory_space<hbm>> -> memref<160xf32, #tpu.memory_space<hbm>>
        tpu.wait_dma2 semaphore(%arg35 : memref<!tpu.dma_semaphore, #tpu.memory_space<semaphore_mem>>) src(%dma_wait3A_566 : memref<160xf32, #tpu.memory_space<hbm>>) dst(%arg14 : memref<160xf32, #tpu.memory_space<vmem>>)
        %get3A_567 = arith.constant 0 : index
        %get3A_568 = tpu.vector_load %arg12[%get3A_567] {strides = array<i32>} : memref<320xi32, #tpu.memory_space<vmem>>, vector<16xi32>,
        %get3A_569 = vector.shape_cast %get3A_568 : vector<16xi32> to vector<16xi32>
        %add3A_570 = vector.broadcast %mul3A_8 : i32 to vector<16xi32>
        %add3A_571 = arith.addi %get3A_569, %add3A_570 : vector<16xi32>
        %swap3A_572 = arith.constant 0 : index
        %swap3A_573 = tpu.vector_load %arg16[%swap3A_572] {strides = array<i32>} : memref<80xi32, #tpu.memory_space<vmem>>, vector<16xi32>,
        %swap3A_574 = vector.shape_cast %swap3A_573 : vector<16xi32> to vector<16xi32>
        %swap3A_575 = vector.shape_cast %add3A_571 : vector<16xi32> to vector<16xi32>
        tpu.vector_store %arg16[%swap3A_572], %swap3A_575 {strides = array<i32>} : memref<80xi32, #tpu.memory_space<vmem>>, vector<16xi32>,
        %get3A_576 = arith.constant 80 : index
        %get3A_577 = tpu.vector_load %arg12[%get3A_576] {strides = array<i32>} : memref<320xi32, #tpu.memory_space<vmem>>, vector<16xi32>,
        %get3A_578 = vector.shape_cast %get3A_577 : vector<16xi32> to vector<16xi32>
        %add3A_579 = vector.broadcast %mul3A_8 : i32 to vector<16xi32>
        %add3A_580 = arith.addi %get3A_578, %add3A_579 : vector<16xi32>
        %swap3A_581 = arith.constant 0 : index
        %swap3A_582 = tpu.vector_load %arg18[%swap3A_581] {strides = array<i32>} : memref<80xi32, #tpu.memory_space<vmem>>, vector<16xi32>,
        %swap3A_583 = vector.shape_cast %swap3A_582 : vector<16xi32> to vector<16xi32>
        %swap3A_584 = vector.shape_cast %add3A_580 : vector<16xi32> to vector<16xi32>
        tpu.vector_store %arg18[%swap3A_581], %swap3A_584 {strides = array<i32>} : memref<80xi32, #tpu.memory_space<vmem>>, vector<16xi32>,
        %get3A_585 = arith.constant 16 : index
        %get3A_586 = tpu.vector_load %arg12[%get3A_585] {strides = array<i32>} : memref<320xi32, #tpu.memory_space<vmem>>, vector<16xi32>,
        %get3A_587 = vector.shape_cast %get3A_586 : vector<16xi32> to vector<16xi32>
        %add3A_588 = vector.broadcast %mul3A_8 : i32 to vector<16xi32>
        %add3A_589 = arith.addi %get3A_587, %add3A_588 : vector<16xi32>
        %swap3A_590 = arith.constant 16 : index
        %swap3A_591 = tpu.vector_load %arg16[%swap3A_590] {strides = array<i32>} : memref<80xi32, #tpu.memory_space<vmem>>, vector<16xi32>,
        %swap3A_592 = vector.shape_cast %swap3A_591 : vector<16xi32> to vector<16xi32>
        %swap3A_593 = vector.shape_cast %add3A_589 : vector<16xi32> to vector<16xi32>
        tpu.vector_store %arg16[%swap3A_590], %swap3A_593 {strides = array<i32>} : memref<80xi32, #tpu.memory_space<vmem>>, vector<16xi32>,
        %get3A_594 = arith.constant 96 : index
        %get3A_595 = tpu.vector_load %arg12[%get3A_594] {strides = array<i32>} : memref<320xi32, #tpu.memory_space<vmem>>, vector<16xi32>,
        %get3A_596 = vector.shape_cast %get3A_595 : vector<16xi32> to vector<16xi32>
        %add3A_597 = vector.broadcast %mul3A_8 : i32 to vector<16xi32>
        %add3A_598 = arith.addi %get3A_596, %add3A_597 : vector<16xi32>
        %swap3A_599 = arith.constant 16 : index
        %swap3A_600 = tpu.vector_load %arg18[%swap3A_599] {strides = array<i32>} : memref<80xi32, #tpu.memory_space<vmem>>, vector<16xi32>,
        %swap3A_601 = vector.shape_cast %swap3A_600 : vector<16xi32> to vector<16xi32>
        %swap3A_602 = vector.shape_cast %add3A_598 : vector<16xi32> to vector<16xi32>
        tpu.vector_store %arg18[%swap3A_599], %swap3A_602 {strides = array<i32>} : memref<80xi32, #tpu.memory_space<vmem>>, vector<16xi32>,
        %get3A_603 = arith.constant 32 : index
        %get3A_604 = tpu.vector_load %arg12[%get3A_603] {strides = array<i32>} : memref<320xi32, #tpu.memory_space<vmem>>, vector<16xi32>,
        %get3A_605 = vector.shape_cast %get3A_604 : vector<16xi32> to vector<16xi32>
        %add3A_606 = vector.broadcast %mul3A_8 : i32 to vector<16xi32>
        %add3A_607 = arith.addi %get3A_605, %add3A_606 : vector<16xi32>
        %swap3A_608 = arith.constant 32 : index
        %swap3A_609 = tpu.vector_load %arg16[%swap3A_608] {strides = array<i32>} : memref<80xi32, #tpu.memory_space<vmem>>, vector<16xi32>,
        %swap3A_610 = vector.shape_cast %swap3A_609 : vector<16xi32> to vector<16xi32>
        %swap3A_611 = vector.shape_cast %add3A_607 : vector<16xi32> to vector<16xi32>
        tpu.vector_store %arg16[%swap3A_608], %swap3A_611 {strides = array<i32>} : memref<80xi32, #tpu.memory_space<vmem>>, vector<16xi32>,
        %get3A_612 = arith.constant 112 : index
        %get3A_613 = tpu.vector_load %arg12[%get3A_612] {strides = array<i32>} : memref<320xi32, #tpu.memory_space<vmem>>, vector<16xi32>,
        %get3A_614 = vector.shape_cast %get3A_613 : vector<16xi32> to vector<16xi32>
        %add3A_615 = vector.broadcast %mul3A_8 : i32 to vector<16xi32>
        %add3A_616 = arith.addi %get3A_614, %add3A_615 : vector<16xi32>
        %swap3A_617 = arith.constant 32 : index
        %swap3A_618 = tpu.vector_load %arg18[%swap3A_617] {strides = array<i32>} : memref<80xi32, #tpu.memory_space<vmem>>, vector<16xi32>,
        %swap3A_619 = vector.shape_cast %swap3A_618 : vector<16xi32> to vector<16xi32>
        %swap3A_620 = vector.shape_cast %add3A_616 : vector<16xi32> to vector<16xi32>
        tpu.vector_store %arg18[%swap3A_617], %swap3A_620 {strides = array<i32>} : memref<80xi32, #tpu.memory_space<vmem>>, vector<16xi32>,
        %get3A_621 = arith.constant 48 : index
        %get3A_622 = tpu.vector_load %arg12[%get3A_621] {strides = array<i32>} : memref<320xi32, #tpu.memory_space<vmem>>, vector<16xi32>,
        %get3A_623 = vector.shape_cast %get3A_622 : vector<16xi32> to vector<16xi32>
        %add3A_624 = vector.broadcast %mul3A_8 : i32 to vector<16xi32>
        %add3A_625 = arith.addi %get3A_623, %add3A_624 : vector<16xi32>
        %swap3A_626 = arith.constant 48 : index
        %swap3A_627 = tpu.vector_load %arg16[%swap3A_626] {strides = array<i32>} : memref<80xi32, #tpu.memory_space<vmem>>, vector<16xi32>,
        %swap3A_628 = vector.shape_cast %swap3A_627 : vector<16xi32> to vector<16xi32>
        %swap3A_629 = vector.shape_cast %add3A_625 : vector<16xi32> to vector<16xi32>
        tpu.vector_store %arg16[%swap3A_626], %swap3A_629 {strides = array<i32>} : memref<80xi32, #tpu.memory_space<vmem>>, vector<16xi32>,
        %get3A_630 = arith.constant 128 : index
        %get3A_631 = tpu.vector_load %arg12[%get3A_630] {strides = array<i32>} : memref<320xi32, #tpu.memory_space<vmem>>, vector<16xi32>,
        %get3A_632 = vector.shape_cast %get3A_631 : vector<16xi32> to vector<16xi32>
        %add3A_633 = vector.broadcast %mul3A_8 : i32 to vector<16xi32>
        %add3A_634 = arith.addi %get3A_632, %add3A_633 : vector<16xi32>
        %swap3A_635 = arith.constant 48 : index
        %swap3A_636 = tpu.vector_load %arg18[%swap3A_635] {strides = array<i32>} : memref<80xi32, #tpu.memory_space<vmem>>, vector<16xi32>,
        %swap3A_637 = vector.shape_cast %swap3A_636 : vector<16xi32> to vector<16xi32>
        %swap3A_638 = vector.shape_cast %add3A_634 : vector<16xi32> to vector<16xi32>
        tpu.vector_store %arg18[%swap3A_635], %swap3A_638 {strides = array<i32>} : memref<80xi32, #tpu.memory_space<vmem>>, vector<16xi32>,
        %get3A_639 = arith.constant 64 : index
        %get3A_640 = tpu.vector_load %arg12[%get3A_639] {strides = array<i32>} : memref<320xi32, #tpu.memory_space<vmem>>, vector<16xi32>,
        %get3A_641 = vector.shape_cast %get3A_640 : vector<16xi32> to vector<16xi32>
        %add3A_642 = vector.broadcast %mul3A_8 : i32 to vector<16xi32>
        %add3A_643 = arith.addi %get3A_641, %add3A_642 : vector<16xi32>
        %swap3A_644 = arith.constant 64 : index
        %swap3A_645 = tpu.vector_load %arg16[%swap3A_644] {strides = array<i32>} : memref<80xi32, #tpu.memory_space<vmem>>, vector<16xi32>,
        %swap3A_646 = vector.shape_cast %swap3A_645 : vector<16xi32> to vector<16xi32>
        %swap3A_647 = vector.shape_cast %add3A_643 : vector<16xi32> to vector<16xi32>
        tpu.vector_store %arg16[%swap3A_644], %swap3A_647 {strides = array<i32>} : memref<80xi32, #tpu.memory_space<vmem>>, vector<16xi32>,
        %get3A_648 = arith.constant 144 : index
        %get3A_649 = tpu.vector_load %arg12[%get3A_648] {strides = array<i32>} : memref<320xi32, #tpu.memory_space<vmem>>, vector<16xi32>,
        %get3A_650 = vector.shape_cast %get3A_649 : vector<16xi32> to vector<16xi32>
        %add3A_651 = vector.broadcast %mul3A_8 : i32 to vector<16xi32>
        %add3A_652 = arith.addi %get3A_650, %add3A_651 : vector<16xi32>
        %swap3A_653 = arith.constant 64 : index
        %swap3A_654 = tpu.vector_load %arg18[%swap3A_653] {strides = array<i32>} : memref<80xi32, #tpu.memory_space<vmem>>, vector<16xi32>,
        %swap3A_655 = vector.shape_cast %swap3A_654 : vector<16xi32> to vector<16xi32>
        %swap3A_656 = vector.shape_cast %add3A_652 : vector<16xi32> to vector<16xi32>
        tpu.vector_store %arg18[%swap3A_653], %swap3A_656 {strides = array<i32>} : memref<80xi32, #tpu.memory_space<vmem>>, vector<16xi32>,
        %get3A_657 = arith.constant 160 : index
        %get3A_658 = tpu.vector_load %arg12[%get3A_657] {strides = array<i32>} : memref<320xi32, #tpu.memory_space<vmem>>, vector<16xi32>,
        %get3A_659 = vector.shape_cast %get3A_658 : vector<16xi32> to vector<16xi32>
        %add3A_660 = vector.broadcast %mul3A_8 : i32 to vector<16xi32>
        %add3A_661 = arith.addi %get3A_659, %add3A_660 : vector<16xi32>
        %swap3A_662 = arith.constant 0 : index
        %swap3A_663 = tpu.vector_load %arg20[%swap3A_662] {strides = array<i32>} : memref<80xi32, #tpu.memory_space<vmem>>, vector<16xi32>,
        %swap3A_664 = vector.shape_cast %swap3A_663 : vector<16xi32> to vector<16xi32>
        %swap3A_665 = vector.shape_cast %add3A_661 : vector<16xi32> to vector<16xi32>
        tpu.vector_store %arg20[%swap3A_662], %swap3A_665 {strides = array<i32>} : memref<80xi32, #tpu.memory_space<vmem>>, vector<16xi32>,
        %get3A_666 = arith.constant 240 : index
        %get3A_667 = tpu.vector_load %arg12[%get3A_666] {strides = array<i32>} : memref<320xi32, #tpu.memory_space<vmem>>, vector<16xi32>,
        %get3A_668 = vector.shape_cast %get3A_667 : vector<16xi32> to vector<16xi32>
        %add3A_669 = vector.broadcast %mul3A_8 : i32 to vector<16xi32>
        %add3A_670 = arith.addi %get3A_668, %add3A_669 : vector<16xi32>
        %swap3A_671 = arith.constant 0 : index
        %swap3A_672 = tpu.vector_load %arg22[%swap3A_671] {strides = array<i32>} : memref<80xi32, #tpu.memory_space<vmem>>, vector<16xi32>,
        %swap3A_673 = vector.shape_cast %swap3A_672 : vector<16xi32> to vector<16xi32>
        %swap3A_674 = vector.shape_cast %add3A_670 : vector<16xi32> to vector<16xi32>
        tpu.vector_store %arg22[%swap3A_671], %swap3A_674 {strides = array<i32>} : memref<80xi32, #tpu.memory_space<vmem>>, vector<16xi32>,
        %get3A_675 = arith.constant 160 : index
        %get3A_676 = tpu.vector_load %arg12[%get3A_675] {strides = array<i32>} : memref<320xi32, #tpu.memory_space<vmem>>, vector<16xi32>,
        %get3A_677 = vector.shape_cast %get3A_676 : vector<16xi32> to vector<16xi32>
        %swap3A_678 = arith.constant 0 : index
        %swap3A_679 = tpu.vector_load %arg24[%swap3A_678] {strides = array<i32>} : memref<80xi32, #tpu.memory_space<vmem>>, vector<16xi32>,
        %swap3A_680 = vector.shape_cast %swap3A_679 : vector<16xi32> to vector<16xi32>
        %swap3A_681 = vector.shape_cast %get3A_677 : vector<16xi32> to vector<16xi32>
        tpu.vector_store %arg24[%swap3A_678], %swap3A_681 {strides = array<i32>} : memref<80xi32, #tpu.memory_space<vmem>>, vector<16xi32>,
        %get3A_682 = arith.constant 240 : index
        %get3A_683 = tpu.vector_load %arg12[%get3A_682] {strides = array<i32>} : memref<320xi32, #tpu.memory_space<vmem>>, vector<16xi32>,
        %get3A_684 = vector.shape_cast %get3A_683 : vector<16xi32> to vector<16xi32>
        %swap3A_685 = arith.constant 0 : index
        %swap3A_686 = tpu.vector_load %arg26[%swap3A_685] {strides = array<i32>} : memref<80xi32, #tpu.memory_space<vmem>>, vector<16xi32>,
        %swap3A_687 = vector.shape_cast %swap3A_686 : vector<16xi32> to vector<16xi32>
        %swap3A_688 = vector.shape_cast %get3A_684 : vector<16xi32> to vector<16xi32>
        tpu.vector_store %arg26[%swap3A_685], %swap3A_688 {strides = array<i32>} : memref<80xi32, #tpu.memory_space<vmem>>, vector<16xi32>,
        %get3A_689 = arith.constant 176 : index
        %get3A_690 = tpu.vector_load %arg12[%get3A_689] {strides = array<i32>} : memref<320xi32, #tpu.memory_space<vmem>>, vector<16xi32>,
        %get3A_691 = vector.shape_cast %get3A_690 : vector<16xi32> to vector<16xi32>
        %add3A_692 = vector.broadcast %mul3A_8 : i32 to vector<16xi32>
        %add3A_693 = arith.addi %get3A_691, %add3A_692 : vector<16xi32>
        %swap3A_694 = arith.constant 16 : index
        %swap3A_695 = tpu.vector_load %arg20[%swap3A_694] {strides = array<i32>} : memref<80xi32, #tpu.memory_space<vmem>>, vector<16xi32>,
        %swap3A_696 = vector.shape_cast %swap3A_695 : vector<16xi32> to vector<16xi32>
        %swap3A_697 = vector.shape_cast %add3A_693 : vector<16xi32> to vector<16xi32>
        tpu.vector_store %arg20[%swap3A_694], %swap3A_697 {strides = array<i32>} : memref<80xi32, #tpu.memory_space<vmem>>, vector<16xi32>,
        %get3A_698 = arith.constant 256 : index
        %get3A_699 = tpu.vector_load %arg12[%get3A_698] {strides = array<i32>} : memref<320xi32, #tpu.memory_space<vmem>>, vector<16xi32>,
        %get3A_700 = vector.shape_cast %get3A_699 : vector<16xi32> to vector<16xi32>
        %add3A_701 = vector.broadcast %mul3A_8 : i32 to vector<16xi32>
        %add3A_702 = arith.addi %get3A_700, %add3A_701 : vector<16xi32>
        %swap3A_703 = arith.constant 16 : index
        %swap3A_704 = tpu.vector_load %arg22[%swap3A_703] {strides = array<i32>} : memref<80xi32, #tpu.memory_space<vmem>>, vector<16xi32>,
        %swap3A_705 = vector.shape_cast %swap3A_704 : vector<16xi32> to vector<16xi32>
        %swap3A_706 = vector.shape_cast %add3A_702 : vector<16xi32> to vector<16xi32>
        tpu.vector_store %arg22[%swap3A_703], %swap3A_706 {strides = array<i32>} : memref<80xi32, #tpu.memory_space<vmem>>, vector<16xi32>,
        %get3A_707 = arith.constant 176 : index
        %get3A_708 = tpu.vector_load %arg12[%get3A_707] {strides = array<i32>} : memref<320xi32, #tpu.memory_space<vmem>>, vector<16xi32>,
        %get3A_709 = vector.shape_cast %get3A_708 : vector<16xi32> to vector<16xi32>
        %swap3A_710 = arith.constant 16 : index
        %swap3A_711 = tpu.vector_load %arg24[%swap3A_710] {strides = array<i32>} : memref<80xi32, #tpu.memory_space<vmem>>, vector<16xi32>,
        %swap3A_712 = vector.shape_cast %swap3A_711 : vector<16xi32> to vector<16xi32>
        %swap3A_713 = vector.shape_cast %get3A_709 : vector<16xi32> to vector<16xi32>
        tpu.vector_store %arg24[%swap3A_710], %swap3A_713 {strides = array<i32>} : memref<80xi32, #tpu.memory_space<vmem>>, vector<16xi32>,
        %get3A_714 = arith.constant 256 : index
        %get3A_715 = tpu.vector_load %arg12[%get3A_714] {strides = array<i32>} : memref<320xi32, #tpu.memory_space<vmem>>, vector<16xi32>,
        %get3A_716 = vector.shape_cast %get3A_715 : vector<16xi32> to vector<16xi32>
        %swap3A_717 = arith.constant 16 : index
        %swap3A_718 = tpu.vector_load %arg26[%swap3A_717] {strides = array<i32>} : memref<80xi32, #tpu.memory_space<vmem>>, vector<16xi32>,
        %swap3A_719 = vector.shape_cast %swap3A_718 : vector<16xi32> to vector<16xi32>
        %swap3A_720 = vector.shape_cast %get3A_716 : vector<16xi32> to vector<16xi32>
        tpu.vector_store %arg26[%swap3A_717], %swap3A_720 {strides = array<i32>} : memref<80xi32, #tpu.memory_space<vmem>>, vector<16xi32>,
        %get3A_721 = arith.constant 192 : index
        %get3A_722 = tpu.vector_load %arg12[%get3A_721] {strides = array<i32>} : memref<320xi32, #tpu.memory_space<vmem>>, vector<16xi32>,
        %get3A_723 = vector.shape_cast %get3A_722 : vector<16xi32> to vector<16xi32>
        %add3A_724 = vector.broadcast %mul3A_8 : i32 to vector<16xi32>
        %add3A_725 = arith.addi %get3A_723, %add3A_724 : vector<16xi32>
        %swap3A_726 = arith.constant 32 : index
        %swap3A_727 = tpu.vector_load %arg20[%swap3A_726] {strides = array<i32>} : memref<80xi32, #tpu.memory_space<vmem>>, vector<16xi32>,
        %swap3A_728 = vector.shape_cast %swap3A_727 : vector<16xi32> to vector<16xi32>
        %swap3A_729 = vector.shape_cast %add3A_725 : vector<16xi32> to vector<16xi32>
        tpu.vector_store %arg20[%swap3A_726], %swap3A_729 {strides = array<i32>} : memref<80xi32, #tpu.memory_space<vmem>>, vector<16xi32>,
        %get3A_730 = arith.constant 272 : index
        %get3A_731 = tpu.vector_load %arg12[%get3A_730] {strides = array<i32>} : memref<320xi32, #tpu.memory_space<vmem>>, vector<16xi32>,
        %get3A_732 = vector.shape_cast %get3A_731 : vector<16xi32> to vector<16xi32>
        %add3A_733 = vector.broadcast %mul3A_8 : i32 to vector<16xi32>
        %add3A_734 = arith.addi %get3A_732, %add3A_733 : vector<16xi32>
        %swap3A_735 = arith.constant 32 : index
        %swap3A_736 = tpu.vector_load %arg22[%swap3A_735] {strides = array<i32>} : memref<80xi32, #tpu.memory_space<vmem>>, vector<16xi32>,
        %swap3A_737 = vector.shape_cast %swap3A_736 : vector<16xi32> to vector<16xi32>
        %swap3A_738 = vector.shape_cast %add3A_734 : vector<16xi32> to vector<16xi32>
        tpu.vector_store %arg22[%swap3A_735], %swap3A_738 {strides = array<i32>} : memref<80xi32, #tpu.memory_space<vmem>>, vector<16xi32>,
        %get3A_739 = arith.constant 192 : index
        %get3A_740 = tpu.vector_load %arg12[%get3A_739] {strides = array<i32>} : memref<320xi32, #tpu.memory_space<vmem>>, vector<16xi32>,
        %get3A_741 = vector.shape_cast %get3A_740 : vector<16xi32> to vector<16xi32>
        %swap3A_742 = arith.constant 32 : index
        %swap3A_743 = tpu.vector_load %arg24[%swap3A_742] {strides = array<i32>} : memref<80xi32, #tpu.memory_space<vmem>>, vector<16xi32>,
        %swap3A_744 = vector.shape_cast %swap3A_743 : vector<16xi32> to vector<16xi32>
        %swap3A_745 = vector.shape_cast %get3A_741 : vector<16xi32> to vector<16xi32>
        tpu.vector_store %arg24[%swap3A_742], %swap3A_745 {strides = array<i32>} : memref<80xi32, #tpu.memory_space<vmem>>, vector<16xi32>,
        %get3A_746 = arith.constant 272 : index
        %get3A_747 = tpu.vector_load %arg12[%get3A_746] {strides = array<i32>} : memref<320xi32, #tpu.memory_space<vmem>>, vector<16xi32>,
        %get3A_748 = vector.shape_cast %get3A_747 : vector<16xi32> to vector<16xi32>
        %swap3A_749 = arith.constant 32 : index
        %swap3A_750 = tpu.vector_load %arg26[%swap3A_749] {strides = array<i32>} : memref<80xi32, #tpu.memory_space<vmem>>, vector<16xi32>,
        %swap3A_751 = vector.shape_cast %swap3A_750 : vector<16xi32> to vector<16xi32>
        %swap3A_752 = vector.shape_cast %get3A_748 : vector<16xi32> to vector<16xi32>
        tpu.vector_store %arg26[%swap3A_749], %swap3A_752 {strides = array<i32>} : memref<80xi32, #tpu.memory_space<vmem>>, vector<16xi32>,
        %get3A_753 = arith.constant 208 : index
        %get3A_754 = tpu.vector_load %arg12[%get3A_753] {strides = array<i32>} : memref<320xi32, #tpu.memory_space<vmem>>, vector<16xi32>,
        %get3A_755 = vector.shape_cast %get3A_754 : vector<16xi32> to vector<16xi32>
        %add3A_756 = vector.broadcast %mul3A_8 : i32 to vector<16xi32>
        %add3A_757 = arith.addi %get3A_755, %add3A_756 : vector<16xi32>
        %swap3A_758 = arith.constant 48 : index
        %swap3A_759 = tpu.vector_load %arg20[%swap3A_758] {strides = array<i32>} : memref<80xi32, #tpu.memory_space<vmem>>, vector<16xi32>,
        %swap3A_760 = vector.shape_cast %swap3A_759 : vector<16xi32> to vector<16xi32>
        %swap3A_761 = vector.shape_cast %add3A_757 : vector<16xi32> to vector<16xi32>
        tpu.vector_store %arg20[%swap3A_758], %swap3A_761 {strides = array<i32>} : memref<80xi32, #tpu.memory_space<vmem>>, vector<16xi32>,
        %get3A_762 = arith.constant 288 : index
        %get3A_763 = tpu.vector_load %arg12[%get3A_762] {strides = array<i32>} : memref<320xi32, #tpu.memory_space<vmem>>, vector<16xi32>,
        %get3A_764 = vector.shape_cast %get3A_763 : vector<16xi32> to vector<16xi32>
        %add3A_765 = vector.broadcast %mul3A_8 : i32 to vector<16xi32>
        %add3A_766 = arith.addi %get3A_764, %add3A_765 : vector<16xi32>
        %swap3A_767 = arith.constant 48 : index
        %swap3A_768 = tpu.vector_load %arg22[%swap3A_767] {strides = array<i32>} : memref<80xi32, #tpu.memory_space<vmem>>, vector<16xi32>,
        %swap3A_769 = vector.shape_cast %swap3A_768 : vector<16xi32> to vector<16xi32>
        %swap3A_770 = vector.shape_cast %add3A_766 : vector<16xi32> to vector<16xi32>
        tpu.vector_store %arg22[%swap3A_767], %swap3A_770 {strides = array<i32>} : memref<80xi32, #tpu.memory_space<vmem>>, vector<16xi32>,
        %get3A_771 = arith.constant 208 : index
        %get3A_772 = tpu.vector_load %arg12[%get3A_771] {strides = array<i32>} : memref<320xi32, #tpu.memory_space<vmem>>, vector<16xi32>,
        %get3A_773 = vector.shape_cast %get3A_772 : vector<16xi32> to vector<16xi32>
        %swap3A_774 = arith.constant 48 : index
        %swap3A_775 = tpu.vector_load %arg24[%swap3A_774] {strides = array<i32>} : memref<80xi32, #tpu.memory_space<vmem>>, vector<16xi32>,
        %swap3A_776 = vector.shape_cast %swap3A_775 : vector<16xi32> to vector<16xi32>
        %swap3A_777 = vector.shape_cast %get3A_773 : vector<16xi32> to vector<16xi32>
        tpu.vector_store %arg24[%swap3A_774], %swap3A_777 {strides = array<i32>} : memref<80xi32, #tpu.memory_space<vmem>>, vector<16xi32>,
        %get3A_778 = arith.constant 288 : index
        %get3A_779 = tpu.vector_load %arg12[%get3A_778] {strides = array<i32>} : memref<320xi32, #tpu.memory_space<vmem>>, vector<16xi32>,
        %get3A_780 = vector.shape_cast %get3A_779 : vector<16xi32> to vector<16xi32>
        %swap3A_781 = arith.constant 48 : index
        %swap3A_782 = tpu.vector_load %arg26[%swap3A_781] {strides = array<i32>} : memref<80xi32, #tpu.memory_space<vmem>>, vector<16xi32>,
        %swap3A_783 = vector.shape_cast %swap3A_782 : vector<16xi32> to vector<16xi32>
        %swap3A_784 = vector.shape_cast %get3A_780 : vector<16xi32> to vector<16xi32>
        tpu.vector_store %arg26[%swap3A_781], %swap3A_784 {strides = array<i32>} : memref<80xi32, #tpu.memory_space<vmem>>, vector<16xi32>,
        %get3A_785 = arith.constant 224 : index
        %get3A_786 = tpu.vector_load %arg12[%get3A_785] {strides = array<i32>} : memref<320xi32, #tpu.memory_space<vmem>>, vector<16xi32>,
        %get3A_787 = vector.shape_cast %get3A_786 : vector<16xi32> to vector<16xi32>
        %add3A_788 = vector.broadcast %mul3A_8 : i32 to vector<16xi32>
        %add3A_789 = arith.addi %get3A_787, %add3A_788 : vector<16xi32>
        %swap3A_790 = arith.constant 64 : index
        %swap3A_791 = tpu.vector_load %arg20[%swap3A_790] {strides = array<i32>} : memref<80xi32, #tpu.memory_space<vmem>>, vector<16xi32>,
        %swap3A_792 = vector.shape_cast %swap3A_791 : vector<16xi32> to vector<16xi32>
        %swap3A_793 = vector.shape_cast %add3A_789 : vector<16xi32> to vector<16xi32>
        tpu.vector_store %arg20[%swap3A_790], %swap3A_793 {strides = array<i32>} : memref<80xi32, #tpu.memory_space<vmem>>, vector<16xi32>,
        %get3A_794 = arith.constant 304 : index
        %get3A_795 = tpu.vector_load %arg12[%get3A_794] {strides = array<i32>} : memref<320xi32, #tpu.memory_space<vmem>>, vector<16xi32>,
        %get3A_796 = vector.shape_cast %get3A_795 : vector<16xi32> to vector<16xi32>
        %add3A_797 = vector.broadcast %mul3A_8 : i32 to vector<16xi32>
        %add3A_798 = arith.addi %get3A_796, %add3A_797 : vector<16xi32>
        %swap3A_799 = arith.constant 64 : index
        %swap3A_800 = tpu.vector_load %arg22[%swap3A_799] {strides = array<i32>} : memref<80xi32, #tpu.memory_space<vmem>>, vector<16xi32>,
        %swap3A_801 = vector.shape_cast %swap3A_800 : vector<16xi32> to vector<16xi32>
        %swap3A_802 = vector.shape_cast %add3A_798 : vector<16xi32> to vector<16xi32>
        tpu.vector_store %arg22[%swap3A_799], %swap3A_802 {strides = array<i32>} : memref<80xi32, #tpu.memory_space<vmem>>, vector<16xi32>,
        %get3A_803 = arith.constant 224 : index
        %get3A_804 = tpu.vector_load %arg12[%get3A_803] {strides = array<i32>} : memref<320xi32, #tpu.memory_space<vmem>>, vector<16xi32>,
        %get3A_805 = vector.shape_cast %get3A_804 : vector<16xi32> to vector<16xi32>
        %swap3A_806 = arith.constant 64 : index
        %swap3A_807 = tpu.vector_load %arg24[%swap3A_806] {strides = array<i32>} : memref<80xi32, #tpu.memory_space<vmem>>, vector<16xi32>,
        %swap3A_808 = vector.shape_cast %swap3A_807 : vector<16xi32> to vector<16xi32>
        %swap3A_809 = vector.shape_cast %get3A_805 : vector<16xi32> to vector<16xi32>
        tpu.vector_store %arg24[%swap3A_806], %swap3A_809 {strides = array<i32>} : memref<80xi32, #tpu.memory_space<vmem>>, vector<16xi32>,
        %get3A_810 = arith.constant 304 : index
        %get3A_811 = tpu.vector_load %arg12[%get3A_810] {strides = array<i32>} : memref<320xi32, #tpu.memory_space<vmem>>, vector<16xi32>,
        %get3A_812 = vector.shape_cast %get3A_811 : vector<16xi32> to vector<16xi32>
        %swap3A_813 = arith.constant 64 : index
        %swap3A_814 = tpu.vector_load %arg26[%swap3A_813] {strides = array<i32>} : memref<80xi32, #tpu.memory_space<vmem>>, vector<16xi32>,
        %swap3A_815 = vector.shape_cast %swap3A_814 : vector<16xi32> to vector<16xi32>
        %swap3A_816 = vector.shape_cast %get3A_812 : vector<16xi32> to vector<16xi32>
        tpu.vector_store %arg26[%swap3A_813], %swap3A_816 {strides = array<i32>} : memref<80xi32, #tpu.memory_space<vmem>>, vector<16xi32>,
        %dma_start3A_817 = arith.constant 0 : i32
        %dma_start3A_818 = arith.constant 0 : i32
        %dma_start3A_819 = tpu.memref_slice %arg28[%dma_start3A_817, %dma_start3A_818] : memref<160x64xf32, #tpu.memory_space<vmem>> -> memref<80x64xf32, #tpu.memory_space<vmem>>
        %dma_start3A_820 = arith.constant 0 : i32
        %dma_start3A_821 = arith.constant 0 : i32
        %dma_start3A_822 = tpu.memref_slice %arg2[%dma_start3A_820, %dma_start3A_821] : memref<20000x64xf32, #tpu.memory_space<hbm>> -> memref<20000x64xf32, #tpu.memory_space<hbm>>
        tpu.enqueue_indirect_dma source(%dma_start3A_822 : memref<20000x64xf32, #tpu.memory_space<hbm>>) target(%dma_start3A_819 : memref<80x64xf32, #tpu.memory_space<vmem>>) offsets(%arg16 : memref<80xi32, #tpu.memory_space<vmem>>) semaphore(%arg37 : memref<!tpu.dma_semaphore, #tpu.memory_space<semaphore_mem>>)
        %dma_start3A_823 = arith.constant 80 : i32
        %dma_start3A_824 = arith.constant 0 : i32
        %dma_start3A_825 = tpu.memref_slice %arg28[%dma_start3A_823, %dma_start3A_824] : memref<160x64xf32, #tpu.memory_space<vmem>> -> memref<80x64xf32, #tpu.memory_space<vmem>>
        %dma_start3A_826 = arith.constant 0 : i32
        %dma_start3A_827 = arith.constant 0 : i32
        %dma_start3A_828 = tpu.memref_slice %arg2[%dma_start3A_826, %dma_start3A_827] : memref<20000x64xf32, #tpu.memory_space<hbm>> -> memref<20000x64xf32, #tpu.memory_space<hbm>>
        tpu.enqueue_indirect_dma source(%dma_start3A_828 : memref<20000x64xf32, #tpu.memory_space<hbm>>) target(%dma_start3A_825 : memref<80x64xf32, #tpu.memory_space<vmem>>) offsets(%arg18 : memref<80xi32, #tpu.memory_space<vmem>>) semaphore(%arg37 : memref<!tpu.dma_semaphore, #tpu.memory_space<semaphore_mem>>)
        %dma_start3A_829 = arith.constant 0 : i32
        %dma_start3A_830 = arith.constant 0 : i32
        %dma_start3A_831 = tpu.memref_slice %arg30[%dma_start3A_829, %dma_start3A_830] : memref<160x64xf32, #tpu.memory_space<vmem>> -> memref<80x64xf32, #tpu.memory_space<vmem>>
        %dma_start3A_832 = arith.constant 0 : i32
        %dma_start3A_833 = arith.constant 0 : i32
        %dma_start3A_834 = tpu.memref_slice %arg3[%dma_start3A_832, %dma_start3A_833] : memref<20000x64xf32, #tpu.memory_space<hbm>> -> memref<20000x64xf32, #tpu.memory_space<hbm>>
        tpu.enqueue_indirect_dma source(%dma_start3A_834 : memref<20000x64xf32, #tpu.memory_space<hbm>>) target(%dma_start3A_831 : memref<80x64xf32, #tpu.memory_space<vmem>>) offsets(%arg20 : memref<80xi32, #tpu.memory_space<vmem>>) semaphore(%arg39 : memref<!tpu.dma_semaphore, #tpu.memory_space<semaphore_mem>>)
        %dma_start3A_835 = arith.constant 80 : i32
        %dma_start3A_836 = arith.constant 0 : i32
        %dma_start3A_837 = tpu.memref_slice %arg30[%dma_start3A_835, %dma_start3A_836] : memref<160x64xf32, #tpu.memory_space<vmem>> -> memref<80x64xf32, #tpu.memory_space<vmem>>
        %dma_start3A_838 = arith.constant 0 : i32
        %dma_start3A_839 = arith.constant 0 : i32
        %dma_start3A_840 = tpu.memref_slice %arg3[%dma_start3A_838, %dma_start3A_839] : memref<20000x64xf32, #tpu.memory_space<hbm>> -> memref<20000x64xf32, #tpu.memory_space<hbm>>
        tpu.enqueue_indirect_dma source(%dma_start3A_840 : memref<20000x64xf32, #tpu.memory_space<hbm>>) target(%dma_start3A_837 : memref<80x64xf32, #tpu.memory_space<vmem>>) offsets(%arg22 : memref<80xi32, #tpu.memory_space<vmem>>) semaphore(%arg39 : memref<!tpu.dma_semaphore, #tpu.memory_space<semaphore_mem>>)
      } else {
      }
      %dma_wait3A_451 = arith.constant 0 : i32
      %dma_wait3A_452 = arith.constant 0 : i32
      %dma_wait3A_453 = tpu.memref_slice %arg27[%dma_wait3A_451, %dma_wait3A_452] : memref<160x64xf32, #tpu.memory_space<vmem>> -> memref<80x64xf32, #tpu.memory_space<vmem>>
      %dma_wait3A_454 = arith.constant 0 : i32
      %dma_wait3A_455 = arith.constant 0 : i32
      %dma_wait3A_456 = tpu.memref_slice %arg2[%dma_wait3A_454, %dma_wait3A_455] : memref<20000x64xf32, #tpu.memory_space<hbm>> -> memref<20000x64xf32, #tpu.memory_space<hbm>>
      tpu.wait_indirect_dma semaphore(%arg36 : memref<!tpu.dma_semaphore, #tpu.memory_space<semaphore_mem>>) src(%dma_wait3A_456 : memref<20000x64xf32, #tpu.memory_space<hbm>>) dst(%dma_wait3A_453 : memref<80x64xf32, #tpu.memory_space<vmem>>)
      %dma_wait3A_457 = arith.constant 80 : i32
      %dma_wait3A_458 = arith.constant 0 : i32
      %dma_wait3A_459 = tpu.memref_slice %arg27[%dma_wait3A_457, %dma_wait3A_458] : memref<160x64xf32, #tpu.memory_space<vmem>> -> memref<80x64xf32, #tpu.memory_space<vmem>>
      %dma_wait3A_460 = arith.constant 0 : i32
      %dma_wait3A_461 = arith.constant 0 : i32
      %dma_wait3A_462 = tpu.memref_slice %arg2[%dma_wait3A_460, %dma_wait3A_461] : memref<20000x64xf32, #tpu.memory_space<hbm>> -> memref<20000x64xf32, #tpu.memory_space<hbm>>
      tpu.wait_indirect_dma semaphore(%arg36 : memref<!tpu.dma_semaphore, #tpu.memory_space<semaphore_mem>>) src(%dma_wait3A_462 : memref<20000x64xf32, #tpu.memory_space<hbm>>) dst(%dma_wait3A_459 : memref<80x64xf32, #tpu.memory_space<vmem>>)
      %dma_wait3A_463 = arith.constant 0 : i32
      %dma_wait3A_464 = arith.constant 0 : i32
      %dma_wait3A_465 = tpu.memref_slice %arg29[%dma_wait3A_463, %dma_wait3A_464] : memref<160x64xf32, #tpu.memory_space<vmem>> -> memref<80x64xf32, #tpu.memory_space<vmem>>
      %dma_wait3A_466 = arith.constant 0 : i32
      %dma_wait3A_467 = arith.constant 0 : i32
      %dma_wait3A_468 = tpu.memref_slice %arg3[%dma_wait3A_466, %dma_wait3A_467] : memref<20000x64xf32, #tpu.memory_space<hbm>> -> memref<20000x64xf32, #tpu.memory_space<hbm>>
      tpu.wait_indirect_dma semaphore(%arg38 : memref<!tpu.dma_semaphore, #tpu.memory_space<semaphore_mem>>) src(%dma_wait3A_468 : memref<20000x64xf32, #tpu.memory_space<hbm>>) dst(%dma_wait3A_465 : memref<80x64xf32, #tpu.memory_space<vmem>>)
      %dma_wait3A_469 = arith.constant 80 : i32
      %dma_wait3A_470 = arith.constant 0 : i32
      %dma_wait3A_471 = tpu.memref_slice %arg29[%dma_wait3A_469, %dma_wait3A_470] : memref<160x64xf32, #tpu.memory_space<vmem>> -> memref<80x64xf32, #tpu.memory_space<vmem>>
      %dma_wait3A_472 = arith.constant 0 : i32
      %dma_wait3A_473 = arith.constant 0 : i32
      %dma_wait3A_474 = tpu.memref_slice %arg3[%dma_wait3A_472, %dma_wait3A_473] : memref<20000x64xf32, #tpu.memory_space<hbm>> -> memref<20000x64xf32, #tpu.memory_space<hbm>>
      tpu.wait_indirect_dma semaphore(%arg38 : memref<!tpu.dma_semaphore, #tpu.memory_space<semaphore_mem>>) src(%dma_wait3A_474 : memref<20000x64xf32, #tpu.memory_space<hbm>>) dst(%dma_wait3A_471 : memref<80x64xf32, #tpu.memory_space<vmem>>)
      %parallel_loop3A_475 = arith.constant 0 : i32
      %parallel_loop3A_476 = arith.constant 160 : i32
      %parallel_loop3A_477 = arith.constant 1 : i32
      scf.for %parallel_loop3A_559 = %parallel_loop3A_475 to %parallel_loop3A_476 step %parallel_loop3A_477  : i32 {
        %parallel_loop3A_560 = arith.constant -16 : i32
        %parallel_loop3A_561 = arith.andi %parallel_loop3A_559, %parallel_loop3A_560 : i32
        %parallel_loop3A_562 = arith.index_cast %parallel_loop3A_561 : i32 to index
        %parallel_loop3A_563 = tpu.vector_load %arg13[%parallel_loop3A_562] {strides = array<i32>} : memref<160xf32, #tpu.memory_space<vmem>>, vector<16xf32>,
        %parallel_loop3A_564 = vector.shape_cast %parallel_loop3A_563 : vector<16xf32> to vector<16xf32>
        %parallel_loop3A_565 = arith.constant 0 : i32
        %parallel_loop3A_566 = vector.broadcast %parallel_loop3A_565 : i32 to vector<16xi32>
        %parallel_loop3A_567 = arith.constant 15 : i32
        %parallel_loop3A_568 = arith.andi %parallel_loop3A_559, %parallel_loop3A_567 : i32
        %parallel_loop3A_569 = vector.broadcast %parallel_loop3A_568 : i32 to vector<16xi32>
        %parallel_loop3A_570 = arith.addi %parallel_loop3A_566, %parallel_loop3A_569 : vector<16xi32>
        %parallel_loop3A_571 = arith.constant 0 : i32
        %parallel_loop3A_572 = vector.broadcast %parallel_loop3A_571 : i32 to vector<16xi32>
        %parallel_loop3A_573 = arith.cmpi slt, %parallel_loop3A_570, %parallel_loop3A_572 : vector<16xi32>
        %parallel_loop3A_574 = arith.constant 16 : i32
        %parallel_loop3A_575 = vector.broadcast %parallel_loop3A_574 : i32 to vector<16xi32>
        %parallel_loop3A_576 = arith.addi %parallel_loop3A_570, %parallel_loop3A_575 : vector<16xi32>
        %parallel_loop3A_577 = arith.select %parallel_loop3A_573, %parallel_loop3A_576, %parallel_loop3A_570 : vector<16xi1>, vector<16xi32>
        %parallel_loop3A_578 = vector.shape_cast %parallel_loop3A_577 : vector<16xi32> to vector<16x1xi32>
        %parallel_loop3A_579 = vector.shape_cast %parallel_loop3A_578 : vector<16x1xi32> to vector<16xi32>
        %parallel_loop3A_580 = tpu.dynamic_gather %parallel_loop3A_564[%parallel_loop3A_579] in [0] : vector<16xf32>, vector<16xi32> -> vector<16xf32>
        %parallel_loop3A_581 = arith.constant 0.000000e+00 : f32
        %parallel_loop3A_582 = vector.broadcast %parallel_loop3A_581 : f32 to vector<16xf32>
        %parallel_loop3A_583 = arith.maximumf %parallel_loop3A_580, %parallel_loop3A_582 : vector<16xf32>
        %parallel_loop3A_584 = arith.constant 0.000000e+00 : f32
        %parallel_loop3A_585 = vector.broadcast %parallel_loop3A_584 : f32 to vector<16xf32>
        %parallel_loop3A_586 = arith.subf %parallel_loop3A_585, %parallel_loop3A_580 : vector<16xf32>
        %parallel_loop3A_587 = arith.constant 0.000000e+00 : f32
        %parallel_loop3A_588 = vector.broadcast %parallel_loop3A_587 : f32 to vector<16xf32>
        %parallel_loop3A_589 = arith.maximumf %parallel_loop3A_586, %parallel_loop3A_588 : vector<16xf32>
        %parallel_loop3A_590 = arith.index_cast %parallel_loop3A_559 : i32 to index
        %parallel_loop3A_591 = arith.constant 0 : index
        %parallel_loop3A_592 = tpu.vector_load %arg27[%parallel_loop3A_590, %parallel_loop3A_591] {strides = array<i32>} : memref<160x64xf32, #tpu.memory_space<vmem>>, vector<1x16xf32>,
        %parallel_loop3A_593 = vector.shape_cast %parallel_loop3A_592 : vector<1x16xf32> to vector<16xf32>
        %parallel_loop3A_594 = arith.index_cast %parallel_loop3A_559 : i32 to index
        %parallel_loop3A_595 = arith.constant 0 : index
        %parallel_loop3A_596 = tpu.vector_load %arg29[%parallel_loop3A_594, %parallel_loop3A_595] {strides = array<i32>} : memref<160x64xf32, #tpu.memory_space<vmem>>, vector<1x16xf32>,
        %parallel_loop3A_597 = vector.shape_cast %parallel_loop3A_596 : vector<1x16xf32> to vector<16xf32>
        %parallel_loop3A_598 = arith.addf %parallel_loop3A_593, %parallel_loop3A_597 : vector<16xf32>
        %parallel_loop3A_599 = arith.mulf %parallel_loop3A_583, %get3A_18 : vector<16xf32>
        %parallel_loop3A_600 = arith.addf %parallel_loop3A_598, %parallel_loop3A_599 : vector<16xf32>
        %parallel_loop3A_601 = arith.mulf %parallel_loop3A_589, %get3A_38 : vector<16xf32>
        %parallel_loop3A_602 = arith.addf %parallel_loop3A_600, %parallel_loop3A_601 : vector<16xf32>
        %parallel_loop3A_603 = arith.constant 0.000000e+00 : f32
        %parallel_loop3A_604 = vector.broadcast %parallel_loop3A_603 : f32 to vector<16xf32>
        %parallel_loop3A_605 = arith.maximumf %parallel_loop3A_602, %parallel_loop3A_604 : vector<16xf32>
        %parallel_loop3A_606 = arith.index_cast %parallel_loop3A_559 : i32 to index
        %parallel_loop3A_607 = arith.constant 0 : index
        %parallel_loop3A_608 = tpu.vector_load %arg31[%parallel_loop3A_606, %parallel_loop3A_607] {strides = array<i32>} : memref<160x64xf32, #tpu.memory_space<vmem>>, vector<1x16xf32>,
        %parallel_loop3A_609 = vector.shape_cast %parallel_loop3A_608 : vector<1x16xf32> to vector<16xf32>
        %parallel_loop3A_610 = vector.shape_cast %parallel_loop3A_605 : vector<16xf32> to vector<1x16xf32>
        tpu.vector_store %arg31[%parallel_loop3A_606, %parallel_loop3A_607], %parallel_loop3A_610 {strides = array<i32>} : memref<160x64xf32, #tpu.memory_space<vmem>>, vector<1x16xf32>,
        %parallel_loop3A_611 = arith.index_cast %parallel_loop3A_559 : i32 to index
        %parallel_loop3A_612 = arith.constant 16 : index
        %parallel_loop3A_613 = tpu.vector_load %arg27[%parallel_loop3A_611, %parallel_loop3A_612] {strides = array<i32>} : memref<160x64xf32, #tpu.memory_space<vmem>>, vector<1x16xf32>,
        %parallel_loop3A_614 = vector.shape_cast %parallel_loop3A_613 : vector<1x16xf32> to vector<16xf32>
        %parallel_loop3A_615 = arith.index_cast %parallel_loop3A_559 : i32 to index
        %parallel_loop3A_616 = arith.constant 16 : index
        %parallel_loop3A_617 = tpu.vector_load %arg29[%parallel_loop3A_615, %parallel_loop3A_616] {strides = array<i32>} : memref<160x64xf32, #tpu.memory_space<vmem>>, vector<1x16xf32>,
        %parallel_loop3A_618 = vector.shape_cast %parallel_loop3A_617 : vector<1x16xf32> to vector<16xf32>
        %parallel_loop3A_619 = arith.addf %parallel_loop3A_614, %parallel_loop3A_618 : vector<16xf32>
        %parallel_loop3A_620 = arith.mulf %parallel_loop3A_583, %get3A_23 : vector<16xf32>
        %parallel_loop3A_621 = arith.addf %parallel_loop3A_619, %parallel_loop3A_620 : vector<16xf32>
        %parallel_loop3A_622 = arith.mulf %parallel_loop3A_589, %get3A_43 : vector<16xf32>
        %parallel_loop3A_623 = arith.addf %parallel_loop3A_621, %parallel_loop3A_622 : vector<16xf32>
        %parallel_loop3A_624 = arith.constant 0.000000e+00 : f32
        %parallel_loop3A_625 = vector.broadcast %parallel_loop3A_624 : f32 to vector<16xf32>
        %parallel_loop3A_626 = arith.maximumf %parallel_loop3A_623, %parallel_loop3A_625 : vector<16xf32>
        %parallel_loop3A_627 = arith.index_cast %parallel_loop3A_559 : i32 to index
        %parallel_loop3A_628 = arith.constant 16 : index
        %parallel_loop3A_629 = tpu.vector_load %arg31[%parallel_loop3A_627, %parallel_loop3A_628] {strides = array<i32>} : memref<160x64xf32, #tpu.memory_space<vmem>>, vector<1x16xf32>,
        %parallel_loop3A_630 = vector.shape_cast %parallel_loop3A_629 : vector<1x16xf32> to vector<16xf32>
        %parallel_loop3A_631 = vector.shape_cast %parallel_loop3A_626 : vector<16xf32> to vector<1x16xf32>
        tpu.vector_store %arg31[%parallel_loop3A_627, %parallel_loop3A_628], %parallel_loop3A_631 {strides = array<i32>} : memref<160x64xf32, #tpu.memory_space<vmem>>, vector<1x16xf32>,
        %parallel_loop3A_632 = arith.index_cast %parallel_loop3A_559 : i32 to index
        %parallel_loop3A_633 = arith.constant 32 : index
        %parallel_loop3A_634 = tpu.vector_load %arg27[%parallel_loop3A_632, %parallel_loop3A_633] {strides = array<i32>} : memref<160x64xf32, #tpu.memory_space<vmem>>, vector<1x16xf32>,
        %parallel_loop3A_635 = vector.shape_cast %parallel_loop3A_634 : vector<1x16xf32> to vector<16xf32>
        %parallel_loop3A_636 = arith.index_cast %parallel_loop3A_559 : i32 to index
        %parallel_loop3A_637 = arith.constant 32 : index
        %parallel_loop3A_638 = tpu.vector_load %arg29[%parallel_loop3A_636, %parallel_loop3A_637] {strides = array<i32>} : memref<160x64xf32, #tpu.memory_space<vmem>>, vector<1x16xf32>,
        %parallel_loop3A_639 = vector.shape_cast %parallel_loop3A_638 : vector<1x16xf32> to vector<16xf32>
        %parallel_loop3A_640 = arith.addf %parallel_loop3A_635, %parallel_loop3A_639 : vector<16xf32>
        %parallel_loop3A_641 = arith.mulf %parallel_loop3A_583, %get3A_28 : vector<16xf32>
        %parallel_loop3A_642 = arith.addf %parallel_loop3A_640, %parallel_loop3A_641 : vector<16xf32>
        %parallel_loop3A_643 = arith.mulf %parallel_loop3A_589, %get3A_48 : vector<16xf32>
        %parallel_loop3A_644 = arith.addf %parallel_loop3A_642, %parallel_loop3A_643 : vector<16xf32>
        %parallel_loop3A_645 = arith.constant 0.000000e+00 : f32
        %parallel_loop3A_646 = vector.broadcast %parallel_loop3A_645 : f32 to vector<16xf32>
        %parallel_loop3A_647 = arith.maximumf %parallel_loop3A_644, %parallel_loop3A_646 : vector<16xf32>
        %parallel_loop3A_648 = arith.index_cast %parallel_loop3A_559 : i32 to index
        %parallel_loop3A_649 = arith.constant 32 : index
        %parallel_loop3A_650 = tpu.vector_load %arg31[%parallel_loop3A_648, %parallel_loop3A_649] {strides = array<i32>} : memref<160x64xf32, #tpu.memory_space<vmem>>, vector<1x16xf32>,
        %parallel_loop3A_651 = vector.shape_cast %parallel_loop3A_650 : vector<1x16xf32> to vector<16xf32>
        %parallel_loop3A_652 = vector.shape_cast %parallel_loop3A_647 : vector<16xf32> to vector<1x16xf32>
        tpu.vector_store %arg31[%parallel_loop3A_648, %parallel_loop3A_649], %parallel_loop3A_652 {strides = array<i32>} : memref<160x64xf32, #tpu.memory_space<vmem>>, vector<1x16xf32>,
        %parallel_loop3A_653 = arith.index_cast %parallel_loop3A_559 : i32 to index
        %parallel_loop3A_654 = arith.constant 48 : index
        %parallel_loop3A_655 = tpu.vector_load %arg27[%parallel_loop3A_653, %parallel_loop3A_654] {strides = array<i32>} : memref<160x64xf32, #tpu.memory_space<vmem>>, vector<1x16xf32>,
        %parallel_loop3A_656 = vector.shape_cast %parallel_loop3A_655 : vector<1x16xf32> to vector<16xf32>
        %parallel_loop3A_657 = arith.index_cast %parallel_loop3A_559 : i32 to index
        %parallel_loop3A_658 = arith.constant 48 : index
        %parallel_loop3A_659 = tpu.vector_load %arg29[%parallel_loop3A_657, %parallel_loop3A_658] {strides = array<i32>} : memref<160x64xf32, #tpu.memory_space<vmem>>, vector<1x16xf32>,
        %parallel_loop3A_660 = vector.shape_cast %parallel_loop3A_659 : vector<1x16xf32> to vector<16xf32>
        %parallel_loop3A_661 = arith.addf %parallel_loop3A_656, %parallel_loop3A_660 : vector<16xf32>
        %parallel_loop3A_662 = arith.mulf %parallel_loop3A_583, %get3A_33 : vector<16xf32>
        %parallel_loop3A_663 = arith.addf %parallel_loop3A_661, %parallel_loop3A_662 : vector<16xf32>
        %parallel_loop3A_664 = arith.mulf %parallel_loop3A_589, %get3A_53 : vector<16xf32>
        %parallel_loop3A_665 = arith.addf %parallel_loop3A_663, %parallel_loop3A_664 : vector<16xf32>
        %parallel_loop3A_666 = arith.constant 0.000000e+00 : f32
        %parallel_loop3A_667 = vector.broadcast %parallel_loop3A_666 : f32 to vector<16xf32>
        %parallel_loop3A_668 = arith.maximumf %parallel_loop3A_665, %parallel_loop3A_667 : vector<16xf32>
        %parallel_loop3A_669 = arith.index_cast %parallel_loop3A_559 : i32 to index
        %parallel_loop3A_670 = arith.constant 48 : index
        %parallel_loop3A_671 = tpu.vector_load %arg31[%parallel_loop3A_669, %parallel_loop3A_670] {strides = array<i32>} : memref<160x64xf32, #tpu.memory_space<vmem>>, vector<1x16xf32>,
        %parallel_loop3A_672 = vector.shape_cast %parallel_loop3A_671 : vector<1x16xf32> to vector<16xf32>
        %parallel_loop3A_673 = vector.shape_cast %parallel_loop3A_668 : vector<16xf32> to vector<1x16xf32>
        tpu.vector_store %arg31[%parallel_loop3A_669, %parallel_loop3A_670], %parallel_loop3A_673 {strides = array<i32>} : memref<160x64xf32, #tpu.memory_space<vmem>>, vector<1x16xf32>,
      } {sc.loop_unroll_factor = 4 : i64, sc.parallel_access}
      %dma_start3A_478 = arith.constant 0 : i32
      %dma_start3A_479 = arith.constant 0 : i32
      %dma_start3A_480 = tpu.memref_slice %arg31[%dma_start3A_478, %dma_start3A_479] : memref<160x64xf32, #tpu.memory_space<vmem>> -> memref<80x64xf32, #tpu.memory_space<vmem>>
      %dma_start3A_481 = arith.constant 0 : i32
      %dma_start3A_482 = arith.constant 0 : i32
      %dma_start3A_483 = tpu.memref_slice %arg10[%dma_start3A_481, %dma_start3A_482] : memref<10240x64xf32, #tpu.memory_space<vmem_shared>> -> memref<10240x64xf32, #tpu.memory_space<vmem_shared>>
      tpu.enqueue_indirect_dma source(%dma_start3A_480 : memref<80x64xf32, #tpu.memory_space<vmem>>) target(%dma_start3A_483 : memref<10240x64xf32, #tpu.memory_space<vmem_shared>>) offsets(%arg23 : memref<80xi32, #tpu.memory_space<vmem>>) semaphore(%arg40 : memref<!tpu.dma_semaphore, #tpu.memory_space<semaphore_mem>>) {add = true}
      %dma_start3A_484 = arith.constant 80 : i32
      %dma_start3A_485 = arith.constant 0 : i32
      %dma_start3A_486 = tpu.memref_slice %arg31[%dma_start3A_484, %dma_start3A_485] : memref<160x64xf32, #tpu.memory_space<vmem>> -> memref<80x64xf32, #tpu.memory_space<vmem>>
      %dma_start3A_487 = arith.constant 0 : i32
      %dma_start3A_488 = arith.constant 0 : i32
      %dma_start3A_489 = tpu.memref_slice %arg10[%dma_start3A_487, %dma_start3A_488] : memref<10240x64xf32, #tpu.memory_space<vmem_shared>> -> memref<10240x64xf32, #tpu.memory_space<vmem_shared>>
      tpu.enqueue_indirect_dma source(%dma_start3A_486 : memref<80x64xf32, #tpu.memory_space<vmem>>) target(%dma_start3A_489 : memref<10240x64xf32, #tpu.memory_space<vmem_shared>>) offsets(%arg25 : memref<80xi32, #tpu.memory_space<vmem>>) semaphore(%arg40 : memref<!tpu.dma_semaphore, #tpu.memory_space<semaphore_mem>>) {add = true}
      %add3A_490 = arith.constant 2 : i32
      %add3A_491 = arith.addi %mul3A_438, %add3A_490 : i32
      %lt3A_492 = arith.constant 125 : i32
      %lt3A_493 = arith.cmpi slt, %add3A_491, %lt3A_492 : i32
      %convert_element_type3A_494 = arith.extui %lt3A_493 : i1 to i32
      %cond3A_495 = arith.constant 0 : i32
      %cond3A_496 = arith.cmpi ne, %convert_element_type3A_494, %cond3A_495 : i32
      scf.if %cond3A_496 {
        %add3A_559 = arith.constant 2 : i32
        %add3A_560 = arith.addi %mul3A_438, %add3A_559 : i32
        %mul3A_561 = arith.constant 320 : i32
        %mul3A_562 = arith.muli %add3A_560, %mul3A_561 : i32
        %add3A_563 = arith.addi %mul3A_4, %mul3A_562 : i32
        %dma_start3A_564 = tpu.memref_slice %arg4[%add3A_563] : memref<640000xi32, #tpu.memory_space<hbm>> -> memref<320xi32, #tpu.memory_space<hbm>>
        %dma_start3A_565 = tpu.memref_slice %arg4[%add3A_563] : memref<640000xi32, #tpu.memory_space<hbm>> -> memref<320xi32, #tpu.memory_space<hbm>>
        tpu.enqueue_dma source(%dma_start3A_565 : memref<320xi32, #tpu.memory_space<hbm>>) target(%arg11 : memref<320xi32, #tpu.memory_space<vmem>>) target_semaphore(%arg34 : memref<!tpu.dma_semaphore, #tpu.memory_space<semaphore_mem>>)
        %mul3A_566 = arith.constant 160 : i32
        %mul3A_567 = arith.muli %add3A_560, %mul3A_566 : i32
        %add3A_568 = arith.addi %mul3A_6, %mul3A_567 : i32
        %dma_start3A_569 = tpu.memref_slice %arg5[%add3A_568] : memref<320000xf32, #tpu.memory_space<hbm>> -> memref<160xf32, #tpu.memory_space<hbm>>
        %dma_start3A_570 = tpu.memref_slice %arg5[%add3A_568] : memref<320000xf32, #tpu.memory_space<hbm>> -> memref<160xf32, #tpu.memory_space<hbm>>
        tpu.enqueue_dma source(%dma_start3A_570 : memref<160xf32, #tpu.memory_space<hbm>>) target(%arg13 : memref<160xf32, #tpu.memory_space<vmem>>) target_semaphore(%arg34 : memref<!tpu.dma_semaphore, #tpu.memory_space<semaphore_mem>>)
      } else {
      }
      %mul3A_497 = arith.constant 2 : i32
      %mul3A_498 = arith.muli %mul3A_497, %scan3A_436 : i32
      %add3A_499 = arith.constant 1 : i32
      %add3A_500 = arith.addi %mul3A_498, %add3A_499 : i32
      %ge3A_501 = arith.constant 1 : i32
      %ge3A_502 = arith.cmpi sge, %add3A_500, %ge3A_501 : i32
      %convert_element_type3A_503 = arith.extui %ge3A_502 : i1 to i32
      %cond3A_504 = arith.constant 0 : i32
      %cond3A_505 = arith.cmpi ne, %convert_element_type3A_503, %cond3A_504 : i32
      scf.if %cond3A_505 {
        %dma_wait3A_559 = arith.constant 0 : i32
        %dma_wait3A_560 = arith.constant 0 : i32
        %dma_wait3A_561 = tpu.memref_slice %arg31[%dma_wait3A_559, %dma_wait3A_560] : memref<160x64xf32, #tpu.memory_space<vmem>> -> memref<80x64xf32, #tpu.memory_space<vmem>>
        %dma_wait3A_562 = arith.constant 0 : i32
        %dma_wait3A_563 = arith.constant 0 : i32
        %dma_wait3A_564 = tpu.memref_slice %arg10[%dma_wait3A_562, %dma_wait3A_563] : memref<10240x64xf32, #tpu.memory_space<vmem_shared>> -> memref<10240x64xf32, #tpu.memory_space<vmem_shared>>
        tpu.wait_indirect_dma semaphore(%arg40 : memref<!tpu.dma_semaphore, #tpu.memory_space<semaphore_mem>>) src(%dma_wait3A_561 : memref<80x64xf32, #tpu.memory_space<vmem>>) dst(%dma_wait3A_564 : memref<10240x64xf32, #tpu.memory_space<vmem_shared>>)
        %dma_wait3A_565 = arith.constant 80 : i32
        %dma_wait3A_566 = arith.constant 0 : i32
        %dma_wait3A_567 = tpu.memref_slice %arg31[%dma_wait3A_565, %dma_wait3A_566] : memref<160x64xf32, #tpu.memory_space<vmem>> -> memref<80x64xf32, #tpu.memory_space<vmem>>
        %dma_wait3A_568 = arith.constant 0 : i32
        %dma_wait3A_569 = arith.constant 0 : i32
        %dma_wait3A_570 = tpu.memref_slice %arg10[%dma_wait3A_568, %dma_wait3A_569] : memref<10240x64xf32, #tpu.memory_space<vmem_shared>> -> memref<10240x64xf32, #tpu.memory_space<vmem_shared>>
        tpu.wait_indirect_dma semaphore(%arg40 : memref<!tpu.dma_semaphore, #tpu.memory_space<semaphore_mem>>) src(%dma_wait3A_567 : memref<80x64xf32, #tpu.memory_space<vmem>>) dst(%dma_wait3A_570 : memref<10240x64xf32, #tpu.memory_space<vmem_shared>>)
      } else {
      }
      %add3A_506 = arith.constant 1 : i32
      %add3A_507 = arith.addi %add3A_500, %add3A_506 : i32
      %lt3A_508 = arith.constant 125 : i32
      %lt3A_509 = arith.cmpi slt, %add3A_507, %lt3A_508 : i32
      %convert_element_type3A_510 = arith.extui %lt3A_509 : i1 to i32
      %cond3A_511 = arith.constant 0 : i32
      %cond3A_512 = arith.cmpi ne, %convert_element_type3A_510, %cond3A_511 : i32
      scf.if %cond3A_512 {
        %dma_wait3A_559 = arith.constant 0 : i32
        %dma_wait3A_560 = tpu.memref_slice %arg4[%dma_wait3A_559] : memref<640000xi32, #tpu.memory_space<hbm>> -> memref<320xi32, #tpu.memory_space<hbm>>
        %dma_wait3A_561 = arith.constant 0 : i32
        %dma_wait3A_562 = tpu.memref_slice %arg4[%dma_wait3A_561] : memref<640000xi32, #tpu.memory_space<hbm>> -> memref<320xi32, #tpu.memory_space<hbm>>
        tpu.wait_dma2 semaphore(%arg34 : memref<!tpu.dma_semaphore, #tpu.memory_space<semaphore_mem>>) src(%dma_wait3A_562 : memref<320xi32, #tpu.memory_space<hbm>>) dst(%arg11 : memref<320xi32, #tpu.memory_space<vmem>>)
        %dma_wait3A_563 = arith.constant 0 : i32
        %dma_wait3A_564 = tpu.memref_slice %arg5[%dma_wait3A_563] : memref<320000xf32, #tpu.memory_space<hbm>> -> memref<160xf32, #tpu.memory_space<hbm>>
        %dma_wait3A_565 = arith.constant 0 : i32
        %dma_wait3A_566 = tpu.memref_slice %arg5[%dma_wait3A_565] : memref<320000xf32, #tpu.memory_space<hbm>> -> memref<160xf32, #tpu.memory_space<hbm>>
        tpu.wait_dma2 semaphore(%arg34 : memref<!tpu.dma_semaphore, #tpu.memory_space<semaphore_mem>>) src(%dma_wait3A_566 : memref<160xf32, #tpu.memory_space<hbm>>) dst(%arg13 : memref<160xf32, #tpu.memory_space<vmem>>)
        %get3A_567 = arith.constant 0 : index
        %get3A_568 = tpu.vector_load %arg11[%get3A_567] {strides = array<i32>} : memref<320xi32, #tpu.memory_space<vmem>>, vector<16xi32>,
        %get3A_569 = vector.shape_cast %get3A_568 : vector<16xi32> to vector<16xi32>
        %add3A_570 = vector.broadcast %mul3A_8 : i32 to vector<16xi32>
        %add3A_571 = arith.addi %get3A_569, %add3A_570 : vector<16xi32>
        %swap3A_572 = arith.constant 0 : index
        %swap3A_573 = tpu.vector_load %arg15[%swap3A_572] {strides = array<i32>} : memref<80xi32, #tpu.memory_space<vmem>>, vector<16xi32>,
        %swap3A_574 = vector.shape_cast %swap3A_573 : vector<16xi32> to vector<16xi32>
        %swap3A_575 = vector.shape_cast %add3A_571 : vector<16xi32> to vector<16xi32>
        tpu.vector_store %arg15[%swap3A_572], %swap3A_575 {strides = array<i32>} : memref<80xi32, #tpu.memory_space<vmem>>, vector<16xi32>,
        %get3A_576 = arith.constant 80 : index
        %get3A_577 = tpu.vector_load %arg11[%get3A_576] {strides = array<i32>} : memref<320xi32, #tpu.memory_space<vmem>>, vector<16xi32>,
        %get3A_578 = vector.shape_cast %get3A_577 : vector<16xi32> to vector<16xi32>
        %add3A_579 = vector.broadcast %mul3A_8 : i32 to vector<16xi32>
        %add3A_580 = arith.addi %get3A_578, %add3A_579 : vector<16xi32>
        %swap3A_581 = arith.constant 0 : index
        %swap3A_582 = tpu.vector_load %arg17[%swap3A_581] {strides = array<i32>} : memref<80xi32, #tpu.memory_space<vmem>>, vector<16xi32>,
        %swap3A_583 = vector.shape_cast %swap3A_582 : vector<16xi32> to vector<16xi32>
        %swap3A_584 = vector.shape_cast %add3A_580 : vector<16xi32> to vector<16xi32>
        tpu.vector_store %arg17[%swap3A_581], %swap3A_584 {strides = array<i32>} : memref<80xi32, #tpu.memory_space<vmem>>, vector<16xi32>,
        %get3A_585 = arith.constant 16 : index
        %get3A_586 = tpu.vector_load %arg11[%get3A_585] {strides = array<i32>} : memref<320xi32, #tpu.memory_space<vmem>>, vector<16xi32>,
        %get3A_587 = vector.shape_cast %get3A_586 : vector<16xi32> to vector<16xi32>
        %add3A_588 = vector.broadcast %mul3A_8 : i32 to vector<16xi32>
        %add3A_589 = arith.addi %get3A_587, %add3A_588 : vector<16xi32>
        %swap3A_590 = arith.constant 16 : index
        %swap3A_591 = tpu.vector_load %arg15[%swap3A_590] {strides = array<i32>} : memref<80xi32, #tpu.memory_space<vmem>>, vector<16xi32>,
        %swap3A_592 = vector.shape_cast %swap3A_591 : vector<16xi32> to vector<16xi32>
        %swap3A_593 = vector.shape_cast %add3A_589 : vector<16xi32> to vector<16xi32>
        tpu.vector_store %arg15[%swap3A_590], %swap3A_593 {strides = array<i32>} : memref<80xi32, #tpu.memory_space<vmem>>, vector<16xi32>,
        %get3A_594 = arith.constant 96 : index
        %get3A_595 = tpu.vector_load %arg11[%get3A_594] {strides = array<i32>} : memref<320xi32, #tpu.memory_space<vmem>>, vector<16xi32>,
        %get3A_596 = vector.shape_cast %get3A_595 : vector<16xi32> to vector<16xi32>
        %add3A_597 = vector.broadcast %mul3A_8 : i32 to vector<16xi32>
        %add3A_598 = arith.addi %get3A_596, %add3A_597 : vector<16xi32>
        %swap3A_599 = arith.constant 16 : index
        %swap3A_600 = tpu.vector_load %arg17[%swap3A_599] {strides = array<i32>} : memref<80xi32, #tpu.memory_space<vmem>>, vector<16xi32>,
        %swap3A_601 = vector.shape_cast %swap3A_600 : vector<16xi32> to vector<16xi32>
        %swap3A_602 = vector.shape_cast %add3A_598 : vector<16xi32> to vector<16xi32>
        tpu.vector_store %arg17[%swap3A_599], %swap3A_602 {strides = array<i32>} : memref<80xi32, #tpu.memory_space<vmem>>, vector<16xi32>,
        %get3A_603 = arith.constant 32 : index
        %get3A_604 = tpu.vector_load %arg11[%get3A_603] {strides = array<i32>} : memref<320xi32, #tpu.memory_space<vmem>>, vector<16xi32>,
        %get3A_605 = vector.shape_cast %get3A_604 : vector<16xi32> to vector<16xi32>
        %add3A_606 = vector.broadcast %mul3A_8 : i32 to vector<16xi32>
        %add3A_607 = arith.addi %get3A_605, %add3A_606 : vector<16xi32>
        %swap3A_608 = arith.constant 32 : index
        %swap3A_609 = tpu.vector_load %arg15[%swap3A_608] {strides = array<i32>} : memref<80xi32, #tpu.memory_space<vmem>>, vector<16xi32>,
        %swap3A_610 = vector.shape_cast %swap3A_609 : vector<16xi32> to vector<16xi32>
        %swap3A_611 = vector.shape_cast %add3A_607 : vector<16xi32> to vector<16xi32>
        tpu.vector_store %arg15[%swap3A_608], %swap3A_611 {strides = array<i32>} : memref<80xi32, #tpu.memory_space<vmem>>, vector<16xi32>,
        %get3A_612 = arith.constant 112 : index
        %get3A_613 = tpu.vector_load %arg11[%get3A_612] {strides = array<i32>} : memref<320xi32, #tpu.memory_space<vmem>>, vector<16xi32>,
        %get3A_614 = vector.shape_cast %get3A_613 : vector<16xi32> to vector<16xi32>
        %add3A_615 = vector.broadcast %mul3A_8 : i32 to vector<16xi32>
        %add3A_616 = arith.addi %get3A_614, %add3A_615 : vector<16xi32>
        %swap3A_617 = arith.constant 32 : index
        %swap3A_618 = tpu.vector_load %arg17[%swap3A_617] {strides = array<i32>} : memref<80xi32, #tpu.memory_space<vmem>>, vector<16xi32>,
        %swap3A_619 = vector.shape_cast %swap3A_618 : vector<16xi32> to vector<16xi32>
        %swap3A_620 = vector.shape_cast %add3A_616 : vector<16xi32> to vector<16xi32>
        tpu.vector_store %arg17[%swap3A_617], %swap3A_620 {strides = array<i32>} : memref<80xi32, #tpu.memory_space<vmem>>, vector<16xi32>,
        %get3A_621 = arith.constant 48 : index
        %get3A_622 = tpu.vector_load %arg11[%get3A_621] {strides = array<i32>} : memref<320xi32, #tpu.memory_space<vmem>>, vector<16xi32>,
        %get3A_623 = vector.shape_cast %get3A_622 : vector<16xi32> to vector<16xi32>
        %add3A_624 = vector.broadcast %mul3A_8 : i32 to vector<16xi32>
        %add3A_625 = arith.addi %get3A_623, %add3A_624 : vector<16xi32>
        %swap3A_626 = arith.constant 48 : index
        %swap3A_627 = tpu.vector_load %arg15[%swap3A_626] {strides = array<i32>} : memref<80xi32, #tpu.memory_space<vmem>>, vector<16xi32>,
        %swap3A_628 = vector.shape_cast %swap3A_627 : vector<16xi32> to vector<16xi32>
        %swap3A_629 = vector.shape_cast %add3A_625 : vector<16xi32> to vector<16xi32>
        tpu.vector_store %arg15[%swap3A_626], %swap3A_629 {strides = array<i32>} : memref<80xi32, #tpu.memory_space<vmem>>, vector<16xi32>,
        %get3A_630 = arith.constant 128 : index
        %get3A_631 = tpu.vector_load %arg11[%get3A_630] {strides = array<i32>} : memref<320xi32, #tpu.memory_space<vmem>>, vector<16xi32>,
        %get3A_632 = vector.shape_cast %get3A_631 : vector<16xi32> to vector<16xi32>
        %add3A_633 = vector.broadcast %mul3A_8 : i32 to vector<16xi32>
        %add3A_634 = arith.addi %get3A_632, %add3A_633 : vector<16xi32>
        %swap3A_635 = arith.constant 48 : index
        %swap3A_636 = tpu.vector_load %arg17[%swap3A_635] {strides = array<i32>} : memref<80xi32, #tpu.memory_space<vmem>>, vector<16xi32>,
        %swap3A_637 = vector.shape_cast %swap3A_636 : vector<16xi32> to vector<16xi32>
        %swap3A_638 = vector.shape_cast %add3A_634 : vector<16xi32> to vector<16xi32>
        tpu.vector_store %arg17[%swap3A_635], %swap3A_638 {strides = array<i32>} : memref<80xi32, #tpu.memory_space<vmem>>, vector<16xi32>,
        %get3A_639 = arith.constant 64 : index
        %get3A_640 = tpu.vector_load %arg11[%get3A_639] {strides = array<i32>} : memref<320xi32, #tpu.memory_space<vmem>>, vector<16xi32>,
        %get3A_641 = vector.shape_cast %get3A_640 : vector<16xi32> to vector<16xi32>
        %add3A_642 = vector.broadcast %mul3A_8 : i32 to vector<16xi32>
        %add3A_643 = arith.addi %get3A_641, %add3A_642 : vector<16xi32>
        %swap3A_644 = arith.constant 64 : index
        %swap3A_645 = tpu.vector_load %arg15[%swap3A_644] {strides = array<i32>} : memref<80xi32, #tpu.memory_space<vmem>>, vector<16xi32>,
        %swap3A_646 = vector.shape_cast %swap3A_645 : vector<16xi32> to vector<16xi32>
        %swap3A_647 = vector.shape_cast %add3A_643 : vector<16xi32> to vector<16xi32>
        tpu.vector_store %arg15[%swap3A_644], %swap3A_647 {strides = array<i32>} : memref<80xi32, #tpu.memory_space<vmem>>, vector<16xi32>,
        %get3A_648 = arith.constant 144 : index
        %get3A_649 = tpu.vector_load %arg11[%get3A_648] {strides = array<i32>} : memref<320xi32, #tpu.memory_space<vmem>>, vector<16xi32>,
        %get3A_650 = vector.shape_cast %get3A_649 : vector<16xi32> to vector<16xi32>
        %add3A_651 = vector.broadcast %mul3A_8 : i32 to vector<16xi32>
        %add3A_652 = arith.addi %get3A_650, %add3A_651 : vector<16xi32>
        %swap3A_653 = arith.constant 64 : index
        %swap3A_654 = tpu.vector_load %arg17[%swap3A_653] {strides = array<i32>} : memref<80xi32, #tpu.memory_space<vmem>>, vector<16xi32>,
        %swap3A_655 = vector.shape_cast %swap3A_654 : vector<16xi32> to vector<16xi32>
        %swap3A_656 = vector.shape_cast %add3A_652 : vector<16xi32> to vector<16xi32>
        tpu.vector_store %arg17[%swap3A_653], %swap3A_656 {strides = array<i32>} : memref<80xi32, #tpu.memory_space<vmem>>, vector<16xi32>,
        %get3A_657 = arith.constant 160 : index
        %get3A_658 = tpu.vector_load %arg11[%get3A_657] {strides = array<i32>} : memref<320xi32, #tpu.memory_space<vmem>>, vector<16xi32>,
        %get3A_659 = vector.shape_cast %get3A_658 : vector<16xi32> to vector<16xi32>
        %add3A_660 = vector.broadcast %mul3A_8 : i32 to vector<16xi32>
        %add3A_661 = arith.addi %get3A_659, %add3A_660 : vector<16xi32>
        %swap3A_662 = arith.constant 0 : index
        %swap3A_663 = tpu.vector_load %arg19[%swap3A_662] {strides = array<i32>} : memref<80xi32, #tpu.memory_space<vmem>>, vector<16xi32>,
        %swap3A_664 = vector.shape_cast %swap3A_663 : vector<16xi32> to vector<16xi32>
        %swap3A_665 = vector.shape_cast %add3A_661 : vector<16xi32> to vector<16xi32>
        tpu.vector_store %arg19[%swap3A_662], %swap3A_665 {strides = array<i32>} : memref<80xi32, #tpu.memory_space<vmem>>, vector<16xi32>,
        %get3A_666 = arith.constant 240 : index
        %get3A_667 = tpu.vector_load %arg11[%get3A_666] {strides = array<i32>} : memref<320xi32, #tpu.memory_space<vmem>>, vector<16xi32>,
        %get3A_668 = vector.shape_cast %get3A_667 : vector<16xi32> to vector<16xi32>
        %add3A_669 = vector.broadcast %mul3A_8 : i32 to vector<16xi32>
        %add3A_670 = arith.addi %get3A_668, %add3A_669 : vector<16xi32>
        %swap3A_671 = arith.constant 0 : index
        %swap3A_672 = tpu.vector_load %arg21[%swap3A_671] {strides = array<i32>} : memref<80xi32, #tpu.memory_space<vmem>>, vector<16xi32>,
        %swap3A_673 = vector.shape_cast %swap3A_672 : vector<16xi32> to vector<16xi32>
        %swap3A_674 = vector.shape_cast %add3A_670 : vector<16xi32> to vector<16xi32>
        tpu.vector_store %arg21[%swap3A_671], %swap3A_674 {strides = array<i32>} : memref<80xi32, #tpu.memory_space<vmem>>, vector<16xi32>,
        %get3A_675 = arith.constant 160 : index
        %get3A_676 = tpu.vector_load %arg11[%get3A_675] {strides = array<i32>} : memref<320xi32, #tpu.memory_space<vmem>>, vector<16xi32>,
        %get3A_677 = vector.shape_cast %get3A_676 : vector<16xi32> to vector<16xi32>
        %swap3A_678 = arith.constant 0 : index
        %swap3A_679 = tpu.vector_load %arg23[%swap3A_678] {strides = array<i32>} : memref<80xi32, #tpu.memory_space<vmem>>, vector<16xi32>,
        %swap3A_680 = vector.shape_cast %swap3A_679 : vector<16xi32> to vector<16xi32>
        %swap3A_681 = vector.shape_cast %get3A_677 : vector<16xi32> to vector<16xi32>
        tpu.vector_store %arg23[%swap3A_678], %swap3A_681 {strides = array<i32>} : memref<80xi32, #tpu.memory_space<vmem>>, vector<16xi32>,
        %get3A_682 = arith.constant 240 : index
        %get3A_683 = tpu.vector_load %arg11[%get3A_682] {strides = array<i32>} : memref<320xi32, #tpu.memory_space<vmem>>, vector<16xi32>,
        %get3A_684 = vector.shape_cast %get3A_683 : vector<16xi32> to vector<16xi32>
        %swap3A_685 = arith.constant 0 : index
        %swap3A_686 = tpu.vector_load %arg25[%swap3A_685] {strides = array<i32>} : memref<80xi32, #tpu.memory_space<vmem>>, vector<16xi32>,
        %swap3A_687 = vector.shape_cast %swap3A_686 : vector<16xi32> to vector<16xi32>
        %swap3A_688 = vector.shape_cast %get3A_684 : vector<16xi32> to vector<16xi32>
        tpu.vector_store %arg25[%swap3A_685], %swap3A_688 {strides = array<i32>} : memref<80xi32, #tpu.memory_space<vmem>>, vector<16xi32>,
        %get3A_689 = arith.constant 176 : index
        %get3A_690 = tpu.vector_load %arg11[%get3A_689] {strides = array<i32>} : memref<320xi32, #tpu.memory_space<vmem>>, vector<16xi32>,
        %get3A_691 = vector.shape_cast %get3A_690 : vector<16xi32> to vector<16xi32>
        %add3A_692 = vector.broadcast %mul3A_8 : i32 to vector<16xi32>
        %add3A_693 = arith.addi %get3A_691, %add3A_692 : vector<16xi32>
        %swap3A_694 = arith.constant 16 : index
        %swap3A_695 = tpu.vector_load %arg19[%swap3A_694] {strides = array<i32>} : memref<80xi32, #tpu.memory_space<vmem>>, vector<16xi32>,
        %swap3A_696 = vector.shape_cast %swap3A_695 : vector<16xi32> to vector<16xi32>
        %swap3A_697 = vector.shape_cast %add3A_693 : vector<16xi32> to vector<16xi32>
        tpu.vector_store %arg19[%swap3A_694], %swap3A_697 {strides = array<i32>} : memref<80xi32, #tpu.memory_space<vmem>>, vector<16xi32>,
        %get3A_698 = arith.constant 256 : index
        %get3A_699 = tpu.vector_load %arg11[%get3A_698] {strides = array<i32>} : memref<320xi32, #tpu.memory_space<vmem>>, vector<16xi32>,
        %get3A_700 = vector.shape_cast %get3A_699 : vector<16xi32> to vector<16xi32>
        %add3A_701 = vector.broadcast %mul3A_8 : i32 to vector<16xi32>
        %add3A_702 = arith.addi %get3A_700, %add3A_701 : vector<16xi32>
        %swap3A_703 = arith.constant 16 : index
        %swap3A_704 = tpu.vector_load %arg21[%swap3A_703] {strides = array<i32>} : memref<80xi32, #tpu.memory_space<vmem>>, vector<16xi32>,
        %swap3A_705 = vector.shape_cast %swap3A_704 : vector<16xi32> to vector<16xi32>
        %swap3A_706 = vector.shape_cast %add3A_702 : vector<16xi32> to vector<16xi32>
        tpu.vector_store %arg21[%swap3A_703], %swap3A_706 {strides = array<i32>} : memref<80xi32, #tpu.memory_space<vmem>>, vector<16xi32>,
        %get3A_707 = arith.constant 176 : index
        %get3A_708 = tpu.vector_load %arg11[%get3A_707] {strides = array<i32>} : memref<320xi32, #tpu.memory_space<vmem>>, vector<16xi32>,
        %get3A_709 = vector.shape_cast %get3A_708 : vector<16xi32> to vector<16xi32>
        %swap3A_710 = arith.constant 16 : index
        %swap3A_711 = tpu.vector_load %arg23[%swap3A_710] {strides = array<i32>} : memref<80xi32, #tpu.memory_space<vmem>>, vector<16xi32>,
        %swap3A_712 = vector.shape_cast %swap3A_711 : vector<16xi32> to vector<16xi32>
        %swap3A_713 = vector.shape_cast %get3A_709 : vector<16xi32> to vector<16xi32>
        tpu.vector_store %arg23[%swap3A_710], %swap3A_713 {strides = array<i32>} : memref<80xi32, #tpu.memory_space<vmem>>, vector<16xi32>,
        %get3A_714 = arith.constant 256 : index
        %get3A_715 = tpu.vector_load %arg11[%get3A_714] {strides = array<i32>} : memref<320xi32, #tpu.memory_space<vmem>>, vector<16xi32>,
        %get3A_716 = vector.shape_cast %get3A_715 : vector<16xi32> to vector<16xi32>
        %swap3A_717 = arith.constant 16 : index
        %swap3A_718 = tpu.vector_load %arg25[%swap3A_717] {strides = array<i32>} : memref<80xi32, #tpu.memory_space<vmem>>, vector<16xi32>,
        %swap3A_719 = vector.shape_cast %swap3A_718 : vector<16xi32> to vector<16xi32>
        %swap3A_720 = vector.shape_cast %get3A_716 : vector<16xi32> to vector<16xi32>
        tpu.vector_store %arg25[%swap3A_717], %swap3A_720 {strides = array<i32>} : memref<80xi32, #tpu.memory_space<vmem>>, vector<16xi32>,
        %get3A_721 = arith.constant 192 : index
        %get3A_722 = tpu.vector_load %arg11[%get3A_721] {strides = array<i32>} : memref<320xi32, #tpu.memory_space<vmem>>, vector<16xi32>,
        %get3A_723 = vector.shape_cast %get3A_722 : vector<16xi32> to vector<16xi32>
        %add3A_724 = vector.broadcast %mul3A_8 : i32 to vector<16xi32>
        %add3A_725 = arith.addi %get3A_723, %add3A_724 : vector<16xi32>
        %swap3A_726 = arith.constant 32 : index
        %swap3A_727 = tpu.vector_load %arg19[%swap3A_726] {strides = array<i32>} : memref<80xi32, #tpu.memory_space<vmem>>, vector<16xi32>,
        %swap3A_728 = vector.shape_cast %swap3A_727 : vector<16xi32> to vector<16xi32>
        %swap3A_729 = vector.shape_cast %add3A_725 : vector<16xi32> to vector<16xi32>
        tpu.vector_store %arg19[%swap3A_726], %swap3A_729 {strides = array<i32>} : memref<80xi32, #tpu.memory_space<vmem>>, vector<16xi32>,
        %get3A_730 = arith.constant 272 : index
        %get3A_731 = tpu.vector_load %arg11[%get3A_730] {strides = array<i32>} : memref<320xi32, #tpu.memory_space<vmem>>, vector<16xi32>,
        %get3A_732 = vector.shape_cast %get3A_731 : vector<16xi32> to vector<16xi32>
        %add3A_733 = vector.broadcast %mul3A_8 : i32 to vector<16xi32>
        %add3A_734 = arith.addi %get3A_732, %add3A_733 : vector<16xi32>
        %swap3A_735 = arith.constant 32 : index
        %swap3A_736 = tpu.vector_load %arg21[%swap3A_735] {strides = array<i32>} : memref<80xi32, #tpu.memory_space<vmem>>, vector<16xi32>,
        %swap3A_737 = vector.shape_cast %swap3A_736 : vector<16xi32> to vector<16xi32>
        %swap3A_738 = vector.shape_cast %add3A_734 : vector<16xi32> to vector<16xi32>
        tpu.vector_store %arg21[%swap3A_735], %swap3A_738 {strides = array<i32>} : memref<80xi32, #tpu.memory_space<vmem>>, vector<16xi32>,
        %get3A_739 = arith.constant 192 : index
        %get3A_740 = tpu.vector_load %arg11[%get3A_739] {strides = array<i32>} : memref<320xi32, #tpu.memory_space<vmem>>, vector<16xi32>,
        %get3A_741 = vector.shape_cast %get3A_740 : vector<16xi32> to vector<16xi32>
        %swap3A_742 = arith.constant 32 : index
        %swap3A_743 = tpu.vector_load %arg23[%swap3A_742] {strides = array<i32>} : memref<80xi32, #tpu.memory_space<vmem>>, vector<16xi32>,
        %swap3A_744 = vector.shape_cast %swap3A_743 : vector<16xi32> to vector<16xi32>
        %swap3A_745 = vector.shape_cast %get3A_741 : vector<16xi32> to vector<16xi32>
        tpu.vector_store %arg23[%swap3A_742], %swap3A_745 {strides = array<i32>} : memref<80xi32, #tpu.memory_space<vmem>>, vector<16xi32>,
        %get3A_746 = arith.constant 272 : index
        %get3A_747 = tpu.vector_load %arg11[%get3A_746] {strides = array<i32>} : memref<320xi32, #tpu.memory_space<vmem>>, vector<16xi32>,
        %get3A_748 = vector.shape_cast %get3A_747 : vector<16xi32> to vector<16xi32>
        %swap3A_749 = arith.constant 32 : index
        %swap3A_750 = tpu.vector_load %arg25[%swap3A_749] {strides = array<i32>} : memref<80xi32, #tpu.memory_space<vmem>>, vector<16xi32>,
        %swap3A_751 = vector.shape_cast %swap3A_750 : vector<16xi32> to vector<16xi32>
        %swap3A_752 = vector.shape_cast %get3A_748 : vector<16xi32> to vector<16xi32>
        tpu.vector_store %arg25[%swap3A_749], %swap3A_752 {strides = array<i32>} : memref<80xi32, #tpu.memory_space<vmem>>, vector<16xi32>,
        %get3A_753 = arith.constant 208 : index
        %get3A_754 = tpu.vector_load %arg11[%get3A_753] {strides = array<i32>} : memref<320xi32, #tpu.memory_space<vmem>>, vector<16xi32>,
        %get3A_755 = vector.shape_cast %get3A_754 : vector<16xi32> to vector<16xi32>
        %add3A_756 = vector.broadcast %mul3A_8 : i32 to vector<16xi32>
        %add3A_757 = arith.addi %get3A_755, %add3A_756 : vector<16xi32>
        %swap3A_758 = arith.constant 48 : index
        %swap3A_759 = tpu.vector_load %arg19[%swap3A_758] {strides = array<i32>} : memref<80xi32, #tpu.memory_space<vmem>>, vector<16xi32>,
        %swap3A_760 = vector.shape_cast %swap3A_759 : vector<16xi32> to vector<16xi32>
        %swap3A_761 = vector.shape_cast %add3A_757 : vector<16xi32> to vector<16xi32>
        tpu.vector_store %arg19[%swap3A_758], %swap3A_761 {strides = array<i32>} : memref<80xi32, #tpu.memory_space<vmem>>, vector<16xi32>,
        %get3A_762 = arith.constant 288 : index
        %get3A_763 = tpu.vector_load %arg11[%get3A_762] {strides = array<i32>} : memref<320xi32, #tpu.memory_space<vmem>>, vector<16xi32>,
        %get3A_764 = vector.shape_cast %get3A_763 : vector<16xi32> to vector<16xi32>
        %add3A_765 = vector.broadcast %mul3A_8 : i32 to vector<16xi32>
        %add3A_766 = arith.addi %get3A_764, %add3A_765 : vector<16xi32>
        %swap3A_767 = arith.constant 48 : index
        %swap3A_768 = tpu.vector_load %arg21[%swap3A_767] {strides = array<i32>} : memref<80xi32, #tpu.memory_space<vmem>>, vector<16xi32>,
        %swap3A_769 = vector.shape_cast %swap3A_768 : vector<16xi32> to vector<16xi32>
        %swap3A_770 = vector.shape_cast %add3A_766 : vector<16xi32> to vector<16xi32>
        tpu.vector_store %arg21[%swap3A_767], %swap3A_770 {strides = array<i32>} : memref<80xi32, #tpu.memory_space<vmem>>, vector<16xi32>,
        %get3A_771 = arith.constant 208 : index
        %get3A_772 = tpu.vector_load %arg11[%get3A_771] {strides = array<i32>} : memref<320xi32, #tpu.memory_space<vmem>>, vector<16xi32>,
        %get3A_773 = vector.shape_cast %get3A_772 : vector<16xi32> to vector<16xi32>
        %swap3A_774 = arith.constant 48 : index
        %swap3A_775 = tpu.vector_load %arg23[%swap3A_774] {strides = array<i32>} : memref<80xi32, #tpu.memory_space<vmem>>, vector<16xi32>,
        %swap3A_776 = vector.shape_cast %swap3A_775 : vector<16xi32> to vector<16xi32>
        %swap3A_777 = vector.shape_cast %get3A_773 : vector<16xi32> to vector<16xi32>
        tpu.vector_store %arg23[%swap3A_774], %swap3A_777 {strides = array<i32>} : memref<80xi32, #tpu.memory_space<vmem>>, vector<16xi32>,
        %get3A_778 = arith.constant 288 : index
        %get3A_779 = tpu.vector_load %arg11[%get3A_778] {strides = array<i32>} : memref<320xi32, #tpu.memory_space<vmem>>, vector<16xi32>,
        %get3A_780 = vector.shape_cast %get3A_779 : vector<16xi32> to vector<16xi32>
        %swap3A_781 = arith.constant 48 : index
        %swap3A_782 = tpu.vector_load %arg25[%swap3A_781] {strides = array<i32>} : memref<80xi32, #tpu.memory_space<vmem>>, vector<16xi32>,
        %swap3A_783 = vector.shape_cast %swap3A_782 : vector<16xi32> to vector<16xi32>
        %swap3A_784 = vector.shape_cast %get3A_780 : vector<16xi32> to vector<16xi32>
        tpu.vector_store %arg25[%swap3A_781], %swap3A_784 {strides = array<i32>} : memref<80xi32, #tpu.memory_space<vmem>>, vector<16xi32>,
        %get3A_785 = arith.constant 224 : index
        %get3A_786 = tpu.vector_load %arg11[%get3A_785] {strides = array<i32>} : memref<320xi32, #tpu.memory_space<vmem>>, vector<16xi32>,
        %get3A_787 = vector.shape_cast %get3A_786 : vector<16xi32> to vector<16xi32>
        %add3A_788 = vector.broadcast %mul3A_8 : i32 to vector<16xi32>
        %add3A_789 = arith.addi %get3A_787, %add3A_788 : vector<16xi32>
        %swap3A_790 = arith.constant 64 : index
        %swap3A_791 = tpu.vector_load %arg19[%swap3A_790] {strides = array<i32>} : memref<80xi32, #tpu.memory_space<vmem>>, vector<16xi32>,
        %swap3A_792 = vector.shape_cast %swap3A_791 : vector<16xi32> to vector<16xi32>
        %swap3A_793 = vector.shape_cast %add3A_789 : vector<16xi32> to vector<16xi32>
        tpu.vector_store %arg19[%swap3A_790], %swap3A_793 {strides = array<i32>} : memref<80xi32, #tpu.memory_space<vmem>>, vector<16xi32>,
        %get3A_794 = arith.constant 304 : index
        %get3A_795 = tpu.vector_load %arg11[%get3A_794] {strides = array<i32>} : memref<320xi32, #tpu.memory_space<vmem>>, vector<16xi32>,
        %get3A_796 = vector.shape_cast %get3A_795 : vector<16xi32> to vector<16xi32>
        %add3A_797 = vector.broadcast %mul3A_8 : i32 to vector<16xi32>
        %add3A_798 = arith.addi %get3A_796, %add3A_797 : vector<16xi32>
        %swap3A_799 = arith.constant 64 : index
        %swap3A_800 = tpu.vector_load %arg21[%swap3A_799] {strides = array<i32>} : memref<80xi32, #tpu.memory_space<vmem>>, vector<16xi32>,
        %swap3A_801 = vector.shape_cast %swap3A_800 : vector<16xi32> to vector<16xi32>
        %swap3A_802 = vector.shape_cast %add3A_798 : vector<16xi32> to vector<16xi32>
        tpu.vector_store %arg21[%swap3A_799], %swap3A_802 {strides = array<i32>} : memref<80xi32, #tpu.memory_space<vmem>>, vector<16xi32>,
        %get3A_803 = arith.constant 224 : index
        %get3A_804 = tpu.vector_load %arg11[%get3A_803] {strides = array<i32>} : memref<320xi32, #tpu.memory_space<vmem>>, vector<16xi32>,
        %get3A_805 = vector.shape_cast %get3A_804 : vector<16xi32> to vector<16xi32>
        %swap3A_806 = arith.constant 64 : index
        %swap3A_807 = tpu.vector_load %arg23[%swap3A_806] {strides = array<i32>} : memref<80xi32, #tpu.memory_space<vmem>>, vector<16xi32>,
        %swap3A_808 = vector.shape_cast %swap3A_807 : vector<16xi32> to vector<16xi32>
        %swap3A_809 = vector.shape_cast %get3A_805 : vector<16xi32> to vector<16xi32>
        tpu.vector_store %arg23[%swap3A_806], %swap3A_809 {strides = array<i32>} : memref<80xi32, #tpu.memory_space<vmem>>, vector<16xi32>,
        %get3A_810 = arith.constant 304 : index
        %get3A_811 = tpu.vector_load %arg11[%get3A_810] {strides = array<i32>} : memref<320xi32, #tpu.memory_space<vmem>>, vector<16xi32>,
        %get3A_812 = vector.shape_cast %get3A_811 : vector<16xi32> to vector<16xi32>
        %swap3A_813 = arith.constant 64 : index
        %swap3A_814 = tpu.vector_load %arg25[%swap3A_813] {strides = array<i32>} : memref<80xi32, #tpu.memory_space<vmem>>, vector<16xi32>,
        %swap3A_815 = vector.shape_cast %swap3A_814 : vector<16xi32> to vector<16xi32>
        %swap3A_816 = vector.shape_cast %get3A_812 : vector<16xi32> to vector<16xi32>
        tpu.vector_store %arg25[%swap3A_813], %swap3A_816 {strides = array<i32>} : memref<80xi32, #tpu.memory_space<vmem>>, vector<16xi32>,
        %dma_start3A_817 = arith.constant 0 : i32
        %dma_start3A_818 = arith.constant 0 : i32
        %dma_start3A_819 = tpu.memref_slice %arg27[%dma_start3A_817, %dma_start3A_818] : memref<160x64xf32, #tpu.memory_space<vmem>> -> memref<80x64xf32, #tpu.memory_space<vmem>>
        %dma_start3A_820 = arith.constant 0 : i32
        %dma_start3A_821 = arith.constant 0 : i32
        %dma_start3A_822 = tpu.memref_slice %arg2[%dma_start3A_820, %dma_start3A_821] : memref<20000x64xf32, #tpu.memory_space<hbm>> -> memref<20000x64xf32, #tpu.memory_space<hbm>>
        tpu.enqueue_indirect_dma source(%dma_start3A_822 : memref<20000x64xf32, #tpu.memory_space<hbm>>) target(%dma_start3A_819 : memref<80x64xf32, #tpu.memory_space<vmem>>) offsets(%arg15 : memref<80xi32, #tpu.memory_space<vmem>>) semaphore(%arg36 : memref<!tpu.dma_semaphore, #tpu.memory_space<semaphore_mem>>)
        %dma_start3A_823 = arith.constant 80 : i32
        %dma_start3A_824 = arith.constant 0 : i32
        %dma_start3A_825 = tpu.memref_slice %arg27[%dma_start3A_823, %dma_start3A_824] : memref<160x64xf32, #tpu.memory_space<vmem>> -> memref<80x64xf32, #tpu.memory_space<vmem>>
        %dma_start3A_826 = arith.constant 0 : i32
        %dma_start3A_827 = arith.constant 0 : i32
        %dma_start3A_828 = tpu.memref_slice %arg2[%dma_start3A_826, %dma_start3A_827] : memref<20000x64xf32, #tpu.memory_space<hbm>> -> memref<20000x64xf32, #tpu.memory_space<hbm>>
        tpu.enqueue_indirect_dma source(%dma_start3A_828 : memref<20000x64xf32, #tpu.memory_space<hbm>>) target(%dma_start3A_825 : memref<80x64xf32, #tpu.memory_space<vmem>>) offsets(%arg17 : memref<80xi32, #tpu.memory_space<vmem>>) semaphore(%arg36 : memref<!tpu.dma_semaphore, #tpu.memory_space<semaphore_mem>>)
        %dma_start3A_829 = arith.constant 0 : i32
        %dma_start3A_830 = arith.constant 0 : i32
        %dma_start3A_831 = tpu.memref_slice %arg29[%dma_start3A_829, %dma_start3A_830] : memref<160x64xf32, #tpu.memory_space<vmem>> -> memref<80x64xf32, #tpu.memory_space<vmem>>
        %dma_start3A_832 = arith.constant 0 : i32
        %dma_start3A_833 = arith.constant 0 : i32
        %dma_start3A_834 = tpu.memref_slice %arg3[%dma_start3A_832, %dma_start3A_833] : memref<20000x64xf32, #tpu.memory_space<hbm>> -> memref<20000x64xf32, #tpu.memory_space<hbm>>
        tpu.enqueue_indirect_dma source(%dma_start3A_834 : memref<20000x64xf32, #tpu.memory_space<hbm>>) target(%dma_start3A_831 : memref<80x64xf32, #tpu.memory_space<vmem>>) offsets(%arg19 : memref<80xi32, #tpu.memory_space<vmem>>) semaphore(%arg38 : memref<!tpu.dma_semaphore, #tpu.memory_space<semaphore_mem>>)
        %dma_start3A_835 = arith.constant 80 : i32
        %dma_start3A_836 = arith.constant 0 : i32
        %dma_start3A_837 = tpu.memref_slice %arg29[%dma_start3A_835, %dma_start3A_836] : memref<160x64xf32, #tpu.memory_space<vmem>> -> memref<80x64xf32, #tpu.memory_space<vmem>>
        %dma_start3A_838 = arith.constant 0 : i32
        %dma_start3A_839 = arith.constant 0 : i32
        %dma_start3A_840 = tpu.memref_slice %arg3[%dma_start3A_838, %dma_start3A_839] : memref<20000x64xf32, #tpu.memory_space<hbm>> -> memref<20000x64xf32, #tpu.memory_space<hbm>>
        tpu.enqueue_indirect_dma source(%dma_start3A_840 : memref<20000x64xf32, #tpu.memory_space<hbm>>) target(%dma_start3A_837 : memref<80x64xf32, #tpu.memory_space<vmem>>) offsets(%arg21 : memref<80xi32, #tpu.memory_space<vmem>>) semaphore(%arg38 : memref<!tpu.dma_semaphore, #tpu.memory_space<semaphore_mem>>)
      } else {
      }
      %dma_wait3A_513 = arith.constant 0 : i32
      %dma_wait3A_514 = arith.constant 0 : i32
      %dma_wait3A_515 = tpu.memref_slice %arg28[%dma_wait3A_513, %dma_wait3A_514] : memref<160x64xf32, #tpu.memory_space<vmem>> -> memref<80x64xf32, #tpu.memory_space<vmem>>
      %dma_wait3A_516 = arith.constant 0 : i32
      %dma_wait3A_517 = arith.constant 0 : i32
      %dma_wait3A_518 = tpu.memref_slice %arg2[%dma_wait3A_516, %dma_wait3A_517] : memref<20000x64xf32, #tpu.memory_space<hbm>> -> memref<20000x64xf32, #tpu.memory_space<hbm>>
      tpu.wait_indirect_dma semaphore(%arg37 : memref<!tpu.dma_semaphore, #tpu.memory_space<semaphore_mem>>) src(%dma_wait3A_518 : memref<20000x64xf32, #tpu.memory_space<hbm>>) dst(%dma_wait3A_515 : memref<80x64xf32, #tpu.memory_space<vmem>>)
      %dma_wait3A_519 = arith.constant 80 : i32
      %dma_wait3A_520 = arith.constant 0 : i32
      %dma_wait3A_521 = tpu.memref_slice %arg28[%dma_wait3A_519, %dma_wait3A_520] : memref<160x64xf32, #tpu.memory_space<vmem>> -> memref<80x64xf32, #tpu.memory_space<vmem>>
      %dma_wait3A_522 = arith.constant 0 : i32
      %dma_wait3A_523 = arith.constant 0 : i32
      %dma_wait3A_524 = tpu.memref_slice %arg2[%dma_wait3A_522, %dma_wait3A_523] : memref<20000x64xf32, #tpu.memory_space<hbm>> -> memref<20000x64xf32, #tpu.memory_space<hbm>>
      tpu.wait_indirect_dma semaphore(%arg37 : memref<!tpu.dma_semaphore, #tpu.memory_space<semaphore_mem>>) src(%dma_wait3A_524 : memref<20000x64xf32, #tpu.memory_space<hbm>>) dst(%dma_wait3A_521 : memref<80x64xf32, #tpu.memory_space<vmem>>)
      %dma_wait3A_525 = arith.constant 0 : i32
      %dma_wait3A_526 = arith.constant 0 : i32
      %dma_wait3A_527 = tpu.memref_slice %arg30[%dma_wait3A_525, %dma_wait3A_526] : memref<160x64xf32, #tpu.memory_space<vmem>> -> memref<80x64xf32, #tpu.memory_space<vmem>>
      %dma_wait3A_528 = arith.constant 0 : i32
      %dma_wait3A_529 = arith.constant 0 : i32
      %dma_wait3A_530 = tpu.memref_slice %arg3[%dma_wait3A_528, %dma_wait3A_529] : memref<20000x64xf32, #tpu.memory_space<hbm>> -> memref<20000x64xf32, #tpu.memory_space<hbm>>
      tpu.wait_indirect_dma semaphore(%arg39 : memref<!tpu.dma_semaphore, #tpu.memory_space<semaphore_mem>>) src(%dma_wait3A_530 : memref<20000x64xf32, #tpu.memory_space<hbm>>) dst(%dma_wait3A_527 : memref<80x64xf32, #tpu.memory_space<vmem>>)
      %dma_wait3A_531 = arith.constant 80 : i32
      %dma_wait3A_532 = arith.constant 0 : i32
      %dma_wait3A_533 = tpu.memref_slice %arg30[%dma_wait3A_531, %dma_wait3A_532] : memref<160x64xf32, #tpu.memory_space<vmem>> -> memref<80x64xf32, #tpu.memory_space<vmem>>
      %dma_wait3A_534 = arith.constant 0 : i32
      %dma_wait3A_535 = arith.constant 0 : i32
      %dma_wait3A_536 = tpu.memref_slice %arg3[%dma_wait3A_534, %dma_wait3A_535] : memref<20000x64xf32, #tpu.memory_space<hbm>> -> memref<20000x64xf32, #tpu.memory_space<hbm>>
      tpu.wait_indirect_dma semaphore(%arg39 : memref<!tpu.dma_semaphore, #tpu.memory_space<semaphore_mem>>) src(%dma_wait3A_536 : memref<20000x64xf32, #tpu.memory_space<hbm>>) dst(%dma_wait3A_533 : memref<80x64xf32, #tpu.memory_space<vmem>>)
      %parallel_loop3A_537 = arith.constant 0 : i32
      %parallel_loop3A_538 = arith.constant 160 : i32
      %parallel_loop3A_539 = arith.constant 1 : i32
      scf.for %parallel_loop3A_559 = %parallel_loop3A_537 to %parallel_loop3A_538 step %parallel_loop3A_539  : i32 {
        %parallel_loop3A_560 = arith.constant -16 : i32
        %parallel_loop3A_561 = arith.andi %parallel_loop3A_559, %parallel_loop3A_560 : i32
        %parallel_loop3A_562 = arith.index_cast %parallel_loop3A_561 : i32 to index
        %parallel_loop3A_563 = tpu.vector_load %arg14[%parallel_loop3A_562] {strides = array<i32>} : memref<160xf32, #tpu.memory_space<vmem>>, vector<16xf32>,
        %parallel_loop3A_564 = vector.shape_cast %parallel_loop3A_563 : vector<16xf32> to vector<16xf32>
        %parallel_loop3A_565 = arith.constant 0 : i32
        %parallel_loop3A_566 = vector.broadcast %parallel_loop3A_565 : i32 to vector<16xi32>
        %parallel_loop3A_567 = arith.constant 15 : i32
        %parallel_loop3A_568 = arith.andi %parallel_loop3A_559, %parallel_loop3A_567 : i32
        %parallel_loop3A_569 = vector.broadcast %parallel_loop3A_568 : i32 to vector<16xi32>
        %parallel_loop3A_570 = arith.addi %parallel_loop3A_566, %parallel_loop3A_569 : vector<16xi32>
        %parallel_loop3A_571 = arith.constant 0 : i32
        %parallel_loop3A_572 = vector.broadcast %parallel_loop3A_571 : i32 to vector<16xi32>
        %parallel_loop3A_573 = arith.cmpi slt, %parallel_loop3A_570, %parallel_loop3A_572 : vector<16xi32>
        %parallel_loop3A_574 = arith.constant 16 : i32
        %parallel_loop3A_575 = vector.broadcast %parallel_loop3A_574 : i32 to vector<16xi32>
        %parallel_loop3A_576 = arith.addi %parallel_loop3A_570, %parallel_loop3A_575 : vector<16xi32>
        %parallel_loop3A_577 = arith.select %parallel_loop3A_573, %parallel_loop3A_576, %parallel_loop3A_570 : vector<16xi1>, vector<16xi32>
        %parallel_loop3A_578 = vector.shape_cast %parallel_loop3A_577 : vector<16xi32> to vector<16x1xi32>
        %parallel_loop3A_579 = vector.shape_cast %parallel_loop3A_578 : vector<16x1xi32> to vector<16xi32>
        %parallel_loop3A_580 = tpu.dynamic_gather %parallel_loop3A_564[%parallel_loop3A_579] in [0] : vector<16xf32>, vector<16xi32> -> vector<16xf32>
        %parallel_loop3A_581 = arith.constant 0.000000e+00 : f32
        %parallel_loop3A_582 = vector.broadcast %parallel_loop3A_581 : f32 to vector<16xf32>
        %parallel_loop3A_583 = arith.maximumf %parallel_loop3A_580, %parallel_loop3A_582 : vector<16xf32>
        %parallel_loop3A_584 = arith.constant 0.000000e+00 : f32
        %parallel_loop3A_585 = vector.broadcast %parallel_loop3A_584 : f32 to vector<16xf32>
        %parallel_loop3A_586 = arith.subf %parallel_loop3A_585, %parallel_loop3A_580 : vector<16xf32>
        %parallel_loop3A_587 = arith.constant 0.000000e+00 : f32
        %parallel_loop3A_588 = vector.broadcast %parallel_loop3A_587 : f32 to vector<16xf32>
        %parallel_loop3A_589 = arith.maximumf %parallel_loop3A_586, %parallel_loop3A_588 : vector<16xf32>
        %parallel_loop3A_590 = arith.index_cast %parallel_loop3A_559 : i32 to index
        %parallel_loop3A_591 = arith.constant 0 : index
        %parallel_loop3A_592 = tpu.vector_load %arg28[%parallel_loop3A_590, %parallel_loop3A_591] {strides = array<i32>} : memref<160x64xf32, #tpu.memory_space<vmem>>, vector<1x16xf32>,
        %parallel_loop3A_593 = vector.shape_cast %parallel_loop3A_592 : vector<1x16xf32> to vector<16xf32>
        %parallel_loop3A_594 = arith.index_cast %parallel_loop3A_559 : i32 to index
        %parallel_loop3A_595 = arith.constant 0 : index
        %parallel_loop3A_596 = tpu.vector_load %arg30[%parallel_loop3A_594, %parallel_loop3A_595] {strides = array<i32>} : memref<160x64xf32, #tpu.memory_space<vmem>>, vector<1x16xf32>,
        %parallel_loop3A_597 = vector.shape_cast %parallel_loop3A_596 : vector<1x16xf32> to vector<16xf32>
        %parallel_loop3A_598 = arith.addf %parallel_loop3A_593, %parallel_loop3A_597 : vector<16xf32>
        %parallel_loop3A_599 = arith.mulf %parallel_loop3A_583, %get3A_18 : vector<16xf32>
        %parallel_loop3A_600 = arith.addf %parallel_loop3A_598, %parallel_loop3A_599 : vector<16xf32>
        %parallel_loop3A_601 = arith.mulf %parallel_loop3A_589, %get3A_38 : vector<16xf32>
        %parallel_loop3A_602 = arith.addf %parallel_loop3A_600, %parallel_loop3A_601 : vector<16xf32>
        %parallel_loop3A_603 = arith.constant 0.000000e+00 : f32
        %parallel_loop3A_604 = vector.broadcast %parallel_loop3A_603 : f32 to vector<16xf32>
        %parallel_loop3A_605 = arith.maximumf %parallel_loop3A_602, %parallel_loop3A_604 : vector<16xf32>
        %parallel_loop3A_606 = arith.index_cast %parallel_loop3A_559 : i32 to index
        %parallel_loop3A_607 = arith.constant 0 : index
        %parallel_loop3A_608 = tpu.vector_load %arg32[%parallel_loop3A_606, %parallel_loop3A_607] {strides = array<i32>} : memref<160x64xf32, #tpu.memory_space<vmem>>, vector<1x16xf32>,
        %parallel_loop3A_609 = vector.shape_cast %parallel_loop3A_608 : vector<1x16xf32> to vector<16xf32>
        %parallel_loop3A_610 = vector.shape_cast %parallel_loop3A_605 : vector<16xf32> to vector<1x16xf32>
        tpu.vector_store %arg32[%parallel_loop3A_606, %parallel_loop3A_607], %parallel_loop3A_610 {strides = array<i32>} : memref<160x64xf32, #tpu.memory_space<vmem>>, vector<1x16xf32>,
        %parallel_loop3A_611 = arith.index_cast %parallel_loop3A_559 : i32 to index
        %parallel_loop3A_612 = arith.constant 16 : index
        %parallel_loop3A_613 = tpu.vector_load %arg28[%parallel_loop3A_611, %parallel_loop3A_612] {strides = array<i32>} : memref<160x64xf32, #tpu.memory_space<vmem>>, vector<1x16xf32>,
        %parallel_loop3A_614 = vector.shape_cast %parallel_loop3A_613 : vector<1x16xf32> to vector<16xf32>
        %parallel_loop3A_615 = arith.index_cast %parallel_loop3A_559 : i32 to index
        %parallel_loop3A_616 = arith.constant 16 : index
        %parallel_loop3A_617 = tpu.vector_load %arg30[%parallel_loop3A_615, %parallel_loop3A_616] {strides = array<i32>} : memref<160x64xf32, #tpu.memory_space<vmem>>, vector<1x16xf32>,
        %parallel_loop3A_618 = vector.shape_cast %parallel_loop3A_617 : vector<1x16xf32> to vector<16xf32>
        %parallel_loop3A_619 = arith.addf %parallel_loop3A_614, %parallel_loop3A_618 : vector<16xf32>
        %parallel_loop3A_620 = arith.mulf %parallel_loop3A_583, %get3A_23 : vector<16xf32>
        %parallel_loop3A_621 = arith.addf %parallel_loop3A_619, %parallel_loop3A_620 : vector<16xf32>
        %parallel_loop3A_622 = arith.mulf %parallel_loop3A_589, %get3A_43 : vector<16xf32>
        %parallel_loop3A_623 = arith.addf %parallel_loop3A_621, %parallel_loop3A_622 : vector<16xf32>
        %parallel_loop3A_624 = arith.constant 0.000000e+00 : f32
        %parallel_loop3A_625 = vector.broadcast %parallel_loop3A_624 : f32 to vector<16xf32>
        %parallel_loop3A_626 = arith.maximumf %parallel_loop3A_623, %parallel_loop3A_625 : vector<16xf32>
        %parallel_loop3A_627 = arith.index_cast %parallel_loop3A_559 : i32 to index
        %parallel_loop3A_628 = arith.constant 16 : index
        %parallel_loop3A_629 = tpu.vector_load %arg32[%parallel_loop3A_627, %parallel_loop3A_628] {strides = array<i32>} : memref<160x64xf32, #tpu.memory_space<vmem>>, vector<1x16xf32>,
        %parallel_loop3A_630 = vector.shape_cast %parallel_loop3A_629 : vector<1x16xf32> to vector<16xf32>
        %parallel_loop3A_631 = vector.shape_cast %parallel_loop3A_626 : vector<16xf32> to vector<1x16xf32>
        tpu.vector_store %arg32[%parallel_loop3A_627, %parallel_loop3A_628], %parallel_loop3A_631 {strides = array<i32>} : memref<160x64xf32, #tpu.memory_space<vmem>>, vector<1x16xf32>,
        %parallel_loop3A_632 = arith.index_cast %parallel_loop3A_559 : i32 to index
        %parallel_loop3A_633 = arith.constant 32 : index
        %parallel_loop3A_634 = tpu.vector_load %arg28[%parallel_loop3A_632, %parallel_loop3A_633] {strides = array<i32>} : memref<160x64xf32, #tpu.memory_space<vmem>>, vector<1x16xf32>,
        %parallel_loop3A_635 = vector.shape_cast %parallel_loop3A_634 : vector<1x16xf32> to vector<16xf32>
        %parallel_loop3A_636 = arith.index_cast %parallel_loop3A_559 : i32 to index
        %parallel_loop3A_637 = arith.constant 32 : index
        %parallel_loop3A_638 = tpu.vector_load %arg30[%parallel_loop3A_636, %parallel_loop3A_637] {strides = array<i32>} : memref<160x64xf32, #tpu.memory_space<vmem>>, vector<1x16xf32>,
        %parallel_loop3A_639 = vector.shape_cast %parallel_loop3A_638 : vector<1x16xf32> to vector<16xf32>
        %parallel_loop3A_640 = arith.addf %parallel_loop3A_635, %parallel_loop3A_639 : vector<16xf32>
        %parallel_loop3A_641 = arith.mulf %parallel_loop3A_583, %get3A_28 : vector<16xf32>
        %parallel_loop3A_642 = arith.addf %parallel_loop3A_640, %parallel_loop3A_641 : vector<16xf32>
        %parallel_loop3A_643 = arith.mulf %parallel_loop3A_589, %get3A_48 : vector<16xf32>
        %parallel_loop3A_644 = arith.addf %parallel_loop3A_642, %parallel_loop3A_643 : vector<16xf32>
        %parallel_loop3A_645 = arith.constant 0.000000e+00 : f32
        %parallel_loop3A_646 = vector.broadcast %parallel_loop3A_645 : f32 to vector<16xf32>
        %parallel_loop3A_647 = arith.maximumf %parallel_loop3A_644, %parallel_loop3A_646 : vector<16xf32>
        %parallel_loop3A_648 = arith.index_cast %parallel_loop3A_559 : i32 to index
        %parallel_loop3A_649 = arith.constant 32 : index
        %parallel_loop3A_650 = tpu.vector_load %arg32[%parallel_loop3A_648, %parallel_loop3A_649] {strides = array<i32>} : memref<160x64xf32, #tpu.memory_space<vmem>>, vector<1x16xf32>,
        %parallel_loop3A_651 = vector.shape_cast %parallel_loop3A_650 : vector<1x16xf32> to vector<16xf32>
        %parallel_loop3A_652 = vector.shape_cast %parallel_loop3A_647 : vector<16xf32> to vector<1x16xf32>
        tpu.vector_store %arg32[%parallel_loop3A_648, %parallel_loop3A_649], %parallel_loop3A_652 {strides = array<i32>} : memref<160x64xf32, #tpu.memory_space<vmem>>, vector<1x16xf32>,
        %parallel_loop3A_653 = arith.index_cast %parallel_loop3A_559 : i32 to index
        %parallel_loop3A_654 = arith.constant 48 : index
        %parallel_loop3A_655 = tpu.vector_load %arg28[%parallel_loop3A_653, %parallel_loop3A_654] {strides = array<i32>} : memref<160x64xf32, #tpu.memory_space<vmem>>, vector<1x16xf32>,
        %parallel_loop3A_656 = vector.shape_cast %parallel_loop3A_655 : vector<1x16xf32> to vector<16xf32>
        %parallel_loop3A_657 = arith.index_cast %parallel_loop3A_559 : i32 to index
        %parallel_loop3A_658 = arith.constant 48 : index
        %parallel_loop3A_659 = tpu.vector_load %arg30[%parallel_loop3A_657, %parallel_loop3A_658] {strides = array<i32>} : memref<160x64xf32, #tpu.memory_space<vmem>>, vector<1x16xf32>,
        %parallel_loop3A_660 = vector.shape_cast %parallel_loop3A_659 : vector<1x16xf32> to vector<16xf32>
        %parallel_loop3A_661 = arith.addf %parallel_loop3A_656, %parallel_loop3A_660 : vector<16xf32>
        %parallel_loop3A_662 = arith.mulf %parallel_loop3A_583, %get3A_33 : vector<16xf32>
        %parallel_loop3A_663 = arith.addf %parallel_loop3A_661, %parallel_loop3A_662 : vector<16xf32>
        %parallel_loop3A_664 = arith.mulf %parallel_loop3A_589, %get3A_53 : vector<16xf32>
        %parallel_loop3A_665 = arith.addf %parallel_loop3A_663, %parallel_loop3A_664 : vector<16xf32>
        %parallel_loop3A_666 = arith.constant 0.000000e+00 : f32
        %parallel_loop3A_667 = vector.broadcast %parallel_loop3A_666 : f32 to vector<16xf32>
        %parallel_loop3A_668 = arith.maximumf %parallel_loop3A_665, %parallel_loop3A_667 : vector<16xf32>
        %parallel_loop3A_669 = arith.index_cast %parallel_loop3A_559 : i32 to index
        %parallel_loop3A_670 = arith.constant 48 : index
        %parallel_loop3A_671 = tpu.vector_load %arg32[%parallel_loop3A_669, %parallel_loop3A_670] {strides = array<i32>} : memref<160x64xf32, #tpu.memory_space<vmem>>, vector<1x16xf32>,
        %parallel_loop3A_672 = vector.shape_cast %parallel_loop3A_671 : vector<1x16xf32> to vector<16xf32>
        %parallel_loop3A_673 = vector.shape_cast %parallel_loop3A_668 : vector<16xf32> to vector<1x16xf32>
        tpu.vector_store %arg32[%parallel_loop3A_669, %parallel_loop3A_670], %parallel_loop3A_673 {strides = array<i32>} : memref<160x64xf32, #tpu.memory_space<vmem>>, vector<1x16xf32>,
      } {sc.loop_unroll_factor = 4 : i64, sc.parallel_access}
      %dma_start3A_540 = arith.constant 0 : i32
      %dma_start3A_541 = arith.constant 0 : i32
      %dma_start3A_542 = tpu.memref_slice %arg32[%dma_start3A_540, %dma_start3A_541] : memref<160x64xf32, #tpu.memory_space<vmem>> -> memref<80x64xf32, #tpu.memory_space<vmem>>
      %dma_start3A_543 = arith.constant 0 : i32
      %dma_start3A_544 = arith.constant 0 : i32
      %dma_start3A_545 = tpu.memref_slice %arg10[%dma_start3A_543, %dma_start3A_544] : memref<10240x64xf32, #tpu.memory_space<vmem_shared>> -> memref<10240x64xf32, #tpu.memory_space<vmem_shared>>
      tpu.enqueue_indirect_dma source(%dma_start3A_542 : memref<80x64xf32, #tpu.memory_space<vmem>>) target(%dma_start3A_545 : memref<10240x64xf32, #tpu.memory_space<vmem_shared>>) offsets(%arg24 : memref<80xi32, #tpu.memory_space<vmem>>) semaphore(%arg41 : memref<!tpu.dma_semaphore, #tpu.memory_space<semaphore_mem>>) {add = true}
      %dma_start3A_546 = arith.constant 80 : i32
      %dma_start3A_547 = arith.constant 0 : i32
      %dma_start3A_548 = tpu.memref_slice %arg32[%dma_start3A_546, %dma_start3A_547] : memref<160x64xf32, #tpu.memory_space<vmem>> -> memref<80x64xf32, #tpu.memory_space<vmem>>
      %dma_start3A_549 = arith.constant 0 : i32
      %dma_start3A_550 = arith.constant 0 : i32
      %dma_start3A_551 = tpu.memref_slice %arg10[%dma_start3A_549, %dma_start3A_550] : memref<10240x64xf32, #tpu.memory_space<vmem_shared>> -> memref<10240x64xf32, #tpu.memory_space<vmem_shared>>
      tpu.enqueue_indirect_dma source(%dma_start3A_548 : memref<80x64xf32, #tpu.memory_space<vmem>>) target(%dma_start3A_551 : memref<10240x64xf32, #tpu.memory_space<vmem_shared>>) offsets(%arg26 : memref<80xi32, #tpu.memory_space<vmem>>) semaphore(%arg41 : memref<!tpu.dma_semaphore, #tpu.memory_space<semaphore_mem>>) {add = true}
      %add3A_552 = arith.constant 2 : i32
      %add3A_553 = arith.addi %add3A_500, %add3A_552 : i32
      %lt3A_554 = arith.constant 125 : i32
      %lt3A_555 = arith.cmpi slt, %add3A_553, %lt3A_554 : i32
      %convert_element_type3A_556 = arith.extui %lt3A_555 : i1 to i32
      %cond3A_557 = arith.constant 0 : i32
      %cond3A_558 = arith.cmpi ne, %convert_element_type3A_556, %cond3A_557 : i32
      scf.if %cond3A_558 {
        %add3A_559 = arith.constant 2 : i32
        %add3A_560 = arith.addi %add3A_500, %add3A_559 : i32
        %mul3A_561 = arith.constant 320 : i32
        %mul3A_562 = arith.muli %add3A_560, %mul3A_561 : i32
        %add3A_563 = arith.addi %mul3A_4, %mul3A_562 : i32
        %dma_start3A_564 = tpu.memref_slice %arg4[%add3A_563] : memref<640000xi32, #tpu.memory_space<hbm>> -> memref<320xi32, #tpu.memory_space<hbm>>
        %dma_start3A_565 = tpu.memref_slice %arg4[%add3A_563] : memref<640000xi32, #tpu.memory_space<hbm>> -> memref<320xi32, #tpu.memory_space<hbm>>
        tpu.enqueue_dma source(%dma_start3A_565 : memref<320xi32, #tpu.memory_space<hbm>>) target(%arg12 : memref<320xi32, #tpu.memory_space<vmem>>) target_semaphore(%arg35 : memref<!tpu.dma_semaphore, #tpu.memory_space<semaphore_mem>>)
        %mul3A_566 = arith.constant 160 : i32
        %mul3A_567 = arith.muli %add3A_560, %mul3A_566 : i32
        %add3A_568 = arith.addi %mul3A_6, %mul3A_567 : i32
        %dma_start3A_569 = tpu.memref_slice %arg5[%add3A_568] : memref<320000xf32, #tpu.memory_space<hbm>> -> memref<160xf32, #tpu.memory_space<hbm>>
        %dma_start3A_570 = tpu.memref_slice %arg5[%add3A_568] : memref<320000xf32, #tpu.memory_space<hbm>> -> memref<160xf32, #tpu.memory_space<hbm>>
        tpu.enqueue_dma source(%dma_start3A_570 : memref<160xf32, #tpu.memory_space<hbm>>) target(%arg14 : memref<160xf32, #tpu.memory_space<vmem>>) target_semaphore(%arg35 : memref<!tpu.dma_semaphore, #tpu.memory_space<semaphore_mem>>)
      } else {
      }
    }
    %scan3A_354 = arith.constant 62 : i32
    %ge3A = arith.constant 124 : i32
    %ge3A_355 = arith.constant 1 : i32
    %ge3A_356 = arith.cmpi sge, %ge3A, %ge3A_355 : i32
    %convert_element_type3A = arith.extui %ge3A_356 : i1 to i32
    %cond3A = arith.constant 0 : i32
    %cond3A_357 = arith.cmpi ne, %convert_element_type3A, %cond3A : i32
    scf.if %cond3A_357 {
      %dma_wait3A_436 = arith.constant 0 : i32
      %dma_wait3A_437 = arith.constant 0 : i32
      %dma_wait3A_438 = tpu.memref_slice %arg32[%dma_wait3A_436, %dma_wait3A_437] : memref<160x64xf32, #tpu.memory_space<vmem>> -> memref<80x64xf32, #tpu.memory_space<vmem>>
      %dma_wait3A_439 = arith.constant 0 : i32
      %dma_wait3A_440 = arith.constant 0 : i32
      %dma_wait3A_441 = tpu.memref_slice %arg10[%dma_wait3A_439, %dma_wait3A_440] : memref<10240x64xf32, #tpu.memory_space<vmem_shared>> -> memref<10240x64xf32, #tpu.memory_space<vmem_shared>>
      tpu.wait_indirect_dma semaphore(%arg41 : memref<!tpu.dma_semaphore, #tpu.memory_space<semaphore_mem>>) src(%dma_wait3A_438 : memref<80x64xf32, #tpu.memory_space<vmem>>) dst(%dma_wait3A_441 : memref<10240x64xf32, #tpu.memory_space<vmem_shared>>)
      %dma_wait3A_442 = arith.constant 80 : i32
      %dma_wait3A_443 = arith.constant 0 : i32
      %dma_wait3A_444 = tpu.memref_slice %arg32[%dma_wait3A_442, %dma_wait3A_443] : memref<160x64xf32, #tpu.memory_space<vmem>> -> memref<80x64xf32, #tpu.memory_space<vmem>>
      %dma_wait3A_445 = arith.constant 0 : i32
      %dma_wait3A_446 = arith.constant 0 : i32
      %dma_wait3A_447 = tpu.memref_slice %arg10[%dma_wait3A_445, %dma_wait3A_446] : memref<10240x64xf32, #tpu.memory_space<vmem_shared>> -> memref<10240x64xf32, #tpu.memory_space<vmem_shared>>
      tpu.wait_indirect_dma semaphore(%arg41 : memref<!tpu.dma_semaphore, #tpu.memory_space<semaphore_mem>>) src(%dma_wait3A_444 : memref<80x64xf32, #tpu.memory_space<vmem>>) dst(%dma_wait3A_447 : memref<10240x64xf32, #tpu.memory_space<vmem_shared>>)
    } else {
    }
    %add3A_358 = arith.constant 124 : i32
    %add3A_359 = arith.constant 1 : i32
    %add3A_360 = arith.addi %add3A_358, %add3A_359 : i32
    %lt3A = arith.constant 125 : i32
    %lt3A_361 = arith.cmpi slt, %add3A_360, %lt3A : i32
    %convert_element_type3A_362 = arith.extui %lt3A_361 : i1 to i32
    %cond3A_363 = arith.constant 0 : i32
    %cond3A_364 = arith.cmpi ne, %convert_element_type3A_362, %cond3A_363 : i32
    scf.if %cond3A_364 {
      %dma_wait3A_436 = arith.constant 0 : i32
      %dma_wait3A_437 = tpu.memref_slice %arg4[%dma_wait3A_436] : memref<640000xi32, #tpu.memory_space<hbm>> -> memref<320xi32, #tpu.memory_space<hbm>>
      %dma_wait3A_438 = arith.constant 0 : i32
      %dma_wait3A_439 = tpu.memref_slice %arg4[%dma_wait3A_438] : memref<640000xi32, #tpu.memory_space<hbm>> -> memref<320xi32, #tpu.memory_space<hbm>>
      tpu.wait_dma2 semaphore(%arg35 : memref<!tpu.dma_semaphore, #tpu.memory_space<semaphore_mem>>) src(%dma_wait3A_439 : memref<320xi32, #tpu.memory_space<hbm>>) dst(%arg12 : memref<320xi32, #tpu.memory_space<vmem>>)
      %dma_wait3A_440 = arith.constant 0 : i32
      %dma_wait3A_441 = tpu.memref_slice %arg5[%dma_wait3A_440] : memref<320000xf32, #tpu.memory_space<hbm>> -> memref<160xf32, #tpu.memory_space<hbm>>
      %dma_wait3A_442 = arith.constant 0 : i32
      %dma_wait3A_443 = tpu.memref_slice %arg5[%dma_wait3A_442] : memref<320000xf32, #tpu.memory_space<hbm>> -> memref<160xf32, #tpu.memory_space<hbm>>
      tpu.wait_dma2 semaphore(%arg35 : memref<!tpu.dma_semaphore, #tpu.memory_space<semaphore_mem>>) src(%dma_wait3A_443 : memref<160xf32, #tpu.memory_space<hbm>>) dst(%arg14 : memref<160xf32, #tpu.memory_space<vmem>>)
      %get3A_444 = arith.constant 0 : index
      %get3A_445 = tpu.vector_load %arg12[%get3A_444] {strides = array<i32>} : memref<320xi32, #tpu.memory_space<vmem>>, vector<16xi32>,
      %get3A_446 = vector.shape_cast %get3A_445 : vector<16xi32> to vector<16xi32>
      %add3A_447 = vector.broadcast %mul3A_8 : i32 to vector<16xi32>
      %add3A_448 = arith.addi %get3A_446, %add3A_447 : vector<16xi32>
      %swap3A_449 = arith.constant 0 : index
      %swap3A_450 = tpu.vector_load %arg16[%swap3A_449] {strides = array<i32>} : memref<80xi32, #tpu.memory_space<vmem>>, vector<16xi32>,
      %swap3A_451 = vector.shape_cast %swap3A_450 : vector<16xi32> to vector<16xi32>
      %swap3A_452 = vector.shape_cast %add3A_448 : vector<16xi32> to vector<16xi32>
      tpu.vector_store %arg16[%swap3A_449], %swap3A_452 {strides = array<i32>} : memref<80xi32, #tpu.memory_space<vmem>>, vector<16xi32>,
      %get3A_453 = arith.constant 80 : index
      %get3A_454 = tpu.vector_load %arg12[%get3A_453] {strides = array<i32>} : memref<320xi32, #tpu.memory_space<vmem>>, vector<16xi32>,
      %get3A_455 = vector.shape_cast %get3A_454 : vector<16xi32> to vector<16xi32>
      %add3A_456 = vector.broadcast %mul3A_8 : i32 to vector<16xi32>
      %add3A_457 = arith.addi %get3A_455, %add3A_456 : vector<16xi32>
      %swap3A_458 = arith.constant 0 : index
      %swap3A_459 = tpu.vector_load %arg18[%swap3A_458] {strides = array<i32>} : memref<80xi32, #tpu.memory_space<vmem>>, vector<16xi32>,
      %swap3A_460 = vector.shape_cast %swap3A_459 : vector<16xi32> to vector<16xi32>
      %swap3A_461 = vector.shape_cast %add3A_457 : vector<16xi32> to vector<16xi32>
      tpu.vector_store %arg18[%swap3A_458], %swap3A_461 {strides = array<i32>} : memref<80xi32, #tpu.memory_space<vmem>>, vector<16xi32>,
      %get3A_462 = arith.constant 16 : index
      %get3A_463 = tpu.vector_load %arg12[%get3A_462] {strides = array<i32>} : memref<320xi32, #tpu.memory_space<vmem>>, vector<16xi32>,
      %get3A_464 = vector.shape_cast %get3A_463 : vector<16xi32> to vector<16xi32>
      %add3A_465 = vector.broadcast %mul3A_8 : i32 to vector<16xi32>
      %add3A_466 = arith.addi %get3A_464, %add3A_465 : vector<16xi32>
      %swap3A_467 = arith.constant 16 : index
      %swap3A_468 = tpu.vector_load %arg16[%swap3A_467] {strides = array<i32>} : memref<80xi32, #tpu.memory_space<vmem>>, vector<16xi32>,
      %swap3A_469 = vector.shape_cast %swap3A_468 : vector<16xi32> to vector<16xi32>
      %swap3A_470 = vector.shape_cast %add3A_466 : vector<16xi32> to vector<16xi32>
      tpu.vector_store %arg16[%swap3A_467], %swap3A_470 {strides = array<i32>} : memref<80xi32, #tpu.memory_space<vmem>>, vector<16xi32>,
      %get3A_471 = arith.constant 96 : index
      %get3A_472 = tpu.vector_load %arg12[%get3A_471] {strides = array<i32>} : memref<320xi32, #tpu.memory_space<vmem>>, vector<16xi32>,
      %get3A_473 = vector.shape_cast %get3A_472 : vector<16xi32> to vector<16xi32>
      %add3A_474 = vector.broadcast %mul3A_8 : i32 to vector<16xi32>
      %add3A_475 = arith.addi %get3A_473, %add3A_474 : vector<16xi32>
      %swap3A_476 = arith.constant 16 : index
      %swap3A_477 = tpu.vector_load %arg18[%swap3A_476] {strides = array<i32>} : memref<80xi32, #tpu.memory_space<vmem>>, vector<16xi32>,
      %swap3A_478 = vector.shape_cast %swap3A_477 : vector<16xi32> to vector<16xi32>
      %swap3A_479 = vector.shape_cast %add3A_475 : vector<16xi32> to vector<16xi32>
      tpu.vector_store %arg18[%swap3A_476], %swap3A_479 {strides = array<i32>} : memref<80xi32, #tpu.memory_space<vmem>>, vector<16xi32>,
      %get3A_480 = arith.constant 32 : index
      %get3A_481 = tpu.vector_load %arg12[%get3A_480] {strides = array<i32>} : memref<320xi32, #tpu.memory_space<vmem>>, vector<16xi32>,
      %get3A_482 = vector.shape_cast %get3A_481 : vector<16xi32> to vector<16xi32>
      %add3A_483 = vector.broadcast %mul3A_8 : i32 to vector<16xi32>
      %add3A_484 = arith.addi %get3A_482, %add3A_483 : vector<16xi32>
      %swap3A_485 = arith.constant 32 : index
      %swap3A_486 = tpu.vector_load %arg16[%swap3A_485] {strides = array<i32>} : memref<80xi32, #tpu.memory_space<vmem>>, vector<16xi32>,
      %swap3A_487 = vector.shape_cast %swap3A_486 : vector<16xi32> to vector<16xi32>
      %swap3A_488 = vector.shape_cast %add3A_484 : vector<16xi32> to vector<16xi32>
      tpu.vector_store %arg16[%swap3A_485], %swap3A_488 {strides = array<i32>} : memref<80xi32, #tpu.memory_space<vmem>>, vector<16xi32>,
      %get3A_489 = arith.constant 112 : index
      %get3A_490 = tpu.vector_load %arg12[%get3A_489] {strides = array<i32>} : memref<320xi32, #tpu.memory_space<vmem>>, vector<16xi32>,
      %get3A_491 = vector.shape_cast %get3A_490 : vector<16xi32> to vector<16xi32>
      %add3A_492 = vector.broadcast %mul3A_8 : i32 to vector<16xi32>
      %add3A_493 = arith.addi %get3A_491, %add3A_492 : vector<16xi32>
      %swap3A_494 = arith.constant 32 : index
      %swap3A_495 = tpu.vector_load %arg18[%swap3A_494] {strides = array<i32>} : memref<80xi32, #tpu.memory_space<vmem>>, vector<16xi32>,
      %swap3A_496 = vector.shape_cast %swap3A_495 : vector<16xi32> to vector<16xi32>
      %swap3A_497 = vector.shape_cast %add3A_493 : vector<16xi32> to vector<16xi32>
      tpu.vector_store %arg18[%swap3A_494], %swap3A_497 {strides = array<i32>} : memref<80xi32, #tpu.memory_space<vmem>>, vector<16xi32>,
      %get3A_498 = arith.constant 48 : index
      %get3A_499 = tpu.vector_load %arg12[%get3A_498] {strides = array<i32>} : memref<320xi32, #tpu.memory_space<vmem>>, vector<16xi32>,
      %get3A_500 = vector.shape_cast %get3A_499 : vector<16xi32> to vector<16xi32>
      %add3A_501 = vector.broadcast %mul3A_8 : i32 to vector<16xi32>
      %add3A_502 = arith.addi %get3A_500, %add3A_501 : vector<16xi32>
      %swap3A_503 = arith.constant 48 : index
      %swap3A_504 = tpu.vector_load %arg16[%swap3A_503] {strides = array<i32>} : memref<80xi32, #tpu.memory_space<vmem>>, vector<16xi32>,
      %swap3A_505 = vector.shape_cast %swap3A_504 : vector<16xi32> to vector<16xi32>
      %swap3A_506 = vector.shape_cast %add3A_502 : vector<16xi32> to vector<16xi32>
      tpu.vector_store %arg16[%swap3A_503], %swap3A_506 {strides = array<i32>} : memref<80xi32, #tpu.memory_space<vmem>>, vector<16xi32>,
      %get3A_507 = arith.constant 128 : index
      %get3A_508 = tpu.vector_load %arg12[%get3A_507] {strides = array<i32>} : memref<320xi32, #tpu.memory_space<vmem>>, vector<16xi32>,
      %get3A_509 = vector.shape_cast %get3A_508 : vector<16xi32> to vector<16xi32>
      %add3A_510 = vector.broadcast %mul3A_8 : i32 to vector<16xi32>
      %add3A_511 = arith.addi %get3A_509, %add3A_510 : vector<16xi32>
      %swap3A_512 = arith.constant 48 : index
      %swap3A_513 = tpu.vector_load %arg18[%swap3A_512] {strides = array<i32>} : memref<80xi32, #tpu.memory_space<vmem>>, vector<16xi32>,
      %swap3A_514 = vector.shape_cast %swap3A_513 : vector<16xi32> to vector<16xi32>
      %swap3A_515 = vector.shape_cast %add3A_511 : vector<16xi32> to vector<16xi32>
      tpu.vector_store %arg18[%swap3A_512], %swap3A_515 {strides = array<i32>} : memref<80xi32, #tpu.memory_space<vmem>>, vector<16xi32>,
      %get3A_516 = arith.constant 64 : index
      %get3A_517 = tpu.vector_load %arg12[%get3A_516] {strides = array<i32>} : memref<320xi32, #tpu.memory_space<vmem>>, vector<16xi32>,
      %get3A_518 = vector.shape_cast %get3A_517 : vector<16xi32> to vector<16xi32>
      %add3A_519 = vector.broadcast %mul3A_8 : i32 to vector<16xi32>
      %add3A_520 = arith.addi %get3A_518, %add3A_519 : vector<16xi32>
      %swap3A_521 = arith.constant 64 : index
      %swap3A_522 = tpu.vector_load %arg16[%swap3A_521] {strides = array<i32>} : memref<80xi32, #tpu.memory_space<vmem>>, vector<16xi32>,
      %swap3A_523 = vector.shape_cast %swap3A_522 : vector<16xi32> to vector<16xi32>
      %swap3A_524 = vector.shape_cast %add3A_520 : vector<16xi32> to vector<16xi32>
      tpu.vector_store %arg16[%swap3A_521], %swap3A_524 {strides = array<i32>} : memref<80xi32, #tpu.memory_space<vmem>>, vector<16xi32>,
      %get3A_525 = arith.constant 144 : index
      %get3A_526 = tpu.vector_load %arg12[%get3A_525] {strides = array<i32>} : memref<320xi32, #tpu.memory_space<vmem>>, vector<16xi32>,
      %get3A_527 = vector.shape_cast %get3A_526 : vector<16xi32> to vector<16xi32>
      %add3A_528 = vector.broadcast %mul3A_8 : i32 to vector<16xi32>
      %add3A_529 = arith.addi %get3A_527, %add3A_528 : vector<16xi32>
      %swap3A_530 = arith.constant 64 : index
      %swap3A_531 = tpu.vector_load %arg18[%swap3A_530] {strides = array<i32>} : memref<80xi32, #tpu.memory_space<vmem>>, vector<16xi32>,
      %swap3A_532 = vector.shape_cast %swap3A_531 : vector<16xi32> to vector<16xi32>
      %swap3A_533 = vector.shape_cast %add3A_529 : vector<16xi32> to vector<16xi32>
      tpu.vector_store %arg18[%swap3A_530], %swap3A_533 {strides = array<i32>} : memref<80xi32, #tpu.memory_space<vmem>>, vector<16xi32>,
      %get3A_534 = arith.constant 160 : index
      %get3A_535 = tpu.vector_load %arg12[%get3A_534] {strides = array<i32>} : memref<320xi32, #tpu.memory_space<vmem>>, vector<16xi32>,
      %get3A_536 = vector.shape_cast %get3A_535 : vector<16xi32> to vector<16xi32>
      %add3A_537 = vector.broadcast %mul3A_8 : i32 to vector<16xi32>
      %add3A_538 = arith.addi %get3A_536, %add3A_537 : vector<16xi32>
      %swap3A_539 = arith.constant 0 : index
      %swap3A_540 = tpu.vector_load %arg20[%swap3A_539] {strides = array<i32>} : memref<80xi32, #tpu.memory_space<vmem>>, vector<16xi32>,
      %swap3A_541 = vector.shape_cast %swap3A_540 : vector<16xi32> to vector<16xi32>
      %swap3A_542 = vector.shape_cast %add3A_538 : vector<16xi32> to vector<16xi32>
      tpu.vector_store %arg20[%swap3A_539], %swap3A_542 {strides = array<i32>} : memref<80xi32, #tpu.memory_space<vmem>>, vector<16xi32>,
      %get3A_543 = arith.constant 240 : index
      %get3A_544 = tpu.vector_load %arg12[%get3A_543] {strides = array<i32>} : memref<320xi32, #tpu.memory_space<vmem>>, vector<16xi32>,
      %get3A_545 = vector.shape_cast %get3A_544 : vector<16xi32> to vector<16xi32>
      %add3A_546 = vector.broadcast %mul3A_8 : i32 to vector<16xi32>
      %add3A_547 = arith.addi %get3A_545, %add3A_546 : vector<16xi32>
      %swap3A_548 = arith.constant 0 : index
      %swap3A_549 = tpu.vector_load %arg22[%swap3A_548] {strides = array<i32>} : memref<80xi32, #tpu.memory_space<vmem>>, vector<16xi32>,
      %swap3A_550 = vector.shape_cast %swap3A_549 : vector<16xi32> to vector<16xi32>
      %swap3A_551 = vector.shape_cast %add3A_547 : vector<16xi32> to vector<16xi32>
      tpu.vector_store %arg22[%swap3A_548], %swap3A_551 {strides = array<i32>} : memref<80xi32, #tpu.memory_space<vmem>>, vector<16xi32>,
      %get3A_552 = arith.constant 160 : index
      %get3A_553 = tpu.vector_load %arg12[%get3A_552] {strides = array<i32>} : memref<320xi32, #tpu.memory_space<vmem>>, vector<16xi32>,
      %get3A_554 = vector.shape_cast %get3A_553 : vector<16xi32> to vector<16xi32>
      %swap3A_555 = arith.constant 0 : index
      %swap3A_556 = tpu.vector_load %arg24[%swap3A_555] {strides = array<i32>} : memref<80xi32, #tpu.memory_space<vmem>>, vector<16xi32>,
      %swap3A_557 = vector.shape_cast %swap3A_556 : vector<16xi32> to vector<16xi32>
      %swap3A_558 = vector.shape_cast %get3A_554 : vector<16xi32> to vector<16xi32>
      tpu.vector_store %arg24[%swap3A_555], %swap3A_558 {strides = array<i32>} : memref<80xi32, #tpu.memory_space<vmem>>, vector<16xi32>,
      %get3A_559 = arith.constant 240 : index
      %get3A_560 = tpu.vector_load %arg12[%get3A_559] {strides = array<i32>} : memref<320xi32, #tpu.memory_space<vmem>>, vector<16xi32>,
      %get3A_561 = vector.shape_cast %get3A_560 : vector<16xi32> to vector<16xi32>
      %swap3A_562 = arith.constant 0 : index
      %swap3A_563 = tpu.vector_load %arg26[%swap3A_562] {strides = array<i32>} : memref<80xi32, #tpu.memory_space<vmem>>, vector<16xi32>,
      %swap3A_564 = vector.shape_cast %swap3A_563 : vector<16xi32> to vector<16xi32>
      %swap3A_565 = vector.shape_cast %get3A_561 : vector<16xi32> to vector<16xi32>
      tpu.vector_store %arg26[%swap3A_562], %swap3A_565 {strides = array<i32>} : memref<80xi32, #tpu.memory_space<vmem>>, vector<16xi32>,
      %get3A_566 = arith.constant 176 : index
      %get3A_567 = tpu.vector_load %arg12[%get3A_566] {strides = array<i32>} : memref<320xi32, #tpu.memory_space<vmem>>, vector<16xi32>,
      %get3A_568 = vector.shape_cast %get3A_567 : vector<16xi32> to vector<16xi32>
      %add3A_569 = vector.broadcast %mul3A_8 : i32 to vector<16xi32>
      %add3A_570 = arith.addi %get3A_568, %add3A_569 : vector<16xi32>
      %swap3A_571 = arith.constant 16 : index
      %swap3A_572 = tpu.vector_load %arg20[%swap3A_571] {strides = array<i32>} : memref<80xi32, #tpu.memory_space<vmem>>, vector<16xi32>,
      %swap3A_573 = vector.shape_cast %swap3A_572 : vector<16xi32> to vector<16xi32>
      %swap3A_574 = vector.shape_cast %add3A_570 : vector<16xi32> to vector<16xi32>
      tpu.vector_store %arg20[%swap3A_571], %swap3A_574 {strides = array<i32>} : memref<80xi32, #tpu.memory_space<vmem>>, vector<16xi32>,
      %get3A_575 = arith.constant 256 : index
      %get3A_576 = tpu.vector_load %arg12[%get3A_575] {strides = array<i32>} : memref<320xi32, #tpu.memory_space<vmem>>, vector<16xi32>,
      %get3A_577 = vector.shape_cast %get3A_576 : vector<16xi32> to vector<16xi32>
      %add3A_578 = vector.broadcast %mul3A_8 : i32 to vector<16xi32>
      %add3A_579 = arith.addi %get3A_577, %add3A_578 : vector<16xi32>
      %swap3A_580 = arith.constant 16 : index
      %swap3A_581 = tpu.vector_load %arg22[%swap3A_580] {strides = array<i32>} : memref<80xi32, #tpu.memory_space<vmem>>, vector<16xi32>,
      %swap3A_582 = vector.shape_cast %swap3A_581 : vector<16xi32> to vector<16xi32>
      %swap3A_583 = vector.shape_cast %add3A_579 : vector<16xi32> to vector<16xi32>
      tpu.vector_store %arg22[%swap3A_580], %swap3A_583 {strides = array<i32>} : memref<80xi32, #tpu.memory_space<vmem>>, vector<16xi32>,
      %get3A_584 = arith.constant 176 : index
      %get3A_585 = tpu.vector_load %arg12[%get3A_584] {strides = array<i32>} : memref<320xi32, #tpu.memory_space<vmem>>, vector<16xi32>,
      %get3A_586 = vector.shape_cast %get3A_585 : vector<16xi32> to vector<16xi32>
      %swap3A_587 = arith.constant 16 : index
      %swap3A_588 = tpu.vector_load %arg24[%swap3A_587] {strides = array<i32>} : memref<80xi32, #tpu.memory_space<vmem>>, vector<16xi32>,
      %swap3A_589 = vector.shape_cast %swap3A_588 : vector<16xi32> to vector<16xi32>
      %swap3A_590 = vector.shape_cast %get3A_586 : vector<16xi32> to vector<16xi32>
      tpu.vector_store %arg24[%swap3A_587], %swap3A_590 {strides = array<i32>} : memref<80xi32, #tpu.memory_space<vmem>>, vector<16xi32>,
      %get3A_591 = arith.constant 256 : index
      %get3A_592 = tpu.vector_load %arg12[%get3A_591] {strides = array<i32>} : memref<320xi32, #tpu.memory_space<vmem>>, vector<16xi32>,
      %get3A_593 = vector.shape_cast %get3A_592 : vector<16xi32> to vector<16xi32>
      %swap3A_594 = arith.constant 16 : index
      %swap3A_595 = tpu.vector_load %arg26[%swap3A_594] {strides = array<i32>} : memref<80xi32, #tpu.memory_space<vmem>>, vector<16xi32>,
      %swap3A_596 = vector.shape_cast %swap3A_595 : vector<16xi32> to vector<16xi32>
      %swap3A_597 = vector.shape_cast %get3A_593 : vector<16xi32> to vector<16xi32>
      tpu.vector_store %arg26[%swap3A_594], %swap3A_597 {strides = array<i32>} : memref<80xi32, #tpu.memory_space<vmem>>, vector<16xi32>,
      %get3A_598 = arith.constant 192 : index
      %get3A_599 = tpu.vector_load %arg12[%get3A_598] {strides = array<i32>} : memref<320xi32, #tpu.memory_space<vmem>>, vector<16xi32>,
      %get3A_600 = vector.shape_cast %get3A_599 : vector<16xi32> to vector<16xi32>
      %add3A_601 = vector.broadcast %mul3A_8 : i32 to vector<16xi32>
      %add3A_602 = arith.addi %get3A_600, %add3A_601 : vector<16xi32>
      %swap3A_603 = arith.constant 32 : index
      %swap3A_604 = tpu.vector_load %arg20[%swap3A_603] {strides = array<i32>} : memref<80xi32, #tpu.memory_space<vmem>>, vector<16xi32>,
      %swap3A_605 = vector.shape_cast %swap3A_604 : vector<16xi32> to vector<16xi32>
      %swap3A_606 = vector.shape_cast %add3A_602 : vector<16xi32> to vector<16xi32>
      tpu.vector_store %arg20[%swap3A_603], %swap3A_606 {strides = array<i32>} : memref<80xi32, #tpu.memory_space<vmem>>, vector<16xi32>,
      %get3A_607 = arith.constant 272 : index
      %get3A_608 = tpu.vector_load %arg12[%get3A_607] {strides = array<i32>} : memref<320xi32, #tpu.memory_space<vmem>>, vector<16xi32>,
      %get3A_609 = vector.shape_cast %get3A_608 : vector<16xi32> to vector<16xi32>
      %add3A_610 = vector.broadcast %mul3A_8 : i32 to vector<16xi32>
      %add3A_611 = arith.addi %get3A_609, %add3A_610 : vector<16xi32>
      %swap3A_612 = arith.constant 32 : index
      %swap3A_613 = tpu.vector_load %arg22[%swap3A_612] {strides = array<i32>} : memref<80xi32, #tpu.memory_space<vmem>>, vector<16xi32>,
      %swap3A_614 = vector.shape_cast %swap3A_613 : vector<16xi32> to vector<16xi32>
      %swap3A_615 = vector.shape_cast %add3A_611 : vector<16xi32> to vector<16xi32>
      tpu.vector_store %arg22[%swap3A_612], %swap3A_615 {strides = array<i32>} : memref<80xi32, #tpu.memory_space<vmem>>, vector<16xi32>,
      %get3A_616 = arith.constant 192 : index
      %get3A_617 = tpu.vector_load %arg12[%get3A_616] {strides = array<i32>} : memref<320xi32, #tpu.memory_space<vmem>>, vector<16xi32>,
      %get3A_618 = vector.shape_cast %get3A_617 : vector<16xi32> to vector<16xi32>
      %swap3A_619 = arith.constant 32 : index
      %swap3A_620 = tpu.vector_load %arg24[%swap3A_619] {strides = array<i32>} : memref<80xi32, #tpu.memory_space<vmem>>, vector<16xi32>,
      %swap3A_621 = vector.shape_cast %swap3A_620 : vector<16xi32> to vector<16xi32>
      %swap3A_622 = vector.shape_cast %get3A_618 : vector<16xi32> to vector<16xi32>
      tpu.vector_store %arg24[%swap3A_619], %swap3A_622 {strides = array<i32>} : memref<80xi32, #tpu.memory_space<vmem>>, vector<16xi32>,
      %get3A_623 = arith.constant 272 : index
      %get3A_624 = tpu.vector_load %arg12[%get3A_623] {strides = array<i32>} : memref<320xi32, #tpu.memory_space<vmem>>, vector<16xi32>,
      %get3A_625 = vector.shape_cast %get3A_624 : vector<16xi32> to vector<16xi32>
      %swap3A_626 = arith.constant 32 : index
      %swap3A_627 = tpu.vector_load %arg26[%swap3A_626] {strides = array<i32>} : memref<80xi32, #tpu.memory_space<vmem>>, vector<16xi32>,
      %swap3A_628 = vector.shape_cast %swap3A_627 : vector<16xi32> to vector<16xi32>
      %swap3A_629 = vector.shape_cast %get3A_625 : vector<16xi32> to vector<16xi32>
      tpu.vector_store %arg26[%swap3A_626], %swap3A_629 {strides = array<i32>} : memref<80xi32, #tpu.memory_space<vmem>>, vector<16xi32>,
      %get3A_630 = arith.constant 208 : index
      %get3A_631 = tpu.vector_load %arg12[%get3A_630] {strides = array<i32>} : memref<320xi32, #tpu.memory_space<vmem>>, vector<16xi32>,
      %get3A_632 = vector.shape_cast %get3A_631 : vector<16xi32> to vector<16xi32>
      %add3A_633 = vector.broadcast %mul3A_8 : i32 to vector<16xi32>
      %add3A_634 = arith.addi %get3A_632, %add3A_633 : vector<16xi32>
      %swap3A_635 = arith.constant 48 : index
      %swap3A_636 = tpu.vector_load %arg20[%swap3A_635] {strides = array<i32>} : memref<80xi32, #tpu.memory_space<vmem>>, vector<16xi32>,
      %swap3A_637 = vector.shape_cast %swap3A_636 : vector<16xi32> to vector<16xi32>
      %swap3A_638 = vector.shape_cast %add3A_634 : vector<16xi32> to vector<16xi32>
      tpu.vector_store %arg20[%swap3A_635], %swap3A_638 {strides = array<i32>} : memref<80xi32, #tpu.memory_space<vmem>>, vector<16xi32>,
      %get3A_639 = arith.constant 288 : index
      %get3A_640 = tpu.vector_load %arg12[%get3A_639] {strides = array<i32>} : memref<320xi32, #tpu.memory_space<vmem>>, vector<16xi32>,
      %get3A_641 = vector.shape_cast %get3A_640 : vector<16xi32> to vector<16xi32>
      %add3A_642 = vector.broadcast %mul3A_8 : i32 to vector<16xi32>
      %add3A_643 = arith.addi %get3A_641, %add3A_642 : vector<16xi32>
      %swap3A_644 = arith.constant 48 : index
      %swap3A_645 = tpu.vector_load %arg22[%swap3A_644] {strides = array<i32>} : memref<80xi32, #tpu.memory_space<vmem>>, vector<16xi32>,
      %swap3A_646 = vector.shape_cast %swap3A_645 : vector<16xi32> to vector<16xi32>
      %swap3A_647 = vector.shape_cast %add3A_643 : vector<16xi32> to vector<16xi32>
      tpu.vector_store %arg22[%swap3A_644], %swap3A_647 {strides = array<i32>} : memref<80xi32, #tpu.memory_space<vmem>>, vector<16xi32>,
      %get3A_648 = arith.constant 208 : index
      %get3A_649 = tpu.vector_load %arg12[%get3A_648] {strides = array<i32>} : memref<320xi32, #tpu.memory_space<vmem>>, vector<16xi32>,
      %get3A_650 = vector.shape_cast %get3A_649 : vector<16xi32> to vector<16xi32>
      %swap3A_651 = arith.constant 48 : index
      %swap3A_652 = tpu.vector_load %arg24[%swap3A_651] {strides = array<i32>} : memref<80xi32, #tpu.memory_space<vmem>>, vector<16xi32>,
      %swap3A_653 = vector.shape_cast %swap3A_652 : vector<16xi32> to vector<16xi32>
      %swap3A_654 = vector.shape_cast %get3A_650 : vector<16xi32> to vector<16xi32>
      tpu.vector_store %arg24[%swap3A_651], %swap3A_654 {strides = array<i32>} : memref<80xi32, #tpu.memory_space<vmem>>, vector<16xi32>,
      %get3A_655 = arith.constant 288 : index
      %get3A_656 = tpu.vector_load %arg12[%get3A_655] {strides = array<i32>} : memref<320xi32, #tpu.memory_space<vmem>>, vector<16xi32>,
      %get3A_657 = vector.shape_cast %get3A_656 : vector<16xi32> to vector<16xi32>
      %swap3A_658 = arith.constant 48 : index
      %swap3A_659 = tpu.vector_load %arg26[%swap3A_658] {strides = array<i32>} : memref<80xi32, #tpu.memory_space<vmem>>, vector<16xi32>,
      %swap3A_660 = vector.shape_cast %swap3A_659 : vector<16xi32> to vector<16xi32>
      %swap3A_661 = vector.shape_cast %get3A_657 : vector<16xi32> to vector<16xi32>
      tpu.vector_store %arg26[%swap3A_658], %swap3A_661 {strides = array<i32>} : memref<80xi32, #tpu.memory_space<vmem>>, vector<16xi32>,
      %get3A_662 = arith.constant 224 : index
      %get3A_663 = tpu.vector_load %arg12[%get3A_662] {strides = array<i32>} : memref<320xi32, #tpu.memory_space<vmem>>, vector<16xi32>,
      %get3A_664 = vector.shape_cast %get3A_663 : vector<16xi32> to vector<16xi32>
      %add3A_665 = vector.broadcast %mul3A_8 : i32 to vector<16xi32>
      %add3A_666 = arith.addi %get3A_664, %add3A_665 : vector<16xi32>
      %swap3A_667 = arith.constant 64 : index
      %swap3A_668 = tpu.vector_load %arg20[%swap3A_667] {strides = array<i32>} : memref<80xi32, #tpu.memory_space<vmem>>, vector<16xi32>,
      %swap3A_669 = vector.shape_cast %swap3A_668 : vector<16xi32> to vector<16xi32>
      %swap3A_670 = vector.shape_cast %add3A_666 : vector<16xi32> to vector<16xi32>
      tpu.vector_store %arg20[%swap3A_667], %swap3A_670 {strides = array<i32>} : memref<80xi32, #tpu.memory_space<vmem>>, vector<16xi32>,
      %get3A_671 = arith.constant 304 : index
      %get3A_672 = tpu.vector_load %arg12[%get3A_671] {strides = array<i32>} : memref<320xi32, #tpu.memory_space<vmem>>, vector<16xi32>,
      %get3A_673 = vector.shape_cast %get3A_672 : vector<16xi32> to vector<16xi32>
      %add3A_674 = vector.broadcast %mul3A_8 : i32 to vector<16xi32>
      %add3A_675 = arith.addi %get3A_673, %add3A_674 : vector<16xi32>
      %swap3A_676 = arith.constant 64 : index
      %swap3A_677 = tpu.vector_load %arg22[%swap3A_676] {strides = array<i32>} : memref<80xi32, #tpu.memory_space<vmem>>, vector<16xi32>,
      %swap3A_678 = vector.shape_cast %swap3A_677 : vector<16xi32> to vector<16xi32>
      %swap3A_679 = vector.shape_cast %add3A_675 : vector<16xi32> to vector<16xi32>
      tpu.vector_store %arg22[%swap3A_676], %swap3A_679 {strides = array<i32>} : memref<80xi32, #tpu.memory_space<vmem>>, vector<16xi32>,
      %get3A_680 = arith.constant 224 : index
      %get3A_681 = tpu.vector_load %arg12[%get3A_680] {strides = array<i32>} : memref<320xi32, #tpu.memory_space<vmem>>, vector<16xi32>,
      %get3A_682 = vector.shape_cast %get3A_681 : vector<16xi32> to vector<16xi32>
      %swap3A_683 = arith.constant 64 : index
      %swap3A_684 = tpu.vector_load %arg24[%swap3A_683] {strides = array<i32>} : memref<80xi32, #tpu.memory_space<vmem>>, vector<16xi32>,
      %swap3A_685 = vector.shape_cast %swap3A_684 : vector<16xi32> to vector<16xi32>
      %swap3A_686 = vector.shape_cast %get3A_682 : vector<16xi32> to vector<16xi32>
      tpu.vector_store %arg24[%swap3A_683], %swap3A_686 {strides = array<i32>} : memref<80xi32, #tpu.memory_space<vmem>>, vector<16xi32>,
      %get3A_687 = arith.constant 304 : index
      %get3A_688 = tpu.vector_load %arg12[%get3A_687] {strides = array<i32>} : memref<320xi32, #tpu.memory_space<vmem>>, vector<16xi32>,
      %get3A_689 = vector.shape_cast %get3A_688 : vector<16xi32> to vector<16xi32>
      %swap3A_690 = arith.constant 64 : index
      %swap3A_691 = tpu.vector_load %arg26[%swap3A_690] {strides = array<i32>} : memref<80xi32, #tpu.memory_space<vmem>>, vector<16xi32>,
      %swap3A_692 = vector.shape_cast %swap3A_691 : vector<16xi32> to vector<16xi32>
      %swap3A_693 = vector.shape_cast %get3A_689 : vector<16xi32> to vector<16xi32>
      tpu.vector_store %arg26[%swap3A_690], %swap3A_693 {strides = array<i32>} : memref<80xi32, #tpu.memory_space<vmem>>, vector<16xi32>,
      %dma_start3A_694 = arith.constant 0 : i32
      %dma_start3A_695 = arith.constant 0 : i32
      %dma_start3A_696 = tpu.memref_slice %arg28[%dma_start3A_694, %dma_start3A_695] : memref<160x64xf32, #tpu.memory_space<vmem>> -> memref<80x64xf32, #tpu.memory_space<vmem>>
      %dma_start3A_697 = arith.constant 0 : i32
      %dma_start3A_698 = arith.constant 0 : i32
      %dma_start3A_699 = tpu.memref_slice %arg2[%dma_start3A_697, %dma_start3A_698] : memref<20000x64xf32, #tpu.memory_space<hbm>> -> memref<20000x64xf32, #tpu.memory_space<hbm>>
      tpu.enqueue_indirect_dma source(%dma_start3A_699 : memref<20000x64xf32, #tpu.memory_space<hbm>>) target(%dma_start3A_696 : memref<80x64xf32, #tpu.memory_space<vmem>>) offsets(%arg16 : memref<80xi32, #tpu.memory_space<vmem>>) semaphore(%arg37 : memref<!tpu.dma_semaphore, #tpu.memory_space<semaphore_mem>>)
      %dma_start3A_700 = arith.constant 80 : i32
      %dma_start3A_701 = arith.constant 0 : i32
      %dma_start3A_702 = tpu.memref_slice %arg28[%dma_start3A_700, %dma_start3A_701] : memref<160x64xf32, #tpu.memory_space<vmem>> -> memref<80x64xf32, #tpu.memory_space<vmem>>
      %dma_start3A_703 = arith.constant 0 : i32
      %dma_start3A_704 = arith.constant 0 : i32
      %dma_start3A_705 = tpu.memref_slice %arg2[%dma_start3A_703, %dma_start3A_704] : memref<20000x64xf32, #tpu.memory_space<hbm>> -> memref<20000x64xf32, #tpu.memory_space<hbm>>
      tpu.enqueue_indirect_dma source(%dma_start3A_705 : memref<20000x64xf32, #tpu.memory_space<hbm>>) target(%dma_start3A_702 : memref<80x64xf32, #tpu.memory_space<vmem>>) offsets(%arg18 : memref<80xi32, #tpu.memory_space<vmem>>) semaphore(%arg37 : memref<!tpu.dma_semaphore, #tpu.memory_space<semaphore_mem>>)
      %dma_start3A_706 = arith.constant 0 : i32
      %dma_start3A_707 = arith.constant 0 : i32
      %dma_start3A_708 = tpu.memref_slice %arg30[%dma_start3A_706, %dma_start3A_707] : memref<160x64xf32, #tpu.memory_space<vmem>> -> memref<80x64xf32, #tpu.memory_space<vmem>>
      %dma_start3A_709 = arith.constant 0 : i32
      %dma_start3A_710 = arith.constant 0 : i32
      %dma_start3A_711 = tpu.memref_slice %arg3[%dma_start3A_709, %dma_start3A_710] : memref<20000x64xf32, #tpu.memory_space<hbm>> -> memref<20000x64xf32, #tpu.memory_space<hbm>>
      tpu.enqueue_indirect_dma source(%dma_start3A_711 : memref<20000x64xf32, #tpu.memory_space<hbm>>) target(%dma_start3A_708 : memref<80x64xf32, #tpu.memory_space<vmem>>) offsets(%arg20 : memref<80xi32, #tpu.memory_space<vmem>>) semaphore(%arg39 : memref<!tpu.dma_semaphore, #tpu.memory_space<semaphore_mem>>)
      %dma_start3A_712 = arith.constant 80 : i32
      %dma_start3A_713 = arith.constant 0 : i32
      %dma_start3A_714 = tpu.memref_slice %arg30[%dma_start3A_712, %dma_start3A_713] : memref<160x64xf32, #tpu.memory_space<vmem>> -> memref<80x64xf32, #tpu.memory_space<vmem>>
      %dma_start3A_715 = arith.constant 0 : i32
      %dma_start3A_716 = arith.constant 0 : i32
      %dma_start3A_717 = tpu.memref_slice %arg3[%dma_start3A_715, %dma_start3A_716] : memref<20000x64xf32, #tpu.memory_space<hbm>> -> memref<20000x64xf32, #tpu.memory_space<hbm>>
      tpu.enqueue_indirect_dma source(%dma_start3A_717 : memref<20000x64xf32, #tpu.memory_space<hbm>>) target(%dma_start3A_714 : memref<80x64xf32, #tpu.memory_space<vmem>>) offsets(%arg22 : memref<80xi32, #tpu.memory_space<vmem>>) semaphore(%arg39 : memref<!tpu.dma_semaphore, #tpu.memory_space<semaphore_mem>>)
    } else {
    }
    %dma_wait3A_365 = arith.constant 0 : i32
    %dma_wait3A_366 = arith.constant 0 : i32
    %dma_wait3A_367 = tpu.memref_slice %arg27[%dma_wait3A_365, %dma_wait3A_366] : memref<160x64xf32, #tpu.memory_space<vmem>> -> memref<80x64xf32, #tpu.memory_space<vmem>>
    %dma_wait3A_368 = arith.constant 0 : i32
    %dma_wait3A_369 = arith.constant 0 : i32
    %dma_wait3A_370 = tpu.memref_slice %arg2[%dma_wait3A_368, %dma_wait3A_369] : memref<20000x64xf32, #tpu.memory_space<hbm>> -> memref<20000x64xf32, #tpu.memory_space<hbm>>
    tpu.wait_indirect_dma semaphore(%arg36 : memref<!tpu.dma_semaphore, #tpu.memory_space<semaphore_mem>>) src(%dma_wait3A_370 : memref<20000x64xf32, #tpu.memory_space<hbm>>) dst(%dma_wait3A_367 : memref<80x64xf32, #tpu.memory_space<vmem>>)
    %dma_wait3A_371 = arith.constant 80 : i32
    %dma_wait3A_372 = arith.constant 0 : i32
    %dma_wait3A_373 = tpu.memref_slice %arg27[%dma_wait3A_371, %dma_wait3A_372] : memref<160x64xf32, #tpu.memory_space<vmem>> -> memref<80x64xf32, #tpu.memory_space<vmem>>
    %dma_wait3A_374 = arith.constant 0 : i32
    %dma_wait3A_375 = arith.constant 0 : i32
    %dma_wait3A_376 = tpu.memref_slice %arg2[%dma_wait3A_374, %dma_wait3A_375] : memref<20000x64xf32, #tpu.memory_space<hbm>> -> memref<20000x64xf32, #tpu.memory_space<hbm>>
    tpu.wait_indirect_dma semaphore(%arg36 : memref<!tpu.dma_semaphore, #tpu.memory_space<semaphore_mem>>) src(%dma_wait3A_376 : memref<20000x64xf32, #tpu.memory_space<hbm>>) dst(%dma_wait3A_373 : memref<80x64xf32, #tpu.memory_space<vmem>>)
    %dma_wait3A_377 = arith.constant 0 : i32
    %dma_wait3A_378 = arith.constant 0 : i32
    %dma_wait3A_379 = tpu.memref_slice %arg29[%dma_wait3A_377, %dma_wait3A_378] : memref<160x64xf32, #tpu.memory_space<vmem>> -> memref<80x64xf32, #tpu.memory_space<vmem>>
    %dma_wait3A_380 = arith.constant 0 : i32
    %dma_wait3A_381 = arith.constant 0 : i32
    %dma_wait3A_382 = tpu.memref_slice %arg3[%dma_wait3A_380, %dma_wait3A_381] : memref<20000x64xf32, #tpu.memory_space<hbm>> -> memref<20000x64xf32, #tpu.memory_space<hbm>>
    tpu.wait_indirect_dma semaphore(%arg38 : memref<!tpu.dma_semaphore, #tpu.memory_space<semaphore_mem>>) src(%dma_wait3A_382 : memref<20000x64xf32, #tpu.memory_space<hbm>>) dst(%dma_wait3A_379 : memref<80x64xf32, #tpu.memory_space<vmem>>)
    %dma_wait3A_383 = arith.constant 80 : i32
    %dma_wait3A_384 = arith.constant 0 : i32
    %dma_wait3A_385 = tpu.memref_slice %arg29[%dma_wait3A_383, %dma_wait3A_384] : memref<160x64xf32, #tpu.memory_space<vmem>> -> memref<80x64xf32, #tpu.memory_space<vmem>>
    %dma_wait3A_386 = arith.constant 0 : i32
    %dma_wait3A_387 = arith.constant 0 : i32
    %dma_wait3A_388 = tpu.memref_slice %arg3[%dma_wait3A_386, %dma_wait3A_387] : memref<20000x64xf32, #tpu.memory_space<hbm>> -> memref<20000x64xf32, #tpu.memory_space<hbm>>
    tpu.wait_indirect_dma semaphore(%arg38 : memref<!tpu.dma_semaphore, #tpu.memory_space<semaphore_mem>>) src(%dma_wait3A_388 : memref<20000x64xf32, #tpu.memory_space<hbm>>) dst(%dma_wait3A_385 : memref<80x64xf32, #tpu.memory_space<vmem>>)
    %parallel_loop3A = arith.constant 0 : i32
    %parallel_loop3A_389 = arith.constant 160 : i32
    %parallel_loop3A_390 = arith.constant 1 : i32
    scf.for %parallel_loop3A_436 = %parallel_loop3A to %parallel_loop3A_389 step %parallel_loop3A_390  : i32 {
      %parallel_loop3A_437 = arith.constant -16 : i32
      %parallel_loop3A_438 = arith.andi %parallel_loop3A_436, %parallel_loop3A_437 : i32
      %parallel_loop3A_439 = arith.index_cast %parallel_loop3A_438 : i32 to index
      %parallel_loop3A_440 = tpu.vector_load %arg13[%parallel_loop3A_439] {strides = array<i32>} : memref<160xf32, #tpu.memory_space<vmem>>, vector<16xf32>,
      %parallel_loop3A_441 = vector.shape_cast %parallel_loop3A_440 : vector<16xf32> to vector<16xf32>
      %parallel_loop3A_442 = arith.constant 0 : i32
      %parallel_loop3A_443 = vector.broadcast %parallel_loop3A_442 : i32 to vector<16xi32>
      %parallel_loop3A_444 = arith.constant 15 : i32
      %parallel_loop3A_445 = arith.andi %parallel_loop3A_436, %parallel_loop3A_444 : i32
      %parallel_loop3A_446 = vector.broadcast %parallel_loop3A_445 : i32 to vector<16xi32>
      %parallel_loop3A_447 = arith.addi %parallel_loop3A_443, %parallel_loop3A_446 : vector<16xi32>
      %parallel_loop3A_448 = arith.constant 0 : i32
      %parallel_loop3A_449 = vector.broadcast %parallel_loop3A_448 : i32 to vector<16xi32>
      %parallel_loop3A_450 = arith.cmpi slt, %parallel_loop3A_447, %parallel_loop3A_449 : vector<16xi32>
      %parallel_loop3A_451 = arith.constant 16 : i32
      %parallel_loop3A_452 = vector.broadcast %parallel_loop3A_451 : i32 to vector<16xi32>
      %parallel_loop3A_453 = arith.addi %parallel_loop3A_447, %parallel_loop3A_452 : vector<16xi32>
      %parallel_loop3A_454 = arith.select %parallel_loop3A_450, %parallel_loop3A_453, %parallel_loop3A_447 : vector<16xi1>, vector<16xi32>
      %parallel_loop3A_455 = vector.shape_cast %parallel_loop3A_454 : vector<16xi32> to vector<16x1xi32>
      %parallel_loop3A_456 = vector.shape_cast %parallel_loop3A_455 : vector<16x1xi32> to vector<16xi32>
      %parallel_loop3A_457 = tpu.dynamic_gather %parallel_loop3A_441[%parallel_loop3A_456] in [0] : vector<16xf32>, vector<16xi32> -> vector<16xf32>
      %parallel_loop3A_458 = arith.constant 0.000000e+00 : f32
      %parallel_loop3A_459 = vector.broadcast %parallel_loop3A_458 : f32 to vector<16xf32>
      %parallel_loop3A_460 = arith.maximumf %parallel_loop3A_457, %parallel_loop3A_459 : vector<16xf32>
      %parallel_loop3A_461 = arith.constant 0.000000e+00 : f32
      %parallel_loop3A_462 = vector.broadcast %parallel_loop3A_461 : f32 to vector<16xf32>
      %parallel_loop3A_463 = arith.subf %parallel_loop3A_462, %parallel_loop3A_457 : vector<16xf32>
      %parallel_loop3A_464 = arith.constant 0.000000e+00 : f32
      %parallel_loop3A_465 = vector.broadcast %parallel_loop3A_464 : f32 to vector<16xf32>
      %parallel_loop3A_466 = arith.maximumf %parallel_loop3A_463, %parallel_loop3A_465 : vector<16xf32>
      %parallel_loop3A_467 = arith.index_cast %parallel_loop3A_436 : i32 to index
      %parallel_loop3A_468 = arith.constant 0 : index
      %parallel_loop3A_469 = tpu.vector_load %arg27[%parallel_loop3A_467, %parallel_loop3A_468] {strides = array<i32>} : memref<160x64xf32, #tpu.memory_space<vmem>>, vector<1x16xf32>,
      %parallel_loop3A_470 = vector.shape_cast %parallel_loop3A_469 : vector<1x16xf32> to vector<16xf32>
      %parallel_loop3A_471 = arith.index_cast %parallel_loop3A_436 : i32 to index
      %parallel_loop3A_472 = arith.constant 0 : index
      %parallel_loop3A_473 = tpu.vector_load %arg29[%parallel_loop3A_471, %parallel_loop3A_472] {strides = array<i32>} : memref<160x64xf32, #tpu.memory_space<vmem>>, vector<1x16xf32>,
      %parallel_loop3A_474 = vector.shape_cast %parallel_loop3A_473 : vector<1x16xf32> to vector<16xf32>
      %parallel_loop3A_475 = arith.addf %parallel_loop3A_470, %parallel_loop3A_474 : vector<16xf32>
      %parallel_loop3A_476 = arith.mulf %parallel_loop3A_460, %get3A_18 : vector<16xf32>
      %parallel_loop3A_477 = arith.addf %parallel_loop3A_475, %parallel_loop3A_476 : vector<16xf32>
      %parallel_loop3A_478 = arith.mulf %parallel_loop3A_466, %get3A_38 : vector<16xf32>
      %parallel_loop3A_479 = arith.addf %parallel_loop3A_477, %parallel_loop3A_478 : vector<16xf32>
      %parallel_loop3A_480 = arith.constant 0.000000e+00 : f32
      %parallel_loop3A_481 = vector.broadcast %parallel_loop3A_480 : f32 to vector<16xf32>
      %parallel_loop3A_482 = arith.maximumf %parallel_loop3A_479, %parallel_loop3A_481 : vector<16xf32>
      %parallel_loop3A_483 = arith.index_cast %parallel_loop3A_436 : i32 to index
      %parallel_loop3A_484 = arith.constant 0 : index
      %parallel_loop3A_485 = tpu.vector_load %arg31[%parallel_loop3A_483, %parallel_loop3A_484] {strides = array<i32>} : memref<160x64xf32, #tpu.memory_space<vmem>>, vector<1x16xf32>,
      %parallel_loop3A_486 = vector.shape_cast %parallel_loop3A_485 : vector<1x16xf32> to vector<16xf32>
      %parallel_loop3A_487 = vector.shape_cast %parallel_loop3A_482 : vector<16xf32> to vector<1x16xf32>
      tpu.vector_store %arg31[%parallel_loop3A_483, %parallel_loop3A_484], %parallel_loop3A_487 {strides = array<i32>} : memref<160x64xf32, #tpu.memory_space<vmem>>, vector<1x16xf32>,
      %parallel_loop3A_488 = arith.index_cast %parallel_loop3A_436 : i32 to index
      %parallel_loop3A_489 = arith.constant 16 : index
      %parallel_loop3A_490 = tpu.vector_load %arg27[%parallel_loop3A_488, %parallel_loop3A_489] {strides = array<i32>} : memref<160x64xf32, #tpu.memory_space<vmem>>, vector<1x16xf32>,
      %parallel_loop3A_491 = vector.shape_cast %parallel_loop3A_490 : vector<1x16xf32> to vector<16xf32>
      %parallel_loop3A_492 = arith.index_cast %parallel_loop3A_436 : i32 to index
      %parallel_loop3A_493 = arith.constant 16 : index
      %parallel_loop3A_494 = tpu.vector_load %arg29[%parallel_loop3A_492, %parallel_loop3A_493] {strides = array<i32>} : memref<160x64xf32, #tpu.memory_space<vmem>>, vector<1x16xf32>,
      %parallel_loop3A_495 = vector.shape_cast %parallel_loop3A_494 : vector<1x16xf32> to vector<16xf32>
      %parallel_loop3A_496 = arith.addf %parallel_loop3A_491, %parallel_loop3A_495 : vector<16xf32>
      %parallel_loop3A_497 = arith.mulf %parallel_loop3A_460, %get3A_23 : vector<16xf32>
      %parallel_loop3A_498 = arith.addf %parallel_loop3A_496, %parallel_loop3A_497 : vector<16xf32>
      %parallel_loop3A_499 = arith.mulf %parallel_loop3A_466, %get3A_43 : vector<16xf32>
      %parallel_loop3A_500 = arith.addf %parallel_loop3A_498, %parallel_loop3A_499 : vector<16xf32>
      %parallel_loop3A_501 = arith.constant 0.000000e+00 : f32
      %parallel_loop3A_502 = vector.broadcast %parallel_loop3A_501 : f32 to vector<16xf32>
      %parallel_loop3A_503 = arith.maximumf %parallel_loop3A_500, %parallel_loop3A_502 : vector<16xf32>
      %parallel_loop3A_504 = arith.index_cast %parallel_loop3A_436 : i32 to index
      %parallel_loop3A_505 = arith.constant 16 : index
      %parallel_loop3A_506 = tpu.vector_load %arg31[%parallel_loop3A_504, %parallel_loop3A_505] {strides = array<i32>} : memref<160x64xf32, #tpu.memory_space<vmem>>, vector<1x16xf32>,
      %parallel_loop3A_507 = vector.shape_cast %parallel_loop3A_506 : vector<1x16xf32> to vector<16xf32>
      %parallel_loop3A_508 = vector.shape_cast %parallel_loop3A_503 : vector<16xf32> to vector<1x16xf32>
      tpu.vector_store %arg31[%parallel_loop3A_504, %parallel_loop3A_505], %parallel_loop3A_508 {strides = array<i32>} : memref<160x64xf32, #tpu.memory_space<vmem>>, vector<1x16xf32>,
      %parallel_loop3A_509 = arith.index_cast %parallel_loop3A_436 : i32 to index
      %parallel_loop3A_510 = arith.constant 32 : index
      %parallel_loop3A_511 = tpu.vector_load %arg27[%parallel_loop3A_509, %parallel_loop3A_510] {strides = array<i32>} : memref<160x64xf32, #tpu.memory_space<vmem>>, vector<1x16xf32>,
      %parallel_loop3A_512 = vector.shape_cast %parallel_loop3A_511 : vector<1x16xf32> to vector<16xf32>
      %parallel_loop3A_513 = arith.index_cast %parallel_loop3A_436 : i32 to index
      %parallel_loop3A_514 = arith.constant 32 : index
      %parallel_loop3A_515 = tpu.vector_load %arg29[%parallel_loop3A_513, %parallel_loop3A_514] {strides = array<i32>} : memref<160x64xf32, #tpu.memory_space<vmem>>, vector<1x16xf32>,
      %parallel_loop3A_516 = vector.shape_cast %parallel_loop3A_515 : vector<1x16xf32> to vector<16xf32>
      %parallel_loop3A_517 = arith.addf %parallel_loop3A_512, %parallel_loop3A_516 : vector<16xf32>
      %parallel_loop3A_518 = arith.mulf %parallel_loop3A_460, %get3A_28 : vector<16xf32>
      %parallel_loop3A_519 = arith.addf %parallel_loop3A_517, %parallel_loop3A_518 : vector<16xf32>
      %parallel_loop3A_520 = arith.mulf %parallel_loop3A_466, %get3A_48 : vector<16xf32>
      %parallel_loop3A_521 = arith.addf %parallel_loop3A_519, %parallel_loop3A_520 : vector<16xf32>
      %parallel_loop3A_522 = arith.constant 0.000000e+00 : f32
      %parallel_loop3A_523 = vector.broadcast %parallel_loop3A_522 : f32 to vector<16xf32>
      %parallel_loop3A_524 = arith.maximumf %parallel_loop3A_521, %parallel_loop3A_523 : vector<16xf32>
      %parallel_loop3A_525 = arith.index_cast %parallel_loop3A_436 : i32 to index
      %parallel_loop3A_526 = arith.constant 32 : index
      %parallel_loop3A_527 = tpu.vector_load %arg31[%parallel_loop3A_525, %parallel_loop3A_526] {strides = array<i32>} : memref<160x64xf32, #tpu.memory_space<vmem>>, vector<1x16xf32>,
      %parallel_loop3A_528 = vector.shape_cast %parallel_loop3A_527 : vector<1x16xf32> to vector<16xf32>
      %parallel_loop3A_529 = vector.shape_cast %parallel_loop3A_524 : vector<16xf32> to vector<1x16xf32>
      tpu.vector_store %arg31[%parallel_loop3A_525, %parallel_loop3A_526], %parallel_loop3A_529 {strides = array<i32>} : memref<160x64xf32, #tpu.memory_space<vmem>>, vector<1x16xf32>,
      %parallel_loop3A_530 = arith.index_cast %parallel_loop3A_436 : i32 to index
      %parallel_loop3A_531 = arith.constant 48 : index
      %parallel_loop3A_532 = tpu.vector_load %arg27[%parallel_loop3A_530, %parallel_loop3A_531] {strides = array<i32>} : memref<160x64xf32, #tpu.memory_space<vmem>>, vector<1x16xf32>,
      %parallel_loop3A_533 = vector.shape_cast %parallel_loop3A_532 : vector<1x16xf32> to vector<16xf32>
      %parallel_loop3A_534 = arith.index_cast %parallel_loop3A_436 : i32 to index
      %parallel_loop3A_535 = arith.constant 48 : index
      %parallel_loop3A_536 = tpu.vector_load %arg29[%parallel_loop3A_534, %parallel_loop3A_535] {strides = array<i32>} : memref<160x64xf32, #tpu.memory_space<vmem>>, vector<1x16xf32>,
      %parallel_loop3A_537 = vector.shape_cast %parallel_loop3A_536 : vector<1x16xf32> to vector<16xf32>
      %parallel_loop3A_538 = arith.addf %parallel_loop3A_533, %parallel_loop3A_537 : vector<16xf32>
      %parallel_loop3A_539 = arith.mulf %parallel_loop3A_460, %get3A_33 : vector<16xf32>
      %parallel_loop3A_540 = arith.addf %parallel_loop3A_538, %parallel_loop3A_539 : vector<16xf32>
      %parallel_loop3A_541 = arith.mulf %parallel_loop3A_466, %get3A_53 : vector<16xf32>
      %parallel_loop3A_542 = arith.addf %parallel_loop3A_540, %parallel_loop3A_541 : vector<16xf32>
      %parallel_loop3A_543 = arith.constant 0.000000e+00 : f32
      %parallel_loop3A_544 = vector.broadcast %parallel_loop3A_543 : f32 to vector<16xf32>
      %parallel_loop3A_545 = arith.maximumf %parallel_loop3A_542, %parallel_loop3A_544 : vector<16xf32>
      %parallel_loop3A_546 = arith.index_cast %parallel_loop3A_436 : i32 to index
      %parallel_loop3A_547 = arith.constant 48 : index
      %parallel_loop3A_548 = tpu.vector_load %arg31[%parallel_loop3A_546, %parallel_loop3A_547] {strides = array<i32>} : memref<160x64xf32, #tpu.memory_space<vmem>>, vector<1x16xf32>,
      %parallel_loop3A_549 = vector.shape_cast %parallel_loop3A_548 : vector<1x16xf32> to vector<16xf32>
      %parallel_loop3A_550 = vector.shape_cast %parallel_loop3A_545 : vector<16xf32> to vector<1x16xf32>
      tpu.vector_store %arg31[%parallel_loop3A_546, %parallel_loop3A_547], %parallel_loop3A_550 {strides = array<i32>} : memref<160x64xf32, #tpu.memory_space<vmem>>, vector<1x16xf32>,
    } {sc.loop_unroll_factor = 4 : i64, sc.parallel_access}
    %dma_start3A_391 = arith.constant 0 : i32
    %dma_start3A_392 = arith.constant 0 : i32
    %dma_start3A_393 = tpu.memref_slice %arg31[%dma_start3A_391, %dma_start3A_392] : memref<160x64xf32, #tpu.memory_space<vmem>> -> memref<80x64xf32, #tpu.memory_space<vmem>>
    %dma_start3A_394 = arith.constant 0 : i32
    %dma_start3A_395 = arith.constant 0 : i32
    %dma_start3A_396 = tpu.memref_slice %arg10[%dma_start3A_394, %dma_start3A_395] : memref<10240x64xf32, #tpu.memory_space<vmem_shared>> -> memref<10240x64xf32, #tpu.memory_space<vmem_shared>>
    tpu.enqueue_indirect_dma source(%dma_start3A_393 : memref<80x64xf32, #tpu.memory_space<vmem>>) target(%dma_start3A_396 : memref<10240x64xf32, #tpu.memory_space<vmem_shared>>) offsets(%arg23 : memref<80xi32, #tpu.memory_space<vmem>>) semaphore(%arg40 : memref<!tpu.dma_semaphore, #tpu.memory_space<semaphore_mem>>) {add = true}
    %dma_start3A_397 = arith.constant 80 : i32
    %dma_start3A_398 = arith.constant 0 : i32
    %dma_start3A_399 = tpu.memref_slice %arg31[%dma_start3A_397, %dma_start3A_398] : memref<160x64xf32, #tpu.memory_space<vmem>> -> memref<80x64xf32, #tpu.memory_space<vmem>>
    %dma_start3A_400 = arith.constant 0 : i32
    %dma_start3A_401 = arith.constant 0 : i32
    %dma_start3A_402 = tpu.memref_slice %arg10[%dma_start3A_400, %dma_start3A_401] : memref<10240x64xf32, #tpu.memory_space<vmem_shared>> -> memref<10240x64xf32, #tpu.memory_space<vmem_shared>>
    tpu.enqueue_indirect_dma source(%dma_start3A_399 : memref<80x64xf32, #tpu.memory_space<vmem>>) target(%dma_start3A_402 : memref<10240x64xf32, #tpu.memory_space<vmem_shared>>) offsets(%arg25 : memref<80xi32, #tpu.memory_space<vmem>>) semaphore(%arg40 : memref<!tpu.dma_semaphore, #tpu.memory_space<semaphore_mem>>) {add = true}
    %add3A_403 = arith.constant 124 : i32
    %add3A_404 = arith.constant 2 : i32
    %add3A_405 = arith.addi %add3A_403, %add3A_404 : i32
    %lt3A_406 = arith.constant 125 : i32
    %lt3A_407 = arith.cmpi slt, %add3A_405, %lt3A_406 : i32
    %convert_element_type3A_408 = arith.extui %lt3A_407 : i1 to i32
    %cond3A_409 = arith.constant 124 : i32
    %cond3A_410 = arith.constant 0 : i32
    %cond3A_411 = arith.cmpi ne, %convert_element_type3A_408, %cond3A_410 : i32
    scf.if %cond3A_411 {
      %add3A_436 = arith.constant 2 : i32
      %add3A_437 = arith.addi %cond3A_409, %add3A_436 : i32
      %mul3A_438 = arith.constant 320 : i32
      %mul3A_439 = arith.muli %add3A_437, %mul3A_438 : i32
      %add3A_440 = arith.addi %mul3A_4, %mul3A_439 : i32
      %dma_start3A_441 = tpu.memref_slice %arg4[%add3A_440] : memref<640000xi32, #tpu.memory_space<hbm>> -> memref<320xi32, #tpu.memory_space<hbm>>
      %dma_start3A_442 = tpu.memref_slice %arg4[%add3A_440] : memref<640000xi32, #tpu.memory_space<hbm>> -> memref<320xi32, #tpu.memory_space<hbm>>
      tpu.enqueue_dma source(%dma_start3A_442 : memref<320xi32, #tpu.memory_space<hbm>>) target(%arg11 : memref<320xi32, #tpu.memory_space<vmem>>) target_semaphore(%arg34 : memref<!tpu.dma_semaphore, #tpu.memory_space<semaphore_mem>>)
      %mul3A_443 = arith.constant 160 : i32
      %mul3A_444 = arith.muli %add3A_437, %mul3A_443 : i32
      %add3A_445 = arith.addi %mul3A_6, %mul3A_444 : i32
      %dma_start3A_446 = tpu.memref_slice %arg5[%add3A_445] : memref<320000xf32, #tpu.memory_space<hbm>> -> memref<160xf32, #tpu.memory_space<hbm>>
      %dma_start3A_447 = tpu.memref_slice %arg5[%add3A_445] : memref<320000xf32, #tpu.memory_space<hbm>> -> memref<160xf32, #tpu.memory_space<hbm>>
      tpu.enqueue_dma source(%dma_start3A_447 : memref<160xf32, #tpu.memory_space<hbm>>) target(%arg13 : memref<160xf32, #tpu.memory_space<vmem>>) target_semaphore(%arg34 : memref<!tpu.dma_semaphore, #tpu.memory_space<semaphore_mem>>)
    } else {
    }
    %dma_wait3A_412 = arith.constant 0 : i32
    %dma_wait3A_413 = arith.constant 0 : i32
    %dma_wait3A_414 = tpu.memref_slice %arg31[%dma_wait3A_412, %dma_wait3A_413] : memref<160x64xf32, #tpu.memory_space<vmem>> -> memref<80x64xf32, #tpu.memory_space<vmem>>
    %dma_wait3A_415 = arith.constant 0 : i32
    %dma_wait3A_416 = arith.constant 0 : i32
    %dma_wait3A_417 = tpu.memref_slice %arg10[%dma_wait3A_415, %dma_wait3A_416] : memref<10240x64xf32, #tpu.memory_space<vmem_shared>> -> memref<10240x64xf32, #tpu.memory_space<vmem_shared>>
    tpu.wait_indirect_dma semaphore(%arg40 : memref<!tpu.dma_semaphore, #tpu.memory_space<semaphore_mem>>) src(%dma_wait3A_414 : memref<80x64xf32, #tpu.memory_space<vmem>>) dst(%dma_wait3A_417 : memref<10240x64xf32, #tpu.memory_space<vmem_shared>>)
    %dma_wait3A_418 = arith.constant 80 : i32
    %dma_wait3A_419 = arith.constant 0 : i32
    %dma_wait3A_420 = tpu.memref_slice %arg31[%dma_wait3A_418, %dma_wait3A_419] : memref<160x64xf32, #tpu.memory_space<vmem>> -> memref<80x64xf32, #tpu.memory_space<vmem>>
    %dma_wait3A_421 = arith.constant 0 : i32
    %dma_wait3A_422 = arith.constant 0 : i32
    %dma_wait3A_423 = tpu.memref_slice %arg10[%dma_wait3A_421, %dma_wait3A_422] : memref<10240x64xf32, #tpu.memory_space<vmem_shared>> -> memref<10240x64xf32, #tpu.memory_space<vmem_shared>>
    tpu.wait_indirect_dma semaphore(%arg40 : memref<!tpu.dma_semaphore, #tpu.memory_space<semaphore_mem>>) src(%dma_wait3A_420 : memref<80x64xf32, #tpu.memory_space<vmem>>) dst(%dma_wait3A_423 : memref<10240x64xf32, #tpu.memory_space<vmem_shared>>)
    %barrier3A_424 = arith.constant 0 : index
    tpu.barrier barrier_id(%barrier3A_424)
    %mul3A_425 = arith.constant 640 : i32
    %mul3A_426 = arith.muli %arg1, %mul3A_425 : i32
    %eq3A = arith.constant 0 : i32
    %eq3A_427 = arith.cmpi eq, %arg0, %eq3A : i32
    %convert_element_type3A_428 = arith.extui %eq3A_427 : i1 to i32
    %cond3A_429 = arith.constant 0 : i32
    %cond3A_430 = arith.cmpi ne, %convert_element_type3A_428, %cond3A_429 : i32
    scf.if %cond3A_430 {
      %mul3A_436 = arith.constant 640 : i32
      %mul3A_437 = arith.muli %arg1, %mul3A_436 : i32
      "tpu.region"() ({
        %run_scoped3A = tpu.sem_alloc : memref<!tpu.dma_semaphore, #tpu.memory_space<semaphore_mem>>
        %dma_start3A_438 = arith.constant 0 : i32
        %dma_start3A_439 = tpu.memref_slice %arg8[%mul3A_437, %dma_start3A_438] : memref<10240x64xf32, #tpu.memory_space<hbm>> -> memref<640x64xf32, #tpu.memory_space<hbm>>
        %dma_start3A_440 = arith.constant 0 : i32
        %dma_start3A_441 = tpu.memref_slice %arg10[%mul3A_426, %dma_start3A_440] : memref<10240x64xf32, #tpu.memory_space<vmem_shared>> -> memref<640x64xf32, #tpu.memory_space<vmem_shared>>
        tpu.enqueue_dma source(%dma_start3A_441 : memref<640x64xf32, #tpu.memory_space<vmem_shared>>) target(%dma_start3A_439 : memref<640x64xf32, #tpu.memory_space<hbm>>) target_semaphore(%run_scoped3A : memref<!tpu.dma_semaphore, #tpu.memory_space<semaphore_mem>>)
        %dma_wait3A_442 = arith.constant 0 : i32
        %dma_wait3A_443 = tpu.memref_slice %arg8[%mul3A_437, %dma_wait3A_442] : memref<10240x64xf32, #tpu.memory_space<hbm>> -> memref<640x64xf32, #tpu.memory_space<hbm>>
        %dma_wait3A_444 = arith.constant 0 : i32
        %dma_wait3A_445 = tpu.memref_slice %arg10[%mul3A_426, %dma_wait3A_444] : memref<10240x64xf32, #tpu.memory_space<vmem_shared>> -> memref<640x64xf32, #tpu.memory_space<vmem_shared>>
        tpu.wait_dma2 semaphore(%run_scoped3A : memref<!tpu.dma_semaphore, #tpu.memory_space<semaphore_mem>>) src(%dma_wait3A_445 : memref<640x64xf32, #tpu.memory_space<vmem_shared>>) dst(%dma_wait3A_443 : memref<640x64xf32, #tpu.memory_space<hbm>>)
        tpu.yield
      }) : () -> ()
    } else {
    }
    %eq3A_431 = arith.constant 1 : i32
    %eq3A_432 = arith.cmpi eq, %arg0, %eq3A_431 : i32
    %convert_element_type3A_433 = arith.extui %eq3A_432 : i1 to i32
    %cond3A_434 = arith.constant 0 : i32
    %cond3A_435 = arith.cmpi ne, %convert_element_type3A_433, %cond3A_434 : i32
    scf.if %cond3A_435 {
      %mul3A_436 = arith.constant 640 : i32
      %mul3A_437 = arith.muli %arg1, %mul3A_436 : i32
      "tpu.region"() ({
        %run_scoped3A = tpu.sem_alloc : memref<!tpu.dma_semaphore, #tpu.memory_space<semaphore_mem>>
        %dma_start3A_438 = arith.constant 0 : i32
        %dma_start3A_439 = tpu.memref_slice %arg9[%mul3A_437, %dma_start3A_438] : memref<10240x64xf32, #tpu.memory_space<hbm>> -> memref<640x64xf32, #tpu.memory_space<hbm>>
        %dma_start3A_440 = arith.constant 0 : i32
        %dma_start3A_441 = tpu.memref_slice %arg10[%mul3A_426, %dma_start3A_440] : memref<10240x64xf32, #tpu.memory_space<vmem_shared>> -> memref<640x64xf32, #tpu.memory_space<vmem_shared>>
        tpu.enqueue_dma source(%dma_start3A_441 : memref<640x64xf32, #tpu.memory_space<vmem_shared>>) target(%dma_start3A_439 : memref<640x64xf32, #tpu.memory_space<hbm>>) target_semaphore(%run_scoped3A : memref<!tpu.dma_semaphore, #tpu.memory_space<semaphore_mem>>)
        %dma_wait3A_442 = arith.constant 0 : i32
        %dma_wait3A_443 = tpu.memref_slice %arg9[%mul3A_437, %dma_wait3A_442] : memref<10240x64xf32, #tpu.memory_space<hbm>> -> memref<640x64xf32, #tpu.memory_space<hbm>>
        %dma_wait3A_444 = arith.constant 0 : i32
        %dma_wait3A_445 = tpu.memref_slice %arg10[%mul3A_426, %dma_wait3A_444] : memref<10240x64xf32, #tpu.memory_space<vmem_shared>> -> memref<640x64xf32, #tpu.memory_space<vmem_shared>>
        tpu.wait_dma2 semaphore(%run_scoped3A : memref<!tpu.dma_semaphore, #tpu.memory_space<semaphore_mem>>) src(%dma_wait3A_445 : memref<640x64xf32, #tpu.memory_space<vmem_shared>>) dst(%dma_wait3A_443 : memref<640x64xf32, #tpu.memory_space<hbm>>)
        tpu.yield
      }) : () -> ()
    } else {
    }
    return
  }
}

module attributes {stable_mosaic.version = 14 : i64} {
  func.func @_enc_body(%arg0: i32, %arg1: memref<1000x1xf32, #tpu.memory_space<vmem>>, %arg2: memref<1000x128xf32, #tpu.memory_space<vmem>>, %arg3: memref<1x128xf32, #tpu.memory_space<vmem>>, %arg4: memref<128x128xf32, #tpu.memory_space<vmem>>, %arg5: memref<1x128xf32, #tpu.memory_space<vmem>>, %arg6: memref<128x128xf32, #tpu.memory_space<vmem>>, %arg7: memref<128x128xf32, #tpu.memory_space<vmem>>, %arg8: memref<128x128xf32, #tpu.memory_space<vmem>>, %arg9: memref<1000x128xf32, #tpu.memory_space<vmem>>, %arg10: memref<2x1000x64xf32, #tpu.memory_space<vmem>>, %arg11: memref<2x1000x64xf32, #tpu.memory_space<vmem>>, %arg12: memref<2x128xf32, #tpu.memory_space<vmem>>) attributes {dimension_semantics = [#tpu.dimension_semantics<arbitrary>], iteration_bounds = array<i64: 10>, scalar_prefetch = 0 : i64, scratch_operands = 0 : i64, tpu.core_type = #tpu.core_type<tc>, window_params = [{transform_indices = @transform_0, window_bounds = array<i64: 1000, 1>}, {transform_indices = @transform_1, window_bounds = array<i64: 1000, 128>}, {pipeline_mode = #tpu.pipeline_mode<synchronous>, transform_indices = @transform_2, window_bounds = array<i64: 1, 128>}, {pipeline_mode = #tpu.pipeline_mode<synchronous>, transform_indices = @transform_3, window_bounds = array<i64: 128, 128>}, {pipeline_mode = #tpu.pipeline_mode<synchronous>, transform_indices = @transform_4, window_bounds = array<i64: 1, 128>}, {pipeline_mode = #tpu.pipeline_mode<synchronous>, transform_indices = @transform_5, window_bounds = array<i64: 128, 128>}, {pipeline_mode = #tpu.pipeline_mode<synchronous>, transform_indices = @transform_6, window_bounds = array<i64: 128, 128>}, {pipeline_mode = #tpu.pipeline_mode<synchronous>, transform_indices = @transform_7, window_bounds = array<i64: 128, 128>}, {transform_indices = @transform_8, window_bounds = array<i64: 1000, 128>}, {transform_indices = @transform_9, window_bounds = array<i64: 2, 1000, 64>}, {transform_indices = @transform_10, window_bounds = array<i64: 2, 1000, 64>}, {pipeline_mode = #tpu.pipeline_mode<synchronous>, transform_indices = @transform_11, window_bounds = array<i64: 2, 128>}]} {
    %get3A = arith.constant 0 : index
    %get3A_0 = arith.constant 0 : index
    %get3A_1 = vector.load %arg1[%get3A, %get3A_0] : memref<1000x1xf32, #tpu.memory_space<vmem>>, vector<1000x1xf32>
    %get3A_2 = arith.constant 0 : index
    %get3A_3 = arith.constant 0 : index
    %get3A_4 = vector.load %arg3[%get3A_2, %get3A_3] : memref<1x128xf32, #tpu.memory_space<vmem>>, vector<1x128xf32>
    %mul3A = vector.broadcast %get3A_1 : vector<1000x1xf32> to vector<1000x128xf32>
    %mul3A_5 = vector.broadcast %get3A_4 : vector<1x128xf32> to vector<1000x128xf32>
    %mul3A_6 = arith.mulf %mul3A, %mul3A_5 : vector<1000x128xf32>
    %get3A_7 = arith.constant 0 : index
    %get3A_8 = arith.constant 0 : index
    %get3A_9 = vector.load %arg2[%get3A_7, %get3A_8] : memref<1000x128xf32, #tpu.memory_space<vmem>>, vector<1000x128xf32>
    %get3A_10 = arith.constant 0 : index
    %get3A_11 = arith.constant 0 : index
    %get3A_12 = vector.load %arg4[%get3A_10, %get3A_11] : memref<128x128xf32, #tpu.memory_space<vmem>>, vector<128x128xf32>
    %dot_general3A = arith.constant dense<0.000000e+00> : vector<1000x128xf32>
    %dot_general3A_13 = tpu.matmul %get3A_9, %get3A_12, %dot_general3A {dimension_numbers = #tpu.dot_dimension_numbers<[1], [0], [0], [1], [0, 0, 1, 1], [], []>, transpose_lhs_hint = false} : vector<1000x128xf32>, vector<128x128xf32>, vector<1000x128xf32> -> vector<1000x128xf32>
    %add3A = arith.addf %mul3A_6, %dot_general3A_13 : vector<1000x128xf32>
    %max3A = arith.constant 0.000000e+00 : f32
    %max3A_14 = vector.broadcast %max3A : f32 to vector<1000x128xf32>
    %max3A_15 = arith.maximumf %add3A, %max3A_14 : vector<1000x128xf32>
    %swap3A = arith.constant 0 : index
    %swap3A_16 = arith.constant 0 : index
    %swap3A_17 = vector.load %arg9[%swap3A, %swap3A_16] : memref<1000x128xf32, #tpu.memory_space<vmem>>, vector<1000x128xf32>
    tpu.vector_store %arg9[%swap3A, %swap3A_16], %max3A_15 {strides = array<i32>} : memref<1000x128xf32, #tpu.memory_space<vmem>>, vector<1000x128xf32>,
    %get3A_18 = arith.constant 0 : index
    %get3A_19 = arith.constant 0 : index
    %get3A_20 = vector.load %arg6[%get3A_18, %get3A_19] : memref<128x128xf32, #tpu.memory_space<vmem>>, vector<128x128xf32>
    %dot_general3A_21 = arith.constant dense<0.000000e+00> : vector<1000x128xf32>
    %dot_general3A_22 = tpu.matmul %max3A_15, %get3A_20, %dot_general3A_21 {dimension_numbers = #tpu.dot_dimension_numbers<[1], [0], [0], [1], [0, 0, 1, 1], [], []>, transpose_lhs_hint = false} : vector<1000x128xf32>, vector<128x128xf32>, vector<1000x128xf32> -> vector<1000x128xf32>
    %get3A_23 = arith.constant 0 : index
    %get3A_24 = arith.constant 0 : index
    %get3A_25 = vector.load %arg7[%get3A_23, %get3A_24] : memref<128x128xf32, #tpu.memory_space<vmem>>, vector<128x128xf32>
    %dot_general3A_26 = arith.constant dense<0.000000e+00> : vector<1000x128xf32>
    %dot_general3A_27 = tpu.matmul %max3A_15, %get3A_25, %dot_general3A_26 {dimension_numbers = #tpu.dot_dimension_numbers<[1], [0], [0], [1], [0, 0, 1, 1], [], []>, transpose_lhs_hint = false} : vector<1000x128xf32>, vector<128x128xf32>, vector<1000x128xf32> -> vector<1000x128xf32>
    %slice3A = vector.extract_strided_slice %dot_general3A_22 {offsets = [0, 0], sizes = [1000, 64], strides = [1, 1]} : vector<1000x128xf32> to vector<1000x64xf32>
    %swap3A_28 = arith.constant 0 : index
    %swap3A_29 = arith.constant 0 : index
    %swap3A_30 = arith.constant 0 : index
    %swap3A_31 = vector.load %arg10[%swap3A_28, %swap3A_29, %swap3A_30] : memref<2x1000x64xf32, #tpu.memory_space<vmem>>, vector<1x1000x64xf32>
    %swap3A_32 = vector.shape_cast %swap3A_31 : vector<1x1000x64xf32> to vector<1000x64xf32>
    %swap3A_33 = vector.shape_cast %slice3A : vector<1000x64xf32> to vector<1x1000x64xf32>
    tpu.vector_store %arg10[%swap3A_28, %swap3A_29, %swap3A_30], %swap3A_33 {strides = array<i32>} : memref<2x1000x64xf32, #tpu.memory_space<vmem>>, vector<1x1000x64xf32>,
    %slice3A_34 = vector.extract_strided_slice %dot_general3A_22 {offsets = [0, 64], sizes = [1000, 64], strides = [1, 1]} : vector<1000x128xf32> to vector<1000x64xf32>
    %swap3A_35 = arith.constant 1 : index
    %swap3A_36 = arith.constant 0 : index
    %swap3A_37 = arith.constant 0 : index
    %swap3A_38 = vector.load %arg10[%swap3A_35, %swap3A_36, %swap3A_37] : memref<2x1000x64xf32, #tpu.memory_space<vmem>>, vector<1x1000x64xf32>
    %swap3A_39 = vector.shape_cast %swap3A_38 : vector<1x1000x64xf32> to vector<1000x64xf32>
    %swap3A_40 = vector.shape_cast %slice3A_34 : vector<1000x64xf32> to vector<1x1000x64xf32>
    tpu.vector_store %arg10[%swap3A_35, %swap3A_36, %swap3A_37], %swap3A_40 {strides = array<i32>} : memref<2x1000x64xf32, #tpu.memory_space<vmem>>, vector<1x1000x64xf32>,
    %slice3A_41 = vector.extract_strided_slice %dot_general3A_27 {offsets = [0, 0], sizes = [1000, 64], strides = [1, 1]} : vector<1000x128xf32> to vector<1000x64xf32>
    %swap3A_42 = arith.constant 0 : index
    %swap3A_43 = arith.constant 0 : index
    %swap3A_44 = arith.constant 0 : index
    %swap3A_45 = vector.load %arg11[%swap3A_42, %swap3A_43, %swap3A_44] : memref<2x1000x64xf32, #tpu.memory_space<vmem>>, vector<1x1000x64xf32>
    %swap3A_46 = vector.shape_cast %swap3A_45 : vector<1x1000x64xf32> to vector<1000x64xf32>
    %swap3A_47 = vector.shape_cast %slice3A_41 : vector<1000x64xf32> to vector<1x1000x64xf32>
    tpu.vector_store %arg11[%swap3A_42, %swap3A_43, %swap3A_44], %swap3A_47 {strides = array<i32>} : memref<2x1000x64xf32, #tpu.memory_space<vmem>>, vector<1x1000x64xf32>,
    %slice3A_48 = vector.extract_strided_slice %dot_general3A_27 {offsets = [0, 64], sizes = [1000, 64], strides = [1, 1]} : vector<1000x128xf32> to vector<1000x64xf32>
    %swap3A_49 = arith.constant 1 : index
    %swap3A_50 = arith.constant 0 : index
    %swap3A_51 = arith.constant 0 : index
    %swap3A_52 = vector.load %arg11[%swap3A_49, %swap3A_50, %swap3A_51] : memref<2x1000x64xf32, #tpu.memory_space<vmem>>, vector<1x1000x64xf32>
    %swap3A_53 = vector.shape_cast %swap3A_52 : vector<1x1000x64xf32> to vector<1000x64xf32>
    %swap3A_54 = vector.shape_cast %slice3A_48 : vector<1000x64xf32> to vector<1x1000x64xf32>
    tpu.vector_store %arg11[%swap3A_49, %swap3A_50, %swap3A_51], %swap3A_54 {strides = array<i32>} : memref<2x1000x64xf32, #tpu.memory_space<vmem>>, vector<1x1000x64xf32>,
    %get3A_55 = arith.constant 0 : index
    %get3A_56 = arith.constant 0 : index
    %get3A_57 = vector.load %arg5[%get3A_55, %get3A_56] : memref<1x128xf32, #tpu.memory_space<vmem>>, vector<1x128xf32>
    %max3A_58 = arith.constant 0.000000e+00 : f32
    %max3A_59 = vector.broadcast %max3A_58 : f32 to vector<1x128xf32>
    %max3A_60 = arith.maximumf %get3A_57, %max3A_59 : vector<1x128xf32>
    %get3A_61 = arith.constant 0 : index
    %get3A_62 = arith.constant 0 : index
    %get3A_63 = vector.load %arg5[%get3A_61, %get3A_62] : memref<1x128xf32, #tpu.memory_space<vmem>>, vector<1x128xf32>
    %neg3A = arith.constant 0.000000e+00 : f32
    %neg3A_64 = vector.broadcast %neg3A : f32 to vector<1x128xf32>
    %neg3A_65 = arith.subf %neg3A_64, %get3A_63 : vector<1x128xf32>
    %max3A_66 = arith.constant 0.000000e+00 : f32
    %max3A_67 = vector.broadcast %max3A_66 : f32 to vector<1x128xf32>
    %max3A_68 = arith.maximumf %neg3A_65, %max3A_67 : vector<1x128xf32>
    %get3A_69 = arith.constant 0 : index
    %get3A_70 = arith.constant 0 : index
    %get3A_71 = vector.load %arg8[%get3A_69, %get3A_70] : memref<128x128xf32, #tpu.memory_space<vmem>>, vector<128x128xf32>
    %dot_general3A_72 = arith.constant dense<0.000000e+00> : vector<1x128xf32>
    %dot_general3A_73 = tpu.matmul %max3A_60, %get3A_71, %dot_general3A_72 {dimension_numbers = #tpu.dot_dimension_numbers<[1], [0], [0], [1], [0, 0, 1, 1], [], []>, transpose_lhs_hint = false} : vector<1x128xf32>, vector<128x128xf32>, vector<1x128xf32> -> vector<1x128xf32>
    %get3A_74 = arith.constant 0 : index
    %get3A_75 = arith.constant 0 : index
    %get3A_76 = vector.load %arg8[%get3A_74, %get3A_75] : memref<128x128xf32, #tpu.memory_space<vmem>>, vector<128x128xf32>
    %dot_general3A_77 = arith.constant dense<0.000000e+00> : vector<1x128xf32>
    %dot_general3A_78 = tpu.matmul %max3A_68, %get3A_76, %dot_general3A_77 {dimension_numbers = #tpu.dot_dimension_numbers<[1], [0], [0], [1], [0, 0, 1, 1], [], []>, transpose_lhs_hint = false} : vector<1x128xf32>, vector<128x128xf32>, vector<1x128xf32> -> vector<1x128xf32>
    %concatenate3A = tpu.concatenate %dot_general3A_73, %dot_general3A_78 in 0 : vector<1x128xf32>, vector<1x128xf32> -> vector<2x128xf32>
    %swap3A_79 = arith.constant 0 : index
    %swap3A_80 = arith.constant 0 : index
    %swap3A_81 = vector.load %arg12[%swap3A_79, %swap3A_80] : memref<2x128xf32, #tpu.memory_space<vmem>>, vector<2x128xf32>
    tpu.vector_store %arg12[%swap3A_79, %swap3A_80], %concatenate3A {strides = array<i32>} : memref<2x128xf32, #tpu.memory_space<vmem>>, vector<2x128xf32>,
    return
  }
  func.func @transform_0(%arg0: i32) -> (i32, i32) {
    %c0_i32 = arith.constant 0 : i32
    %c0_i32_0 = arith.constant 0 : i32
    return %arg0, %c0_i32 : i32, i32
  }
  func.func @transform_1(%arg0: i32) -> (i32, i32) {
    %c0_i32 = arith.constant 0 : i32
    %c0_i32_0 = arith.constant 0 : i32
    return %arg0, %c0_i32 : i32, i32
  }
  func.func @transform_2(%arg0: i32) -> (i32, i32) {
    %c0_i32 = arith.constant 0 : i32
    %c0_i32_0 = arith.constant 0 : i32
    %c0_i32_1 = arith.constant 0 : i32
    return %c0_i32, %c0_i32_0 : i32, i32
  }
  func.func @transform_3(%arg0: i32) -> (i32, i32) {
    %c0_i32 = arith.constant 0 : i32
    %c0_i32_0 = arith.constant 0 : i32
    %c0_i32_1 = arith.constant 0 : i32
    return %c0_i32, %c0_i32_0 : i32, i32
  }
  func.func @transform_4(%arg0: i32) -> (i32, i32) {
    %c0_i32 = arith.constant 0 : i32
    %c0_i32_0 = arith.constant 0 : i32
    %c0_i32_1 = arith.constant 0 : i32
    return %c0_i32, %c0_i32_0 : i32, i32
  }
  func.func @transform_5(%arg0: i32) -> (i32, i32) {
    %c0_i32 = arith.constant 0 : i32
    %c0_i32_0 = arith.constant 0 : i32
    %c0_i32_1 = arith.constant 0 : i32
    return %c0_i32, %c0_i32_0 : i32, i32
  }
  func.func @transform_6(%arg0: i32) -> (i32, i32) {
    %c0_i32 = arith.constant 0 : i32
    %c0_i32_0 = arith.constant 0 : i32
    %c0_i32_1 = arith.constant 0 : i32
    return %c0_i32, %c0_i32_0 : i32, i32
  }
  func.func @transform_7(%arg0: i32) -> (i32, i32) {
    %c0_i32 = arith.constant 0 : i32
    %c0_i32_0 = arith.constant 0 : i32
    %c0_i32_1 = arith.constant 0 : i32
    return %c0_i32, %c0_i32_0 : i32, i32
  }
  func.func @transform_8(%arg0: i32) -> (i32, i32) {
    %c0_i32 = arith.constant 0 : i32
    %c0_i32_0 = arith.constant 0 : i32
    return %arg0, %c0_i32 : i32, i32
  }
  func.func @transform_9(%arg0: i32) -> (i32, i32, i32) {
    %c0_i32 = arith.constant 0 : i32
    %c0_i32_0 = arith.constant 0 : i32
    %c0_i32_1 = arith.constant 0 : i32
    return %c0_i32, %arg0, %c0_i32_0 : i32, i32, i32
  }
  func.func @transform_10(%arg0: i32) -> (i32, i32, i32) {
    %c0_i32 = arith.constant 0 : i32
    %c0_i32_0 = arith.constant 0 : i32
    %c0_i32_1 = arith.constant 0 : i32
    return %c0_i32, %arg0, %c0_i32_0 : i32, i32, i32
  }
  func.func @transform_11(%arg0: i32) -> (i32, i32) {
    %c0_i32 = arith.constant 0 : i32
    %c0_i32_0 = arith.constant 0 : i32
    %c0_i32_1 = arith.constant 0 : i32
    return %c0_i32, %c0_i32_0 : i32, i32
  }
}

module attributes {stable_mosaic.version = 14 : i64} {
  func.func @_dec_body(%arg0: i32, %arg1: memref<1000x128xf32, #tpu.memory_space<vmem>>, %arg2: memref<1000x64xf32, #tpu.memory_space<vmem>>, %arg3: memref<1000x64xf32, #tpu.memory_space<vmem>>, %arg4: memref<128x128xf32, #tpu.memory_space<vmem>>, %arg5: memref<64x128xf32, #tpu.memory_space<vmem>>, %arg6: memref<64x128xf32, #tpu.memory_space<vmem>>, %arg7: memref<128x128xf32, #tpu.memory_space<vmem>>, %arg8: memref<128x128xf32, #tpu.memory_space<vmem>>, %arg9: memref<128x128xf32, #tpu.memory_space<vmem>>, %arg10: memref<1000x128xf32, #tpu.memory_space<vmem>>) attributes {dimension_semantics = [#tpu.dimension_semantics<arbitrary>], iteration_bounds = array<i64: 10>, scalar_prefetch = 0 : i64, scratch_operands = 0 : i64, tpu.core_type = #tpu.core_type<tc>, window_params = [{transform_indices = @transform_0, window_bounds = array<i64: 1000, 128>}, {transform_indices = @transform_1, window_bounds = array<i64: 1000, 64>}, {transform_indices = @transform_2, window_bounds = array<i64: 1000, 64>}, {pipeline_mode = #tpu.pipeline_mode<synchronous>, transform_indices = @transform_3, window_bounds = array<i64: 128, 128>}, {pipeline_mode = #tpu.pipeline_mode<synchronous>, transform_indices = @transform_4, window_bounds = array<i64: 64, 128>}, {pipeline_mode = #tpu.pipeline_mode<synchronous>, transform_indices = @transform_5, window_bounds = array<i64: 64, 128>}, {pipeline_mode = #tpu.pipeline_mode<synchronous>, transform_indices = @transform_6, window_bounds = array<i64: 128, 128>}, {pipeline_mode = #tpu.pipeline_mode<synchronous>, transform_indices = @transform_7, window_bounds = array<i64: 128, 128>}, {pipeline_mode = #tpu.pipeline_mode<synchronous>, transform_indices = @transform_8, window_bounds = array<i64: 128, 128>}, {transform_indices = @transform_9, window_bounds = array<i64: 1000, 128>}]} {
    %get3A = arith.constant 0 : index
    %get3A_0 = arith.constant 0 : index
    %get3A_1 = vector.load %arg1[%get3A, %get3A_0] : memref<1000x128xf32, #tpu.memory_space<vmem>>, vector<1000x128xf32>
    %get3A_2 = arith.constant 0 : index
    %get3A_3 = arith.constant 0 : index
    %get3A_4 = vector.load %arg4[%get3A_2, %get3A_3] : memref<128x128xf32, #tpu.memory_space<vmem>>, vector<128x128xf32>
    %dot_general3A = arith.constant dense<0.000000e+00> : vector<1000x128xf32>
    %dot_general3A_5 = tpu.matmul %get3A_1, %get3A_4, %dot_general3A {dimension_numbers = #tpu.dot_dimension_numbers<[1], [0], [0], [1], [0, 0, 1, 1], [], []>, transpose_lhs_hint = false} : vector<1000x128xf32>, vector<128x128xf32>, vector<1000x128xf32> -> vector<1000x128xf32>
    %get3A_6 = arith.constant 0 : index
    %get3A_7 = arith.constant 0 : index
    %get3A_8 = vector.load %arg2[%get3A_6, %get3A_7] : memref<1000x64xf32, #tpu.memory_space<vmem>>, vector<1000x64xf32>
    %get3A_9 = arith.constant 0 : index
    %get3A_10 = arith.constant 0 : index
    %get3A_11 = vector.load %arg5[%get3A_9, %get3A_10] : memref<64x128xf32, #tpu.memory_space<vmem>>, vector<64x128xf32>
    %dot_general3A_12 = arith.constant dense<0.000000e+00> : vector<1000x128xf32>
    %dot_general3A_13 = tpu.matmul %get3A_8, %get3A_11, %dot_general3A_12 {dimension_numbers = #tpu.dot_dimension_numbers<[1], [0], [0], [1], [0, 0, 1, 1], [], []>, transpose_lhs_hint = false} : vector<1000x64xf32>, vector<64x128xf32>, vector<1000x128xf32> -> vector<1000x128xf32>
    %add3A = arith.addf %dot_general3A_5, %dot_general3A_13 : vector<1000x128xf32>
    %get3A_14 = arith.constant 0 : index
    %get3A_15 = arith.constant 0 : index
    %get3A_16 = vector.load %arg3[%get3A_14, %get3A_15] : memref<1000x64xf32, #tpu.memory_space<vmem>>, vector<1000x64xf32>
    %get3A_17 = arith.constant 0 : index
    %get3A_18 = arith.constant 0 : index
    %get3A_19 = vector.load %arg6[%get3A_17, %get3A_18] : memref<64x128xf32, #tpu.memory_space<vmem>>, vector<64x128xf32>
    %dot_general3A_20 = arith.constant dense<0.000000e+00> : vector<1000x128xf32>
    %dot_general3A_21 = tpu.matmul %get3A_16, %get3A_19, %dot_general3A_20 {dimension_numbers = #tpu.dot_dimension_numbers<[1], [0], [0], [1], [0, 0, 1, 1], [], []>, transpose_lhs_hint = false} : vector<1000x64xf32>, vector<64x128xf32>, vector<1000x128xf32> -> vector<1000x128xf32>
    %add3A_22 = arith.addf %add3A, %dot_general3A_21 : vector<1000x128xf32>
    %max3A = arith.constant 0.000000e+00 : f32
    %max3A_23 = vector.broadcast %max3A : f32 to vector<1000x128xf32>
    %max3A_24 = arith.maximumf %add3A_22, %max3A_23 : vector<1000x128xf32>
    %get3A_25 = arith.constant 0 : index
    %get3A_26 = arith.constant 0 : index
    %get3A_27 = vector.load %arg7[%get3A_25, %get3A_26] : memref<128x128xf32, #tpu.memory_space<vmem>>, vector<128x128xf32>
    %dot_general3A_28 = arith.constant dense<0.000000e+00> : vector<1000x128xf32>
    %dot_general3A_29 = tpu.matmul %get3A_1, %get3A_27, %dot_general3A_28 {dimension_numbers = #tpu.dot_dimension_numbers<[1], [0], [0], [1], [0, 0, 1, 1], [], []>, transpose_lhs_hint = false} : vector<1000x128xf32>, vector<128x128xf32>, vector<1000x128xf32> -> vector<1000x128xf32>
    %get3A_30 = arith.constant 0 : index
    %get3A_31 = arith.constant 0 : index
    %get3A_32 = vector.load %arg8[%get3A_30, %get3A_31] : memref<128x128xf32, #tpu.memory_space<vmem>>, vector<128x128xf32>
    %dot_general3A_33 = arith.constant dense<0.000000e+00> : vector<1000x128xf32>
    %dot_general3A_34 = tpu.matmul %max3A_24, %get3A_32, %dot_general3A_33 {dimension_numbers = #tpu.dot_dimension_numbers<[1], [0], [0], [1], [0, 0, 1, 1], [], []>, transpose_lhs_hint = false} : vector<1000x128xf32>, vector<128x128xf32>, vector<1000x128xf32> -> vector<1000x128xf32>
    %add3A_35 = arith.addf %dot_general3A_29, %dot_general3A_34 : vector<1000x128xf32>
    %max3A_36 = arith.constant 0.000000e+00 : f32
    %max3A_37 = vector.broadcast %max3A_36 : f32 to vector<1000x128xf32>
    %max3A_38 = arith.maximumf %add3A_35, %max3A_37 : vector<1000x128xf32>
    %get3A_39 = arith.constant 0 : index
    %get3A_40 = arith.constant 0 : index
    %get3A_41 = vector.load %arg9[%get3A_39, %get3A_40] : memref<128x128xf32, #tpu.memory_space<vmem>>, vector<128x128xf32>
    %dot_general3A_42 = arith.constant dense<0.000000e+00> : vector<1000x128xf32>
    %dot_general3A_43 = tpu.matmul %max3A_38, %get3A_41, %dot_general3A_42 {dimension_numbers = #tpu.dot_dimension_numbers<[1], [0], [0], [1], [0, 0, 1, 1], [], []>, transpose_lhs_hint = false} : vector<1000x128xf32>, vector<128x128xf32>, vector<1000x128xf32> -> vector<1000x128xf32>
    %swap3A = arith.constant 0 : index
    %swap3A_44 = arith.constant 0 : index
    %swap3A_45 = vector.load %arg10[%swap3A, %swap3A_44] : memref<1000x128xf32, #tpu.memory_space<vmem>>, vector<1000x128xf32>
    tpu.vector_store %arg10[%swap3A, %swap3A_44], %dot_general3A_43 {strides = array<i32>} : memref<1000x128xf32, #tpu.memory_space<vmem>>, vector<1000x128xf32>,
    return
  }
  func.func @transform_0(%arg0: i32) -> (i32, i32) {
    %c0_i32 = arith.constant 0 : i32
    %c0_i32_0 = arith.constant 0 : i32
    return %arg0, %c0_i32 : i32, i32
  }
  func.func @transform_1(%arg0: i32) -> (i32, i32) {
    %c0_i32 = arith.constant 0 : i32
    %c0_i32_0 = arith.constant 0 : i32
    return %arg0, %c0_i32 : i32, i32
  }
  func.func @transform_2(%arg0: i32) -> (i32, i32) {
    %c0_i32 = arith.constant 0 : i32
    %c0_i32_0 = arith.constant 0 : i32
    return %arg0, %c0_i32 : i32, i32
  }
  func.func @transform_3(%arg0: i32) -> (i32, i32) {
    %c0_i32 = arith.constant 0 : i32
    %c0_i32_0 = arith.constant 0 : i32
    %c0_i32_1 = arith.constant 0 : i32
    return %c0_i32, %c0_i32_0 : i32, i32
  }
  func.func @transform_4(%arg0: i32) -> (i32, i32) {
    %c0_i32 = arith.constant 0 : i32
    %c0_i32_0 = arith.constant 0 : i32
    %c0_i32_1 = arith.constant 0 : i32
    return %c0_i32, %c0_i32_0 : i32, i32
  }
  func.func @transform_5(%arg0: i32) -> (i32, i32) {
    %c0_i32 = arith.constant 0 : i32
    %c0_i32_0 = arith.constant 0 : i32
    %c0_i32_1 = arith.constant 0 : i32
    return %c0_i32, %c0_i32_0 : i32, i32
  }
  func.func @transform_6(%arg0: i32) -> (i32, i32) {
    %c0_i32 = arith.constant 0 : i32
    %c0_i32_0 = arith.constant 0 : i32
    %c0_i32_1 = arith.constant 0 : i32
    return %c0_i32, %c0_i32_0 : i32, i32
  }
  func.func @transform_7(%arg0: i32) -> (i32, i32) {
    %c0_i32 = arith.constant 0 : i32
    %c0_i32_0 = arith.constant 0 : i32
    %c0_i32_1 = arith.constant 0 : i32
    return %c0_i32, %c0_i32_0 : i32, i32
  }
  func.func @transform_8(%arg0: i32) -> (i32, i32) {
    %c0_i32 = arith.constant 0 : i32
    %c0_i32_0 = arith.constant 0 : i32
    %c0_i32_1 = arith.constant 0 : i32
    return %c0_i32, %c0_i32_0 : i32, i32
  }
  func.func @transform_9(%arg0: i32) -> (i32, i32) {
    %c0_i32 = arith.constant 0 : i32
    %c0_i32_0 = arith.constant 0 : i32
    return %arg0, %c0_i32 : i32, i32
  }
}

</mosaic_0001>

<sc_bundles>
// kernel: kernel.5.cloned.1.call-start
scs
__scs_entry_jumppad:
0x0: {  	(pc) =	sbr.rel $0x88, $3  }
0x1: {  	(tag) =	ssettag $0x0;
	lr =	simm.s32 $0x1  }
0x2: {  	[smem:$0x3F97] =	sst lr;
	_ =	strace $0xD0000000  }
0x3: {  	_ = 	snop  }
0x4: {  	_ = 	snop  }
0x5: {  	_ = 	snop  }
0x6: {  	_ = 	snop  }
0x7: {  	_ = 	snop  }
__scs_overlays_trampoline_lowered:
0x8: {  	[smem:$0x3FA6] =	sst s0  }
0x9: {  	[smem:$0x3FA7] =	sst s1  }
0xa: {  	[smem:$0x3FA8] =	sst s2  }
0xb: {  	[smem:$0x3FA9] =	sst s3  }
0xc: {  	[smem:$0x3FAA] =	sst s4  }
0xd: {  	[smem:$0x3FAB] =	sst s5  }
0xe: {  	[smem:$0x3FAC] =	sst s6  }
0xf: {  	[smem:$0x3FAD] =	sst s7  }
0x10: {  	[smem:$0x3FAE] =	sst s8  }
0x11: {  	[smem:$0x3FAF] =	sst s9;
	s0 =	simm.s32 @!p0 $0x0  }
0x12: {  	s1 =	sld [smem:$0x3F95];
	s0 =	simm.s32 @p0 $0x1  }
0x13: {  	[smem:$0x3FB0] =	sst s0;
	s0 =	simm.s32 @!p1 $0x0  }
0x14: {  	s2 =	sld [smem:$0x3F94];
	s0 =	simm.s32 @p1 $0x1  }
0x15: {  	[smem:$0x3FB1] =	sst s0;
	s0 =	simm.s32 @!p2 $0x0  }
0x16: {  	s3 =	sld [smem:$0x3FDB];
	s0 =	simm.s32 @p2 $0x1  }
0x17: {  	s4 =	simm.s32 $0x1BF5;
	[smem:$0x3FB3] =	sst s0  }
0x18: {  	s0 =	sld [smem:$0x3F96];
	_ =	swait.ge [sflag:s4], $0x0  }
0x19: {  	s7 =	sld [smem:$0x3F97]  }
0x1a: {  	s8 =	sadd.s32 $0xFFFFE003, lr  }
0x1b: {  	s9 =	sadd.s32 $0xFFFFFEF7, lr;
	s5 =	simm.s32 $0xFFFFFFFF;
	p2 =	slt.u32 s8, $0xFFFFF086  }
0x1c: {  	p1 =	slt.u32 s9, $0xF7A;
	s5 =	simm.s32 @!p2 $0x0  }
0x1d: {  	s5 =	simm.s32 @p1 $0x1;
	p0 =	seq.s32 s7, s2  }
0x1e: {  	s7 =	smul.u32 @!p0 $0xF7A, s2;
	p2 =	seq.s32 @!p0 s5, $0x0  }
0x1f: {  	s9 =	smul.u32 $0xF7A, s1;
	s8 =	simm.s32 @!p0 $0x1BF5;
	p2 =	por !p2, p0  }
0x20: {  	[sflag:s8] =	ssyncset.s32 @!p0 $0xFFFFF086;
	s6 =	sadd.s32 @!p0 s3, s7;
	s7 =	simm.s32 @!p0 $0x108  }
0x21: {  	s3 =	sadd.s32 s3, s9;
	s6 =	sadd.s32 @!p0 $0x88, s6;
	s7 =	simm.s32 @p2 $0x1082  }
0x22: {  	[simem:s7], [sflag:s8] =	dma.local @!p0 [hbm:s6], $0xF7A  }
0x23: {  	s9 =	sor.u32 $0xD0000000, s2;
	s6 =	simm.s32 $0x108;
	_ =	swait.ge @!p0 [sflag:s8], $0x0  }
0x24: {  	s3 =	sadd.s32 $0x88, s3;
	s6 =	simm.s32 @!p1 $0x1082;
	[sflag:s4] =	ssyncset.s32 $0xFFFFF086  }
0x25: {  	[simem:s6], [sflag:s4] =	dma.local [hbm:s3], $0xF7A  }
0x26: {  	[smem:$0x3F97] =	sst s1;
	(tag) =	ssettag s2;
	_ =	strace s9  }
0x27: {  	s1 =	sld [smem:$0x3FA7]  }
0x28: {  	s2 =	sld [smem:$0x3FA8]  }
0x29: {  	s4 =	sld [smem:$0x3FAA]  }
0x2a: {  	p0 =	seq.s32 s5, $0x0;
	s5 =	sld [smem:$0x3FAB]  }
0x2b: {  	s6 =	sld [smem:$0x3FAC]  }
0x2c: {  	s7 =	sld [smem:$0x3FAD]  }
0x2d: {  	s3 =	simm.s32 $0x108;
	s8 =	sld [smem:$0x3FAE]  }
0x2e: {  	s3 =	simm.s32 @!p0 $0x1082;
	s9 =	sld [smem:$0x3FAF]  }
0x2f: {  	lr =	sadd.s32 s0, s3;
	s0 =	sld [smem:$0x3FA6]  }
0x30: {  	s3 =	sld [smem:$0x3FA9]  }
0x31: {  	[smem:$0x3FB2] =	sst s10  }
0x32: {  	s10 =	sld [smem:$0x3FB0];
	_ =	sdelay $0x3  }
0x33: {  	p0 =	seq.s32 s10, $0x1;
	s10 =	sld [smem:$0x3FB2];
	_ =	sdelay $0x3  }
0x34: {  	[smem:$0x3FB2] =	sst s10  }
0x35: {  	s10 =	sld [smem:$0x3FB1];
	_ =	sdelay $0x3  }
0x36: {  	p1 =	seq.s32 s10, $0x1;
	s10 =	sld [smem:$0x3FB2];
	_ =	sdelay $0x3  }
0x37: {  	[smem:$0x3FB2] =	sst s10  }
0x38: {  	s10 =	sld [smem:$0x3FB3]  }
0x39: {  	_ = 	snop;
	(pc) =	sbr.ind lr, $3  }
0x3a: {  	_ = 	snop  }
0x3b: {  	_ = 	snop  }
0x3c: {  	p2 =	seq.s32 s10, $0x1;
	s10 =	sld [smem:$0x3FB2]  }
0x3d: {  	_ =	shalt  }
0x3e: {  	_ =	shalt  }
0x3f: {  	_ =	shalt  }
0x40: {  	_ =	shalt  }
0x41: {  	_ =	shalt  }
0x42: {  	_ =	shalt  }
0x43: {  	_ =	shalt  }
0x44: {  	_ =	shalt  }
0x45: {  	_ =	shalt  }
0x46: {  	_ =	shalt  }
0x47: {  	_ =	shalt  }
0x48: {  	_ =	shalt  }
0x49: {  	_ =	shalt  }
0x4a: {  	_ =	shalt  }
0x4b: {  	_ =	shalt  }
0x4c: {  	_ =	shalt  }
0x4d: {  	_ =	shalt  }
0x4e: {  	_ =	shalt  }
0x4f: {  	_ =	shalt  }
0x50: {  	_ =	shalt  }
0x51: {  	_ =	shalt  }
0x52: {  	_ =	shalt  }
0x53: {  	_ =	shalt  }
0x54: {  	_ =	shalt  }
0x55: {  	_ =	shalt  }
0x56: {  	_ =	shalt  }
0x57: {  	_ =	shalt  }
0x58: {  	_ =	shalt  }
0x59: {  	_ =	shalt  }
0x5a: {  	_ =	shalt  }
0x5b: {  	_ =	shalt  }
0x5c: {  	_ =	shalt  }
0x5d: {  	_ =	shalt  }
0x5e: {  	_ =	shalt  }
0x5f: {  	_ =	shalt  }
0x60: {  	_ =	shalt  }
0x61: {  	_ =	shalt  }
0x62: {  	_ =	shalt  }
0x63: {  	_ =	shalt  }
0x64: {  	_ =	shalt  }
0x65: {  	_ =	shalt  }
0x66: {  	_ =	shalt  }
0x67: {  	_ =	shalt  }
0x68: {  	_ =	shalt  }
0x69: {  	_ =	shalt  }
0x6a: {  	_ =	shalt  }
0x6b: {  	_ =	shalt  }
0x6c: {  	_ =	shalt  }
0x6d: {  	_ =	shalt  }
0x6e: {  	_ =	shalt  }
0x6f: {  	_ =	shalt  }
0x70: {  	_ =	shalt  }
0x71: {  	_ =	shalt  }
0x72: {  	_ =	shalt  }
0x73: {  	_ =	shalt  }
0x74: {  	_ =	shalt  }
0x75: {  	_ =	shalt  }
0x76: {  	_ =	shalt  }
0x77: {  	_ =	shalt  }
0x78: {  	_ =	shalt  }
0x79: {  	_ =	shalt  }
0x7a: {  	_ =	shalt  }
0x7b: {  	_ =	shalt  }
0x7c: {  	_ =	shalt  }
0x7d: {  	_ =	shalt  }
0x7e: {  	_ =	shalt  }
0x7f: {  	_ =	shalt  }
0x80: {  	_ =	shalt  }
0x81: {  	_ =	shalt  }
0x82: {  	_ =	shalt  }
0x83: {  	_ =	shalt  }
0x84: {  	_ =	shalt  }
0x85: {  	_ =	shalt  }
0x86: {  	_ =	shalt  }
0x87: {  	_ =	shalt  }
.Lfunc_end0:
.L_simem_size_0:
called_computation_lowered:
.L_overlay_start_0:
0x88: {  	s2 =	sld [smem:$0x3FD9]  }
0x89: {  	s3 =	sld [smem:$0x3FFE];
	_ =	sdelay $0x1  }
0x8a: {  	s1 =	srdreg.scid  }
0x8b: {  	s0 =	sand.u32 $0x1, s1  }
0x8c: {  	s17 =	sshll.u32 s0, $0xA;
	s2 =	sadd.s32 s3, s2  }
0x8d: {  	s2 =	sadd.s32 s2, s17  }
0x8e: {  	[smem:$0x3FBE] =	sst s2  }
0x8f: {  	_ = 	snop  }
0x90: {  	s2 =	sld [smem:$0x3FC8]  }
0x91: {  	s18 =	sld [smem:$0x3FD0];
	(tm) =	ssettm $0x1  }
0x92: {  	s4 =	sld [smem:$0x3FFB];
	_ =	sdelay $0x3  }
0x93: {  	_ =	strace s4  }
0x94: {  	s4 =	sld [smem:$0x3FFC];
	_ =	sdelay $0x3  }
0x95: {  	_ =	strace s4  }
0x96: {  	s4 =	sld [smem:$0x3FFD];
	_ =	sdelay $0x3  }
0x97: {  	_ =	strace s4  }
0x98: {  	_ =	strace $0x8FFFFFFF  }
0x99: {  	s19 =	sld [smem:$0x3FDB];
	_ =	sdelay $0x1  }
0x9a: {  	s5 =	simm.s32 $_scs_section_size  }
0x9b: {  	s6 =	simm.s32 $_size__tile_overlayer_lowered;
	s7 =	simm.s32 $_tile_overlayer_lowered  }
0x9c: {  	s22 =	simm.s32 $0x1BFF;
	s21 =	sshll.u32 s7, $0x1;
	s4 =	sadd.s32 s5, s19  }
0x9d: {  	s8 =	simm.s32 $0x0;
	s20 =	sshll.u32 s6, $0x1;
	s6 =	sadd.s32 s21, s4  }
0x9e: {  	[timem:s8], [sflag:s22] =	dma.local [hbm:s6], s20  }
0x9f: {  	_ =	swait.ge [sflag:s22], s20  }
0xa0: {  	s5 =	ssub.s32 $0x0, s20;
	[sflag:s22] =	ssyncset.done $0x0  }
0xa1: {  	[sflag:s22] =	ssyncadd.s32 s5;
	_ =	sdelay $0x1  }
0xa2: {  	s23 =	simm.s32 $0x1B8B  }
0xa3: {  	_ =	swait.ge [sflag:s23], $0x1  }
0xa4: {  	[sflag:s23] =	ssyncset.done $0x0  }
0xa5: {  	s25 =	simm.s32 $0x1B8E;
	s24 =	sld [smem:$0x3FFE];
	[sflag:s23] =	ssyncadd.s32 $0xFFFFFFFF  }
0xa6: {  	s26 =	simm.s32 $execute0_lowered;
	[smem:$0x3FD2] =	sst s25  }
0xa7: {  	s6 =	sshll.u32 s26, $0x1;
	_ =	strace $0x80000046;
	[dreg:$0x1] =	wrdreg $0xFFFFFFFF  }
0xa8: {  	s28 =	simm.s32 $_size_execute0_lowered;
	s4 =	sadd.s32 s4, s6;
	[dreg:$0x0] =	wrdreg $0x0  }
0xa9: {  	s6 =	sshll.u32 s28, $0x1;
	[dreg:$0x2] =	wrdreg s4  }
0xaa: {  	[dreg:$0x3] =	wrdreg s6  }
0xab: {  	[dreg:$0x4] =	wrdreg $0xC0  }
0xac: {  	_ =	task [dreg:s8], $0x5FFFF  }
0xad: {  	[dreg:$0x1] =	wrdreg $0xFFFFFFFF  }
0xae: {  	[dreg:$0x0] =	wrdreg $0x60  }
0xaf: {  	[dreg:$0x2] =	wrdreg s24  }
0xb0: {  	[dreg:$0x3] =	wrdreg s2  }
0xb1: {  	[dreg:$0x4] =	wrdreg s18  }
0xb2: {  	[dreg:$0x5] =	wrdreg $0x0  }
0xb3: {  	[dreg:$0x6] =	wrdreg $0x9  }
0xb4: {  	_ =	task.clear_ibuf [dreg:s8], $0x7FFFF;
	_ =	strace $0x90000046  }
0xb5: {  	s29 =	simm.s32 $0x9;
	_ =	strace $0x80000048  }
0xb6: {  	_ =	swait.ge [sflag:s29], $0x1  }
0xb7: {  	[sflag:s29] =	ssyncadd.s32 $0xFFFFFFFF  }
0xb8: {  	_ =	strace $0x90000048  }
0xb9: {  	_ =	sfence  }
0xba: {  	s30 =	sld [smem:$0x0];
	_ =	sdelay $0x2  }
0xbb: {  	s31 =	sshll.u32 s1, $0xD;
	s1 =	sshrl.u32 s1, $0x2  }
0xbc: {  	s3 =	sand.u32 $0x4000, s31;
	s1 =	sadd.s32 s1, s30  }
0xbd: {  	s0 =	sor.u32 s3, s0;
	s1 =	sshll.u32 s1, $0x11  }
0xbe: {  	s0 =	sor.u32 s1, s0  }
0xbf: {  	s0 =	sadd.s32 $0x8F2B, s0  }
0xc0: {  	[sflag:s0] =	ssyncadd.remote.s32 $0x1  }
0xc1: {  	_ =	sfence.sel $0xFFFF  }
0xc2: {  	[dreg:$0x0] =	wrdreg $0xFFFFFFFF;
	(pc) =	sbr.abs _section_cstart, $3  }
0xc3: {  	[dreg:$0x1] =	wrdreg $0xFFFFFFFF  }
0xc4: {  	_ =	task.clear_ibuf [dreg:s8], $0x2FFFF;
	_ =	strace $0x9FFFFFFF  }
0xc5: {  	(tm) =	ssettm $0x7FFFFFFF  }
tec
execute0_lowered:
.L_overlay_start_1:
0x0: {  	(tag) =	ssettag $0x1  }
0x1: {  	s0 =	rddreg [dreg:$0x0]  }
0x2: {  	s1 =	rddreg [dreg:$0x1]  }
0x3: {  	s3 =	rddreg [dreg:$0x2]  }
0x4: {  	s2 =	rddreg [dreg:$0x3]  }
0x5: {  	s4 =	simm.s32 $0x0;
	s6 =	srdreg.scid;
	s15 =	stileid.u32  }
0x6: {  	s29 =	simm.s32 $0x1;
	s30 =	simm.s32 $0x50;
	s28 =	simm.s32 $0x5  }
0x7: {  	s21 =	simm.s32 $0x4;
	s20 =	simm.s32 $0x6;
	[smem:$0x7FF] =	sst s4  }
0x8: {  	s5 =	sadd.s32 $0x1A00, s0;
	s10 =	sand.u32 $0x1, s6;
	s18 =	smul.u32 $0x9C40, s15  }
0x9: {  	s7 =	sadd.s32 $0x9DE00, s0;
	s16 =	smul.u32 $0x4E20, s15;
	s17 =	sadd.s32 $0x28C00, s0  }
0xa: {  	s13 =	smul.u32 $0xA000, s15;
	s8 =	sadd.s32 $0x3C600, s0;
	s22 =	sshll.u32 s15, $0x6  }
0xb: {  	s6 =	simm.s32 $0xA;
	s15 =	simm.s32 $0x7;
	_ =	strace $0x80000047  }
0xc: {  	s11 =	ssub.s32 $0x2, s10;
	[dreg:$0x6] =	wrdreg s8;
	s19 =	smul.u32 $0x2710, s10  }
0xd: {  	s23 =	sshll.u32 s10, $0x4;
	[dreg:$0x7] =	wrdreg s22;
	s8 =	sor.u32 $0x1C09, s22  }
0xe: {  	p0 =	seq.s32 s10, $0x1;
	s10 =	simm.s32 $0x3DA00;
	s12 =	sshrl.u32 s11, $0x1  }
0xf: {  	s14 =	sadd.s32 s13, s2;
	[dreg:$0x8] =	wrdreg s8;
	s3 =	sadd.s32 s3, s23  }
0x10: {  	[dreg:$0x5] =	wrdreg s18;
	s24 =	sshrl.u32 s18, $0x3;
	s9 =	smov.u32 s16  }
0x11: {  	s25 =	sshrl.u32 s16, $0x3;
	[dreg:$0x9] =	wrdreg s3;
	s3 =	sadd.s32 s17, s24  }
0x12: {  	s10 =	simm.s32 @!p0 $0x51A00;
	s1 =	sadd.s32 s1, s25;
	[dreg:$0xa] =	wrdreg s3  }
0x13: {  	s26 =	sshrl.u32 s13, $0x3;
	s3 =	sadd.s32 $0x28, s3;
	[dreg:$0xb] =	wrdreg s1  }
0x14: {  	s11 =	ssub.s32 s11, s12;
	s1 =	sadd.s32 $0x14, s1;
	[dreg:$0xc] =	wrdreg s3  }
0x15: {  	s0 =	sadd.s32 s10, s0;
	s31 =	smax.u32 s11, $0x1;
	[dreg:$0xd] =	wrdreg s1  }
0x16: {  	s8 =	smov.u32 s17;
	s0 =	sadd.s32 s0, s26;
	[dreg:$0xe] =	wrdreg s31  }
0x17: {  	s17 =	simm.s32 $0x2;
	[dreg:$0xf] =	wrdreg s0;
	s3 =	sshrl.u32 s14, $0x3  }
0x18: {  	v0 =	vmov s19;
	s26 =	simm.s32 $0x3;
	s1 =	simm.s32 $0x0;
	[dreg:$0x10] =	wrdreg s3  }
.LBB2_1:
0x19: {  	[dreg:$0x11] =	wrdreg s1  }
0x1a: {  	s0 =	rddreg [dreg:$0x6]  }
0x1b: {  	s23 =	rddreg [dreg:$0x8];
	s24 =	simm.s32 $0x9  }
0x1c: {  	[spmem:s3], [sflag:s23] =	dma.local [hbm:s0], $0x1400  }
0x1d: {  	_ =	swait.ge [sflag:s24], $0x1400  }
0x1e: {  	[sflag:s24] =	ssyncset.done $0x0  }
0x1f: {  	s31 =	simm.s32 $0x19780;
	s25 =	rddreg [dreg:$0x9];
	[sflag:s24] =	ssyncadd.s32 $0xFFFFEC00  }
0x20: {  	[tilespmem:s31], [sflag:$0xA] =	stream.linear.gather [hbm4b:s25+s4], $0x80, $0x38;
	[tilespmem:$0x19800] =	vst v63  }
0x21: {  	_ =	swait.ge [sflag:s6], $0x80  }
0x22: {  	[sflag:s6] =	ssyncset.done $0x0  }
0x23: {  	[sflag:s6] =	ssyncadd.s32 $0xFFFFFF80  }
0x24: {  	[bflag:$0x0] =	sbarrier.arrive $0xFFFF  }
0x25: {  	v7 =	vld [tilespmem:$0x19780]  }
0x26: {  	v6 =	vld [tilespmem:$0x19790]  }
0x27: {  	v4 =	vld [tilespmem:$0x197A0]  }
0x28: {  	v2 =	vld [tilespmem:$0x197B0]  }
0x29: {  	v8 =	vld [tilespmem:$0x197C0]  }
0x2a: {  	v5 =	vld [tilespmem:$0x197D0]  }
0x2b: {  	s3 =	simm.s32 $0xA000;
	v3 =	vld [tilespmem:$0x197E0];
	s1 =	rddreg [dreg:$0xa]  }
0x2c: {  	v1 =	vld [tilespmem:$0x197F0];
	[tilespmem:s3], [sflag:$0x1] =	stream.linear.gather [hbm4b:s1+s4], $0x140, $0x38  }
0x2d: {  	s10 =	simm.s32 $0xA280;
	s6 =	rddreg [dreg:$0xb]  }
0x2e: {  	[tilespmem:s10], [sflag:$0x1] =	stream.linear.gather [hbm4b:s6+s4], $0xA0, $0x38;
	[tilespmem:$0x19800] =	vst v63  }
0x2f: {  	s12 =	simm.s32 $0xA140;
	s11 =	rddreg [dreg:$0xc]  }
0x30: {  	[tilespmem:s12], [sflag:$0x2] =	stream.linear.gather [hbm4b:s11+s4], $0x140, $0x38;
	[tilespmem:$0x19800] =	vst v63  }
0x31: {  	s14 =	simm.s32 $0xA320;
	s13 =	rddreg [dreg:$0xd]  }
0x32: {  	[tilespmem:s14], [sflag:$0x2] =	stream.linear.gather [hbm4b:s13+s4], $0xA0, $0x38;
	[tilespmem:$0x19800] =	vst v63  }
0x33: {  	_ =	swait.ge [sflag:s29], $0x140  }
0x34: {  	[sflag:s29] =	ssyncset.done $0x0  }
0x35: {  	[sflag:s29] =	ssyncadd.s32 $0xFFFFFEC0  }
0x36: {  	_ =	swait.ge [sflag:s29], $0xA0  }
0x37: {  	[sflag:s29] =	ssyncset.done $0x0  }
0x38: {  	[sflag:s29] =	ssyncadd.s32 $0xFFFFFF60  }
0x39: {  	v9 =	vld [tilespmem:$0xA000]  }
0x3a: {  	v53 =	vld [tilespmem:$0xA0F0]  }
0x3b: {  	v10 =	vld [tilespmem:$0xA050]  }
0x3c: {  	v11 =	vld [tilespmem:$0xA010]  }
0x3d: {  	v12 =	vld [tilespmem:$0xA060]  }
0x3e: {  	v13 =	vld [tilespmem:$0xA020]  }
0x3f: {  	v14 =	vld [tilespmem:$0xA070];
	v9 =	vadd.s32 v0, v9;
	[tilespmem:$0xA6E0] =	vst v53  }
0x40: {  	[tilespmem:$0xA3C0] =	vst v9;
	v9 =	vadd.s32 v0, v10;
	v10 =	vld [tilespmem:$0xA030]  }
0x41: {  	[tilespmem:$0xA460] =	vst v9;
	v9 =	vadd.s32 v0, v11;
	v11 =	vld [tilespmem:$0xA080]  }
0x42: {  	v50 =	vld [tilespmem:$0xA040];
	[tilespmem:$0xA3D0] =	vst v9;
	v9 =	vadd.s32 v0, v12  }
0x43: {  	v51 =	vld [tilespmem:$0xA090];
	[tilespmem:$0xA470] =	vst v9;
	v9 =	vadd.s32 v0, v13  }
0x44: {  	v52 =	vld [tilespmem:$0xA0A0];
	[tilespmem:$0xA3E0] =	vst v9;
	v9 =	vadd.s32 v0, v14  }
0x45: {  	[tilespmem:$0xA480] =	vst v9;
	v9 =	vadd.s32 v0, v10;
	v10 =	vld [tilespmem:$0xA0F0]  }
0x46: {  	v59 =	vld [tilespmem:$0xA0C0];
	[tilespmem:$0xA3F0] =	vst v9;
	v9 =	vadd.s32 v0, v11  }
0x47: {  	v11 =	vld [tilespmem:$0xA0A0];
	[tilespmem:$0xA490] =	vst v9;
	v9 =	vadd.s32 v0, v50  }
0x48: {  	v60 =	vld [tilespmem:$0xA110];
	[tilespmem:$0xA400] =	vst v9;
	v9 =	vadd.s32 v0, v51  }
0x49: {  	v61 =	vld [tilespmem:$0xA0D0];
	[tilespmem:$0xA4A0] =	vst v9;
	v9 =	vadd.s32 v0, v52  }
0x4a: {  	[tilespmem:$0xA500] =	vst v9;
	v9 =	vadd.s32 v0, v10;
	v10 =	vld [tilespmem:$0xA0B0]  }
0x4b: {  	[tilespmem:$0xA5A0] =	vst v9;
	v9 =	vld [tilespmem:$0xA100]  }
0x4c: {  	[tilespmem:$0xA640] =	vst v11;
	v11 =	vld [tilespmem:$0xA0C0]  }
0x4d: {  	v57 =	vld [tilespmem:$0xA110];
	[tilespmem:$0xA660] =	vst v59  }
0x4e: {  	v54 =	vld [tilespmem:$0xA0B0];
	[tilespmem:$0xA700] =	vst v60  }
0x4f: {  	v55 =	vld [tilespmem:$0xA100];
	[tilespmem:$0xA670] =	vst v61  }
0x50: {  	[tilespmem:$0xA650] =	vst v10;
	v10 =	vld [tilespmem:$0xA0D0]  }
0x51: {  	[tilespmem:$0xA6F0] =	vst v9;
	v9 =	vadd.s32 v0, v11;
	v11 =	vld [tilespmem:$0xA120]  }
0x52: {  	v62 =	vld [tilespmem:$0xA0E0];
	[tilespmem:$0xA520] =	vst v9;
	v9 =	vadd.s32 v0, v57  }
0x53: {  	v56 =	vadd.s32 v0, v54;
	[tilespmem:$0xA5C0] =	vst v9;
	v9 =	vld [tilespmem:$0xA120]  }
0x54: {  	v63 =	vld [tilespmem:$0xA130];
	v58 =	vadd.s32 v0, v55;
	[tilespmem:$0xA510] =	vst v56  }
0x55: {  	[tilespmem:$0xA5B0] =	vst v58;
	v10 =	vadd.s32 v0, v10  }
0x56: {  	[tilespmem:$0xA530] =	vst v10;
	v10 =	vadd.s32 v0, v11;
	v11 =	vld [tilespmem:$0xA130]  }
0x57: {  	[tilespmem:$0xA5D0] =	vst v10;
	v10 =	vld [tilespmem:$0xA0E0]  }
0x58: {  	[tilespmem:$0xA710] =	vst v9;
	v9 =	vadd.s32 v0, v62  }
0x59: {  	[tilespmem:$0xA540] =	vst v9;
	v9 =	vadd.s32 v0, v63  }
0x5a: {  	[tilespmem:$0xA5E0] =	vst v9  }
0x5b: {  	[tilespmem:$0xA720] =	vst v11  }
0x5c: {  	s16 =	simm.s32 $0xA3C0;
	s18 =	simm.s32 $0xA780;
	[tilespmem:$0xA680] =	vst v10  }
0x5d: {  	[tilespmem:s18], [sflag:$0x3] =	stream.indirect.gather [hbm4b:s5+s30], $0x40, s16, s30, $0xb8;
	[tilespmem:$0x19800] =	vst v63  }
0x5e: {  	s19 =	simm.s32 $0xA460;
	s22 =	simm.s32 $0xBB80  }
0x5f: {  	[tilespmem:s22], [sflag:$0x3] =	stream.indirect.gather [hbm4b:s5+s30], $0x40, s19, s30, $0xb8;
	[tilespmem:$0x19800] =	vst v63  }
0x60: {  	s23 =	simm.s32 $0xA500;
	s24 =	simm.s32 $0xF780  }
0x61: {  	[tilespmem:s24], [sflag:$0x5] =	stream.indirect.gather [hbm4b:s7+s30], $0x40, s23, s30, $0xb8;
	[tilespmem:$0x19800] =	vst v63  }
0x62: {  	s25 =	simm.s32 $0xA5A0;
	s31 =	simm.s32 $0x10B80;
	s23 =	simm.s32 $0x0  }
0x63: {  	[tilespmem:s31], [sflag:$0x5] =	stream.indirect.gather [hbm4b:s7+s30], $0x40, s25, s30, $0xb8;
	[tilespmem:$0x19800] =	vst v63  }
.LBB2_2:
0x64: {  	p0 =	seq.s32 s23, $0x0  }
0x65: {  	s0 =	simm.s32 @!p0 $0x8  }
0x66: {  	_ =	swait.ge @!p0 [sflag:s0], $0x1400  }
0x67: {  	[sflag:s0] =	ssyncset.done @!p0 $0x0  }
0x68: {  	[sflag:s0] =	ssyncadd.s32 @!p0 $0xFFFFEC00  }
0x69: {  	_ =	swait.ge @!p0 [sflag:s0], $0x1400  }
0x6a: {  	[sflag:s0] =	ssyncset.done @!p0 $0x0  }
0x6b: {  	[sflag:s0] =	ssyncadd.s32 @!p0 $0xFFFFEC00  }
0x6c: {  	_ =	swait.ge [sflag:s17], $0x140  }
0x6d: {  	[sflag:s17] =	ssyncset.done $0x0  }
0x6e: {  	[sflag:s17] =	ssyncadd.s32 $0xFFFFFEC0  }
0x6f: {  	_ =	swait.ge [sflag:s17], $0xA0  }
0x70: {  	[sflag:s17] =	ssyncset.done $0x0  }
0x71: {  	[sflag:s17] =	ssyncadd.s32 $0xFFFFFF60  }
0x72: {  	v9 =	vld [tilespmem:$0xA140]  }
0x73: {  	v10 =	vld [tilespmem:$0xA190]  }
0x74: {  	v11 =	vld [tilespmem:$0xA150]  }
0x75: {  	v12 =	vld [tilespmem:$0xA1A0]  }
0x76: {  	v13 =	vld [tilespmem:$0xA160]  }
0x77: {  	v14 =	vld [tilespmem:$0xA1B0];
	v9 =	vadd.s32 v0, v9  }
0x78: {  	[tilespmem:$0xA410] =	vst v9;
	v9 =	vadd.s32 v0, v10;
	v10 =	vld [tilespmem:$0xA170]  }
0x79: {  	[tilespmem:$0xA4B0] =	vst v9;
	v9 =	vadd.s32 v0, v11;
	v11 =	vld [tilespmem:$0xA1C0]  }
0x7a: {  	[tilespmem:$0xA420] =	vst v9;
	v9 =	vadd.s32 v0, v12;
	v12 =	vld [tilespmem:$0xA180]  }
0x7b: {  	[tilespmem:$0xA4C0] =	vst v9;
	v9 =	vadd.s32 v0, v13;
	v13 =	vld [tilespmem:$0xA1D0]  }
0x7c: {  	[tilespmem:$0xA430] =	vst v9;
	v9 =	vadd.s32 v0, v14;
	v14 =	vld [tilespmem:$0xA1E0]  }
0x7d: {  	[tilespmem:$0xA4D0] =	vst v9;
	v9 =	vadd.s32 v0, v10;
	v10 =	vld [tilespmem:$0xA230]  }
0x7e: {  	[tilespmem:$0xA440] =	vst v9;
	v9 =	vadd.s32 v0, v11;
	v11 =	vld [tilespmem:$0xA1E0]  }
0x7f: {  	[tilespmem:$0xA4E0] =	vst v9;
	v9 =	vadd.s32 v0, v12;
	v12 =	vld [tilespmem:$0xA230]  }
0x80: {  	[tilespmem:$0xA450] =	vst v9;
	v9 =	vadd.s32 v0, v13;
	v13 =	vld [tilespmem:$0xA1F0]  }
0x81: {  	[tilespmem:$0xA4F0] =	vst v9;
	v9 =	vadd.s32 v0, v14;
	v14 =	vld [tilespmem:$0xA240]  }
0x82: {  	[tilespmem:$0xA550] =	vst v9;
	v9 =	vadd.s32 v0, v10;
	v10 =	vld [tilespmem:$0xA1F0]  }
0x83: {  	[tilespmem:$0xA5F0] =	vst v9;
	v9 =	vld [tilespmem:$0xA240]  }
0x84: {  	[tilespmem:$0xA690] =	vst v11;
	v11 =	vld [tilespmem:$0xA200]  }
0x85: {  	[tilespmem:$0xA730] =	vst v12;
	v12 =	vadd.s32 v0, v13;
	v13 =	vld [tilespmem:$0xA250]  }
0x86: {  	[tilespmem:$0xA560] =	vst v12;
	v12 =	vadd.s32 v0, v14;
	v14 =	vld [tilespmem:$0xA200]  }
0x87: {  	[tilespmem:$0xA600] =	vst v12;
	v12 =	vld [tilespmem:$0xA250]  }
0x88: {  	[tilespmem:$0xA6A0] =	vst v10;
	v10 =	vld [tilespmem:$0xA210]  }
0x89: {  	[tilespmem:$0xA740] =	vst v9;
	v9 =	vadd.s32 v0, v11;
	v11 =	vld [tilespmem:$0xA260]  }
0x8a: {  	[tilespmem:$0xA570] =	vst v9;
	v9 =	vadd.s32 v0, v13;
	v13 =	vld [tilespmem:$0xA210]  }
0x8b: {  	[tilespmem:$0xA610] =	vst v9;
	v9 =	vld [tilespmem:$0xA260]  }
0x8c: {  	[tilespmem:$0xA6B0] =	vst v14;
	v14 =	vld [tilespmem:$0xA220]  }
0x8d: {  	[tilespmem:$0xA750] =	vst v12;
	v10 =	vadd.s32 v0, v10;
	v12 =	vld [tilespmem:$0xA270]  }
0x8e: {  	[tilespmem:$0xA580] =	vst v10;
	v10 =	vadd.s32 v0, v11  }
0x8f: {  	v11 =	vld [tilespmem:$0xA270];
	[tilespmem:$0xA620] =	vst v10  }
0x90: {  	v10 =	vld [tilespmem:$0xA220];
	[tilespmem:$0xA6C0] =	vst v13  }
0x91: {  	[tilespmem:$0xA760] =	vst v9;
	v9 =	vadd.s32 v0, v14  }
0x92: {  	[tilespmem:$0xA590] =	vst v9;
	v9 =	vadd.s32 v0, v12  }
0x93: {  	[tilespmem:$0xA630] =	vst v9  }
0x94: {  	[tilespmem:$0xA770] =	vst v11  }
0x95: {  	s18 =	simm.s32 $0xA410;
	s1 =	simm.s32 $0xCF80;
	[tilespmem:$0xA6D0] =	vst v10  }
0x96: {  	[tilespmem:s1], [sflag:$0x4] =	stream.indirect.gather [hbm4b:s5+s30], $0x40, s18, s30, $0xb8;
	[tilespmem:$0x19800] =	vst v63  }
0x97: {  	s19 =	simm.s32 $0xA4B0;
	s22 =	simm.s32 $0xE380  }
0x98: {  	[tilespmem:s22], [sflag:$0x4] =	stream.indirect.gather [hbm4b:s5+s30], $0x40, s19, s30, $0xb8;
	[tilespmem:$0x19800] =	vst v63  }
0x99: {  	s24 =	simm.s32 $0xA550;
	s25 =	simm.s32 $0x11F80  }
0x9a: {  	[tilespmem:s25], [sflag:$0x6] =	stream.indirect.gather [hbm4b:s7+s30], $0x40, s24, s30, $0xb8;
	[tilespmem:$0x19800] =	vst v63  }
0x9b: {  	s3 =	simm.s32 $0x13380;
	s1 =	simm.s32 $0xA5F0  }
0x9c: {  	[tilespmem:s3], [sflag:$0x6] =	stream.indirect.gather [hbm4b:s7+s30], $0x40, s1, s30, $0xb8;
	[tilespmem:$0x19800] =	vst v63  }
0x9d: {  	_ =	swait.ge [sflag:s26], $0x1400  }
0x9e: {  	[sflag:s26] =	ssyncset.done $0x0  }
0x9f: {  	[sflag:s26] =	ssyncadd.s32 $0xFFFFEC00  }
0xa0: {  	_ =	swait.ge [sflag:s26], $0x1400  }
0xa1: {  	[sflag:s26] =	ssyncset.done $0x0  }
0xa2: {  	[sflag:s26] =	ssyncadd.s32 $0xFFFFEC00  }
0xa3: {  	_ =	swait.ge [sflag:s28], $0x1400  }
0xa4: {  	[sflag:s28] =	ssyncset.done $0x0  }
0xa5: {  	[sflag:s28] =	ssyncadd.s32 $0xFFFFEC00  }
0xa6: {  	_ =	swait.ge [sflag:s28], $0x1400  }
0xa7: {  	[sflag:s28] =	ssyncset.done $0x0  }
0xa8: {  	s16 =	simm.s32 $0xF800;
	[sflag:s28] =	ssyncadd.s32 $0xFFFFEC00  }
0xa9: {  	v9 =	vld [tilespmem:s16+$0x0]  }
0xaa: {  	s10 =	simm.s32 $0xA800;
	v10 =	vld [tilespmem:s16+$0x40]  }
0xab: {  	v11 =	vld [tilespmem:s10+$0xFFFFFFC0]  }
0xac: {  	s6 =	simm.s32 $0x0;
	v12 =	vld [tilespmem:s10+$0x40]  }
0xad: {  	s3 =	sand.u32 $0xF0, s6;
	v13 =	vld [tilespmem:s16+$0xFFFFFFC0]  }
0xae: {  	v14 =	vld [tilespmem:s3+$0xA280]  }
0xaf: {  	v15 =	vld [tilespmem:s10+$0x0]  }
0xb0: {  	s11 =	simm.s32 $0x2;
	s13 =	simm.s32 $0x1  }
0xb1: {  	s12 =	simm.s32 $0x3;
	s13 =	sand.u32 $0xD, s13;
	s3 =	sand.u32 $0xE, s11;
	v16 =	vld [tilespmem:s16+$0xFFFFFF80]  }
0xb2: {  	v19 =	vmov s12;
	v22 =	vmov s13;
	s0 =	sand.u32 $0xC, s6;
	v21 =	vld [tilespmem:s10+$0xFFFFFF80];
	v18 =	vmov s3  }
0xb3: {  	v17 =	vmov s0;
	v10 =	vadd.f32 v10, v12;
	v12 =	vperm.xlane v14, v18  }
0xb4: {  	v19 =	vperm.xlane v14, v19;
	v11 =	vadd.f32 v13, v11;
	v9 =	vadd.f32 v9, v15  }
0xb5: {  	v13 =	vperm.xlane v14, v17;
	v14 =	vperm.xlane v14, v22;
	v18 =	vmax.f32 v12, $0.0e+00  }
0xb6: {  	v20 =	vmax.f32 v19, $0.0e+00;
	v17 =	vsub.f32 $0.0e+00, v19;
	v15 =	vmul.f32 v18, v7  }
0xb7: {  	v16 =	vadd.f32 v16, v21;
	v12 =	vsub.f32 $0.0e+00, v12;
	v19 =	vmul.f32 v20, v7  }
0xb8: {  	v22 =	vmax.f32 v13, $0.0e+00;
	v9 =	vadd.f32 v9, v15;
	v15 =	vmax.f32 v17, $0.0e+00  }
0xb9: {  	v21 =	vmax.f32 v14, $0.0e+00;
	v10 =	vadd.f32 v10, v19;
	v17 =	vmul.f32 v15, v8  }
0xba: {  	v14 =	vsub.f32 $0.0e+00, v14;
	v23 =	vmax.f32 v12, $0.0e+00;
	v19 =	vmul.f32 v21, v7  }
0xbb: {  	v12 =	vsub.f32 $0.0e+00, v13;
	v13 =	vmul.f32 v23, v8;
	v10 =	vadd.f32 v10, v17  }
0xbc: {  	s31 =	simm.s32 $0xF900;
	v24 =	vmul.f32 v22, v7;
	v11 =	vadd.f32 v11, v19;
	v17 =	vmax.f32 v14, $0.0e+00  }
0xbd: {  	s0 =	simm.s32 $0xA900;
	s25 =	simm.s32 $0x14800;
	v28 =	vld [tilespmem:s31+$0x40];
	v9 =	vadd.f32 v9, v13;
	v14 =	vmul.f32 v17, v8;
	v10 =	vmax.f32 v10, $0.0e+00  }
0xbe: {  	v34 =	vld [tilespmem:s0+$0xFFFFFFC0];
	v19 =	vmax.f32 v12, $0.0e+00;
	v12 =	vadd.f32 v16, v24;
	[tilespmem:s25+$0x40] =	vst v10  }
0xbf: {  	v9 =	vmax.f32 v9, $0.0e+00;
	v10 =	vmul.f32 v19, v8;
	v11 =	vadd.f32 v11, v14;
	v13 =	vld [tilespmem:s10+$0x50]  }
0xc0: {  	[tilespmem:s25+$0x0] =	vst v9;
	v9 =	vld [tilespmem:s16+$0x50]  }
0xc1: {  	v10 =	vadd.f32 v12, v10;
	v11 =	vmax.f32 v11, $0.0e+00;
	v12 =	vld [tilespmem:s10+$0x10]  }
0xc2: {  	s18 =	simm.s32 $0x5;
	[tilespmem:s25+$0xFFFFFFC0] =	vst v11;
	v11 =	vld [tilespmem:s16+$0x10]  }
0xc3: {  	s12 =	sand.u32 $0xD, s18;
	v10 =	vmax.f32 v10, $0.0e+00;
	v14 =	vld [tilespmem:s16+$0xFFFFFFD0]  }
0xc4: {  	s14 =	simm.s32 $0x4;
	v41 =	vmov s12;
	s24 =	simm.s32 $0x7;
	v31 =	vmul.f32 v22, v2;
	[tilespmem:s25+$0xFFFFFF80] =	vst v10;
	v10 =	vld [tilespmem:s10+$0xFFFFFFD0]  }
0xc5: {  	v46 =	vmov s24;
	s3 =	sand.u32 $0xC, s14;
	v27 =	vmul.f32 v21, v4;
	v33 =	vmul.f32 v21, v6;
	v16 =	vld [tilespmem:s16+$0xFFFFFF90]  }
0xc6: {  	v45 =	vmov s3;
	v36 =	vmul.f32 v20, v6;
	v37 =	vmul.f32 v18, v6;
	v25 =	vld [tilespmem:s10+$0xFFFFFF90]  }
0xc7: {  	v38 =	vmul.f32 v22, v6;
	v22 =	vmul.f32 v22, v4;
	v9 =	vadd.f32 v9, v13;
	v13 =	vld [tilespmem:s0+$0x40]  }
0xc8: {  	v44 =	vld [tilespmem:s0+$0x0];
	v59 =	vmul.f32 v18, v4;
	v32 =	vmul.f32 v23, v1;
	v11 =	vadd.f32 v11, v12  }
0xc9: {  	v26 =	vmul.f32 v23, v5;
	v39 =	vmul.f32 v15, v5;
	v12 =	vld [tilespmem:s31+$0xFFFFFFC0];
	v9 =	vadd.f32 v9, v36  }
0xca: {  	s19 =	sand.u32 $0xF0, s14;
	v23 =	vmul.f32 v23, v3;
	v29 =	vmul.f32 v15, v1;
	v24 =	vld [tilespmem:s31+$0x0];
	v11 =	vadd.f32 v11, v37  }
0xcb: {  	v40 =	vmul.f32 v19, v5;
	v10 =	vadd.f32 v14, v10;
	v14 =	vld [tilespmem:s19+$0xA280];
	v9 =	vadd.f32 v9, v39  }
0xcc: {  	v35 =	vmul.f32 v17, v5;
	v16 =	vadd.f32 v16, v25;
	v13 =	vadd.f32 v28, v13  }
0xcd: {  	s18 =	simm.s32 $0x6;
	v28 =	vld [tilespmem:s0+$0xFFFFFF80];
	v10 =	vadd.f32 v10, v33;
	v11 =	vadd.f32 v11, v26;
	v9 =	vmax.f32 v9, $0.0e+00  }
0xce: {  	s22 =	sand.u32 $0xE, s18;
	v30 =	vmul.f32 v17, v3;
	v26 =	vld [tilespmem:s31+$0xFFFFFF80];
	v34 =	vadd.f32 v12, v34;
	[tilespmem:s25+$0x50] =	vst v9;
	v9 =	vadd.f32 v16, v38  }
0xcf: {  	v25 =	vmov s22;
	v12 =	vadd.f32 v24, v44;
	v10 =	vadd.f32 v10, v35  }
0xd0: {  	v11 =	vmax.f32 v11, $0.0e+00;
	v24 =	vperm.xlane v14, v25;
	v25 =	vperm.xlane v14, v46  }
0xd1: {  	v47 =	vld [tilespmem:s16+$0x60];
	v48 =	vperm.xlane v14, v45;
	v9 =	vadd.f32 v9, v40;
	v14 =	vperm.xlane v14, v41  }
0xd2: {  	v49 =	vld [tilespmem:s10+$0x60];
	v40 =	vmul.f32 v15, v3;
	v35 =	vmax.f32 v10, $0.0e+00;
	v10 =	vmax.f32 v24, $0.0e+00  }
0xd3: {  	v16 =	vmax.f32 v25, $0.0e+00;
	v26 =	vadd.f32 v26, v28;
	v25 =	vsub.f32 $0.0e+00, v25  }
0xd4: {  	v51 =	vmax.f32 v9, $0.0e+00;
	v24 =	vsub.f32 $0.0e+00, v24;
	v36 =	vmax.f32 v48, $0.0e+00  }
0xd5: {  	[tilespmem:s25+$0x10] =	vst v11;
	v15 =	vmax.f32 v14, $0.0e+00;
	v50 =	vmul.f32 v10, v7;
	v28 =	vmul.f32 v16, v7  }
0xd6: {  	v43 =	vld [tilespmem:s16+$0x20];
	[tilespmem:s25+$0xFFFFFFD0] =	vst v35;
	v14 =	vsub.f32 $0.0e+00, v14;
	v53 =	vmul.f32 v15, v7;
	v42 =	vmul.f32 v36, v7  }
0xd7: {  	v52 =	vld [tilespmem:s16+$0xFFFFFFE0];
	[tilespmem:s25+$0xFFFFFF90] =	vst v51;
	v51 =	vmul.f32 v36, v6;
	v25 =	vmax.f32 v25, $0.0e+00;
	v35 =	vadd.f32 v47, v49  }
0xd8: {  	v37 =	vmax.f32 v24, $0.0e+00;
	v24 =	vld [tilespmem:s10+$0xFFFFFFE0];
	v47 =	vmul.f32 v15, v6;
	v38 =	vadd.f32 v12, v50  }
0xd9: {  	v54 =	vld [tilespmem:s10+$0xFFFFFFA0];
	v11 =	vadd.f32 v13, v28;
	v12 =	vmul.f32 v25, v8;
	v9 =	vmul.f32 v25, v1  }
0xda: {  	s22 =	simm.s32 $0xFA00;
	v57 =	vld [tilespmem:s16+$0xFFFFFFA0];
	v13 =	vsub.f32 $0.0e+00, v48;
	v44 =	vmul.f32 v37, v8;
	v26 =	vadd.f32 v26, v42  }
0xdb: {  	v49 =	vld [tilespmem:s22+$0x0];
	v45 =	vmul.f32 v37, v5;
	v42 =	vmul.f32 v15, v4;
	v11 =	vadd.f32 v11, v12  }
0xdc: {  	v28 =	vld [tilespmem:s10+$0x20];
	v50 =	vmul.f32 v10, v6;
	v12 =	vmax.f32 v13, $0.0e+00;
	v13 =	vmax.f32 v14, $0.0e+00  }
0xdd: {  	s13 =	simm.s32 $0xAA00;
	s3 =	simm.s32 $0x14900;
	v14 =	vadd.f32 v34, v53;
	v38 =	vadd.f32 v38, v44;
	v53 =	vld [tilespmem:s22+$0x40];
	v56 =	vmax.f32 v11, $0.0e+00  }
0xde: {  	v55 =	vmul.f32 v13, v8;
	v58 =	vmul.f32 v12, v8;
	[tilespmem:s3+$0x40] =	vst v56;
	v56 =	vld [tilespmem:s13+$0xFFFFFF80]  }
0xdf: {  	v48 =	vmul.f32 v13, v5;
	v38 =	vmax.f32 v38, $0.0e+00;
	v24 =	vadd.f32 v52, v24;
	v41 =	vld [tilespmem:s0+$0x50]  }
0xe0: {  	v11 =	vmul.f32 v36, v2;
	v34 =	vadd.f32 v57, v54;
	v39 =	vadd.f32 v14, v55;
	[tilespmem:s3+$0x0] =	vst v38;
	v60 =	vld [tilespmem:s31+$0x50]  }
0xe1: {  	v38 =	vmul.f32 v20, v2;
	v20 =	vmul.f32 v20, v4;
	v24 =	vadd.f32 v24, v27;
	v27 =	vld [tilespmem:s0+$0x10]  }
0xe2: {  	s12 =	simm.s32 $0x8;
	v52 =	vmul.f32 v16, v6;
	v54 =	vmul.f32 v18, v2;
	v28 =	vadd.f32 v43, v28;
	v62 =	vld [tilespmem:s31+$0x10]  }
0xe3: {  	s14 =	sand.u32 $0xF0, s12;
	v26 =	vadd.f32 v26, v58;
	v61 =	vmax.f32 v39, $0.0e+00;
	v18 =	vadd.f32 v35, v20;
	v20 =	vld [tilespmem:s13+$0x40]  }
0xe4: {  	v57 =	vmul.f32 v25, v5;
	v14 =	vmul.f32 v37, v1;
	v28 =	vadd.f32 v28, v59;
	[tilespmem:s3+$0xFFFFFFC0] =	vst v61;
	v61 =	vld [tilespmem:s14+$0xA280]  }
0xe5: {  	s24 =	sand.u32 $0xC, s12;
	v43 =	vmul.f32 v21, v2;
	v26 =	vmax.f32 v26, $0.0e+00;
	v24 =	vadd.f32 v24, v30;
	v30 =	vld [tilespmem:s31+$0xFFFFFFD0]  }
0xe6: {  	v58 =	vmov s24;
	v37 =	vmul.f32 v37, v3;
	[tilespmem:s3+$0xFFFFFF80] =	vst v26;
	v23 =	vadd.f32 v28, v23;
	v28 =	vld [tilespmem:s0+$0xFFFFFFD0]  }
0xe7: {  	v34 =	vadd.f32 v34, v22;
	v39 =	vmul.f32 v13, v3;
	v26 =	vmul.f32 v19, v3;
	v46 =	vld [tilespmem:s31+$0xFFFFFF90]  }
0xe8: {  	v19 =	vmul.f32 v19, v1;
	v63 =	vld [tilespmem:s0+$0xFFFFFF90];
	v18 =	vadd.f32 v18, v40;
	v24 =	vmax.f32 v24, $0.0e+00  }
0xe9: {  	v59 =	vld [tilespmem:s22+$0xFFFFFFC0];
	v23 =	vmax.f32 v23, $0.0e+00;
	v41 =	vadd.f32 v60, v41;
	v21 =	vadd.f32 v62, v27  }
0xea: {  	s1 =	simm.s32 $0x9;
	v27 =	vld [tilespmem:s13+$0xFFFFFFC0];
	v60 =	vmul.f32 v12, v5;
	v18 =	vmax.f32 v18, $0.0e+00;
	v53 =	vadd.f32 v53, v20  }
0xeb: {  	s6 =	simm.s32 $0xA;
	s18 =	sand.u32 $0xD, s1;
	v62 =	vld [tilespmem:s22+$0xFFFFFF80];
	v20 =	vmul.f32 v36, v4;
	v41 =	vadd.f32 v41, v52;
	v21 =	vadd.f32 v21, v50  }
0xec: {  	s11 =	sand.u32 $0xE, s6;
	s19 =	simm.s32 $0xB;
	v55 =	vld [tilespmem:s13+$0x0];
	v50 =	vmov s18;
	v58 =	vperm.xlane v61, v58;
	v28 =	vadd.f32 v30, v28  }
0xed: {  	v30 =	vmov s11;
	v44 =	vadd.f32 v46, v63;
	v63 =	vmov s19  }
0xee: {  	[tilespmem:s25+$0x20] =	vst v23;
	v33 =	vadd.f32 v41, v57;
	v21 =	vadd.f32 v21, v45;
	v30 =	vperm.xlane v61, v30  }
0xef: {  	v41 =	vperm.xlane v61, v50;
	v50 =	vld [tilespmem:s16+$0x30];
	v28 =	vadd.f32 v28, v47;
	v52 =	vadd.f32 v59, v27  }
0xf0: {  	v40 =	vadd.f32 v62, v56;
	v56 =	vld [tilespmem:s10+$0x30];
	v57 =	vmax.f32 v21, $0.0e+00;
	v21 =	vadd.f32 v44, v51  }
0xf1: {  	[tilespmem:s25+$0x60] =	vst v18;
	v27 =	vadd.f32 v49, v55;
	v47 =	vmul.f32 v17, v1;
	v33 =	vmax.f32 v33, $0.0e+00  }
0xf2: {  	v49 =	vld [tilespmem:s10+$0x70];
	v28 =	vadd.f32 v28, v48;
	[tilespmem:s3+$0x50] =	vst v33;
	v59 =	vadd.f32 v21, v60;
	v60 =	vperm.xlane v61, v63  }
0xf3: {  	v51 =	vsub.f32 $0.0e+00, v30;
	v61 =	vld [tilespmem:s0+$0x60];
	v21 =	vmax.f32 v30, $0.0e+00;
	v30 =	vmul.f32 v25, v3  }
0xf4: {  	[tilespmem:s25+$0xFFFFFFE0] =	vst v24;
	v63 =	vld [tilespmem:s16+$0x70];
	v36 =	vmax.f32 v28, $0.0e+00;
	v18 =	vmul.f32 v21, v7;
	v24 =	vmax.f32 v60, $0.0e+00  }
0xf5: {  	v28 =	vld [tilespmem:s31+$0x60];
	v17 =	vsub.f32 $0.0e+00, v60;
	v50 =	vadd.f32 v50, v56;
	v62 =	vmul.f32 v24, v7  }
0xf6: {  	v55 =	vadd.f32 v27, v18;
	v18 =	vadd.f32 v34, v26;
	v26 =	vmax.f32 v58, $0.0e+00  }
0xf7: {  	v45 =	vmax.f32 v59, $0.0e+00;
	v22 =	vmax.f32 v17, $0.0e+00;
	v23 =	vmul.f32 v26, v7  }
0xf8: {  	v35 =	vld [tilespmem:s16+$0xFFFFFFF0];
	v56 =	vadd.f32 v50, v54;
	v25 =	vadd.f32 v53, v62;
	v60 =	vmul.f32 v22, v8  }
0xf9: {  	v27 =	vld [tilespmem:s10+$0xFFFFFFF0];
	v17 =	vmul.f32 v22, v1;
	v62 =	vsub.f32 $0.0e+00, v41;
	v49 =	vadd.f32 v63, v49  }
0xfa: {  	[tilespmem:s3+$0x10] =	vst v57;
	v53 =	vmul.f32 v10, v4;
	v34 =	vadd.f32 v28, v61;
	v28 =	vsub.f32 $0.0e+00, v58  }
0xfb: {  	v48 =	vld [tilespmem:s0+$0x20];
	[tilespmem:s3+$0xFFFFFFD0] =	vst v36;
	v61 =	vmax.f32 v18, $0.0e+00;
	v18 =	vmul.f32 v26, v2;
	v36 =	vadd.f32 v40, v23  }
0xfc: {  	v59 =	vld [tilespmem:s0+$0xFFFFFFE0];
	v54 =	vadd.f32 v56, v32;
	v32 =	vmul.f32 v12, v3;
	v44 =	vadd.f32 v25, v60  }
0xfd: {  	v58 =	vld [tilespmem:s31+$0xFFFFFFE0];
	v23 =	vmax.f32 v62, $0.0e+00;
	v25 =	vmax.f32 v28, $0.0e+00;
	v28 =	vmax.f32 v41, $0.0e+00  }
0xfe: {  	v57 =	vadd.f32 v35, v27;
	v27 =	vmax.f32 v51, $0.0e+00;
	v51 =	vld [tilespmem:s31+$0x20];
	v63 =	vmul.f32 v28, v7  }
0xff: {  	[tilespmem:s25+$0xFFFFFFA0] =	vst v61;
	v49 =	vadd.f32 v49, v38;
	v41 =	vmul.f32 v27, v8;
	v33 =	vmul.f32 v27, v1  }
0x100: {  	v60 =	vld [tilespmem:s16+$0xFFFFFFB0];
	v35 =	vmul.f32 v27, v5;
	v61 =	vmul.f32 v25, v8;
	v43 =	vadd.f32 v57, v43  }
0x101: {  	[tilespmem:s3+$0xFFFFFF90] =	vst v45;
	v62 =	vld [tilespmem:s10+$0xFFFFFFB0];
	v46 =	vadd.f32 v52, v63;
	v52 =	vmul.f32 v23, v8;
	v55 =	vadd.f32 v55, v41  }
0x102: {  	v38 =	vld [tilespmem:s31+$0xFFFFFFA0];
	s10 =	simm.s32 $0x14A00;
	v44 =	vmax.f32 v44, $0.0e+00;
	v45 =	vadd.f32 v36, v61;
	v63 =	vadd.f32 v58, v59  }
0x103: {  	v40 =	vmul.f32 v28, v4;
	[tilespmem:s10+$0x40] =	vst v44;
	v36 =	vld [tilespmem:s0+$0xFFFFFFA0];
	v46 =	vadd.f32 v46, v52;
	v48 =	vadd.f32 v51, v48  }
0x104: {  	v44 =	vld [tilespmem:s13+$0x50];
	v59 =	vadd.f32 v43, v47;
	v61 =	vmax.f32 v55, $0.0e+00;
	v45 =	vmax.f32 v45, $0.0e+00  }
0x105: {  	v57 =	vadd.f32 v63, v42;
	[tilespmem:s10+$0x0] =	vst v61;
	v51 =	vmax.f32 v46, $0.0e+00;
	v53 =	vadd.f32 v48, v53;
	v46 =	vld [tilespmem:s22+$0x50]  }
0x106: {  	v41 =	vmul.f32 v23, v3;
	v58 =	vadd.f32 v60, v62;
	v60 =	vadd.f32 v49, v29;
	[tilespmem:s10+$0xFFFFFF80] =	vst v45;
	v42 =	vld [tilespmem:s13+$0x10]  }
0x107: {  	v62 =	vmax.f32 v54, $0.0e+00;
	v48 =	vld [tilespmem:s22+$0x10];
	v39 =	vadd.f32 v57, v39;
	[tilespmem:s10+$0xFFFFFFC0] =	vst v51;
	v61 =	vadd.f32 v53, v37  }
0x108: {  	v29 =	vmul.f32 v16, v2;
	[tilespmem:s25+$0x30] =	vst v62;
	v63 =	vmax.f32 v60, $0.0e+00;
	v47 =	vld [tilespmem:s22+$0xFFFFFFD0];
	v37 =	vadd.f32 v58, v31  }
0x109: {  	s24 =	sshll.u32 s23, $0x1;
	s18 =	simm.s32 $0xFB00;
	s16 =	simm.s32 $0xAA00;
	[tilespmem:s25+$0x70] =	vst v63;
	v49 =	vld [tilespmem:s13+$0xFFFFFFD0];
	v45 =	vmax.f32 v39, $0.0e+00;
	v31 =	vmax.f32 v59, $0.0e+00;
	v43 =	vmax.f32 v61, $0.0e+00  }
.LBB2_3:
0x10a: {  	s19 =	sadd.s32 $0x5, s12;
	v51 =	vmul.f32 v28, v6;
	v52 =	vmul.f32 v23, v5  }
0x10b: {  	v50 =	vld [tilespmem:s22+$0xFFFFFF90];
	s13 =	sadd.s32 $0x100, s13;
	v19 =	vadd.f32 v37, v19;
	[tilespmem:s25+$0xFFFFFFF0] =	vst v31;
	v39 =	vmovc v33;
	v37 =	vmov v40;
	v31 =	vmov v41;
	s11 =	smov.u32 s12;
	s12 =	sadd.s32 $0x4, s12  }
0x10c: {  	v40 =	vmul.f32 v21, v6;
	v36 =	vadd.f32 v38, v36;
	v38 =	vmul.f32 v16, v4;
	v16 =	vmovc v24;
	s14 =	sand.u32 $0xF0, s12;
	s19 =	sand.u32 $0xD, s19;
	v33 =	vld [tilespmem:s18+$0x0];
	p0 =	slt.u32 s12, $0x9C  }
0x10d: {  	v41 =	vmul.f32 v26, v6;
	v53 =	vmul.f32 v16, v6;
	v24 =	vld [tilespmem:s16+$0xFFFFFF90];
	v19 =	vmax.f32 v19, $0.0e+00  }
0x10e: {  	v46 =	vadd.f32 v46, v44;
	v48 =	vadd.f32 v48, v42;
	v42 =	vmul.f32 v15, v2;
	v54 =	vld [tilespmem:s18+$0x40];
	[tilespmem:s25+$0xFFFFFFB0] =	vst v19;
	s25 =	smov.u32 s3;
	s3 =	smov.u32 s10  }
0x10f: {  	v44 =	vmul.f32 v10, v2;
	v10 =	vmovc v21;
	v34 =	vadd.f32 v34, v38;
	v19 =	vmul.f32 v22, v5;
	v55 =	vld [tilespmem:s13+$0xFFFFFFC0]  }
0x110: {  	s1 =	sand.u32 $0xC, s12;
	s6 =	sadd.s32 $0x6, s11;
	s11 =	sadd.s32 $0x7, s11;
	v38 =	vmul.f32 v25, v5;
	v15 =	vmovc v28;
	v46 =	vadd.f32 v46, v53;
	v40 =	vadd.f32 v48, v40;
	v21 =	vld [tilespmem:s13+$0x40]  }
0x111: {  	v28 =	vmov s1;
	s1 =	sand.u32 $0xE, s6;
	v48 =	vmov s19;
	v47 =	vadd.f32 v47, v49;
	v53 =	vld [tilespmem:s18+$0xFFFFFFC0]  }
0x112: {  	v49 =	vmov s1;
	v46 =	vadd.f32 v46, v19;
	v56 =	vld [tilespmem:s13+$0x0];
	v24 =	vadd.f32 v50, v24  }
0x113: {  	v19 =	vmul.f32 v12, v1;
	v47 =	vadd.f32 v47, v51;
	v35 =	vadd.f32 v40, v35;
	v50 =	vld [tilespmem:s14+$0xA280];
	[tilespmem:s25+$0xFFFFFFE0] =	vst v45  }
0x114: {  	v30 =	vadd.f32 v34, v30;
	v12 =	vmovc v25;
	v46 =	vmax.f32 v46, $0.0e+00;
	v45 =	vmov s11;
	v40 =	vld [tilespmem:s18+$0xFFFFFF80]  }
0x115: {  	v35 =	vmax.f32 v35, $0.0e+00;
	v25 =	vld [tilespmem:s13+$0xFFFFFF80];
	v34 =	vadd.f32 v54, v21;
	v21 =	vadd.f32 v47, v52;
	[tilespmem:s10+$0x50] =	vst v46  }
0x116: {  	v30 =	vmax.f32 v30, $0.0e+00;
	v24 =	vadd.f32 v24, v41;
	v46 =	vadd.f32 v53, v55;
	[tilespmem:s10+$0x10] =	vst v35;
	v35 =	vld [tilespmem:s31+$0xFFFFFFF0]  }
0x117: {  	v26 =	vmul.f32 v26, v4;
	v33 =	vadd.f32 v33, v56;
	v21 =	vmax.f32 v21, $0.0e+00;
	v47 =	vld [tilespmem:s16+$0x20];
	[tilespmem:s25+$0x60] =	vst v30  }
0x118: {  	v24 =	vadd.f32 v24, v38;
	v28 =	vperm.xlane v50, v28;
	v30 =	vperm.xlane v50, v49;
	[tilespmem:s10+$0xFFFFFFD0] =	vst v21;
	v38 =	vld [tilespmem:s22+$0x60]  }
0x119: {  	v41 =	vperm.xlane v50, v48;
	v45 =	vperm.xlane v50, v45;
	v48 =	vld [tilespmem:s16+$0x60]  }
0x11a: {  	v40 =	vadd.f32 v40, v25;
	v21 =	vmax.f32 v30, $0.0e+00;
	v25 =	vmax.f32 v24, $0.0e+00;
	[tilespmem:s25+$0x20] =	vst v43;
	v43 =	vld [tilespmem:s0+$0x70]  }
0x11b: {  	v50 =	vmul.f32 v13, v1;
	v13 =	vmovc v23;
	v24 =	vmax.f32 v45, $0.0e+00;
	v49 =	vmul.f32 v21, v7;
	[tilespmem:s10+$0xFFFFFF90] =	vst v25;
	v25 =	vld [tilespmem:s31+$0x70]  }
0x11c: {  	v36 =	vadd.f32 v36, v20;
	v20 =	vmovc v26;
	v23 =	vsub.f32 $0.0e+00, v45;
	v45 =	vmul.f32 v24, v7;
	v51 =	vld [tilespmem:s0+$0x30]  }
0x11d: {  	v52 =	vsub.f32 $0.0e+00, v30;
	v30 =	vmul.f32 v22, v3;
	s10 =	sadd.s32 $0x100, s10;
	v49 =	vadd.f32 v33, v49;
	v53 =	vld [tilespmem:s31+$0x30]  }
0x11e: {  	v32 =	vadd.f32 v36, v32;
	v22 =	vmax.f32 v23, $0.0e+00;
	v23 =	vadd.f32 v34, v45;
	v33 =	vld [tilespmem:s0+$0xFFFFFFF0]  }
0x11f: {  	v45 =	vmul.f32 v22, v8;
	v54 =	vmul.f32 v22, v1;
	v34 =	vadd.f32 v38, v48;
	v36 =	vld [tilespmem:s16+$0xFFFFFFA0]  }
0x120: {  	v32 =	vmax.f32 v32, $0.0e+00;
	v26 =	vmax.f32 v28, $0.0e+00;
	v28 =	vsub.f32 $0.0e+00, v28;
	v38 =	vld [tilespmem:s22+$0xFFFFFFA0]  }
0x121: {  	v55 =	vmul.f32 v26, v2;
	v48 =	vmul.f32 v10, v4;
	v45 =	vadd.f32 v23, v45;
	[tilespmem:s25+$0xFFFFFFA0] =	vst v32  }
0x122: {  	v23 =	vmul.f32 v26, v7;
	v43 =	vadd.f32 v25, v43;
	v32 =	vsub.f32 $0.0e+00, v41;
	v56 =	vld [tilespmem:s31+$0xFFFFFFB0];
	s31 =	smov.u32 s22;
	s22 =	smov.u32 s18  }
0x123: {  	v25 =	vmax.f32 v28, $0.0e+00;
	v28 =	vmax.f32 v41, $0.0e+00;
	v57 =	vld [tilespmem:s0+$0xFFFFFFB0];
	v58 =	vadd.f32 v35, v33;
	s0 =	smov.u32 s16;
	s16 =	smov.u32 s13  }
0x124: {  	v52 =	vmax.f32 v52, $0.0e+00;
	v59 =	vadd.f32 v40, v23;
	v35 =	vmul.f32 v28, v7;
	v60 =	vld [tilespmem:s31+$0x20]  }
0x125: {  	v23 =	vmax.f32 v32, $0.0e+00;
	v32 =	vmul.f32 v52, v8;
	v33 =	vmul.f32 v52, v1;
	v61 =	vld [tilespmem:s31+$0xFFFFFFE0]  }
0x126: {  	v41 =	vadd.f32 v46, v35;
	v46 =	vmul.f32 v23, v8;
	v35 =	vmul.f32 v52, v5;
	v62 =	vld [tilespmem:s0+$0xFFFFFFE0]  }
0x127: {  	v63 =	vmul.f32 v25, v8;
	v40 =	vmul.f32 v28, v4;
	v32 =	vadd.f32 v49, v32  }
0x128: {  	v49 =	vadd.f32 v53, v51;
	v46 =	vadd.f32 v41, v46;
	v41 =	vmul.f32 v23, v3  }
0x129: {  	v45 =	vmax.f32 v45, $0.0e+00;
	v51 =	vadd.f32 v59, v63;
	v47 =	vadd.f32 v60, v47  }
0x12a: {  	v29 =	vadd.f32 v43, v29;
	v46 =	vmax.f32 v46, $0.0e+00;
	[tilespmem:s10+$0x40] =	vst v45;
	v45 =	vadd.f32 v49, v44  }
0x12b: {  	v32 =	vmax.f32 v32, $0.0e+00;
	v44 =	vld [tilespmem:s13+$0x50];
	v43 =	vadd.f32 v61, v62;
	v47 =	vadd.f32 v47, v48  }
0x12c: {  	v49 =	vadd.f32 v58, v42;
	v48 =	vmax.f32 v51, $0.0e+00;
	[tilespmem:s10+$0xFFFFFFC0] =	vst v46;
	v45 =	vadd.f32 v45, v14;
	v14 =	vmovc v39  }
.Ltmp0:
0x12d: {  	v27 =	vmul.f32 v27, v3;
	v39 =	vadd.f32 v56, v57;
	[tilespmem:s10+$0x0] =	vst v32;
	v46 =	vld [tilespmem:s18+$0x50];
	v37 =	vadd.f32 v43, v37;
	(pc) =	sbr.rel @p0 .LBB2_3-.Ltmp0, $4  }
0x12e: {  	v50 =	vadd.f32 v49, v50;
	v32 =	vmul.f32 v12, v3;
	v43 =	vadd.f32 v29, v9;
	[tilespmem:s10+$0xFFFFFF80] =	vst v48;
	v42 =	vld [tilespmem:s13+$0x10]  }
0x12f: {  	v51 =	vadd.f32 v47, v27;
	v9 =	vmovc v17;
	v17 =	vmovc v54;
	v45 =	vmax.f32 v45, $0.0e+00;
	v48 =	vld [tilespmem:s18+$0x10];
	v31 =	vadd.f32 v37, v31  }
0x130: {  	v29 =	vmul.f32 v16, v2;
	v37 =	vadd.f32 v39, v11;
	v39 =	vmax.f32 v43, $0.0e+00;
	v11 =	vmovc v18;
	v47 =	vld [tilespmem:s18+$0xFFFFFFD0];
	[tilespmem:s25+$0x30] =	vst v45  }
0x131: {  	v27 =	vmovc v52;
	v43 =	vmax.f32 v51, $0.0e+00;
	v18 =	vmovc v55;
	s18 =	sadd.s32 $0x100, s18;
	v49 =	vld [tilespmem:s13+$0xFFFFFFD0];
	v45 =	vmax.f32 v31, $0.0e+00;
	v31 =	vmax.f32 v50, $0.0e+00;
	[tilespmem:s25+$0x70] =	vst v39  }
0x132: {  	v58 =	vld [tilespmem:s22+$0xFFFFFF90]  }
0x133: {  	v39 =	vmul.f32 v24, v6;
	v44 =	vadd.f32 v46, v44;
	v59 =	vld [tilespmem:s16+$0xFFFFFF90]  }
0x134: {  	v51 =	vmul.f32 v22, v5  }
0x135: {  	v61 =	vmul.f32 v21, v6;
	v39 =	vadd.f32 v44, v39;
	v42 =	vadd.f32 v48, v42  }
0x136: {  	v50 =	vmul.f32 v28, v6;
	v16 =	vmul.f32 v16, v4;
	v47 =	vadd.f32 v47, v49  }
0x137: {  	v60 =	vmul.f32 v23, v5;
	v39 =	vadd.f32 v39, v51;
	v42 =	vadd.f32 v42, v61  }
0x138: {  	v62 =	vmul.f32 v26, v6;
	v16 =	vadd.f32 v34, v16;
	v46 =	vadd.f32 v58, v59  }
0x139: {  	[tilespmem:s3+$0xFFFFFFE0] =	vst v45;
	v47 =	vadd.f32 v47, v50;
	v39 =	vmax.f32 v39, $0.0e+00;
	v63 =	vadd.f32 v42, v35  }
0x13a: {  	v49 =	vmul.f32 v25, v5;
	v16 =	vadd.f32 v16, v30;
	[tilespmem:s10+$0x50] =	vst v39;
	v39 =	vld [tilespmem:s31+$0xFFFFFFF0];
	v50 =	vadd.f32 v46, v62  }
0x13b: {  	v44 =	vadd.f32 v47, v60;
	v48 =	vld [tilespmem:s22+$0x60];
	v30 =	vmax.f32 v63, $0.0e+00  }
0x13c: {  	v16 =	vmax.f32 v16, $0.0e+00;
	v53 =	vld [tilespmem:s16+$0x60];
	[tilespmem:s10+$0x10] =	vst v30;
	v30 =	vadd.f32 v50, v49  }
0x13d: {  	[tilespmem:s3+$0x60] =	vst v16;
	v44 =	vmax.f32 v44, $0.0e+00;
	v54 =	vld [tilespmem:s16+$0x20]  }
0x13e: {  	[tilespmem:s10+$0xFFFFFFD0] =	vst v44;
	v16 =	vmax.f32 v30, $0.0e+00;
	v30 =	vld [tilespmem:s22+$0x20]  }
0x13f: {  	v36 =	vadd.f32 v38, v36;
	v51 =	vld [tilespmem:s22+$0xFFFFFFE0]  }
0x140: {  	v52 =	vld [tilespmem:s16+$0xFFFFFFE0];
	[tilespmem:s10+$0xFFFFFF90] =	vst v16  }
0x141: {  	v16 =	vadd.f32 v36, v20;
	v20 =	vld [tilespmem:s16+$0xFFFFFFA0]  }
0x142: {  	v57 =	vmul.f32 v24, v4;
	[tilespmem:s3+$0x20] =	vst v43;
	v35 =	vadd.f32 v48, v53;
	v56 =	vld [tilespmem:s22+$0xFFFFFFA0]  }
0x143: {  	v22 =	vmul.f32 v22, v3;
	v62 =	vld [tilespmem:s31+$0x30];
	v16 =	vadd.f32 v16, v32  }
0x144: {  	v61 =	vmul.f32 v21, v4;
	v63 =	vld [tilespmem:s0+$0xFFFFFFF0];
	v35 =	vadd.f32 v35, v57;
	v30 =	vadd.f32 v30, v54  }
0x145: {  	v55 =	vld [tilespmem:s0+$0x70];
	v16 =	vmax.f32 v16, $0.0e+00;
	v34 =	vadd.f32 v51, v52  }
0x146: {  	v27 =	vmul.f32 v27, v3;
	v60 =	vld [tilespmem:s0+$0x30];
	[tilespmem:s3+$0xFFFFFFA0] =	vst v16;
	v22 =	vadd.f32 v35, v22;
	v16 =	vadd.f32 v30, v61  }
0x147: {  	v26 =	vmul.f32 v26, v4;
	v58 =	vld [tilespmem:s31+$0x70];
	v20 =	vadd.f32 v56, v20  }
0x148: {  	v30 =	vld [tilespmem:s31+$0xFFFFFFB0];
	v59 =	vadd.f32 v34, v40;
	v22 =	vmax.f32 v22, $0.0e+00;
	v16 =	vadd.f32 v16, v27  }
0x149: {  	v15 =	vmul.f32 v15, v2;
	v44 =	vadd.f32 v39, v63;
	v40 =	vld [tilespmem:s0+$0xFFFFFFB0];
	v27 =	vmul.f32 v25, v3;
	[tilespmem:s10+$0x60] =	vst v22  }
0x14a: {  	v20 =	vadd.f32 v20, v26;
	v32 =	vadd.f32 v59, v41;
	v22 =	vld [tilespmem:s16+$0x70];
	v16 =	vmax.f32 v16, $0.0e+00  }
0x14b: {  	v10 =	vmul.f32 v10, v2;
	v26 =	vadd.f32 v62, v60;
	[tilespmem:s10+$0x20] =	vst v16;
	v16 =	vld [tilespmem:s22+$0x70]  }
0x14c: {  	v15 =	vadd.f32 v44, v15;
	v20 =	vadd.f32 v20, v27;
	v32 =	vmax.f32 v32, $0.0e+00;
	v45 =	vld [tilespmem:s16+$0x30]  }
0x14d: {  	v13 =	vmul.f32 v13, v1;
	v27 =	vadd.f32 v58, v55;
	v10 =	vadd.f32 v26, v10;
	[tilespmem:s10+$0xFFFFFFE0] =	vst v32;
	v26 =	vld [tilespmem:s22+$0x30]  }
0x14e: {  	v19 =	vadd.f32 v37, v19;
	v20 =	vmax.f32 v20, $0.0e+00;
	v32 =	vld [tilespmem:s22+$0xFFFFFFF0]  }
0x14f: {  	v13 =	vadd.f32 v15, v13;
	v27 =	vadd.f32 v27, v29;
	v29 =	vld [tilespmem:s16+$0xFFFFFFF0];
	[tilespmem:s10+$0xFFFFFFA0] =	vst v20  }
0x150: {  	v10 =	vadd.f32 v10, v14;
	v14 =	vadd.f32 v30, v40;
	v20 =	vld [tilespmem:s22+$0xFFFFFFB0]  }
0x151: {  	v12 =	vmul.f32 v12, v1;
	v24 =	vmul.f32 v24, v2;
	v19 =	vmax.f32 v19, $0.0e+00;
	v15 =	vld [tilespmem:s16+$0xFFFFFFB0]  }
0x152: {  	v13 =	vmax.f32 v13, $0.0e+00;
	v9 =	vadd.f32 v27, v9;
	v11 =	vadd.f32 v14, v11  }
0x153: {  	v10 =	vmax.f32 v10, $0.0e+00;
	v14 =	vmul.f32 v21, v2;
	v21 =	vadd.f32 v26, v45  }
0x154: {  	[tilespmem:s25+$0xFFFFFFF0] =	vst v31;
	v9 =	vmax.f32 v9, $0.0e+00;
	v11 =	vadd.f32 v11, v12;
	v12 =	vadd.f32 v16, v22  }
0x155: {  	[tilespmem:s25+$0xFFFFFFB0] =	vst v19;
	v16 =	vmul.f32 v28, v2;
	v19 =	vadd.f32 v32, v29;
	v14 =	vadd.f32 v21, v14  }
0x156: {  	[tilespmem:s3+$0x30] =	vst v10;
	v10 =	vmax.f32 v11, $0.0e+00;
	v11 =	vadd.f32 v12, v24;
	v12 =	vadd.f32 v20, v15  }
0x157: {  	[tilespmem:s3+$0x70] =	vst v9;
	v9 =	vmul.f32 v23, v1;
	v15 =	vadd.f32 v19, v16;
	v14 =	vadd.f32 v14, v33  }
0x158: {  	[tilespmem:s3+$0xFFFFFFF0] =	vst v13;
	v13 =	vmul.f32 v25, v1;
	v11 =	vadd.f32 v11, v17;
	v12 =	vadd.f32 v12, v18  }
0x159: {  	[tilespmem:s3+$0xFFFFFFB0] =	vst v10;
	v9 =	vadd.f32 v15, v9;
	v10 =	vmax.f32 v14, $0.0e+00  }
0x15a: {  	[tilespmem:s10+$0x30] =	vst v10;
	v10 =	vmax.f32 v11, $0.0e+00;
	v11 =	vadd.f32 v12, v13  }
0x15b: {  	v9 =	vmax.f32 v9, $0.0e+00;
	[tilespmem:s10+$0x70] =	vst v10  }
0x15c: {  	s11 =	sadd.s32 $0x2, s24;
	[tilespmem:s10+$0xFFFFFFF0] =	vst v9;
	v9 =	vmax.f32 v11, $0.0e+00  }
0x15d: {  	s1 =	simm.s32 $0x14780;
	s12 =	smul.u32 $0x140, s11;
	[tilespmem:s10+$0xFFFFFFB0] =	vst v9;
	s10 =	simm.s32 $0xA640  }
0x15e: {  	[spmem:s2] =	stream.indirect.scatter.add.f32 [tilespmem:s1], [sflag:$0x7], $0x40, s10, s30, $0xb8;
	[tilespmem:$0x19800] =	vst v63  }
0x15f: {  	s13 =	simm.s32 $0xA6E0;
	s14 =	rddreg [dreg:$0x5]  }
0x160: {  	s6 =	simm.s32 $0x15B80;
	s0 =	smul.u32 $0xA0, s11;
	s1 =	sadd.s32 s14, s12  }
0x161: {  	[spmem:s2] =	stream.indirect.scatter.add.f32 [tilespmem:s6], [sflag:$0x7], $0x40, s13, s30, $0xb8;
	[tilespmem:$0x19800] =	vst v63  }
0x162: {  	s18 =	rddreg [dreg:$0x1];
	s0 =	sadd.s32 s9, s0;
	s1 =	sshrl.u32 s1, $0x3  }
0x163: {  	s0 =	sshrl.u32 s0, $0x3;
	s16 =	simm.s32 $0xA000;
	s1 =	sadd.s32 s8, s1  }
0x164: {  	[tilespmem:s16], [sflag:$0x1] =	stream.linear.gather [hbm4b:s1+s4], $0x140, $0x38;
	[tilespmem:$0x19800] =	vst v63  }
0x165: {  	s19 =	simm.s32 $0xA280;
	s0 =	sadd.s32 s18, s0  }
0x166: {  	[tilespmem:s19], [sflag:$0x1] =	stream.linear.gather [hbm4b:s0+s4], $0xA0, $0x38;
	[tilespmem:$0x19800] =	vst v63  }
0x167: {  	_ =	swait.ge [sflag:s15], $0x1400  }
0x168: {  	[sflag:s15] =	ssyncset.done $0x0  }
0x169: {  	[sflag:s15] =	ssyncadd.s32 $0xFFFFEC00  }
0x16a: {  	_ =	swait.ge [sflag:s15], $0x1400  }
0x16b: {  	[sflag:s15] =	ssyncset.done $0x0  }
0x16c: {  	[sflag:s15] =	ssyncadd.s32 $0xFFFFEC00  }
0x16d: {  	_ =	swait.ge [sflag:s29], $0x140  }
0x16e: {  	[sflag:s29] =	ssyncset.done $0x0  }
0x16f: {  	[sflag:s29] =	ssyncadd.s32 $0xFFFFFEC0  }
0x170: {  	_ =	swait.ge [sflag:s29], $0xA0  }
0x171: {  	[sflag:s29] =	ssyncset.done $0x0  }
0x172: {  	[sflag:s29] =	ssyncadd.s32 $0xFFFFFF60  }
0x173: {  	v9 =	vld [tilespmem:$0xA000]  }
0x174: {  	v10 =	vld [tilespmem:$0xA050]  }
0x175: {  	v11 =	vld [tilespmem:$0xA010]  }
0x176: {  	v12 =	vld [tilespmem:$0xA060]  }
0x177: {  	v13 =	vld [tilespmem:$0xA020]  }
0x178: {  	v14 =	vld [tilespmem:$0xA070];
	v9 =	vadd.s32 v0, v9  }
0x179: {  	[tilespmem:$0xA3C0] =	vst v9;
	v9 =	vadd.s32 v0, v10;
	v10 =	vld [tilespmem:$0xA030]  }
0x17a: {  	[tilespmem:$0xA460] =	vst v9;
	v9 =	vadd.s32 v0, v11;
	v11 =	vld [tilespmem:$0xA080]  }
0x17b: {  	[tilespmem:$0xA3D0] =	vst v9;
	v9 =	vadd.s32 v0, v12;
	v12 =	vld [tilespmem:$0xA040]  }
0x17c: {  	[tilespmem:$0xA470] =	vst v9;
	v9 =	vadd.s32 v0, v13;
	v13 =	vld [tilespmem:$0xA090]  }
0x17d: {  	[tilespmem:$0xA3E0] =	vst v9;
	v9 =	vadd.s32 v0, v14;
	v14 =	vld [tilespmem:$0xA0A0]  }
0x17e: {  	[tilespmem:$0xA480] =	vst v9;
	v9 =	vadd.s32 v0, v10;
	v10 =	vld [tilespmem:$0xA0F0]  }
0x17f: {  	[tilespmem:$0xA3F0] =	vst v9;
	v9 =	vadd.s32 v0, v11;
	v11 =	vld [tilespmem:$0xA0A0]  }
0x180: {  	[tilespmem:$0xA490] =	vst v9;
	v9 =	vadd.s32 v0, v12;
	v12 =	vld [tilespmem:$0xA0F0]  }
0x181: {  	[tilespmem:$0xA400] =	vst v9;
	v9 =	vadd.s32 v0, v13;
	v13 =	vld [tilespmem:$0xA0B0]  }
0x182: {  	[tilespmem:$0xA4A0] =	vst v9;
	v9 =	vadd.s32 v0, v14;
	v14 =	vld [tilespmem:$0xA100]  }
0x183: {  	[tilespmem:$0xA500] =	vst v9;
	v9 =	vadd.s32 v0, v10;
	v10 =	vld [tilespmem:$0xA0B0]  }
0x184: {  	[tilespmem:$0xA5A0] =	vst v9;
	v9 =	vld [tilespmem:$0xA100]  }
0x185: {  	[tilespmem:$0xA640] =	vst v11;
	v11 =	vld [tilespmem:$0xA0C0]  }
0x186: {  	[tilespmem:$0xA6E0] =	vst v12;
	v12 =	vadd.s32 v0, v13;
	v13 =	vld [tilespmem:$0xA110]  }
0x187: {  	[tilespmem:$0xA510] =	vst v12;
	v12 =	vadd.s32 v0, v14;
	v14 =	vld [tilespmem:$0xA0C0]  }
0x188: {  	[tilespmem:$0xA5B0] =	vst v12;
	v12 =	vld [tilespmem:$0xA110]  }
0x189: {  	[tilespmem:$0xA650] =	vst v10;
	v10 =	vld [tilespmem:$0xA0D0]  }
0x18a: {  	[tilespmem:$0xA6F0] =	vst v9;
	v9 =	vadd.s32 v0, v11;
	v11 =	vld [tilespmem:$0xA120]  }
0x18b: {  	[tilespmem:$0xA520] =	vst v9;
	v9 =	vadd.s32 v0, v13;
	v13 =	vld [tilespmem:$0xA0D0]  }
0x18c: {  	[tilespmem:$0xA5C0] =	vst v9;
	v9 =	vld [tilespmem:$0xA120]  }
0x18d: {  	[tilespmem:$0xA660] =	vst v14;
	v14 =	vld [tilespmem:$0xA0E0]  }
0x18e: {  	[tilespmem:$0xA700] =	vst v12;
	v10 =	vadd.s32 v0, v10;
	v12 =	vld [tilespmem:$0xA130]  }
0x18f: {  	[tilespmem:$0xA530] =	vst v10;
	v10 =	vadd.s32 v0, v11  }
0x190: {  	v11 =	vld [tilespmem:$0xA130];
	[tilespmem:$0xA5D0] =	vst v10  }
0x191: {  	v10 =	vld [tilespmem:$0xA0E0];
	[tilespmem:$0xA670] =	vst v13  }
0x192: {  	[tilespmem:$0xA710] =	vst v9;
	v9 =	vadd.s32 v0, v14  }
0x193: {  	[tilespmem:$0xA540] =	vst v9;
	v9 =	vadd.s32 v0, v12  }
0x194: {  	[tilespmem:$0xA5E0] =	vst v9  }
0x195: {  	[tilespmem:$0xA720] =	vst v11  }
0x196: {  	s25 =	simm.s32 $0xA780;
	s22 =	simm.s32 $0xA3C0;
	[tilespmem:$0xA680] =	vst v10  }
0x197: {  	[tilespmem:s25], [sflag:$0x3] =	stream.indirect.gather [hbm4b:s5+s30], $0x40, s22, s30, $0xb8;
	[tilespmem:$0x19800] =	vst v63  }
0x198: {  	s3 =	simm.s32 $0xA460;
	s6 =	simm.s32 $0xBB80  }
0x199: {  	[tilespmem:s6], [sflag:$0x3] =	stream.indirect.gather [hbm4b:s5+s30], $0x40, s3, s30, $0xb8;
	[tilespmem:$0x19800] =	vst v63  }
0x19a: {  	s11 =	simm.s32 $0xF780;
	s10 =	simm.s32 $0xA500  }
0x19b: {  	[tilespmem:s11], [sflag:$0x5] =	stream.indirect.gather [hbm4b:s7+s30], $0x40, s10, s30, $0xb8;
	[tilespmem:$0x19800] =	vst v63  }
0x19c: {  	s12 =	simm.s32 $0xA5A0;
	s13 =	simm.s32 $0x10B80  }
0x19d: {  	[tilespmem:s13], [sflag:$0x5] =	stream.indirect.gather [hbm4b:s7+s30], $0x40, s12, s30, $0xb8;
	[tilespmem:$0x19800] =	vst v63  }
0x19e: {  	_ =	swait.ge [sflag:s21], $0x1400  }
0x19f: {  	[sflag:s21] =	ssyncset.done $0x0  }
0x1a0: {  	[sflag:s21] =	ssyncadd.s32 $0xFFFFEC00  }
0x1a1: {  	_ =	swait.ge [sflag:s21], $0x1400  }
0x1a2: {  	[sflag:s21] =	ssyncset.done $0x0  }
0x1a3: {  	[sflag:s21] =	ssyncadd.s32 $0xFFFFEC00  }
0x1a4: {  	_ =	swait.ge [sflag:s20], $0x1400  }
0x1a5: {  	[sflag:s20] =	ssyncset.done $0x0  }
0x1a6: {  	[sflag:s20] =	ssyncadd.s32 $0xFFFFEC00  }
0x1a7: {  	_ =	swait.ge [sflag:s20], $0x1400  }
0x1a8: {  	[sflag:s20] =	ssyncset.done $0x0  }
0x1a9: {  	s16 =	simm.s32 $0x12000;
	[sflag:s20] =	ssyncadd.s32 $0xFFFFEC00  }
0x1aa: {  	v9 =	vld [tilespmem:s16+$0x0]  }
0x1ab: {  	s10 =	simm.s32 $0xD000;
	v10 =	vld [tilespmem:s16+$0x40]  }
0x1ac: {  	v11 =	vld [tilespmem:s10+$0xFFFFFFC0]  }
0x1ad: {  	s14 =	simm.s32 $0x0;
	v12 =	vld [tilespmem:s10+$0x40]  }
0x1ae: {  	s18 =	sand.u32 $0xF0, s14;
	v13 =	vld [tilespmem:s16+$0xFFFFFFC0]  }
0x1af: {  	v14 =	vld [tilespmem:s18+$0xA320]  }
0x1b0: {  	v15 =	vld [tilespmem:s10+$0x0]  }
0x1b1: {  	s19 =	simm.s32 $0x2;
	s0 =	sand.u32 $0xC, s14  }
0x1b2: {  	s1 =	sand.u32 $0xE, s19;
	s22 =	simm.s32 $0x3;
	s25 =	simm.s32 $0x1;
	v16 =	vld [tilespmem:s16+$0xFFFFFF80]  }
0x1b3: {  	v17 =	vmov s0;
	v18 =	vmov s1;
	v19 =	vmov s22;
	s3 =	sand.u32 $0xD, s25;
	v21 =	vld [tilespmem:s10+$0xFFFFFF80]  }
0x1b4: {  	v22 =	vmov s3;
	v10 =	vadd.f32 v10, v12;
	v12 =	vperm.xlane v14, v18  }
0x1b5: {  	v19 =	vperm.xlane v14, v19;
	v11 =	vadd.f32 v13, v11;
	v9 =	vadd.f32 v9, v15  }
0x1b6: {  	v13 =	vperm.xlane v14, v17;
	v14 =	vperm.xlane v14, v22;
	v18 =	vmax.f32 v12, $0.0e+00  }
0x1b7: {  	v20 =	vmax.f32 v19, $0.0e+00;
	v17 =	vsub.f32 $0.0e+00, v19;
	v15 =	vmul.f32 v18, v7  }
0x1b8: {  	v16 =	vadd.f32 v16, v21;
	v12 =	vsub.f32 $0.0e+00, v12;
	v19 =	vmul.f32 v20, v7  }
0x1b9: {  	v22 =	vmax.f32 v13, $0.0e+00;
	v9 =	vadd.f32 v9, v15;
	v15 =	vmax.f32 v17, $0.0e+00  }
0x1ba: {  	v21 =	vmax.f32 v14, $0.0e+00;
	v10 =	vadd.f32 v10, v19;
	v17 =	vmul.f32 v15, v8  }
0x1bb: {  	v14 =	vsub.f32 $0.0e+00, v14;
	v23 =	vmax.f32 v12, $0.0e+00;
	v19 =	vmul.f32 v21, v7  }
0x1bc: {  	v12 =	vsub.f32 $0.0e+00, v13;
	v13 =	vmul.f32 v23, v8;
	v10 =	vadd.f32 v10, v17  }
0x1bd: {  	s31 =	simm.s32 $0x12100;
	v24 =	vmul.f32 v22, v7;
	v11 =	vadd.f32 v11, v19;
	v17 =	vmax.f32 v14, $0.0e+00  }
0x1be: {  	s0 =	simm.s32 $0xD100;
	s25 =	simm.s32 $0x17000;
	v28 =	vld [tilespmem:s31+$0x40];
	v9 =	vadd.f32 v9, v13;
	v14 =	vmul.f32 v17, v8;
	v10 =	vmax.f32 v10, $0.0e+00  }
0x1bf: {  	v47 =	vld [tilespmem:s0+$0xFFFFFFC0];
	v19 =	vmax.f32 v12, $0.0e+00;
	v12 =	vadd.f32 v16, v24;
	[tilespmem:s25+$0x40] =	vst v10  }
0x1c0: {  	v9 =	vmax.f32 v9, $0.0e+00;
	v10 =	vmul.f32 v19, v8;
	v11 =	vadd.f32 v11, v14;
	v13 =	vld [tilespmem:s10+$0x50]  }
0x1c1: {  	[tilespmem:s25+$0x0] =	vst v9;
	v9 =	vld [tilespmem:s16+$0x50]  }
0x1c2: {  	v10 =	vadd.f32 v12, v10;
	v11 =	vmax.f32 v11, $0.0e+00;
	v12 =	vld [tilespmem:s10+$0x10]  }
0x1c3: {  	s14 =	simm.s32 $0x7;
	s6 =	simm.s32 $0x4;
	[tilespmem:s25+$0xFFFFFFC0] =	vst v11;
	v11 =	vld [tilespmem:s16+$0x10]  }
0x1c4: {  	v57 =	vmov s14;
	s1 =	sand.u32 $0xC, s6;
	s11 =	simm.s32 $0x5;
	v10 =	vmax.f32 v10, $0.0e+00;
	v14 =	vld [tilespmem:s16+$0xFFFFFFD0]  }
0x1c5: {  	s19 =	simm.s32 $0x9;
	v55 =	vmov s1;
	s3 =	sand.u32 $0xD, s11;
	s11 =	simm.s32 $0x6;
	v31 =	vmul.f32 v22, v2;
	v27 =	vmul.f32 v21, v4;
	[tilespmem:s25+$0xFFFFFF80] =	vst v10;
	v10 =	vld [tilespmem:s10+$0xFFFFFFD0]  }
0x1c6: {  	v56 =	vmov s3;
	s13 =	sand.u32 $0xE, s11;
	s11 =	sand.u32 $0xD, s19;
	v46 =	vmul.f32 v21, v6;
	v49 =	vmul.f32 v20, v6;
	v16 =	vld [tilespmem:s16+$0xFFFFFF90]  }
0x1c7: {  	v33 =	vmov s11;
	v50 =	vmul.f32 v18, v6;
	v51 =	vmul.f32 v22, v6;
	v25 =	vld [tilespmem:s10+$0xFFFFFF90]  }
0x1c8: {  	v22 =	vmul.f32 v22, v4;
	v43 =	vmul.f32 v21, v2;
	v9 =	vadd.f32 v9, v13;
	v13 =	vld [tilespmem:s0+$0x40]  }
0x1c9: {  	v54 =	vld [tilespmem:s0+$0x0];
	v32 =	vmul.f32 v23, v1;
	v26 =	vmul.f32 v23, v5;
	v11 =	vadd.f32 v11, v12  }
0x1ca: {  	v23 =	vmul.f32 v23, v3;
	v52 =	vmul.f32 v15, v5;
	v12 =	vld [tilespmem:s31+$0xFFFFFFC0];
	v9 =	vadd.f32 v9, v49  }
0x1cb: {  	s12 =	sand.u32 $0xF0, s6;
	v29 =	vmul.f32 v15, v1;
	v40 =	vmul.f32 v15, v3;
	v24 =	vld [tilespmem:s31+$0x0];
	v11 =	vadd.f32 v11, v50  }
0x1cc: {  	v53 =	vmul.f32 v19, v5;
	v10 =	vadd.f32 v14, v10;
	v14 =	vld [tilespmem:s12+$0xA320];
	v9 =	vadd.f32 v9, v52  }
0x1cd: {  	v48 =	vmul.f32 v17, v5;
	v16 =	vadd.f32 v16, v25;
	v13 =	vadd.f32 v28, v13  }
0x1ce: {  	v28 =	vld [tilespmem:s0+$0xFFFFFF80];
	v10 =	vadd.f32 v10, v46;
	v11 =	vadd.f32 v11, v26;
	v9 =	vmax.f32 v9, $0.0e+00  }
0x1cf: {  	v30 =	vmul.f32 v17, v3;
	v26 =	vld [tilespmem:s31+$0xFFFFFF80];
	v34 =	vadd.f32 v12, v47;
	[tilespmem:s25+$0x50] =	vst v9;
	v9 =	vadd.f32 v16, v51  }
0x1d0: {  	v25 =	vmov s13;
	v12 =	vadd.f32 v24, v54;
	v10 =	vadd.f32 v10, v48  }
0x1d1: {  	v11 =	vmax.f32 v11, $0.0e+00;
	v24 =	vperm.xlane v14, v25;
	v25 =	vperm.xlane v14, v57  }
0x1d2: {  	v58 =	vld [tilespmem:s16+$0x60];
	v59 =	vperm.xlane v14, v55;
	v9 =	vadd.f32 v9, v53;
	v14 =	vperm.xlane v14, v56  }
0x1d3: {  	v60 =	vld [tilespmem:s10+$0x60];
	v35 =	vmax.f32 v10, $0.0e+00;
	v10 =	vmax.f32 v24, $0.0e+00;
	v16 =	vmax.f32 v25, $0.0e+00  }
0x1d4: {  	v26 =	vadd.f32 v26, v28;
	v25 =	vsub.f32 $0.0e+00, v25;
	v62 =	vmax.f32 v9, $0.0e+00  }
0x1d5: {  	v24 =	vsub.f32 $0.0e+00, v24;
	v15 =	vmax.f32 v14, $0.0e+00;
	v61 =	vmul.f32 v10, v7  }
0x1d6: {  	[tilespmem:s25+$0x10] =	vst v11;
	v36 =	vmax.f32 v59, $0.0e+00;
	v28 =	vmul.f32 v16, v7;
	v48 =	vmul.f32 v15, v7  }
0x1d7: {  	v14 =	vsub.f32 $0.0e+00, v14;
	v49 =	vmul.f32 v36, v7;
	[tilespmem:s25+$0xFFFFFF90] =	vst v62;
	v62 =	vmul.f32 v18, v4  }
0x1d8: {  	v50 =	vld [tilespmem:s16+$0x20];
	[tilespmem:s25+$0xFFFFFFD0] =	vst v35;
	v42 =	vmul.f32 v15, v4;
	v25 =	vmax.f32 v25, $0.0e+00;
	v35 =	vadd.f32 v58, v60  }
0x1d9: {  	v63 =	vld [tilespmem:s16+$0xFFFFFFE0];
	v37 =	vmax.f32 v24, $0.0e+00;
	v60 =	vmul.f32 v10, v6;
	v38 =	vadd.f32 v12, v61  }
0x1da: {  	v24 =	vld [tilespmem:s10+$0xFFFFFFE0];
	v11 =	vadd.f32 v13, v28;
	v12 =	vmul.f32 v25, v8;
	v13 =	vsub.f32 $0.0e+00, v59  }
0x1db: {  	s12 =	simm.s32 $0x8;
	v52 =	vld [tilespmem:s10+$0xFFFFFFA0];
	v9 =	vmul.f32 v25, v1;
	v51 =	vmul.f32 v37, v8;
	v26 =	vadd.f32 v26, v49  }
0x1dc: {  	s18 =	sand.u32 $0xC, s12;
	v55 =	vld [tilespmem:s16+$0xFFFFFFA0];
	v45 =	vmul.f32 v37, v5;
	v11 =	vadd.f32 v11, v12;
	v12 =	vmax.f32 v13, $0.0e+00  }
0x1dd: {  	v28 =	vld [tilespmem:s10+$0x20];
	v13 =	vmax.f32 v14, $0.0e+00;
	v38 =	vadd.f32 v38, v51;
	v51 =	vmov s18;
	s18 =	sand.u32 $0xF0, s12  }
0x1de: {  	s22 =	simm.s32 $0x12200;
	s3 =	simm.s32 $0x17100;
	v59 =	vmul.f32 v15, v6;
	v53 =	vmul.f32 v13, v8;
	v46 =	vld [tilespmem:s18+$0xA320];
	v54 =	vmax.f32 v11, $0.0e+00  }
0x1df: {  	v14 =	vadd.f32 v34, v48;
	v61 =	vmul.f32 v12, v8;
	v48 =	vmul.f32 v13, v5;
	[tilespmem:s3+$0x40] =	vst v54;
	v54 =	vld [tilespmem:s22+$0x40]  }
0x1e0: {  	v11 =	vmul.f32 v36, v2;
	v38 =	vmax.f32 v38, $0.0e+00;
	v24 =	vadd.f32 v63, v24;
	v41 =	vld [tilespmem:s0+$0x50]  }
0x1e1: {  	v34 =	vadd.f32 v55, v52;
	v52 =	vmul.f32 v36, v6;
	v39 =	vadd.f32 v14, v53;
	[tilespmem:s3+$0x0] =	vst v38;
	v63 =	vld [tilespmem:s31+$0x50]  }
0x1e2: {  	v55 =	vmul.f32 v25, v5;
	v28 =	vadd.f32 v50, v28;
	v24 =	vadd.f32 v24, v27;
	v27 =	vld [tilespmem:s0+$0x10]  }
0x1e3: {  	s13 =	simm.s32 $0xD200;
	v14 =	vmul.f32 v37, v1;
	v26 =	vadd.f32 v26, v61;
	v57 =	vld [tilespmem:s31+$0x10];
	v56 =	vmax.f32 v39, $0.0e+00  }
0x1e4: {  	v38 =	vmul.f32 v20, v2;
	v20 =	vmul.f32 v20, v4;
	v28 =	vadd.f32 v28, v62;
	v62 =	vld [tilespmem:s13+$0x40];
	[tilespmem:s3+$0xFFFFFFC0] =	vst v56  }
0x1e5: {  	v53 =	vmul.f32 v16, v6;
	v26 =	vmax.f32 v26, $0.0e+00;
	v24 =	vadd.f32 v24, v30;
	v30 =	vld [tilespmem:s31+$0xFFFFFFD0]  }
0x1e6: {  	v50 =	vmul.f32 v17, v1;
	v37 =	vmul.f32 v37, v3;
	[tilespmem:s3+$0xFFFFFF80] =	vst v26;
	v23 =	vadd.f32 v28, v23;
	v28 =	vld [tilespmem:s0+$0xFFFFFFD0]  }
0x1e7: {  	v39 =	vmul.f32 v13, v3;
	v20 =	vadd.f32 v35, v20;
	v26 =	vmul.f32 v19, v3;
	v58 =	vld [tilespmem:s31+$0xFFFFFF90]  }
0x1e8: {  	v34 =	vadd.f32 v34, v22;
	v19 =	vmul.f32 v19, v1;
	v33 =	vperm.xlane v46, v33;
	v61 =	vld [tilespmem:s0+$0xFFFFFF90]  }
0x1e9: {  	v21 =	vld [tilespmem:s13+$0xFFFFFFC0];
	v20 =	vadd.f32 v20, v40;
	v24 =	vmax.f32 v24, $0.0e+00;
	v41 =	vadd.f32 v63, v41  }
0x1ea: {  	v49 =	vld [tilespmem:s22+$0x0];
	v23 =	vmax.f32 v23, $0.0e+00;
	v27 =	vadd.f32 v57, v27;
	v57 =	vmul.f32 v12, v5  }
0x1eb: {  	v63 =	vld [tilespmem:s22+$0xFFFFFFC0];
	v35 =	vadd.f32 v54, v62;
	v62 =	vmax.f32 v20, $0.0e+00;
	v41 =	vadd.f32 v41, v53  }
0x1ec: {  	s14 =	simm.s32 $0xA;
	v27 =	vadd.f32 v27, v60;
	v53 =	vmul.f32 v18, v2;
	v18 =	vld [tilespmem:s13+$0x0];
	v28 =	vadd.f32 v30, v28  }
0x1ed: {  	s1 =	sand.u32 $0xE, s14;
	v20 =	vmul.f32 v36, v4;
	v44 =	vadd.f32 v58, v61;
	v58 =	vld [tilespmem:s22+$0xFFFFFF80];
	v41 =	vadd.f32 v41, v55  }
0x1ee: {  	s19 =	simm.s32 $0xB;
	v30 =	vmov s1;
	v61 =	vld [tilespmem:s13+$0xFFFFFF80];
	v27 =	vadd.f32 v27, v45;
	v28 =	vadd.f32 v28, v59  }
0x1ef: {  	[tilespmem:s25+$0xFFFFFFE0] =	vst v24;
	v30 =	vperm.xlane v46, v30;
	v55 =	vmul.f32 v10, v4;
	v59 =	vmov s19  }
0x1f0: {  	v40 =	vld [tilespmem:s16+$0xFFFFFFF0];
	[tilespmem:s25+$0x60] =	vst v62;
	v60 =	vmax.f32 v41, $0.0e+00;
	v27 =	vmax.f32 v27, $0.0e+00;
	v28 =	vadd.f32 v28, v48  }
0x1f1: {  	v48 =	vadd.f32 v63, v21;
	v21 =	vadd.f32 v44, v52;
	v63 =	vperm.xlane v46, v51;
	v51 =	vld [tilespmem:s10+$0x70]  }
0x1f2: {  	v54 =	vsub.f32 $0.0e+00, v30;
	v18 =	vadd.f32 v49, v18;
	[tilespmem:s3+$0x50] =	vst v60;
	v46 =	vperm.xlane v46, v59;
	v60 =	vld [tilespmem:s16+$0x70]  }
0x1f3: {  	v41 =	vadd.f32 v58, v61;
	v61 =	vld [tilespmem:s10+$0xFFFFFFF0];
	v56 =	vadd.f32 v21, v57;
	v21 =	vmax.f32 v30, $0.0e+00  }
0x1f4: {  	v49 =	vmax.f32 v28, $0.0e+00;
	v28 =	vld [tilespmem:s31+$0x60];
	v24 =	vmax.f32 v46, $0.0e+00;
	v58 =	vmul.f32 v21, v7  }
0x1f5: {  	v57 =	vld [tilespmem:s0+$0x60];
	v17 =	vsub.f32 $0.0e+00, v46;
	v30 =	vmul.f32 v25, v3;
	v59 =	vmul.f32 v24, v7  }
0x1f6: {  	[tilespmem:s3+$0x10] =	vst v27;
	v27 =	vsub.f32 $0.0e+00, v63;
	v45 =	vmax.f32 v56, $0.0e+00;
	v44 =	vadd.f32 v18, v58  }
0x1f7: {  	v22 =	vmax.f32 v17, $0.0e+00;
	v25 =	vadd.f32 v35, v59;
	v18 =	vadd.f32 v34, v26  }
0x1f8: {  	[tilespmem:s25+$0x20] =	vst v23;
	v62 =	vmul.f32 v22, v8;
	v17 =	vmul.f32 v22, v1;
	v26 =	vmax.f32 v63, $0.0e+00  }
0x1f9: {  	v52 =	vld [tilespmem:s16+$0x30];
	v51 =	vadd.f32 v60, v51;
	v23 =	vmul.f32 v26, v7;
	v58 =	vadd.f32 v40, v61  }
0x1fa: {  	v56 =	vld [tilespmem:s10+$0x30];
	v34 =	vadd.f32 v28, v57;
	v63 =	vmax.f32 v18, $0.0e+00;
	v18 =	vmul.f32 v26, v2  }
0x1fb: {  	v47 =	vld [tilespmem:s0+$0x20];
	[tilespmem:s3+$0xFFFFFFD0] =	vst v49;
	v46 =	vadd.f32 v25, v62;
	v57 =	vsub.f32 $0.0e+00, v33;
	v25 =	vmax.f32 v27, $0.0e+00  }
0x1fc: {  	v59 =	vld [tilespmem:s0+$0xFFFFFFE0];
	v28 =	vmax.f32 v33, $0.0e+00;
	v27 =	vmax.f32 v54, $0.0e+00;
	v51 =	vadd.f32 v51, v38  }
0x1fd: {  	v54 =	vld [tilespmem:s31+$0x20];
	v49 =	vadd.f32 v41, v23;
	v60 =	vmul.f32 v28, v7;
	v41 =	vmul.f32 v27, v8  }
0x1fe: {  	v33 =	vmul.f32 v27, v1;
	v35 =	vmul.f32 v27, v5;
	v23 =	vmax.f32 v57, $0.0e+00;
	v57 =	vld [tilespmem:s31+$0xFFFFFFE0]  }
0x1ff: {  	[tilespmem:s25+$0xFFFFFFA0] =	vst v63;
	v61 =	vmul.f32 v25, v8;
	v43 =	vadd.f32 v58, v43;
	v52 =	vadd.f32 v52, v56  }
0x200: {  	v62 =	vld [tilespmem:s10+$0xFFFFFFB0];
	v36 =	vadd.f32 v48, v60;
	v48 =	vmul.f32 v23, v8;
	v44 =	vadd.f32 v44, v41  }
0x201: {  	[tilespmem:s3+$0xFFFFFF90] =	vst v45;
	v46 =	vmax.f32 v46, $0.0e+00;
	s10 =	simm.s32 $0x17200;
	v60 =	vld [tilespmem:s16+$0xFFFFFFB0];
	v61 =	vadd.f32 v49, v61;
	v50 =	vadd.f32 v43, v50  }
0x202: {  	v38 =	vld [tilespmem:s31+$0xFFFFFFA0];
	v40 =	vmul.f32 v28, v4;
	[tilespmem:s10+$0x40] =	vst v46;
	v63 =	vadd.f32 v52, v53;
	v48 =	vadd.f32 v36, v48  }
0x203: {  	v41 =	vmul.f32 v23, v3;
	v46 =	vld [tilespmem:s22+$0x50];
	v47 =	vadd.f32 v54, v47;
	v57 =	vadd.f32 v57, v59  }
0x204: {  	v36 =	vld [tilespmem:s0+$0xFFFFFFA0];
	v56 =	vmax.f32 v44, $0.0e+00;
	v45 =	vmax.f32 v61, $0.0e+00;
	v49 =	vadd.f32 v63, v32  }
0x205: {  	v44 =	vld [tilespmem:s13+$0x50];
	[tilespmem:s10+$0x0] =	vst v56;
	v48 =	vmax.f32 v48, $0.0e+00;
	v47 =	vadd.f32 v47, v55;
	v52 =	vadd.f32 v57, v42  }
0x206: {  	v32 =	vmul.f32 v12, v3;
	v59 =	vadd.f32 v60, v62;
	[tilespmem:s10+$0xFFFFFFC0] =	vst v48;
	v60 =	vadd.f32 v51, v29;
	v48 =	vld [tilespmem:s22+$0x10]  }
0x207: {  	[tilespmem:s10+$0xFFFFFF80] =	vst v45;
	v62 =	vmax.f32 v49, $0.0e+00;
	v42 =	vld [tilespmem:s13+$0x10];
	v61 =	vadd.f32 v47, v37;
	v39 =	vadd.f32 v52, v39  }
0x208: {  	v29 =	vmul.f32 v16, v2;
	v47 =	vld [tilespmem:s22+$0xFFFFFFD0];
	[tilespmem:s25+$0x30] =	vst v62;
	v37 =	vadd.f32 v59, v31;
	v63 =	vmax.f32 v60, $0.0e+00  }
0x209: {  	s18 =	simm.s32 $0x12300;
	s16 =	simm.s32 $0xD200;
	v49 =	vld [tilespmem:s13+$0xFFFFFFD0];
	v31 =	vmax.f32 v50, $0.0e+00;
	v43 =	vmax.f32 v61, $0.0e+00;
	[tilespmem:s25+$0x70] =	vst v63;
	v45 =	vmax.f32 v39, $0.0e+00  }
.LBB2_5:
0x20a: {  	s1 =	sadd.s32 $0x5, s12;
	v51 =	vmul.f32 v28, v6;
	v52 =	vmul.f32 v23, v5  }
0x20b: {  	v50 =	vld [tilespmem:s22+$0xFFFFFF90];
	s13 =	sadd.s32 $0x100, s13;
	v19 =	vadd.f32 v37, v19;
	[tilespmem:s25+$0xFFFFFFF0] =	vst v31;
	v39 =	vmovc v33;
	v37 =	vmov v40;
	v31 =	vmov v41;
	s6 =	smov.u32 s12;
	s12 =	sadd.s32 $0x4, s12  }
0x20c: {  	v40 =	vmul.f32 v21, v6;
	v36 =	vadd.f32 v38, v36;
	v38 =	vmul.f32 v16, v4;
	v16 =	vmovc v24;
	s11 =	sand.u32 $0xF0, s12;
	s1 =	sand.u32 $0xD, s1;
	v33 =	vld [tilespmem:s18+$0x0];
	p0 =	slt.u32 s12, $0x9C  }
0x20d: {  	v41 =	vmul.f32 v26, v6;
	v53 =	vmul.f32 v16, v6;
	v24 =	vld [tilespmem:s16+$0xFFFFFF90];
	v19 =	vmax.f32 v19, $0.0e+00  }
0x20e: {  	v46 =	vadd.f32 v46, v44;
	v48 =	vadd.f32 v48, v42;
	v42 =	vmul.f32 v15, v2;
	v54 =	vld [tilespmem:s18+$0x40];
	[tilespmem:s25+$0xFFFFFFB0] =	vst v19;
	s25 =	smov.u32 s3;
	s3 =	smov.u32 s10  }
0x20f: {  	v44 =	vmul.f32 v10, v2;
	v10 =	vmovc v21;
	v34 =	vadd.f32 v34, v38;
	v19 =	vmul.f32 v22, v5;
	v55 =	vld [tilespmem:s13+$0xFFFFFFC0]  }
0x210: {  	s14 =	sand.u32 $0xC, s12;
	s19 =	sadd.s32 $0x6, s6;
	s6 =	sadd.s32 $0x7, s6;
	v38 =	vmul.f32 v25, v5;
	v15 =	vmovc v28;
	v46 =	vadd.f32 v46, v53;
	v40 =	vadd.f32 v48, v40;
	v21 =	vld [tilespmem:s13+$0x40]  }
0x211: {  	v28 =	vmov s14;
	v48 =	vmov s1;
	s1 =	sand.u32 $0xE, s19;
	v47 =	vadd.f32 v47, v49;
	v53 =	vld [tilespmem:s18+$0xFFFFFFC0]  }
0x212: {  	v49 =	vmov s1;
	v46 =	vadd.f32 v46, v19;
	v56 =	vld [tilespmem:s13+$0x0];
	v24 =	vadd.f32 v50, v24  }
0x213: {  	v19 =	vmul.f32 v12, v1;
	v47 =	vadd.f32 v47, v51;
	v35 =	vadd.f32 v40, v35;
	v50 =	vld [tilespmem:s11+$0xA320];
	[tilespmem:s25+$0xFFFFFFE0] =	vst v45  }
0x214: {  	v30 =	vadd.f32 v34, v30;
	v12 =	vmovc v25;
	v46 =	vmax.f32 v46, $0.0e+00;
	v45 =	vmov s6;
	v40 =	vld [tilespmem:s18+$0xFFFFFF80]  }
0x215: {  	v35 =	vmax.f32 v35, $0.0e+00;
	v25 =	vld [tilespmem:s13+$0xFFFFFF80];
	v34 =	vadd.f32 v54, v21;
	v21 =	vadd.f32 v47, v52;
	[tilespmem:s10+$0x50] =	vst v46  }
0x216: {  	v30 =	vmax.f32 v30, $0.0e+00;
	v24 =	vadd.f32 v24, v41;
	v46 =	vadd.f32 v53, v55;
	[tilespmem:s10+$0x10] =	vst v35;
	v35 =	vld [tilespmem:s31+$0xFFFFFFF0]  }
0x217: {  	v26 =	vmul.f32 v26, v4;
	v33 =	vadd.f32 v33, v56;
	v21 =	vmax.f32 v21, $0.0e+00;
	v47 =	vld [tilespmem:s16+$0x20];
	[tilespmem:s25+$0x60] =	vst v30  }
0x218: {  	v24 =	vadd.f32 v24, v38;
	v28 =	vperm.xlane v50, v28;
	v30 =	vperm.xlane v50, v49;
	[tilespmem:s10+$0xFFFFFFD0] =	vst v21;
	v38 =	vld [tilespmem:s22+$0x60]  }
0x219: {  	v41 =	vperm.xlane v50, v48;
	v45 =	vperm.xlane v50, v45;
	v48 =	vld [tilespmem:s16+$0x60]  }
0x21a: {  	v40 =	vadd.f32 v40, v25;
	v21 =	vmax.f32 v30, $0.0e+00;
	v25 =	vmax.f32 v24, $0.0e+00;
	[tilespmem:s25+$0x20] =	vst v43;
	v43 =	vld [tilespmem:s0+$0x70]  }
0x21b: {  	v50 =	vmul.f32 v13, v1;
	v13 =	vmovc v23;
	v24 =	vmax.f32 v45, $0.0e+00;
	v49 =	vmul.f32 v21, v7;
	[tilespmem:s10+$0xFFFFFF90] =	vst v25;
	v25 =	vld [tilespmem:s31+$0x70]  }
0x21c: {  	v36 =	vadd.f32 v36, v20;
	v20 =	vmovc v26;
	v23 =	vsub.f32 $0.0e+00, v45;
	v45 =	vmul.f32 v24, v7;
	v51 =	vld [tilespmem:s0+$0x30]  }
0x21d: {  	v52 =	vsub.f32 $0.0e+00, v30;
	v30 =	vmul.f32 v22, v3;
	s10 =	sadd.s32 $0x100, s10;
	v49 =	vadd.f32 v33, v49;
	v53 =	vld [tilespmem:s31+$0x30]  }
0x21e: {  	v32 =	vadd.f32 v36, v32;
	v22 =	vmax.f32 v23, $0.0e+00;
	v23 =	vadd.f32 v34, v45;
	v33 =	vld [tilespmem:s0+$0xFFFFFFF0]  }
0x21f: {  	v45 =	vmul.f32 v22, v8;
	v54 =	vmul.f32 v22, v1;
	v34 =	vadd.f32 v38, v48;
	v36 =	vld [tilespmem:s16+$0xFFFFFFA0]  }
0x220: {  	v32 =	vmax.f32 v32, $0.0e+00;
	v26 =	vmax.f32 v28, $0.0e+00;
	v28 =	vsub.f32 $0.0e+00, v28;
	v38 =	vld [tilespmem:s22+$0xFFFFFFA0]  }
0x221: {  	v55 =	vmul.f32 v26, v2;
	v48 =	vmul.f32 v10, v4;
	v45 =	vadd.f32 v23, v45;
	[tilespmem:s25+$0xFFFFFFA0] =	vst v32  }
0x222: {  	v23 =	vmul.f32 v26, v7;
	v43 =	vadd.f32 v25, v43;
	v32 =	vsub.f32 $0.0e+00, v41;
	v56 =	vld [tilespmem:s31+$0xFFFFFFB0];
	s31 =	smov.u32 s22;
	s22 =	smov.u32 s18  }
0x223: {  	v25 =	vmax.f32 v28, $0.0e+00;
	v28 =	vmax.f32 v41, $0.0e+00;
	v57 =	vld [tilespmem:s0+$0xFFFFFFB0];
	v58 =	vadd.f32 v35, v33;
	s0 =	smov.u32 s16;
	s16 =	smov.u32 s13  }
0x224: {  	v52 =	vmax.f32 v52, $0.0e+00;
	v59 =	vadd.f32 v40, v23;
	v35 =	vmul.f32 v28, v7;
	v60 =	vld [tilespmem:s31+$0x20]  }
0x225: {  	v23 =	vmax.f32 v32, $0.0e+00;
	v32 =	vmul.f32 v52, v8;
	v33 =	vmul.f32 v52, v1;
	v61 =	vld [tilespmem:s31+$0xFFFFFFE0]  }
0x226: {  	v41 =	vadd.f32 v46, v35;
	v46 =	vmul.f32 v23, v8;
	v35 =	vmul.f32 v52, v5;
	v62 =	vld [tilespmem:s0+$0xFFFFFFE0]  }
0x227: {  	v63 =	vmul.f32 v25, v8;
	v40 =	vmul.f32 v28, v4;
	v32 =	vadd.f32 v49, v32  }
0x228: {  	v49 =	vadd.f32 v53, v51;
	v46 =	vadd.f32 v41, v46;
	v41 =	vmul.f32 v23, v3  }
0x229: {  	v45 =	vmax.f32 v45, $0.0e+00;
	v51 =	vadd.f32 v59, v63;
	v47 =	vadd.f32 v60, v47  }
0x22a: {  	v29 =	vadd.f32 v43, v29;
	v46 =	vmax.f32 v46, $0.0e+00;
	[tilespmem:s10+$0x40] =	vst v45;
	v45 =	vadd.f32 v49, v44  }
0x22b: {  	v32 =	vmax.f32 v32, $0.0e+00;
	v44 =	vld [tilespmem:s13+$0x50];
	v43 =	vadd.f32 v61, v62;
	v47 =	vadd.f32 v47, v48  }
0x22c: {  	v49 =	vadd.f32 v58, v42;
	v48 =	vmax.f32 v51, $0.0e+00;
	[tilespmem:s10+$0xFFFFFFC0] =	vst v46;
	v45 =	vadd.f32 v45, v14;
	v14 =	vmovc v39  }
.Ltmp1:
0x22d: {  	v27 =	vmul.f32 v27, v3;
	v39 =	vadd.f32 v56, v57;
	[tilespmem:s10+$0x0] =	vst v32;
	v46 =	vld [tilespmem:s18+$0x50];
	v37 =	vadd.f32 v43, v37;
	(pc) =	sbr.rel @p0 .LBB2_5-.Ltmp1, $4  }
0x22e: {  	v50 =	vadd.f32 v49, v50;
	v32 =	vmul.f32 v12, v3;
	v43 =	vadd.f32 v29, v9;
	[tilespmem:s10+$0xFFFFFF80] =	vst v48;
	v42 =	vld [tilespmem:s13+$0x10]  }
0x22f: {  	v51 =	vadd.f32 v47, v27;
	v9 =	vmovc v17;
	v17 =	vmovc v54;
	v45 =	vmax.f32 v45, $0.0e+00;
	v48 =	vld [tilespmem:s18+$0x10];
	v31 =	vadd.f32 v37, v31  }
0x230: {  	v29 =	vmul.f32 v16, v2;
	v37 =	vadd.f32 v39, v11;
	v39 =	vmax.f32 v43, $0.0e+00;
	v11 =	vmovc v18;
	v47 =	vld [tilespmem:s18+$0xFFFFFFD0];
	[tilespmem:s25+$0x30] =	vst v45  }
0x231: {  	v27 =	vmovc v52;
	v43 =	vmax.f32 v51, $0.0e+00;
	v18 =	vmovc v55;
	s18 =	sadd.s32 $0x100, s18;
	v49 =	vld [tilespmem:s13+$0xFFFFFFD0];
	v45 =	vmax.f32 v31, $0.0e+00;
	v31 =	vmax.f32 v50, $0.0e+00;
	[tilespmem:s25+$0x70] =	vst v39  }
0x232: {  	v61 =	vld [tilespmem:s22+$0xFFFFFF90]  }
0x233: {  	v39 =	vmul.f32 v24, v6;
	v44 =	vadd.f32 v46, v44;
	v62 =	vld [tilespmem:s16+$0xFFFFFF90]  }
0x234: {  	v51 =	vmul.f32 v22, v5  }
0x235: {  	v52 =	vmul.f32 v21, v6;
	v39 =	vadd.f32 v44, v39;
	v42 =	vadd.f32 v48, v42  }
0x236: {  	v47 =	vadd.f32 v47, v49  }
0x237: {  	v50 =	vmul.f32 v28, v6;
	v39 =	vadd.f32 v39, v51;
	v42 =	vadd.f32 v42, v52  }
0x238: {  	v63 =	vmul.f32 v23, v5;
	v53 =	vmul.f32 v26, v6;
	v46 =	vadd.f32 v61, v62  }
0x239: {  	[tilespmem:s3+$0xFFFFFFE0] =	vst v45;
	v47 =	vadd.f32 v47, v50;
	v39 =	vmax.f32 v39, $0.0e+00;
	v54 =	vadd.f32 v42, v35  }
0x23a: {  	v16 =	vmul.f32 v16, v4;
	v56 =	vmul.f32 v25, v5;
	[tilespmem:s10+$0x50] =	vst v39;
	v39 =	vld [tilespmem:s31+$0xFFFFFFF0]  }
0x23b: {  	v57 =	vadd.f32 v46, v53;
	v44 =	vadd.f32 v47, v63;
	v55 =	vld [tilespmem:s22+$0x60];
	v59 =	vmax.f32 v54, $0.0e+00  }
0x23c: {  	v16 =	vadd.f32 v34, v16;
	v62 =	vld [tilespmem:s16+$0x60];
	[tilespmem:s10+$0x10] =	vst v59  }
0x23d: {  	v36 =	vadd.f32 v38, v36;
	v61 =	vadd.f32 v57, v56;
	v44 =	vmax.f32 v44, $0.0e+00;
	v63 =	vld [tilespmem:s16+$0x20]  }
0x23e: {  	v16 =	vadd.f32 v16, v30;
	v49 =	vld [tilespmem:s22+$0x20];
	[tilespmem:s10+$0xFFFFFFD0] =	vst v44  }
0x23f: {  	v51 =	vadd.f32 v36, v20;
	v48 =	vmax.f32 v61, $0.0e+00;
	v58 =	vld [tilespmem:s22+$0xFFFFFFE0]  }
0x240: {  	v16 =	vmax.f32 v16, $0.0e+00;
	v60 =	vld [tilespmem:s16+$0xFFFFFFE0];
	[tilespmem:s10+$0xFFFFFF90] =	vst v48  }
0x241: {  	[tilespmem:s3+$0x60] =	vst v16;
	v16 =	vadd.f32 v51, v32;
	v52 =	vld [tilespmem:s16+$0xFFFFFFA0]  }
0x242: {  	v54 =	vmul.f32 v24, v4;
	v35 =	vadd.f32 v55, v62;
	v53 =	vld [tilespmem:s22+$0xFFFFFFA0]  }
0x243: {  	v50 =	vld [tilespmem:s0+$0x70];
	v56 =	vmul.f32 v22, v3;
	v16 =	vmax.f32 v16, $0.0e+00  }
0x244: {  	v59 =	vmul.f32 v21, v4;
	[tilespmem:s3+$0xFFFFFFA0] =	vst v16;
	v61 =	vld [tilespmem:s0+$0xFFFFFFF0];
	v30 =	vadd.f32 v49, v63;
	v35 =	vadd.f32 v35, v54  }
0x245: {  	v44 =	vld [tilespmem:s0+$0xFFFFFFB0];
	v34 =	vadd.f32 v58, v60  }
0x246: {  	[tilespmem:s3+$0x20] =	vst v43;
	v27 =	vmul.f32 v27, v3;
	v55 =	vld [tilespmem:s31+$0x70];
	v62 =	vadd.f32 v30, v59;
	v22 =	vadd.f32 v35, v56  }
0x247: {  	v63 =	vmul.f32 v26, v4;
	v58 =	vld [tilespmem:s0+$0x30];
	v20 =	vadd.f32 v53, v52  }
0x248: {  	v60 =	vld [tilespmem:s31+$0x30];
	v57 =	vadd.f32 v34, v40;
	v16 =	vadd.f32 v62, v27;
	v22 =	vmax.f32 v22, $0.0e+00  }
0x249: {  	v45 =	vmul.f32 v25, v3;
	v40 =	vld [tilespmem:s31+$0xFFFFFFB0];
	[tilespmem:s10+$0x60] =	vst v22  }
0x24a: {  	v20 =	vadd.f32 v20, v63;
	v32 =	vadd.f32 v57, v41;
	v16 =	vmax.f32 v16, $0.0e+00;
	v22 =	vld [tilespmem:s16+$0x70]  }
0x24b: {  	v10 =	vmul.f32 v10, v2;
	v47 =	vld [tilespmem:s22+$0x70];
	[tilespmem:s10+$0x20] =	vst v16  }
0x24c: {  	v48 =	vadd.f32 v55, v50;
	v20 =	vadd.f32 v20, v45;
	v32 =	vmax.f32 v32, $0.0e+00;
	v50 =	vld [tilespmem:s16+$0x30]  }
0x24d: {  	v15 =	vmul.f32 v15, v2;
	v19 =	vadd.f32 v37, v19;
	v49 =	vadd.f32 v39, v61;
	v51 =	vld [tilespmem:s22+$0x30];
	[tilespmem:s10+$0xFFFFFFE0] =	vst v32  }
0x24e: {  	v13 =	vmul.f32 v13, v1;
	v12 =	vmul.f32 v12, v1;
	v20 =	vmax.f32 v20, $0.0e+00;
	v32 =	vld [tilespmem:s22+$0xFFFFFFF0]  }
0x24f: {  	v19 =	vmax.f32 v19, $0.0e+00;
	v15 =	vadd.f32 v49, v15;
	v46 =	vadd.f32 v60, v58;
	v52 =	vld [tilespmem:s16+$0xFFFFFFF0];
	[tilespmem:s10+$0xFFFFFFA0] =	vst v20  }
0x250: {  	v56 =	vmul.f32 v21, v2;
	v27 =	vadd.f32 v48, v29;
	v53 =	vadd.f32 v40, v44;
	v20 =	vld [tilespmem:s22+$0xFFFFFFB0]  }
0x251: {  	v59 =	vmul.f32 v28, v2;
	v13 =	vadd.f32 v15, v13;
	v10 =	vadd.f32 v46, v10;
	v54 =	vld [tilespmem:s16+$0xFFFFFFB0]  }
0x252: {  	v55 =	vmul.f32 v24, v2;
	v9 =	vadd.f32 v27, v9;
	v11 =	vadd.f32 v53, v11  }
0x253: {  	v13 =	vmax.f32 v13, $0.0e+00;
	v10 =	vadd.f32 v10, v14;
	v57 =	vadd.f32 v51, v50  }
0x254: {  	[tilespmem:s25+$0xFFFFFFF0] =	vst v31;
	v9 =	vmax.f32 v9, $0.0e+00;
	v58 =	vadd.f32 v47, v22;
	v11 =	vadd.f32 v11, v12  }
0x255: {  	[tilespmem:s25+$0xFFFFFFB0] =	vst v19;
	v10 =	vmax.f32 v10, $0.0e+00;
	v60 =	vadd.f32 v32, v52;
	v14 =	vadd.f32 v57, v56  }
0x256: {  	[tilespmem:s3+$0x30] =	vst v10;
	v10 =	vmax.f32 v11, $0.0e+00;
	v11 =	vadd.f32 v58, v55;
	v61 =	vadd.f32 v20, v54  }
0x257: {  	[tilespmem:s3+$0x70] =	vst v9;
	v9 =	vmul.f32 v23, v1;
	v62 =	vadd.f32 v60, v59;
	v14 =	vadd.f32 v14, v33  }
0x258: {  	v63 =	vmul.f32 v25, v1;
	[tilespmem:s3+$0xFFFFFFF0] =	vst v13;
	v11 =	vadd.f32 v11, v17;
	v12 =	vadd.f32 v61, v18  }
0x259: {  	[tilespmem:s3+$0xFFFFFFB0] =	vst v10;
	v9 =	vadd.f32 v62, v9;
	v10 =	vmax.f32 v14, $0.0e+00  }
0x25a: {  	[tilespmem:s10+$0x30] =	vst v10;
	v10 =	vmax.f32 v11, $0.0e+00;
	v11 =	vadd.f32 v12, v63  }
0x25b: {  	p0 =	seq.s32 s23, $0x3D;
	v9 =	vmax.f32 v9, $0.0e+00;
	[tilespmem:s10+$0x70] =	vst v10  }
.Ltmp2:
0x25c: {  	[tilespmem:s10+$0xFFFFFFF0] =	vst v9;
	v9 =	vmax.f32 v11, $0.0e+00;
	(pc) =	sbr.rel @p0 .LBB2_8-.Ltmp2, $4  }
0x25d: {  	s1 =	simm.s32 $0x16F80;
	s22 =	simm.s32 $0xA690;
	[tilespmem:s10+$0xFFFFFFB0] =	vst v9  }
0x25e: {  	[spmem:s2] =	stream.indirect.scatter.add.f32 [tilespmem:s1], [sflag:$0x8], $0x40, s22, s30, $0xb8;
	[tilespmem:$0x19800] =	vst v63  }
0x25f: {  	s25 =	simm.s32 $0xA730;
	s31 =	simm.s32 $0x18380  }
0x260: {  	[spmem:s2] =	stream.indirect.scatter.add.f32 [tilespmem:s31], [sflag:$0x8], $0x40, s25, s30, $0xb8;
	[tilespmem:$0x19800] =	vst v63  }
0x261: {  	s0 =	sadd.s32 $0x3, s24  }
0x262: {  	s1 =	smul.u32 $0x140, s0  }
0x263: {  	s3 =	rddreg [dreg:$0x5];
	s0 =	smul.u32 $0xA0, s0  }
0x264: {  	s24 =	simm.s32 $0xA140;
	s1 =	sadd.s32 s3, s1  }
.Ltmp3:
0x265: {  	s0 =	sadd.s32 s9, s0;
	s1 =	sshrl.u32 s1, $0x3;
	(pc) =	sbr.rel .LBB2_2-.Ltmp3, $4  }
0x266: {  	s25 =	rddreg [dreg:$0x1];
	s0 =	sshrl.u32 s0, $0x3;
	s1 =	sadd.s32 s8, s1  }
0x267: {  	[tilespmem:s24], [sflag:$0x2] =	stream.linear.gather [hbm4b:s1+s4], $0x140, $0x38;
	[tilespmem:$0x19800] =	vst v63  }
0x268: {  	s31 =	simm.s32 $0xA320;
	s23 =	sadd.s32 $0x1, s23;
	s0 =	sadd.s32 s25, s0  }
0x269: {  	[tilespmem:s31], [sflag:$0x2] =	stream.linear.gather [hbm4b:s0+s4], $0xA0, $0x38;
	[tilespmem:$0x19800] =	vst v63  }
.LBB2_8:
0x26a: {  	s0 =	simm.s32 $0x8  }
0x26b: {  	_ =	swait.ge [sflag:s0], $0x1400  }
0x26c: {  	[sflag:s0] =	ssyncset.done $0x0  }
0x26d: {  	[sflag:s0] =	ssyncadd.s32 $0xFFFFEC00  }
0x26e: {  	_ =	swait.ge [sflag:s0], $0x1400  }
0x26f: {  	[sflag:s0] =	ssyncset.done $0x0  }
0x270: {  	[sflag:s0] =	ssyncadd.s32 $0xFFFFEC00  }
0x271: {  	_ =	swait.ge [sflag:s26], $0x1400  }
0x272: {  	[sflag:s26] =	ssyncset.done $0x0  }
0x273: {  	[sflag:s26] =	ssyncadd.s32 $0xFFFFEC00  }
0x274: {  	_ =	swait.ge [sflag:s26], $0x1400  }
0x275: {  	[sflag:s26] =	ssyncset.done $0x0  }
0x276: {  	[sflag:s26] =	ssyncadd.s32 $0xFFFFEC00  }
0x277: {  	_ =	swait.ge [sflag:s28], $0x1400  }
0x278: {  	[sflag:s28] =	ssyncset.done $0x0  }
0x279: {  	[sflag:s28] =	ssyncadd.s32 $0xFFFFEC00  }
0x27a: {  	_ =	swait.ge [sflag:s28], $0x1400  }
0x27b: {  	[sflag:s28] =	ssyncset.done $0x0  }
0x27c: {  	s16 =	simm.s32 $0xF800;
	[sflag:s28] =	ssyncadd.s32 $0xFFFFEC00  }
0x27d: {  	v9 =	vld [tilespmem:s16+$0x0]  }
0x27e: {  	s10 =	simm.s32 $0xA800;
	v10 =	vld [tilespmem:s16+$0x40]  }
0x27f: {  	v11 =	vld [tilespmem:s10+$0xFFFFFFC0]  }
0x280: {  	s14 =	simm.s32 $0x0;
	v12 =	vld [tilespmem:s10+$0x40]  }
0x281: {  	s1 =	sand.u32 $0xF0, s14;
	v13 =	vld [tilespmem:s16+$0xFFFFFFC0]  }
0x282: {  	v14 =	vld [tilespmem:s1+$0xA280]  }
0x283: {  	v15 =	vld [tilespmem:s10+$0x0]  }
0x284: {  	s18 =	simm.s32 $0x2;
	s6 =	simm.s32 $0x1  }
0x285: {  	s3 =	simm.s32 $0x3;
	s19 =	sand.u32 $0xD, s6;
	s1 =	sand.u32 $0xE, s18;
	v16 =	vld [tilespmem:s16+$0xFFFFFF80]  }
0x286: {  	v19 =	vmov s3;
	v22 =	vmov s19;
	s0 =	sand.u32 $0xC, s14;
	v21 =	vld [tilespmem:s10+$0xFFFFFF80];
	v18 =	vmov s1  }
0x287: {  	v17 =	vmov s0;
	v10 =	vadd.f32 v10, v12;
	v12 =	vperm.xlane v14, v18  }
0x288: {  	v19 =	vperm.xlane v14, v19;
	v11 =	vadd.f32 v13, v11;
	v9 =	vadd.f32 v9, v15  }
0x289: {  	v13 =	vperm.xlane v14, v17;
	v14 =	vperm.xlane v14, v22;
	v18 =	vmax.f32 v12, $0.0e+00  }
0x28a: {  	v20 =	vmax.f32 v19, $0.0e+00;
	v17 =	vsub.f32 $0.0e+00, v19;
	v15 =	vmul.f32 v18, v7  }
0x28b: {  	v16 =	vadd.f32 v16, v21;
	v12 =	vsub.f32 $0.0e+00, v12;
	v19 =	vmul.f32 v20, v7  }
0x28c: {  	v22 =	vmax.f32 v13, $0.0e+00;
	v9 =	vadd.f32 v9, v15;
	v15 =	vmax.f32 v17, $0.0e+00  }
0x28d: {  	v21 =	vmax.f32 v14, $0.0e+00;
	v10 =	vadd.f32 v10, v19;
	v17 =	vmul.f32 v15, v8  }
0x28e: {  	v14 =	vsub.f32 $0.0e+00, v14;
	v23 =	vmax.f32 v12, $0.0e+00;
	v19 =	vmul.f32 v21, v7  }
0x28f: {  	s24 =	simm.s32 $0xF900;
	v12 =	vsub.f32 $0.0e+00, v13;
	v13 =	vmul.f32 v23, v8;
	v10 =	vadd.f32 v10, v17  }
0x290: {  	s0 =	simm.s32 $0xA900;
	v28 =	vld [tilespmem:s24+$0x40];
	v24 =	vmul.f32 v22, v7;
	v11 =	vadd.f32 v11, v19;
	v17 =	vmax.f32 v14, $0.0e+00  }
0x291: {  	s23 =	simm.s32 $0x14800;
	v34 =	vld [tilespmem:s0+$0xFFFFFFC0];
	v9 =	vadd.f32 v9, v13;
	v14 =	vmul.f32 v17, v8;
	v10 =	vmax.f32 v10, $0.0e+00  }
0x292: {  	v47 =	vld [tilespmem:s0+$0x0];
	v19 =	vmax.f32 v12, $0.0e+00;
	v12 =	vadd.f32 v16, v24;
	[tilespmem:s23+$0x40] =	vst v10  }
0x293: {  	v9 =	vmax.f32 v9, $0.0e+00;
	v10 =	vmul.f32 v19, v8;
	v11 =	vadd.f32 v11, v14;
	v13 =	vld [tilespmem:s10+$0x50]  }
0x294: {  	[tilespmem:s23+$0x0] =	vst v9;
	v9 =	vld [tilespmem:s16+$0x50]  }
0x295: {  	v10 =	vadd.f32 v12, v10;
	v11 =	vmax.f32 v11, $0.0e+00;
	v12 =	vld [tilespmem:s10+$0x10]  }
0x296: {  	s25 =	simm.s32 $0x5;
	[tilespmem:s23+$0xFFFFFFC0] =	vst v11;
	v11 =	vld [tilespmem:s16+$0x10]  }
0x297: {  	s3 =	sand.u32 $0xD, s25;
	v31 =	vmul.f32 v22, v2;
	v10 =	vmax.f32 v10, $0.0e+00;
	v14 =	vld [tilespmem:s16+$0xFFFFFFD0]  }
0x298: {  	s22 =	simm.s32 $0x4;
	s6 =	simm.s32 $0x7;
	v41 =	vmov s3;
	v27 =	vmul.f32 v21, v4;
	v33 =	vmul.f32 v21, v6;
	[tilespmem:s23+$0xFFFFFF80] =	vst v10;
	v10 =	vld [tilespmem:s10+$0xFFFFFFD0]  }
0x299: {  	v49 =	vmov s6;
	s1 =	sand.u32 $0xC, s22;
	v36 =	vmul.f32 v20, v6;
	v37 =	vmul.f32 v18, v6;
	v16 =	vld [tilespmem:s16+$0xFFFFFF90]  }
0x29a: {  	v48 =	vmov s1;
	v38 =	vmul.f32 v22, v6;
	v22 =	vmul.f32 v22, v4;
	v25 =	vld [tilespmem:s10+$0xFFFFFF90]  }
0x29b: {  	v62 =	vmul.f32 v18, v4;
	v32 =	vmul.f32 v23, v1;
	v9 =	vadd.f32 v9, v13;
	v13 =	vld [tilespmem:s0+$0x40]  }
0x29c: {  	v26 =	vmul.f32 v23, v5;
	v23 =	vmul.f32 v23, v3;
	v11 =	vadd.f32 v11, v12;
	v12 =	vld [tilespmem:s24+$0xFFFFFFC0]  }
0x29d: {  	s31 =	sand.u32 $0xF0, s22;
	v29 =	vmul.f32 v15, v1;
	v39 =	vmul.f32 v15, v5;
	v24 =	vld [tilespmem:s24+$0x0];
	v9 =	vadd.f32 v9, v36  }
0x29e: {  	v40 =	vmul.f32 v19, v5;
	v11 =	vadd.f32 v11, v37;
	v10 =	vadd.f32 v14, v10;
	v14 =	vld [tilespmem:s31+$0xA280]  }
0x29f: {  	v30 =	vmul.f32 v17, v3;
	v9 =	vadd.f32 v9, v39;
	v16 =	vadd.f32 v16, v25  }
0x2a0: {  	s11 =	simm.s32 $0x6;
	v35 =	vmul.f32 v17, v5;
	v13 =	vadd.f32 v28, v13;
	v28 =	vld [tilespmem:s0+$0xFFFFFF80];
	v10 =	vadd.f32 v10, v33  }
0x2a1: {  	s3 =	sand.u32 $0xE, s11;
	v11 =	vadd.f32 v11, v26;
	v26 =	vld [tilespmem:s24+$0xFFFFFF80];
	v9 =	vmax.f32 v9, $0.0e+00;
	v34 =	vadd.f32 v12, v34  }
0x2a2: {  	v25 =	vmov s3;
	[tilespmem:s23+$0x50] =	vst v9;
	v9 =	vadd.f32 v16, v38;
	v12 =	vadd.f32 v24, v47  }
0x2a3: {  	v10 =	vadd.f32 v10, v35;
	v11 =	vmax.f32 v11, $0.0e+00;
	v24 =	vperm.xlane v14, v25  }
0x2a4: {  	v25 =	vperm.xlane v14, v49;
	v51 =	vperm.xlane v14, v48;
	v9 =	vadd.f32 v9, v40  }
0x2a5: {  	v50 =	vld [tilespmem:s16+$0x60];
	v14 =	vperm.xlane v14, v41;
	v40 =	vmul.f32 v15, v3;
	v35 =	vmax.f32 v10, $0.0e+00  }
0x2a6: {  	v52 =	vld [tilespmem:s10+$0x60];
	v10 =	vmax.f32 v24, $0.0e+00;
	v16 =	vmax.f32 v25, $0.0e+00;
	v26 =	vadd.f32 v26, v28  }
0x2a7: {  	v25 =	vsub.f32 $0.0e+00, v25;
	v54 =	vmax.f32 v9, $0.0e+00;
	v36 =	vmax.f32 v51, $0.0e+00  }
0x2a8: {  	s22 =	simm.s32 $0xFA00;
	v15 =	vmax.f32 v14, $0.0e+00;
	v53 =	vmul.f32 v10, v7;
	v28 =	vmul.f32 v16, v7  }
0x2a9: {  	v49 =	vld [tilespmem:s22+$0x0];
	v24 =	vsub.f32 $0.0e+00, v24;
	[tilespmem:s23+$0xFFFFFFD0] =	vst v35;
	v56 =	vmul.f32 v15, v7;
	v42 =	vmul.f32 v36, v7  }
0x2aa: {  	v14 =	vsub.f32 $0.0e+00, v14;
	v55 =	vld [tilespmem:s16+$0xFFFFFFE0];
	[tilespmem:s23+$0xFFFFFF90] =	vst v54;
	v47 =	vmul.f32 v15, v6;
	v54 =	vmul.f32 v18, v2  }
0x2ab: {  	v25 =	vmax.f32 v25, $0.0e+00;
	v35 =	vadd.f32 v50, v52;
	v37 =	vmax.f32 v24, $0.0e+00;
	v57 =	vld [tilespmem:s10+$0xFFFFFFA0]  }
0x2ac: {  	[tilespmem:s23+$0x10] =	vst v11;
	v60 =	vld [tilespmem:s16+$0xFFFFFFA0];
	v38 =	vadd.f32 v12, v53;
	v11 =	vadd.f32 v13, v28;
	v12 =	vmul.f32 v25, v8  }
0x2ad: {  	v24 =	vld [tilespmem:s10+$0xFFFFFFE0];
	v50 =	vmul.f32 v10, v6;
	v52 =	vmul.f32 v16, v6;
	v13 =	vsub.f32 $0.0e+00, v51  }
0x2ae: {  	v43 =	vld [tilespmem:s16+$0x20];
	v9 =	vmul.f32 v25, v1;
	v44 =	vmul.f32 v37, v8;
	v11 =	vadd.f32 v11, v12  }
0x2af: {  	v28 =	vld [tilespmem:s10+$0x20];
	v26 =	vadd.f32 v26, v42;
	v45 =	vmul.f32 v37, v5;
	v12 =	vmax.f32 v13, $0.0e+00  }
0x2b0: {  	s3 =	simm.s32 $0x14900;
	v53 =	vld [tilespmem:s22+$0x40];
	v13 =	vmax.f32 v14, $0.0e+00;
	v38 =	vadd.f32 v38, v44;
	v59 =	vmax.f32 v11, $0.0e+00  }
0x2b1: {  	v14 =	vadd.f32 v34, v56;
	v58 =	vmul.f32 v13, v8;
	v34 =	vadd.f32 v60, v57;
	v60 =	vld [tilespmem:s22+$0xFFFFFFC0];
	[tilespmem:s3+$0x40] =	vst v59  }
0x2b2: {  	v42 =	vmul.f32 v15, v4;
	v38 =	vmax.f32 v38, $0.0e+00;
	v24 =	vadd.f32 v55, v24;
	v41 =	vld [tilespmem:s0+$0x50]  }
0x2b3: {  	v51 =	vmul.f32 v36, v6;
	v61 =	vmul.f32 v12, v8;
	v39 =	vadd.f32 v14, v58;
	[tilespmem:s3+$0x0] =	vst v38;
	v63 =	vld [tilespmem:s24+$0x50]  }
0x2b4: {  	v38 =	vmul.f32 v20, v2;
	v20 =	vmul.f32 v20, v4;
	v24 =	vadd.f32 v24, v27;
	v27 =	vld [tilespmem:s0+$0x10]  }
0x2b5: {  	s12 =	simm.s32 $0xAA00;
	s13 =	simm.s32 $0x8;
	v48 =	vmul.f32 v13, v5;
	v11 =	vmul.f32 v36, v2;
	v28 =	vadd.f32 v43, v28;
	v56 =	vld [tilespmem:s24+$0x10]  }
0x2b6: {  	s19 =	sand.u32 $0xF0, s13;
	v26 =	vadd.f32 v26, v61;
	v55 =	vmax.f32 v39, $0.0e+00;
	v18 =	vadd.f32 v35, v20;
	v20 =	vld [tilespmem:s12+$0x40]  }
0x2b7: {  	v14 =	vmul.f32 v37, v1;
	v43 =	vmul.f32 v21, v2;
	v28 =	vadd.f32 v28, v62;
	v62 =	vld [tilespmem:s19+$0xA280];
	[tilespmem:s3+$0xFFFFFFC0] =	vst v55  }
0x2b8: {  	s14 =	sand.u32 $0xC, s13;
	s18 =	simm.s32 $0xA;
	v58 =	vmul.f32 v25, v5;
	v26 =	vmax.f32 v26, $0.0e+00;
	v24 =	vadd.f32 v24, v30;
	v30 =	vld [tilespmem:s24+$0xFFFFFFD0]  }
0x2b9: {  	s25 =	sand.u32 $0xE, s18;
	v59 =	vmov s14;
	v37 =	vmul.f32 v37, v3;
	[tilespmem:s3+$0xFFFFFF80] =	vst v26;
	v23 =	vadd.f32 v28, v23;
	v28 =	vld [tilespmem:s0+$0xFFFFFFD0]  }
0x2ba: {  	v61 =	vmov s25;
	v39 =	vmul.f32 v13, v3;
	v35 =	vmul.f32 v12, v5;
	v46 =	vld [tilespmem:s24+$0xFFFFFF90]  }
0x2bb: {  	v34 =	vadd.f32 v34, v22;
	v26 =	vmul.f32 v19, v3;
	v19 =	vmul.f32 v19, v1;
	v57 =	vld [tilespmem:s0+$0xFFFFFF90]  }
0x2bc: {  	s31 =	simm.s32 $0xB;
	v55 =	vld [tilespmem:s12+$0x0];
	v18 =	vadd.f32 v18, v40;
	v24 =	vmax.f32 v24, $0.0e+00;
	v41 =	vadd.f32 v63, v41  }
0x2bd: {  	v23 =	vmax.f32 v23, $0.0e+00;
	v21 =	vadd.f32 v56, v27;
	v27 =	vld [tilespmem:s12+$0xFFFFFFC0];
	v56 =	vmov s31  }
0x2be: {  	v18 =	vmax.f32 v18, $0.0e+00;
	v53 =	vadd.f32 v53, v20;
	v41 =	vadd.f32 v41, v52  }
0x2bf: {  	s11 =	simm.s32 $0x9;
	v20 =	vmul.f32 v36, v4;
	v21 =	vadd.f32 v21, v50;
	v28 =	vadd.f32 v30, v28  }
0x2c0: {  	s1 =	sand.u32 $0xD, s11;
	v63 =	vld [tilespmem:s22+$0xFFFFFF80];
	v59 =	vperm.xlane v62, v59;
	v44 =	vadd.f32 v46, v57;
	v33 =	vadd.f32 v41, v58  }
0x2c1: {  	v30 =	vmov s1;
	v57 =	vld [tilespmem:s12+$0xFFFFFF80];
	v21 =	vadd.f32 v21, v45;
	v28 =	vadd.f32 v28, v47  }
0x2c2: {  	[tilespmem:s23+$0x60] =	vst v18;
	v52 =	vadd.f32 v60, v27;
	v27 =	vadd.f32 v49, v55;
	v60 =	vperm.xlane v62, v61  }
0x2c3: {  	[tilespmem:s23+$0x20] =	vst v23;
	v49 =	vld [tilespmem:s10+$0x70];
	v33 =	vmax.f32 v33, $0.0e+00;
	v58 =	vmax.f32 v21, $0.0e+00;
	v21 =	vadd.f32 v44, v51  }
0x2c4: {  	v44 =	vperm.xlane v62, v30;
	v30 =	vperm.xlane v62, v56;
	v56 =	vld [tilespmem:s10+$0x30];
	v28 =	vadd.f32 v28, v48  }
0x2c5: {  	v47 =	vmul.f32 v17, v1;
	v51 =	vld [tilespmem:s16+$0x30];
	[tilespmem:s3+$0x50] =	vst v33;
	v36 =	vsub.f32 $0.0e+00, v60;
	v35 =	vadd.f32 v21, v35  }
0x2c6: {  	[tilespmem:s23+$0xFFFFFFE0] =	vst v24;
	v61 =	vld [tilespmem:s0+$0x60];
	v40 =	vadd.f32 v63, v57;
	v21 =	vmax.f32 v60, $0.0e+00;
	v24 =	vmax.f32 v30, $0.0e+00  }
0x2c7: {  	v17 =	vsub.f32 $0.0e+00, v30;
	v63 =	vld [tilespmem:s16+$0x70];
	v18 =	vmul.f32 v21, v7;
	v62 =	vmul.f32 v24, v7  }
0x2c8: {  	v30 =	vmul.f32 v25, v3;
	v41 =	vmax.f32 v28, $0.0e+00;
	v28 =	vld [tilespmem:s24+$0x60];
	v45 =	vmax.f32 v35, $0.0e+00  }
0x2c9: {  	v22 =	vmax.f32 v17, $0.0e+00;
	v55 =	vadd.f32 v27, v18;
	v25 =	vadd.f32 v53, v62  }
0x2ca: {  	v35 =	vld [tilespmem:s16+$0xFFFFFFF0];
	v18 =	vadd.f32 v34, v26;
	v60 =	vmul.f32 v22, v8;
	v17 =	vmul.f32 v22, v1  }
0x2cb: {  	v27 =	vld [tilespmem:s10+$0xFFFFFFF0];
	v26 =	vmax.f32 v59, $0.0e+00;
	v62 =	vsub.f32 $0.0e+00, v44;
	v51 =	vadd.f32 v51, v56  }
0x2cc: {  	v53 =	vmul.f32 v10, v4;
	v50 =	vadd.f32 v25, v60;
	v49 =	vadd.f32 v63, v49  }
0x2cd: {  	[tilespmem:s3+$0x10] =	vst v58;
	v23 =	vmul.f32 v26, v7;
	v56 =	vadd.f32 v51, v54;
	v34 =	vadd.f32 v28, v61  }
0x2ce: {  	v48 =	vld [tilespmem:s0+$0x20];
	[tilespmem:s3+$0xFFFFFFD0] =	vst v41;
	v28 =	vsub.f32 $0.0e+00, v59;
	v61 =	vmax.f32 v18, $0.0e+00;
	v18 =	vmul.f32 v26, v2  }
0x2cf: {  	v58 =	vld [tilespmem:s24+$0xFFFFFFE0];
	v49 =	vadd.f32 v49, v38;
	v54 =	vadd.f32 v56, v32;
	v32 =	vmul.f32 v12, v3  }
0x2d0: {  	v59 =	vld [tilespmem:s0+$0xFFFFFFE0];
	v25 =	vmax.f32 v28, $0.0e+00;
	v28 =	vmax.f32 v44, $0.0e+00;
	v57 =	vadd.f32 v35, v27  }
0x2d1: {  	v44 =	vadd.f32 v40, v23;
	v27 =	vmax.f32 v36, $0.0e+00;
	v36 =	vld [tilespmem:s24+$0x20];
	v63 =	vmul.f32 v28, v7  }
0x2d2: {  	[tilespmem:s23+$0xFFFFFFA0] =	vst v61;
	v23 =	vmax.f32 v62, $0.0e+00;
	v41 =	vmul.f32 v27, v8;
	v33 =	vmul.f32 v27, v1  }
0x2d3: {  	v60 =	vld [tilespmem:s16+$0xFFFFFFB0];
	v61 =	vmul.f32 v25, v8;
	v46 =	vadd.f32 v52, v63;
	v52 =	vmul.f32 v23, v8  }
0x2d4: {  	[tilespmem:s3+$0xFFFFFF90] =	vst v45;
	v62 =	vld [tilespmem:s10+$0xFFFFFFB0];
	v35 =	vmul.f32 v27, v5;
	v43 =	vadd.f32 v57, v43;
	v55 =	vadd.f32 v55, v41  }
0x2d5: {  	v38 =	vld [tilespmem:s24+$0xFFFFFFA0];
	s10 =	simm.s32 $0x14A00;
	v45 =	vadd.f32 v44, v61;
	v46 =	vadd.f32 v46, v52;
	v52 =	vmax.f32 v50, $0.0e+00  }
0x2d6: {  	v40 =	vmul.f32 v28, v4;
	v63 =	vadd.f32 v58, v59;
	v48 =	vadd.f32 v36, v48;
	v36 =	vld [tilespmem:s0+$0xFFFFFFA0];
	[tilespmem:s10+$0x40] =	vst v52  }
0x2d7: {  	v59 =	vadd.f32 v43, v47;
	v61 =	vmax.f32 v55, $0.0e+00;
	v45 =	vmax.f32 v45, $0.0e+00;
	v44 =	vld [tilespmem:s12+$0x50]  }
0x2d8: {  	v57 =	vadd.f32 v63, v42;
	[tilespmem:s10+$0x0] =	vst v61;
	v50 =	vmax.f32 v46, $0.0e+00;
	v53 =	vadd.f32 v48, v53;
	v46 =	vld [tilespmem:s22+$0x50]  }
0x2d9: {  	v41 =	vmul.f32 v23, v3;
	v58 =	vadd.f32 v60, v62;
	v60 =	vadd.f32 v49, v29;
	[tilespmem:s10+$0xFFFFFF80] =	vst v45;
	v42 =	vld [tilespmem:s12+$0x10]  }
0x2da: {  	v62 =	vmax.f32 v54, $0.0e+00;
	v48 =	vld [tilespmem:s22+$0x10];
	v39 =	vadd.f32 v57, v39;
	[tilespmem:s10+$0xFFFFFFC0] =	vst v50;
	v61 =	vadd.f32 v53, v37  }
0x2db: {  	v29 =	vmul.f32 v16, v2;
	[tilespmem:s23+$0x30] =	vst v62;
	v63 =	vmax.f32 v60, $0.0e+00;
	v47 =	vld [tilespmem:s22+$0xFFFFFFD0];
	v37 =	vadd.f32 v58, v31  }
0x2dc: {  	s18 =	simm.s32 $0xFB00;
	s16 =	simm.s32 $0xAA00;
	[tilespmem:s23+$0x70] =	vst v63;
	v49 =	vld [tilespmem:s12+$0xFFFFFFD0];
	v45 =	vmax.f32 v39, $0.0e+00;
	v31 =	vmax.f32 v59, $0.0e+00;
	v43 =	vmax.f32 v61, $0.0e+00  }
.LBB2_9:
0x2dd: {  	s1 =	sadd.s32 $0x5, s13;
	v51 =	vmul.f32 v28, v6;
	v52 =	vmul.f32 v23, v5  }
0x2de: {  	v50 =	vld [tilespmem:s22+$0xFFFFFF90];
	s12 =	sadd.s32 $0x100, s12;
	v19 =	vadd.f32 v37, v19;
	[tilespmem:s23+$0xFFFFFFF0] =	vst v31;
	v39 =	vmovc v33;
	v37 =	vmov v40;
	v31 =	vmov v41;
	s6 =	smov.u32 s13;
	s13 =	sadd.s32 $0x4, s13  }
0x2df: {  	v40 =	vmul.f32 v21, v6;
	v36 =	vadd.f32 v38, v36;
	v38 =	vmul.f32 v16, v4;
	v16 =	vmovc v24;
	s11 =	sand.u32 $0xF0, s13;
	s1 =	sand.u32 $0xD, s1;
	v33 =	vld [tilespmem:s18+$0x0];
	p0 =	slt.u32 s13, $0x9C  }
0x2e0: {  	v41 =	vmul.f32 v26, v6;
	v53 =	vmul.f32 v16, v6;
	v24 =	vld [tilespmem:s16+$0xFFFFFF90];
	v19 =	vmax.f32 v19, $0.0e+00  }
0x2e1: {  	v46 =	vadd.f32 v46, v44;
	v48 =	vadd.f32 v48, v42;
	v42 =	vmul.f32 v15, v2;
	v54 =	vld [tilespmem:s18+$0x40];
	[tilespmem:s23+$0xFFFFFFB0] =	vst v19;
	s23 =	smov.u32 s3;
	s3 =	smov.u32 s10  }
0x2e2: {  	v44 =	vmul.f32 v10, v2;
	v10 =	vmovc v21;
	v34 =	vadd.f32 v34, v38;
	v19 =	vmul.f32 v22, v5;
	v55 =	vld [tilespmem:s12+$0xFFFFFFC0]  }
0x2e3: {  	s14 =	sand.u32 $0xC, s13;
	s19 =	sadd.s32 $0x6, s6;
	s6 =	sadd.s32 $0x7, s6;
	v38 =	vmul.f32 v25, v5;
	v15 =	vmovc v28;
	v46 =	vadd.f32 v46, v53;
	v40 =	vadd.f32 v48, v40;
	v21 =	vld [tilespmem:s12+$0x40]  }
0x2e4: {  	v28 =	vmov s14;
	v48 =	vmov s1;
	s1 =	sand.u32 $0xE, s19;
	v47 =	vadd.f32 v47, v49;
	v53 =	vld [tilespmem:s18+$0xFFFFFFC0]  }
0x2e5: {  	v49 =	vmov s1;
	v46 =	vadd.f32 v46, v19;
	v56 =	vld [tilespmem:s12+$0x0];
	v24 =	vadd.f32 v50, v24  }
0x2e6: {  	v19 =	vmul.f32 v12, v1;
	v47 =	vadd.f32 v47, v51;
	v35 =	vadd.f32 v40, v35;
	v50 =	vld [tilespmem:s11+$0xA280];
	[tilespmem:s23+$0xFFFFFFE0] =	vst v45  }
0x2e7: {  	v30 =	vadd.f32 v34, v30;
	v12 =	vmovc v25;
	v46 =	vmax.f32 v46, $0.0e+00;
	v45 =	vmov s6;
	v40 =	vld [tilespmem:s18+$0xFFFFFF80]  }
0x2e8: {  	v35 =	vmax.f32 v35, $0.0e+00;
	v25 =	vld [tilespmem:s12+$0xFFFFFF80];
	v34 =	vadd.f32 v54, v21;
	v21 =	vadd.f32 v47, v52;
	[tilespmem:s10+$0x50] =	vst v46  }
0x2e9: {  	v30 =	vmax.f32 v30, $0.0e+00;
	v24 =	vadd.f32 v24, v41;
	v46 =	vadd.f32 v53, v55;
	[tilespmem:s10+$0x10] =	vst v35;
	v35 =	vld [tilespmem:s24+$0xFFFFFFF0]  }
0x2ea: {  	v26 =	vmul.f32 v26, v4;
	v33 =	vadd.f32 v33, v56;
	v21 =	vmax.f32 v21, $0.0e+00;
	v47 =	vld [tilespmem:s16+$0x20];
	[tilespmem:s23+$0x60] =	vst v30  }
0x2eb: {  	v24 =	vadd.f32 v24, v38;
	v28 =	vperm.xlane v50, v28;
	v30 =	vperm.xlane v50, v49;
	[tilespmem:s10+$0xFFFFFFD0] =	vst v21;
	v38 =	vld [tilespmem:s22+$0x60]  }
0x2ec: {  	v41 =	vperm.xlane v50, v48;
	v45 =	vperm.xlane v50, v45;
	v48 =	vld [tilespmem:s16+$0x60]  }
0x2ed: {  	v40 =	vadd.f32 v40, v25;
	v21 =	vmax.f32 v30, $0.0e+00;
	v25 =	vmax.f32 v24, $0.0e+00;
	[tilespmem:s23+$0x20] =	vst v43;
	v43 =	vld [tilespmem:s0+$0x70]  }
0x2ee: {  	v50 =	vmul.f32 v13, v1;
	v13 =	vmovc v23;
	v24 =	vmax.f32 v45, $0.0e+00;
	v49 =	vmul.f32 v21, v7;
	[tilespmem:s10+$0xFFFFFF90] =	vst v25;
	v25 =	vld [tilespmem:s24+$0x70]  }
0x2ef: {  	v36 =	vadd.f32 v36, v20;
	v20 =	vmovc v26;
	v23 =	vsub.f32 $0.0e+00, v45;
	v45 =	vmul.f32 v24, v7;
	v51 =	vld [tilespmem:s0+$0x30]  }
0x2f0: {  	v52 =	vsub.f32 $0.0e+00, v30;
	v30 =	vmul.f32 v22, v3;
	s10 =	sadd.s32 $0x100, s10;
	v49 =	vadd.f32 v33, v49;
	v53 =	vld [tilespmem:s24+$0x30]  }
0x2f1: {  	v32 =	vadd.f32 v36, v32;
	v22 =	vmax.f32 v23, $0.0e+00;
	v23 =	vadd.f32 v34, v45;
	v33 =	vld [tilespmem:s0+$0xFFFFFFF0]  }
0x2f2: {  	v45 =	vmul.f32 v22, v8;
	v54 =	vmul.f32 v22, v1;
	v34 =	vadd.f32 v38, v48;
	v36 =	vld [tilespmem:s16+$0xFFFFFFA0]  }
0x2f3: {  	v32 =	vmax.f32 v32, $0.0e+00;
	v26 =	vmax.f32 v28, $0.0e+00;
	v28 =	vsub.f32 $0.0e+00, v28;
	v38 =	vld [tilespmem:s22+$0xFFFFFFA0]  }
0x2f4: {  	v55 =	vmul.f32 v26, v2;
	v48 =	vmul.f32 v10, v4;
	v45 =	vadd.f32 v23, v45;
	[tilespmem:s23+$0xFFFFFFA0] =	vst v32  }
0x2f5: {  	v23 =	vmul.f32 v26, v7;
	v43 =	vadd.f32 v25, v43;
	v32 =	vsub.f32 $0.0e+00, v41;
	v56 =	vld [tilespmem:s24+$0xFFFFFFB0];
	s24 =	smov.u32 s22;
	s22 =	smov.u32 s18  }
0x2f6: {  	v25 =	vmax.f32 v28, $0.0e+00;
	v28 =	vmax.f32 v41, $0.0e+00;
	v57 =	vld [tilespmem:s0+$0xFFFFFFB0];
	v58 =	vadd.f32 v35, v33;
	s0 =	smov.u32 s16;
	s16 =	smov.u32 s12  }
0x2f7: {  	v52 =	vmax.f32 v52, $0.0e+00;
	v59 =	vadd.f32 v40, v23;
	v35 =	vmul.f32 v28, v7;
	v60 =	vld [tilespmem:s24+$0x20]  }
0x2f8: {  	v23 =	vmax.f32 v32, $0.0e+00;
	v32 =	vmul.f32 v52, v8;
	v33 =	vmul.f32 v52, v1;
	v61 =	vld [tilespmem:s24+$0xFFFFFFE0]  }
0x2f9: {  	v41 =	vadd.f32 v46, v35;
	v46 =	vmul.f32 v23, v8;
	v35 =	vmul.f32 v52, v5;
	v62 =	vld [tilespmem:s0+$0xFFFFFFE0]  }
0x2fa: {  	v63 =	vmul.f32 v25, v8;
	v40 =	vmul.f32 v28, v4;
	v32 =	vadd.f32 v49, v32  }
0x2fb: {  	v49 =	vadd.f32 v53, v51;
	v46 =	vadd.f32 v41, v46;
	v41 =	vmul.f32 v23, v3  }
0x2fc: {  	v45 =	vmax.f32 v45, $0.0e+00;
	v51 =	vadd.f32 v59, v63;
	v47 =	vadd.f32 v60, v47  }
0x2fd: {  	v29 =	vadd.f32 v43, v29;
	v46 =	vmax.f32 v46, $0.0e+00;
	[tilespmem:s10+$0x40] =	vst v45;
	v45 =	vadd.f32 v49, v44  }
0x2fe: {  	v32 =	vmax.f32 v32, $0.0e+00;
	v44 =	vld [tilespmem:s12+$0x50];
	v43 =	vadd.f32 v61, v62;
	v47 =	vadd.f32 v47, v48  }
0x2ff: {  	v49 =	vadd.f32 v58, v42;
	v48 =	vmax.f32 v51, $0.0e+00;
	[tilespmem:s10+$0xFFFFFFC0] =	vst v46;
	v45 =	vadd.f32 v45, v14;
	v14 =	vmovc v39  }
.Ltmp4:
0x300: {  	v27 =	vmul.f32 v27, v3;
	v39 =	vadd.f32 v56, v57;
	[tilespmem:s10+$0x0] =	vst v32;
	v46 =	vld [tilespmem:s18+$0x50];
	v37 =	vadd.f32 v43, v37;
	(pc) =	sbr.rel @p0 .LBB2_9-.Ltmp4, $4  }
0x301: {  	v50 =	vadd.f32 v49, v50;
	v32 =	vmul.f32 v12, v3;
	v43 =	vadd.f32 v29, v9;
	[tilespmem:s10+$0xFFFFFF80] =	vst v48;
	v42 =	vld [tilespmem:s12+$0x10]  }
0x302: {  	v51 =	vadd.f32 v47, v27;
	v9 =	vmovc v17;
	v17 =	vmovc v54;
	v45 =	vmax.f32 v45, $0.0e+00;
	v48 =	vld [tilespmem:s18+$0x10];
	v31 =	vadd.f32 v37, v31  }
0x303: {  	v29 =	vmul.f32 v16, v2;
	v37 =	vadd.f32 v39, v11;
	v39 =	vmax.f32 v43, $0.0e+00;
	v11 =	vmovc v18;
	v47 =	vld [tilespmem:s18+$0xFFFFFFD0];
	[tilespmem:s23+$0x30] =	vst v45  }
0x304: {  	v27 =	vmovc v52;
	v43 =	vmax.f32 v51, $0.0e+00;
	v18 =	vmovc v55;
	s18 =	sadd.s32 $0x100, s18;
	v49 =	vld [tilespmem:s12+$0xFFFFFFD0];
	v45 =	vmax.f32 v31, $0.0e+00;
	v31 =	vmax.f32 v50, $0.0e+00;
	[tilespmem:s23+$0x70] =	vst v39  }
0x305: {  	v39 =	vld [tilespmem:s22+$0xFFFFFF90]  }
0x306: {  	v7 =	vmul.f32 v24, v6;
	v8 =	vadd.f32 v46, v44;
	v59 =	vld [tilespmem:s16+$0xFFFFFF90]  }
0x307: {  	v60 =	vmul.f32 v22, v5  }
0x308: {  	v62 =	vmul.f32 v21, v6;
	v7 =	vadd.f32 v8, v7;
	v42 =	vadd.f32 v48, v42  }
0x309: {  	v57 =	vmul.f32 v28, v6;
	v58 =	vadd.f32 v47, v49  }
0x30a: {  	v61 =	vmul.f32 v23, v5;
	v7 =	vadd.f32 v7, v60;
	v42 =	vadd.f32 v42, v62  }
0x30b: {  	v16 =	vmul.f32 v16, v4;
	v63 =	vmul.f32 v26, v6;
	v39 =	vadd.f32 v39, v59  }
0x30c: {  	[tilespmem:s3+$0xFFFFFFE0] =	vst v45;
	v44 =	vadd.f32 v58, v57;
	v7 =	vmax.f32 v7, $0.0e+00;
	v42 =	vadd.f32 v42, v35  }
0x30d: {  	v45 =	vmul.f32 v25, v5;
	v16 =	vadd.f32 v34, v16;
	v62 =	vld [tilespmem:s0+$0xFFFFFFF0];
	[tilespmem:s10+$0x50] =	vst v7  }
0x30e: {  	v6 =	vadd.f32 v39, v63;
	v8 =	vadd.f32 v44, v61;
	v44 =	vld [tilespmem:s22+$0x60];
	v47 =	vmax.f32 v42, $0.0e+00  }
0x30f: {  	v49 =	vld [tilespmem:s16+$0x60];
	[tilespmem:s10+$0x10] =	vst v47  }
0x310: {  	v16 =	vadd.f32 v16, v30;
	v5 =	vadd.f32 v6, v45;
	v8 =	vmax.f32 v8, $0.0e+00;
	v30 =	vld [tilespmem:s16+$0x20]  }
0x311: {  	v50 =	vld [tilespmem:s22+$0x20];
	[tilespmem:s10+$0xFFFFFFD0] =	vst v8  }
0x312: {  	v36 =	vadd.f32 v38, v36;
	v5 =	vmax.f32 v5, $0.0e+00;
	v46 =	vld [tilespmem:s22+$0xFFFFFFE0]  }
0x313: {  	v48 =	vld [tilespmem:s16+$0xFFFFFFE0];
	[tilespmem:s10+$0xFFFFFF90] =	vst v5  }
0x314: {  	v52 =	vadd.f32 v36, v20;
	v53 =	vld [tilespmem:s16+$0xFFFFFFA0]  }
0x315: {  	v55 =	vmul.f32 v24, v4;
	[tilespmem:s3+$0x20] =	vst v43;
	v6 =	vadd.f32 v44, v49;
	v54 =	vld [tilespmem:s22+$0xFFFFFFA0]  }
0x316: {  	v60 =	vmul.f32 v21, v4;
	v59 =	vld [tilespmem:s0+$0x30];
	v16 =	vmax.f32 v16, $0.0e+00;
	v5 =	vadd.f32 v52, v32  }
0x317: {  	v57 =	vmul.f32 v22, v3;
	v7 =	vld [tilespmem:s24+$0xFFFFFFF0];
	[tilespmem:s3+$0x60] =	vst v16;
	v16 =	vadd.f32 v50, v30;
	v6 =	vadd.f32 v6, v55  }
0x318: {  	v39 =	vmul.f32 v27, v3;
	v51 =	vld [tilespmem:s0+$0x70];
	v34 =	vadd.f32 v46, v48  }
0x319: {  	v56 =	vld [tilespmem:s24+$0x70];
	v5 =	vmax.f32 v5, $0.0e+00;
	v63 =	vadd.f32 v16, v60;
	v6 =	vadd.f32 v6, v57  }
0x31a: {  	v61 =	vld [tilespmem:s24+$0x30];
	[tilespmem:s3+$0xFFFFFFA0] =	vst v5;
	v8 =	vadd.f32 v54, v53;
	v58 =	vadd.f32 v34, v40  }
0x31b: {  	v43 =	vld [tilespmem:s0+$0xFFFFFFB0];
	v40 =	vmul.f32 v26, v4;
	v5 =	vadd.f32 v63, v39;
	v6 =	vmax.f32 v6, $0.0e+00  }
0x31c: {  	[tilespmem:s10+$0x60] =	vst v6;
	v32 =	vadd.f32 v58, v41;
	v41 =	vld [tilespmem:s24+$0xFFFFFFB0]  }
0x31d: {  	v3 =	vmul.f32 v25, v3;
	v4 =	vadd.f32 v8, v40;
	v5 =	vmax.f32 v5, $0.0e+00;
	v6 =	vld [tilespmem:s16+$0x70]  }
0x31e: {  	v19 =	vadd.f32 v37, v19;
	v47 =	vld [tilespmem:s22+$0x70];
	[tilespmem:s10+$0x20] =	vst v5  }
0x31f: {  	v49 =	vadd.f32 v56, v51;
	v42 =	vmax.f32 v32, $0.0e+00;
	v3 =	vadd.f32 v4, v3;
	v50 =	vld [tilespmem:s16+$0x30]  }
0x320: {  	v13 =	vmul.f32 v13, v1;
	v45 =	vmul.f32 v10, v2;
	v46 =	vadd.f32 v61, v59;
	v51 =	vld [tilespmem:s22+$0x30];
	[tilespmem:s10+$0xFFFFFFE0] =	vst v42  }
0x321: {  	v48 =	vmul.f32 v15, v2;
	v15 =	vadd.f32 v49, v29;
	v44 =	vld [tilespmem:s22+$0xFFFFFFF0];
	v3 =	vmax.f32 v3, $0.0e+00  }
0x322: {  	v12 =	vmul.f32 v12, v1;
	v7 =	vadd.f32 v7, v62;
	v8 =	vadd.f32 v46, v45;
	v52 =	vld [tilespmem:s16+$0xFFFFFFF0];
	[tilespmem:s10+$0xFFFFFFA0] =	vst v3  }
0x323: {  	v56 =	vmul.f32 v24, v2;
	v57 =	vmul.f32 v21, v2;
	v9 =	vadd.f32 v15, v9;
	v54 =	vld [tilespmem:s22+$0xFFFFFFB0]  }
0x324: {  	v2 =	vmul.f32 v28, v2;
	v4 =	vadd.f32 v7, v48;
	v8 =	vadd.f32 v8, v14;
	v55 =	vld [tilespmem:s16+$0xFFFFFFB0]  }
0x325: {  	v61 =	vmul.f32 v23, v1;
	v53 =	vadd.f32 v41, v43;
	v5 =	vadd.f32 v47, v6  }
0x326: {  	v1 =	vmul.f32 v25, v1;
	v4 =	vadd.f32 v4, v13;
	v10 =	vadd.f32 v51, v50  }
0x327: {  	[tilespmem:s23+$0xFFFFFFF0] =	vst v31;
	v3 =	vmax.f32 v19, $0.0e+00;
	v11 =	vadd.f32 v53, v11;
	v5 =	vadd.f32 v5, v56  }
0x328: {  	v9 =	vmax.f32 v9, $0.0e+00;
	[tilespmem:s23+$0xFFFFFFB0] =	vst v3;
	v3 =	vadd.f32 v44, v52;
	v58 =	vadd.f32 v10, v57  }
0x329: {  	[tilespmem:s3+$0x70] =	vst v9;
	v8 =	vmax.f32 v8, $0.0e+00;
	v11 =	vadd.f32 v11, v12;
	v60 =	vadd.f32 v54, v55  }
0x32a: {  	[tilespmem:s3+$0x30] =	vst v8;
	v4 =	vmax.f32 v4, $0.0e+00;
	v2 =	vadd.f32 v3, v2;
	v3 =	vadd.f32 v58, v33  }
0x32b: {  	[tilespmem:s3+$0xFFFFFFF0] =	vst v4;
	v62 =	vadd.f32 v5, v17;
	v59 =	vmax.f32 v11, $0.0e+00;
	v63 =	vadd.f32 v60, v18  }
0x32c: {  	[tilespmem:s3+$0xFFFFFFB0] =	vst v59;
	v2 =	vadd.f32 v2, v61;
	v3 =	vmax.f32 v3, $0.0e+00  }
0x32d: {  	[tilespmem:s10+$0x30] =	vst v3;
	v3 =	vmax.f32 v62, $0.0e+00;
	v1 =	vadd.f32 v63, v1  }
0x32e: {  	v2 =	vmax.f32 v2, $0.0e+00;
	[tilespmem:s10+$0x70] =	vst v3  }
0x32f: {  	[tilespmem:s10+$0xFFFFFFF0] =	vst v2;
	v1 =	vmax.f32 v1, $0.0e+00  }
0x330: {  	s18 =	simm.s32 $0xA640;
	s1 =	simm.s32 $0x14780;
	[tilespmem:s10+$0xFFFFFFB0] =	vst v1  }
0x331: {  	[spmem:s2] =	stream.indirect.scatter.add.f32 [tilespmem:s1], [sflag:$0x7], $0x40, s18, s30, $0xb8;
	[tilespmem:$0x19800] =	vst v63  }
0x332: {  	s19 =	simm.s32 $0xA6E0;
	s22 =	simm.s32 $0x15B80  }
0x333: {  	[spmem:s2] =	stream.indirect.scatter.add.f32 [tilespmem:s22], [sflag:$0x7], $0x40, s19, s30, $0xb8;
	[tilespmem:$0x19800] =	vst v63  }
0x334: {  	_ =	swait.ge [sflag:s15], $0x1400  }
0x335: {  	[sflag:s15] =	ssyncset.done $0x0  }
0x336: {  	[sflag:s15] =	ssyncadd.s32 $0xFFFFEC00  }
0x337: {  	_ =	swait.ge [sflag:s15], $0x1400  }
0x338: {  	[sflag:s15] =	ssyncset.done $0x0  }
0x339: {  	[sflag:s15] =	ssyncadd.s32 $0xFFFFEC00  }
0x33a: {  	[bflag:$0x0] =	sbarrier.arrive $0xFFFF  }
0x33b: {  	s23 =	rddreg [dreg:$0x7]  }
0x33c: {  	s24 =	rddreg [dreg:$0xf]  }
0x33d: {  	s6 =	simm.s32 $0xA;
	s3 =	rddreg [dreg:$0x10];
	s0 =	sor.u32 $0x1C0A, s23  }
0x33e: {  	[hbm:s24], [sflag:s0] =	dma.local [spmem:s3], $0x1400  }
0x33f: {  	_ =	swait.ge [sflag:s6], $0x1400  }
0x340: {  	s25 =	rddreg [dreg:$0x11]  }
0x341: {  	s31 =	rddreg [dreg:$0xe];
	s1 =	sadd.s32 $0x1, s25  }
0x342: {  	p0 =	sne.s32 s1, s31  }
.Ltmp5:
0x343: {  	_ = 	snop;
	(pc) =	sbr.rel @p0 .LBB2_1-.Ltmp5, $3  }
0x344: {  	_ =	sdelay $0x1  }
0x345: {  	[sflag:s6] =	ssyncset.done $0x0  }
0x346: {  	[sflag:s6] =	ssyncadd.s32 $0xFFFFEC00  }
0x347: {  	_ =	sfence.sel $0x180000  }
0x348: {  	[bflag:$0x0] =	sbarrier.arrive $0xFFFF  }
0x349: {  	_ =	strace $0x90000047  }
0x34a: {  	s0 =	stileid.u32;
	[bflag:$0x2] =	sbarrier.arrive $0xFFFF  }
0x34b: {  	p0 =	sne.s32 s0, $0x0;
	s0 =	rddreg [dreg:$0x4]  }
0x34c: {  	s0 =	sadd.s32 @!p0 $0x100000, s0  }
0x34d: {  	[sflag:s0] =	ssyncadd.tile.s32 @!p0 $0x1;
	_ =	shalt  }
.Lfunc_end2:
_tile_overlayer_lowered:
.L_overlay_start_2:
0x34e: {  	(tag) =	ssettag $0x2  }
0x34f: {  	s0 =	rddreg [dreg:$0x0];
	s2 =	stileid.u32  }
0x350: {  	s1 =	rddreg [dreg:$0x1];
	p0 =	sne.s32 s2, $0x0  }
0x351: {  	s3 =	rddreg [dreg:$0x2];
	[bflag:$0x3] =	sbarrier.arrive $0xFFFF;
	s2 =	simm.s32 @!p0 $0x1C0A  }
0x352: {  	[timem:s3], [sflag:s2] =	dma.local @!p0 [hbm:s0], s1  }
0x353: {  	s0 =	simm.s32 @!p0 $0xA  }
0x354: {  	_ =	swait.ge @!p0 [sflag:s0], s1  }
0x355: {  	s1 =	ssub.s32 @!p0 $0x0, s1;
	[sflag:s0] =	ssyncset.done @!p0 $0x0  }
0x356: {  	[sflag:s0] =	ssyncadd.s32 @!p0 s1  }
0x357: {  	[bflag:$0x3] =	sbarrier.arrive $0xFFFF  }
0x358: {  	_ =	shalt  }

</sc_bundles>
